<compile_context>
chip_gen: v7x
topology: tpu7x:2x2x1
jax: 0.10.2.dev20260603
libtpu: 0.0.44.dev20260713+nightly
codegen_flags: <defaults>
</compile_context>

<pallas_src>
import jax
import jax.numpy as jnp
from jax import lax
from jax.experimental import pallas as pl
from jax.experimental.pallas import tpu as pltpu
from jax.experimental.pallas import tpu_sc as plsc

NUM_FIELDS = 26
VOCAB = 100000
DIM = 8
BATCH = 16384
NCOL = NUM_FIELDS * DIM

NC, NS = 2, 16
NW = NC * NS
B_PER_W = BATCH // NW
CHUNK = 128
QPF = B_PER_W // CHUNK
GROUP = 64
N_GATHERS = NCOL * QPF
N_GROUPS = N_GATHERS // GROUP


def _gather_body(xt_hbm, tt_hbm, out_hbm, idx_v, gbuf_v, sem, sem2):
    cid = lax.axis_index("c")
    sid = lax.axis_index("s")
    wid = sid * NC + cid

    def idx_fire(f, carry):
        pltpu.async_copy(xt_hbm.at[f, wid], idx_v.at[f], sem2)
        return carry

    lax.fori_loop(0, NUM_FIELDS, idx_fire, 0, unroll=False)

    def idx_drain(f, carry):
        pltpu.make_async_copy(xt_hbm.at[f, wid], idx_v.at[f], sem2).wait()
        return carry

    lax.fori_loop(0, NUM_FIELDS, idx_drain, 0, unroll=False)

    def gather_body(g, carry):
        descs = []
        for b in range(GROUP):
            j = g * GROUP + b
            e = j >> 2
            q = j & 3
            f = e >> 3
            descs.append(
                pltpu.async_copy(
                    tt_hbm.at[e].at[idx_v.at[f, q]],
                    gbuf_v.at[e, pl.ds(q * CHUNK, CHUNK)],
                    sem,
                )
            )
        for d in descs:
            d.wait()
        return carry

    lax.fori_loop(0, N_GROUPS, gather_body, 0, unroll=False)

    pltpu.sync_copy(gbuf_v, out_hbm.at[wid])


@jax.jit
def _sc_embed(x, tables):
    mesh = plsc.VectorSubcoreMesh(
        core_axis_name="c", subcore_axis_name="s", num_cores=NC, num_subcores=NS
    )
    tt = tables.transpose(0, 2, 1).reshape(NCOL, VOCAB)
    xt = x.astype(jnp.int32).T.reshape(NUM_FIELDS, NW, QPF, CHUNK)

    out_cm = pl.kernel(
        _gather_body,
        out_type=jax.ShapeDtypeStruct((NW, NCOL, B_PER_W), jnp.float32),
        mesh=mesh,
        scratch_types=[
            pltpu.VMEM((NUM_FIELDS, QPF, CHUNK), jnp.int32),
            pltpu.VMEM((NCOL, B_PER_W), jnp.float32),
            pltpu.SemaphoreType.DMA,
            pltpu.SemaphoreType.DMA,
        ],
        compiler_params=pltpu.CompilerParams(use_tc_tiling_on_sc=False),
    )(xt, tt)

    return out_cm.transpose(0, 2, 1).reshape(BATCH, NCOL)


def kernel(x, tables):
    return _sc_embed(x, tables)

# --- scband reference (transcript-rebuilt; emitter-appended) ---
"""Pipeline reference for scband-embedding-layer-2121713845049 (READ-ONLY COPY).

The authoritative reference and input builder live on the scoring server;
editing this copy changes nothing except your own understanding.
"""

import jax, jax.numpy as jnp
import numpy as np

NUM_FIELDS = 26
VOCAB = 100000
PER_FIELD_DIM = 8  # embedding_dim // div_emb_dim = 32 // 4
BATCH = 16384


def setup_inputs(seed: int = 0) -> dict:
    key = jax.random.key(seed)
    k_x, k_w = jax.random.split(key)
    x = jax.random.randint(k_x, (BATCH, NUM_FIELDS), 0, VOCAB, dtype=jnp.int64 if jax.config.jax_enable_x64 else jnp.int32)
    # xavier_normal with relu gain: std = gain * sqrt(2 / (fan_in + fan_out))
    gain = float(np.sqrt(2.0))
    std = gain * float(np.sqrt(2.0 / (VOCAB + PER_FIELD_DIM)))
    tables = jax.random.normal(k_w, (NUM_FIELDS, VOCAB, PER_FIELD_DIM), dtype=jnp.float32) * std
    return {"x": x, "tables": tables}


def reference(x, tables):
    # Per-field embedding lookup followed by concat along the feature axis,
    # matching torch: concat([emb_i(x[..., i]) for i], dim=-1)
    outs = [jnp.take(tables[i], x[..., i], axis=0) for i in range(NUM_FIELDS)]
    return jnp.concatenate(outs, axis=-1)

if __name__ == "__main__":
    import jax
    _d = setup_inputs()
    print(jax.jit(kernel)(*tuple(_d.values())))

</pallas_src>

<mosaic_0001>
#map = affine_map<(d0, d1) -> (0, 0, 0, 0)>
#map1 = affine_map<(d0, d1) -> (0, 0)>
#map2 = affine_map<(d0, d1) -> (0, 0, 0)>
module attributes {stable_mosaic.version = 14 : i64} {
  func.func @_gather_body(%arg0: i32, %arg1: i32, %arg2: memref<26x32x4x128xi32, #tpu.memory_space<hbm>>, %arg3: memref<208x100000xf32, #tpu.memory_space<hbm>>, %arg4: memref<32x208x512xf32, #tpu.memory_space<hbm>>, %arg5: memref<26x4x128xi32, #tpu.memory_space<vmem>>, %arg6: memref<208x512xf32, #tpu.memory_space<vmem>>, %arg7: memref<!tpu.dma_semaphore, #tpu.memory_space<semaphore_mem>>, %arg8: memref<!tpu.dma_semaphore, #tpu.memory_space<semaphore_mem>>) attributes {dimension_semantics = [#tpu.dimension_semantics<core_parallel>, #tpu.dimension_semantics<subcore_parallel>], iteration_bounds = array<i64: 2, 16>, scalar_prefetch = 0 : i64, scratch_operands = 4 : i64, tpu.core_type = #tpu.core_type<sc_vector_subcore>, window_params = [{transform_indices = #map}, {transform_indices = #map1}, {transform_indices = #map2}]} {
    %mul3A = arith.constant 2 : i32
    %mul3A_0 = arith.muli %arg1, %mul3A : i32
    %add3A = arith.addi %mul3A_0, %arg0 : i32
    %scan3A = arith.constant 0 : i32
    %scan3A_1 = arith.constant 0 : i32
    %scan3A_2 = arith.constant 26 : i32
    %scan3A_3 = arith.addi %scan3A_1, %scan3A_2 : i32
    %scan3A_4 = arith.constant 1 : i32
    scf.for %scan3A_18 = %scan3A_1 to %scan3A_3 step %scan3A_4  : i32 {
      %dma_start3A = arith.constant 0 : i32
      %dma_start3A_19 = arith.constant 0 : i32
      %dma_start3A_20 = tpu.memref_slice %arg5[%scan3A_18, %dma_start3A, %dma_start3A_19] : memref<26x4x128xi32, #tpu.memory_space<vmem>> -> memref<1x4x128xi32, #tpu.memory_space<vmem>>
      %dma_start3A_21 = tpu.memref_squeeze %dma_start3A_20 : memref<1x4x128xi32, #tpu.memory_space<vmem>> -> memref<4x128xi32, #tpu.memory_space<vmem>>
      %dma_start3A_22 = arith.constant 0 : i32
      %dma_start3A_23 = arith.constant 0 : i32
      %dma_start3A_24 = tpu.memref_slice %arg2[%scan3A_18, %add3A, %dma_start3A_22, %dma_start3A_23] : memref<26x32x4x128xi32, #tpu.memory_space<hbm>> -> memref<1x1x4x128xi32, #tpu.memory_space<hbm>>
      %dma_start3A_25 = tpu.memref_squeeze %dma_start3A_24 : memref<1x1x4x128xi32, #tpu.memory_space<hbm>> -> memref<4x128xi32, #tpu.memory_space<hbm>>
      %dma_start3A_26 = arith.constant 0 : i32
      %dma_start3A_27 = arith.constant 0 : i32
      %dma_start3A_28 = tpu.memref_slice %arg5[%scan3A_18, %dma_start3A_26, %dma_start3A_27] : memref<26x4x128xi32, #tpu.memory_space<vmem>> -> memref<1x4x128xi32, #tpu.memory_space<vmem>>
      %dma_start3A_29 = tpu.memref_squeeze %dma_start3A_28 : memref<1x4x128xi32, #tpu.memory_space<vmem>> -> memref<4x128xi32, #tpu.memory_space<vmem>>
      %dma_start3A_30 = arith.constant 0 : i32
      %dma_start3A_31 = arith.constant 0 : i32
      %dma_start3A_32 = tpu.memref_slice %arg2[%scan3A_18, %add3A, %dma_start3A_30, %dma_start3A_31] : memref<26x32x4x128xi32, #tpu.memory_space<hbm>> -> memref<1x1x4x128xi32, #tpu.memory_space<hbm>>
      %dma_start3A_33 = tpu.memref_squeeze %dma_start3A_32 : memref<1x1x4x128xi32, #tpu.memory_space<hbm>> -> memref<4x128xi32, #tpu.memory_space<hbm>>
      tpu.enqueue_dma source(%dma_start3A_33 : memref<4x128xi32, #tpu.memory_space<hbm>>) target(%dma_start3A_29 : memref<4x128xi32, #tpu.memory_space<vmem>>) target_semaphore(%arg8 : memref<!tpu.dma_semaphore, #tpu.memory_space<semaphore_mem>>)
    }
    %scan3A_5 = arith.constant 26 : i32
    %scan3A_6 = arith.constant 0 : i32
    %scan3A_7 = arith.constant 0 : i32
    %scan3A_8 = arith.constant 26 : i32
    %scan3A_9 = arith.addi %scan3A_7, %scan3A_8 : i32
    %scan3A_10 = arith.constant 1 : i32
    scf.for %scan3A_18 = %scan3A_7 to %scan3A_9 step %scan3A_10  : i32 {
      %dma_wait3A = arith.constant 0 : i32
      %dma_wait3A_19 = arith.constant 0 : i32
      %dma_wait3A_20 = tpu.memref_slice %arg5[%scan3A_18, %dma_wait3A, %dma_wait3A_19] : memref<26x4x128xi32, #tpu.memory_space<vmem>> -> memref<1x4x128xi32, #tpu.memory_space<vmem>>
      %dma_wait3A_21 = tpu.memref_squeeze %dma_wait3A_20 : memref<1x4x128xi32, #tpu.memory_space<vmem>> -> memref<4x128xi32, #tpu.memory_space<vmem>>
      %dma_wait3A_22 = arith.constant 0 : i32
      %dma_wait3A_23 = arith.constant 0 : i32
      %dma_wait3A_24 = tpu.memref_slice %arg2[%scan3A_18, %add3A, %dma_wait3A_22, %dma_wait3A_23] : memref<26x32x4x128xi32, #tpu.memory_space<hbm>> -> memref<1x1x4x128xi32, #tpu.memory_space<hbm>>
      %dma_wait3A_25 = tpu.memref_squeeze %dma_wait3A_24 : memref<1x1x4x128xi32, #tpu.memory_space<hbm>> -> memref<4x128xi32, #tpu.memory_space<hbm>>
      %dma_wait3A_26 = arith.constant 0 : i32
      %dma_wait3A_27 = arith.constant 0 : i32
      %dma_wait3A_28 = tpu.memref_slice %arg5[%scan3A_18, %dma_wait3A_26, %dma_wait3A_27] : memref<26x4x128xi32, #tpu.memory_space<vmem>> -> memref<1x4x128xi32, #tpu.memory_space<vmem>>
      %dma_wait3A_29 = tpu.memref_squeeze %dma_wait3A_28 : memref<1x4x128xi32, #tpu.memory_space<vmem>> -> memref<4x128xi32, #tpu.memory_space<vmem>>
      %dma_wait3A_30 = arith.constant 0 : i32
      %dma_wait3A_31 = arith.constant 0 : i32
      %dma_wait3A_32 = tpu.memref_slice %arg2[%scan3A_18, %add3A, %dma_wait3A_30, %dma_wait3A_31] : memref<26x32x4x128xi32, #tpu.memory_space<hbm>> -> memref<1x1x4x128xi32, #tpu.memory_space<hbm>>
      %dma_wait3A_33 = tpu.memref_squeeze %dma_wait3A_32 : memref<1x1x4x128xi32, #tpu.memory_space<hbm>> -> memref<4x128xi32, #tpu.memory_space<hbm>>
      tpu.wait_dma2 semaphore(%arg8 : memref<!tpu.dma_semaphore, #tpu.memory_space<semaphore_mem>>) src(%dma_wait3A_33 : memref<4x128xi32, #tpu.memory_space<hbm>>) dst(%dma_wait3A_29 : memref<4x128xi32, #tpu.memory_space<vmem>>)
    }
    %scan3A_11 = arith.constant 26 : i32
    %scan3A_12 = arith.constant 0 : i32
    %scan3A_13 = arith.constant 0 : i32
    %scan3A_14 = arith.constant 13 : i32
    %scan3A_15 = arith.addi %scan3A_13, %scan3A_14 : i32
    %scan3A_16 = arith.constant 1 : i32
    scf.for %scan3A_18 = %scan3A_13 to %scan3A_15 step %scan3A_16  : i32 {
      %mul3A_19 = arith.constant 64 : i32
      %mul3A_20 = arith.muli %scan3A_18, %mul3A_19 : i32
      %add3A_21 = arith.constant 0 : i32
      %add3A_22 = arith.addi %mul3A_20, %add3A_21 : i32
      %shift_right_arithmetic3A = arith.constant 2 : i32
      %shift_right_arithmetic3A_23 = arith.shrsi %add3A_22, %shift_right_arithmetic3A : i32
      %and3A = arith.constant 3 : i32
      %and3A_24 = arith.andi %add3A_22, %and3A : i32
      %shift_right_arithmetic3A_25 = arith.constant 3 : i32
      %shift_right_arithmetic3A_26 = arith.shrsi %shift_right_arithmetic3A_23, %shift_right_arithmetic3A_25 : i32
      %mul3A_27 = arith.constant 128 : i32
      %mul3A_28 = arith.muli %and3A_24, %mul3A_27 : i32
      %dma_start3A = tpu.memref_slice %arg6[%shift_right_arithmetic3A_23, %mul3A_28] : memref<208x512xf32, #tpu.memory_space<vmem>> -> memref<1x128xf32, #tpu.memory_space<vmem>>
      %dma_start3A_29 = tpu.memref_squeeze %dma_start3A : memref<1x128xf32, #tpu.memory_space<vmem>> -> memref<128xf32, #tpu.memory_space<vmem>>
      %dma_start3A_30 = arith.constant 0 : i32
      %dma_start3A_31 = tpu.memref_slice %arg5[%shift_right_arithmetic3A_26, %and3A_24, %dma_start3A_30] : memref<26x4x128xi32, #tpu.memory_space<vmem>> -> memref<1x1x128xi32, #tpu.memory_space<vmem>>
      %dma_start3A_32 = tpu.memref_squeeze %dma_start3A_31 : memref<1x1x128xi32, #tpu.memory_space<vmem>> -> memref<128xi32, #tpu.memory_space<vmem>>
      %dma_start3A_33 = arith.constant 0 : i32
      %dma_start3A_34 = tpu.memref_slice %arg3[%shift_right_arithmetic3A_23, %dma_start3A_33] : memref<208x100000xf32, #tpu.memory_space<hbm>> -> memref<1x100000xf32, #tpu.memory_space<hbm>>
      %dma_start3A_35 = tpu.memref_squeeze %dma_start3A_34 : memref<1x100000xf32, #tpu.memory_space<hbm>> -> memref<100000xf32, #tpu.memory_space<hbm>>
      %dma_start3A_36 = arith.constant 0 : i32
      %dma_start3A_37 = tpu.memref_slice %dma_start3A_35[%dma_start3A_36] : memref<100000xf32, #tpu.memory_space<hbm>> -> memref<100000xf32, #tpu.memory_space<hbm>>
      tpu.enqueue_indirect_dma source(%dma_start3A_37 : memref<100000xf32, #tpu.memory_space<hbm>>) target(%dma_start3A_29 : memref<128xf32, #tpu.memory_space<vmem>>) offsets(%dma_start3A_32 : memref<128xi32, #tpu.memory_space<vmem>>) semaphore(%arg7 : memref<!tpu.dma_semaphore, #tpu.memory_space<semaphore_mem>>)
      %mul3A_38 = arith.constant 64 : i32
      %mul3A_39 = arith.muli %scan3A_18, %mul3A_38 : i32
      %add3A_40 = arith.constant 1 : i32
      %add3A_41 = arith.addi %mul3A_39, %add3A_40 : i32
      %shift_right_arithmetic3A_42 = arith.constant 2 : i32
      %shift_right_arithmetic3A_43 = arith.shrsi %add3A_41, %shift_right_arithmetic3A_42 : i32
      %and3A_44 = arith.constant 3 : i32
      %and3A_45 = arith.andi %add3A_41, %and3A_44 : i32
      %shift_right_arithmetic3A_46 = arith.constant 3 : i32
      %shift_right_arithmetic3A_47 = arith.shrsi %shift_right_arithmetic3A_43, %shift_right_arithmetic3A_46 : i32
      %mul3A_48 = arith.constant 128 : i32
      %mul3A_49 = arith.muli %and3A_45, %mul3A_48 : i32
      %dma_start3A_50 = tpu.memref_slice %arg6[%shift_right_arithmetic3A_43, %mul3A_49] : memref<208x512xf32, #tpu.memory_space<vmem>> -> memref<1x128xf32, #tpu.memory_space<vmem>>
      %dma_start3A_51 = tpu.memref_squeeze %dma_start3A_50 : memref<1x128xf32, #tpu.memory_space<vmem>> -> memref<128xf32, #tpu.memory_space<vmem>>
      %dma_start3A_52 = arith.constant 0 : i32
      %dma_start3A_53 = tpu.memref_slice %arg5[%shift_right_arithmetic3A_47, %and3A_45, %dma_start3A_52] : memref<26x4x128xi32, #tpu.memory_space<vmem>> -> memref<1x1x128xi32, #tpu.memory_space<vmem>>
      %dma_start3A_54 = tpu.memref_squeeze %dma_start3A_53 : memref<1x1x128xi32, #tpu.memory_space<vmem>> -> memref<128xi32, #tpu.memory_space<vmem>>
      %dma_start3A_55 = arith.constant 0 : i32
      %dma_start3A_56 = tpu.memref_slice %arg3[%shift_right_arithmetic3A_43, %dma_start3A_55] : memref<208x100000xf32, #tpu.memory_space<hbm>> -> memref<1x100000xf32, #tpu.memory_space<hbm>>
      %dma_start3A_57 = tpu.memref_squeeze %dma_start3A_56 : memref<1x100000xf32, #tpu.memory_space<hbm>> -> memref<100000xf32, #tpu.memory_space<hbm>>
      %dma_start3A_58 = arith.constant 0 : i32
      %dma_start3A_59 = tpu.memref_slice %dma_start3A_57[%dma_start3A_58] : memref<100000xf32, #tpu.memory_space<hbm>> -> memref<100000xf32, #tpu.memory_space<hbm>>
      tpu.enqueue_indirect_dma source(%dma_start3A_59 : memref<100000xf32, #tpu.memory_space<hbm>>) target(%dma_start3A_51 : memref<128xf32, #tpu.memory_space<vmem>>) offsets(%dma_start3A_54 : memref<128xi32, #tpu.memory_space<vmem>>) semaphore(%arg7 : memref<!tpu.dma_semaphore, #tpu.memory_space<semaphore_mem>>)
      %mul3A_60 = arith.constant 64 : i32
      %mul3A_61 = arith.muli %scan3A_18, %mul3A_60 : i32
      %add3A_62 = arith.constant 2 : i32
      %add3A_63 = arith.addi %mul3A_61, %add3A_62 : i32
      %shift_right_arithmetic3A_64 = arith.constant 2 : i32
      %shift_right_arithmetic3A_65 = arith.shrsi %add3A_63, %shift_right_arithmetic3A_64 : i32
      %and3A_66 = arith.constant 3 : i32
      %and3A_67 = arith.andi %add3A_63, %and3A_66 : i32
      %shift_right_arithmetic3A_68 = arith.constant 3 : i32
      %shift_right_arithmetic3A_69 = arith.shrsi %shift_right_arithmetic3A_65, %shift_right_arithmetic3A_68 : i32
      %mul3A_70 = arith.constant 128 : i32
      %mul3A_71 = arith.muli %and3A_67, %mul3A_70 : i32
      %dma_start3A_72 = tpu.memref_slice %arg6[%shift_right_arithmetic3A_65, %mul3A_71] : memref<208x512xf32, #tpu.memory_space<vmem>> -> memref<1x128xf32, #tpu.memory_space<vmem>>
      %dma_start3A_73 = tpu.memref_squeeze %dma_start3A_72 : memref<1x128xf32, #tpu.memory_space<vmem>> -> memref<128xf32, #tpu.memory_space<vmem>>
      %dma_start3A_74 = arith.constant 0 : i32
      %dma_start3A_75 = tpu.memref_slice %arg5[%shift_right_arithmetic3A_69, %and3A_67, %dma_start3A_74] : memref<26x4x128xi32, #tpu.memory_space<vmem>> -> memref<1x1x128xi32, #tpu.memory_space<vmem>>
      %dma_start3A_76 = tpu.memref_squeeze %dma_start3A_75 : memref<1x1x128xi32, #tpu.memory_space<vmem>> -> memref<128xi32, #tpu.memory_space<vmem>>
      %dma_start3A_77 = arith.constant 0 : i32
      %dma_start3A_78 = tpu.memref_slice %arg3[%shift_right_arithmetic3A_65, %dma_start3A_77] : memref<208x100000xf32, #tpu.memory_space<hbm>> -> memref<1x100000xf32, #tpu.memory_space<hbm>>
      %dma_start3A_79 = tpu.memref_squeeze %dma_start3A_78 : memref<1x100000xf32, #tpu.memory_space<hbm>> -> memref<100000xf32, #tpu.memory_space<hbm>>
      %dma_start3A_80 = arith.constant 0 : i32
      %dma_start3A_81 = tpu.memref_slice %dma_start3A_79[%dma_start3A_80] : memref<100000xf32, #tpu.memory_space<hbm>> -> memref<100000xf32, #tpu.memory_space<hbm>>
      tpu.enqueue_indirect_dma source(%dma_start3A_81 : memref<100000xf32, #tpu.memory_space<hbm>>) target(%dma_start3A_73 : memref<128xf32, #tpu.memory_space<vmem>>) offsets(%dma_start3A_76 : memref<128xi32, #tpu.memory_space<vmem>>) semaphore(%arg7 : memref<!tpu.dma_semaphore, #tpu.memory_space<semaphore_mem>>)
      %mul3A_82 = arith.constant 64 : i32
      %mul3A_83 = arith.muli %scan3A_18, %mul3A_82 : i32
      %add3A_84 = arith.constant 3 : i32
      %add3A_85 = arith.addi %mul3A_83, %add3A_84 : i32
      %shift_right_arithmetic3A_86 = arith.constant 2 : i32
      %shift_right_arithmetic3A_87 = arith.shrsi %add3A_85, %shift_right_arithmetic3A_86 : i32
      %and3A_88 = arith.constant 3 : i32
      %and3A_89 = arith.andi %add3A_85, %and3A_88 : i32
      %shift_right_arithmetic3A_90 = arith.constant 3 : i32
      %shift_right_arithmetic3A_91 = arith.shrsi %shift_right_arithmetic3A_87, %shift_right_arithmetic3A_90 : i32
      %mul3A_92 = arith.constant 128 : i32
      %mul3A_93 = arith.muli %and3A_89, %mul3A_92 : i32
      %dma_start3A_94 = tpu.memref_slice %arg6[%shift_right_arithmetic3A_87, %mul3A_93] : memref<208x512xf32, #tpu.memory_space<vmem>> -> memref<1x128xf32, #tpu.memory_space<vmem>>
      %dma_start3A_95 = tpu.memref_squeeze %dma_start3A_94 : memref<1x128xf32, #tpu.memory_space<vmem>> -> memref<128xf32, #tpu.memory_space<vmem>>
      %dma_start3A_96 = arith.constant 0 : i32
      %dma_start3A_97 = tpu.memref_slice %arg5[%shift_right_arithmetic3A_91, %and3A_89, %dma_start3A_96] : memref<26x4x128xi32, #tpu.memory_space<vmem>> -> memref<1x1x128xi32, #tpu.memory_space<vmem>>
      %dma_start3A_98 = tpu.memref_squeeze %dma_start3A_97 : memref<1x1x128xi32, #tpu.memory_space<vmem>> -> memref<128xi32, #tpu.memory_space<vmem>>
      %dma_start3A_99 = arith.constant 0 : i32
      %dma_start3A_100 = tpu.memref_slice %arg3[%shift_right_arithmetic3A_87, %dma_start3A_99] : memref<208x100000xf32, #tpu.memory_space<hbm>> -> memref<1x100000xf32, #tpu.memory_space<hbm>>
      %dma_start3A_101 = tpu.memref_squeeze %dma_start3A_100 : memref<1x100000xf32, #tpu.memory_space<hbm>> -> memref<100000xf32, #tpu.memory_space<hbm>>
      %dma_start3A_102 = arith.constant 0 : i32
      %dma_start3A_103 = tpu.memref_slice %dma_start3A_101[%dma_start3A_102] : memref<100000xf32, #tpu.memory_space<hbm>> -> memref<100000xf32, #tpu.memory_space<hbm>>
      tpu.enqueue_indirect_dma source(%dma_start3A_103 : memref<100000xf32, #tpu.memory_space<hbm>>) target(%dma_start3A_95 : memref<128xf32, #tpu.memory_space<vmem>>) offsets(%dma_start3A_98 : memref<128xi32, #tpu.memory_space<vmem>>) semaphore(%arg7 : memref<!tpu.dma_semaphore, #tpu.memory_space<semaphore_mem>>)
      %mul3A_104 = arith.constant 64 : i32
      %mul3A_105 = arith.muli %scan3A_18, %mul3A_104 : i32
      %add3A_106 = arith.constant 4 : i32
      %add3A_107 = arith.addi %mul3A_105, %add3A_106 : i32
      %shift_right_arithmetic3A_108 = arith.constant 2 : i32
      %shift_right_arithmetic3A_109 = arith.shrsi %add3A_107, %shift_right_arithmetic3A_108 : i32
      %and3A_110 = arith.constant 3 : i32
      %and3A_111 = arith.andi %add3A_107, %and3A_110 : i32
      %shift_right_arithmetic3A_112 = arith.constant 3 : i32
      %shift_right_arithmetic3A_113 = arith.shrsi %shift_right_arithmetic3A_109, %shift_right_arithmetic3A_112 : i32
      %mul3A_114 = arith.constant 128 : i32
      %mul3A_115 = arith.muli %and3A_111, %mul3A_114 : i32
      %dma_start3A_116 = tpu.memref_slice %arg6[%shift_right_arithmetic3A_109, %mul3A_115] : memref<208x512xf32, #tpu.memory_space<vmem>> -> memref<1x128xf32, #tpu.memory_space<vmem>>
      %dma_start3A_117 = tpu.memref_squeeze %dma_start3A_116 : memref<1x128xf32, #tpu.memory_space<vmem>> -> memref<128xf32, #tpu.memory_space<vmem>>
      %dma_start3A_118 = arith.constant 0 : i32
      %dma_start3A_119 = tpu.memref_slice %arg5[%shift_right_arithmetic3A_113, %and3A_111, %dma_start3A_118] : memref<26x4x128xi32, #tpu.memory_space<vmem>> -> memref<1x1x128xi32, #tpu.memory_space<vmem>>
      %dma_start3A_120 = tpu.memref_squeeze %dma_start3A_119 : memref<1x1x128xi32, #tpu.memory_space<vmem>> -> memref<128xi32, #tpu.memory_space<vmem>>
      %dma_start3A_121 = arith.constant 0 : i32
      %dma_start3A_122 = tpu.memref_slice %arg3[%shift_right_arithmetic3A_109, %dma_start3A_121] : memref<208x100000xf32, #tpu.memory_space<hbm>> -> memref<1x100000xf32, #tpu.memory_space<hbm>>
      %dma_start3A_123 = tpu.memref_squeeze %dma_start3A_122 : memref<1x100000xf32, #tpu.memory_space<hbm>> -> memref<100000xf32, #tpu.memory_space<hbm>>
      %dma_start3A_124 = arith.constant 0 : i32
      %dma_start3A_125 = tpu.memref_slice %dma_start3A_123[%dma_start3A_124] : memref<100000xf32, #tpu.memory_space<hbm>> -> memref<100000xf32, #tpu.memory_space<hbm>>
      tpu.enqueue_indirect_dma source(%dma_start3A_125 : memref<100000xf32, #tpu.memory_space<hbm>>) target(%dma_start3A_117 : memref<128xf32, #tpu.memory_space<vmem>>) offsets(%dma_start3A_120 : memref<128xi32, #tpu.memory_space<vmem>>) semaphore(%arg7 : memref<!tpu.dma_semaphore, #tpu.memory_space<semaphore_mem>>)
      %mul3A_126 = arith.constant 64 : i32
      %mul3A_127 = arith.muli %scan3A_18, %mul3A_126 : i32
      %add3A_128 = arith.constant 5 : i32
      %add3A_129 = arith.addi %mul3A_127, %add3A_128 : i32
      %shift_right_arithmetic3A_130 = arith.constant 2 : i32
      %shift_right_arithmetic3A_131 = arith.shrsi %add3A_129, %shift_right_arithmetic3A_130 : i32
      %and3A_132 = arith.constant 3 : i32
      %and3A_133 = arith.andi %add3A_129, %and3A_132 : i32
      %shift_right_arithmetic3A_134 = arith.constant 3 : i32
      %shift_right_arithmetic3A_135 = arith.shrsi %shift_right_arithmetic3A_131, %shift_right_arithmetic3A_134 : i32
      %mul3A_136 = arith.constant 128 : i32
      %mul3A_137 = arith.muli %and3A_133, %mul3A_136 : i32
      %dma_start3A_138 = tpu.memref_slice %arg6[%shift_right_arithmetic3A_131, %mul3A_137] : memref<208x512xf32, #tpu.memory_space<vmem>> -> memref<1x128xf32, #tpu.memory_space<vmem>>
      %dma_start3A_139 = tpu.memref_squeeze %dma_start3A_138 : memref<1x128xf32, #tpu.memory_space<vmem>> -> memref<128xf32, #tpu.memory_space<vmem>>
      %dma_start3A_140 = arith.constant 0 : i32
      %dma_start3A_141 = tpu.memref_slice %arg5[%shift_right_arithmetic3A_135, %and3A_133, %dma_start3A_140] : memref<26x4x128xi32, #tpu.memory_space<vmem>> -> memref<1x1x128xi32, #tpu.memory_space<vmem>>
      %dma_start3A_142 = tpu.memref_squeeze %dma_start3A_141 : memref<1x1x128xi32, #tpu.memory_space<vmem>> -> memref<128xi32, #tpu.memory_space<vmem>>
      %dma_start3A_143 = arith.constant 0 : i32
      %dma_start3A_144 = tpu.memref_slice %arg3[%shift_right_arithmetic3A_131, %dma_start3A_143] : memref<208x100000xf32, #tpu.memory_space<hbm>> -> memref<1x100000xf32, #tpu.memory_space<hbm>>
      %dma_start3A_145 = tpu.memref_squeeze %dma_start3A_144 : memref<1x100000xf32, #tpu.memory_space<hbm>> -> memref<100000xf32, #tpu.memory_space<hbm>>
      %dma_start3A_146 = arith.constant 0 : i32
      %dma_start3A_147 = tpu.memref_slice %dma_start3A_145[%dma_start3A_146] : memref<100000xf32, #tpu.memory_space<hbm>> -> memref<100000xf32, #tpu.memory_space<hbm>>
      tpu.enqueue_indirect_dma source(%dma_start3A_147 : memref<100000xf32, #tpu.memory_space<hbm>>) target(%dma_start3A_139 : memref<128xf32, #tpu.memory_space<vmem>>) offsets(%dma_start3A_142 : memref<128xi32, #tpu.memory_space<vmem>>) semaphore(%arg7 : memref<!tpu.dma_semaphore, #tpu.memory_space<semaphore_mem>>)
      %mul3A_148 = arith.constant 64 : i32
      %mul3A_149 = arith.muli %scan3A_18, %mul3A_148 : i32
      %add3A_150 = arith.constant 6 : i32
      %add3A_151 = arith.addi %mul3A_149, %add3A_150 : i32
      %shift_right_arithmetic3A_152 = arith.constant 2 : i32
      %shift_right_arithmetic3A_153 = arith.shrsi %add3A_151, %shift_right_arithmetic3A_152 : i32
      %and3A_154 = arith.constant 3 : i32
      %and3A_155 = arith.andi %add3A_151, %and3A_154 : i32
      %shift_right_arithmetic3A_156 = arith.constant 3 : i32
      %shift_right_arithmetic3A_157 = arith.shrsi %shift_right_arithmetic3A_153, %shift_right_arithmetic3A_156 : i32
      %mul3A_158 = arith.constant 128 : i32
      %mul3A_159 = arith.muli %and3A_155, %mul3A_158 : i32
      %dma_start3A_160 = tpu.memref_slice %arg6[%shift_right_arithmetic3A_153, %mul3A_159] : memref<208x512xf32, #tpu.memory_space<vmem>> -> memref<1x128xf32, #tpu.memory_space<vmem>>
      %dma_start3A_161 = tpu.memref_squeeze %dma_start3A_160 : memref<1x128xf32, #tpu.memory_space<vmem>> -> memref<128xf32, #tpu.memory_space<vmem>>
      %dma_start3A_162 = arith.constant 0 : i32
      %dma_start3A_163 = tpu.memref_slice %arg5[%shift_right_arithmetic3A_157, %and3A_155, %dma_start3A_162] : memref<26x4x128xi32, #tpu.memory_space<vmem>> -> memref<1x1x128xi32, #tpu.memory_space<vmem>>
      %dma_start3A_164 = tpu.memref_squeeze %dma_start3A_163 : memref<1x1x128xi32, #tpu.memory_space<vmem>> -> memref<128xi32, #tpu.memory_space<vmem>>
      %dma_start3A_165 = arith.constant 0 : i32
      %dma_start3A_166 = tpu.memref_slice %arg3[%shift_right_arithmetic3A_153, %dma_start3A_165] : memref<208x100000xf32, #tpu.memory_space<hbm>> -> memref<1x100000xf32, #tpu.memory_space<hbm>>
      %dma_start3A_167 = tpu.memref_squeeze %dma_start3A_166 : memref<1x100000xf32, #tpu.memory_space<hbm>> -> memref<100000xf32, #tpu.memory_space<hbm>>
      %dma_start3A_168 = arith.constant 0 : i32
      %dma_start3A_169 = tpu.memref_slice %dma_start3A_167[%dma_start3A_168] : memref<100000xf32, #tpu.memory_space<hbm>> -> memref<100000xf32, #tpu.memory_space<hbm>>
      tpu.enqueue_indirect_dma source(%dma_start3A_169 : memref<100000xf32, #tpu.memory_space<hbm>>) target(%dma_start3A_161 : memref<128xf32, #tpu.memory_space<vmem>>) offsets(%dma_start3A_164 : memref<128xi32, #tpu.memory_space<vmem>>) semaphore(%arg7 : memref<!tpu.dma_semaphore, #tpu.memory_space<semaphore_mem>>)
      %mul3A_170 = arith.constant 64 : i32
      %mul3A_171 = arith.muli %scan3A_18, %mul3A_170 : i32
      %add3A_172 = arith.constant 7 : i32
      %add3A_173 = arith.addi %mul3A_171, %add3A_172 : i32
      %shift_right_arithmetic3A_174 = arith.constant 2 : i32
      %shift_right_arithmetic3A_175 = arith.shrsi %add3A_173, %shift_right_arithmetic3A_174 : i32
      %and3A_176 = arith.constant 3 : i32
      %and3A_177 = arith.andi %add3A_173, %and3A_176 : i32
      %shift_right_arithmetic3A_178 = arith.constant 3 : i32
      %shift_right_arithmetic3A_179 = arith.shrsi %shift_right_arithmetic3A_175, %shift_right_arithmetic3A_178 : i32
      %mul3A_180 = arith.constant 128 : i32
      %mul3A_181 = arith.muli %and3A_177, %mul3A_180 : i32
      %dma_start3A_182 = tpu.memref_slice %arg6[%shift_right_arithmetic3A_175, %mul3A_181] : memref<208x512xf32, #tpu.memory_space<vmem>> -> memref<1x128xf32, #tpu.memory_space<vmem>>
      %dma_start3A_183 = tpu.memref_squeeze %dma_start3A_182 : memref<1x128xf32, #tpu.memory_space<vmem>> -> memref<128xf32, #tpu.memory_space<vmem>>
      %dma_start3A_184 = arith.constant 0 : i32
      %dma_start3A_185 = tpu.memref_slice %arg5[%shift_right_arithmetic3A_179, %and3A_177, %dma_start3A_184] : memref<26x4x128xi32, #tpu.memory_space<vmem>> -> memref<1x1x128xi32, #tpu.memory_space<vmem>>
      %dma_start3A_186 = tpu.memref_squeeze %dma_start3A_185 : memref<1x1x128xi32, #tpu.memory_space<vmem>> -> memref<128xi32, #tpu.memory_space<vmem>>
      %dma_start3A_187 = arith.constant 0 : i32
      %dma_start3A_188 = tpu.memref_slice %arg3[%shift_right_arithmetic3A_175, %dma_start3A_187] : memref<208x100000xf32, #tpu.memory_space<hbm>> -> memref<1x100000xf32, #tpu.memory_space<hbm>>
      %dma_start3A_189 = tpu.memref_squeeze %dma_start3A_188 : memref<1x100000xf32, #tpu.memory_space<hbm>> -> memref<100000xf32, #tpu.memory_space<hbm>>
      %dma_start3A_190 = arith.constant 0 : i32
      %dma_start3A_191 = tpu.memref_slice %dma_start3A_189[%dma_start3A_190] : memref<100000xf32, #tpu.memory_space<hbm>> -> memref<100000xf32, #tpu.memory_space<hbm>>
      tpu.enqueue_indirect_dma source(%dma_start3A_191 : memref<100000xf32, #tpu.memory_space<hbm>>) target(%dma_start3A_183 : memref<128xf32, #tpu.memory_space<vmem>>) offsets(%dma_start3A_186 : memref<128xi32, #tpu.memory_space<vmem>>) semaphore(%arg7 : memref<!tpu.dma_semaphore, #tpu.memory_space<semaphore_mem>>)
      %mul3A_192 = arith.constant 64 : i32
      %mul3A_193 = arith.muli %scan3A_18, %mul3A_192 : i32
      %add3A_194 = arith.constant 8 : i32
      %add3A_195 = arith.addi %mul3A_193, %add3A_194 : i32
      %shift_right_arithmetic3A_196 = arith.constant 2 : i32
      %shift_right_arithmetic3A_197 = arith.shrsi %add3A_195, %shift_right_arithmetic3A_196 : i32
      %and3A_198 = arith.constant 3 : i32
      %and3A_199 = arith.andi %add3A_195, %and3A_198 : i32
      %shift_right_arithmetic3A_200 = arith.constant 3 : i32
      %shift_right_arithmetic3A_201 = arith.shrsi %shift_right_arithmetic3A_197, %shift_right_arithmetic3A_200 : i32
      %mul3A_202 = arith.constant 128 : i32
      %mul3A_203 = arith.muli %and3A_199, %mul3A_202 : i32
      %dma_start3A_204 = tpu.memref_slice %arg6[%shift_right_arithmetic3A_197, %mul3A_203] : memref<208x512xf32, #tpu.memory_space<vmem>> -> memref<1x128xf32, #tpu.memory_space<vmem>>
      %dma_start3A_205 = tpu.memref_squeeze %dma_start3A_204 : memref<1x128xf32, #tpu.memory_space<vmem>> -> memref<128xf32, #tpu.memory_space<vmem>>
      %dma_start3A_206 = arith.constant 0 : i32
      %dma_start3A_207 = tpu.memref_slice %arg5[%shift_right_arithmetic3A_201, %and3A_199, %dma_start3A_206] : memref<26x4x128xi32, #tpu.memory_space<vmem>> -> memref<1x1x128xi32, #tpu.memory_space<vmem>>
      %dma_start3A_208 = tpu.memref_squeeze %dma_start3A_207 : memref<1x1x128xi32, #tpu.memory_space<vmem>> -> memref<128xi32, #tpu.memory_space<vmem>>
      %dma_start3A_209 = arith.constant 0 : i32
      %dma_start3A_210 = tpu.memref_slice %arg3[%shift_right_arithmetic3A_197, %dma_start3A_209] : memref<208x100000xf32, #tpu.memory_space<hbm>> -> memref<1x100000xf32, #tpu.memory_space<hbm>>
      %dma_start3A_211 = tpu.memref_squeeze %dma_start3A_210 : memref<1x100000xf32, #tpu.memory_space<hbm>> -> memref<100000xf32, #tpu.memory_space<hbm>>
      %dma_start3A_212 = arith.constant 0 : i32
      %dma_start3A_213 = tpu.memref_slice %dma_start3A_211[%dma_start3A_212] : memref<100000xf32, #tpu.memory_space<hbm>> -> memref<100000xf32, #tpu.memory_space<hbm>>
      tpu.enqueue_indirect_dma source(%dma_start3A_213 : memref<100000xf32, #tpu.memory_space<hbm>>) target(%dma_start3A_205 : memref<128xf32, #tpu.memory_space<vmem>>) offsets(%dma_start3A_208 : memref<128xi32, #tpu.memory_space<vmem>>) semaphore(%arg7 : memref<!tpu.dma_semaphore, #tpu.memory_space<semaphore_mem>>)
      %mul3A_214 = arith.constant 64 : i32
      %mul3A_215 = arith.muli %scan3A_18, %mul3A_214 : i32
      %add3A_216 = arith.constant 9 : i32
      %add3A_217 = arith.addi %mul3A_215, %add3A_216 : i32
      %shift_right_arithmetic3A_218 = arith.constant 2 : i32
      %shift_right_arithmetic3A_219 = arith.shrsi %add3A_217, %shift_right_arithmetic3A_218 : i32
      %and3A_220 = arith.constant 3 : i32
      %and3A_221 = arith.andi %add3A_217, %and3A_220 : i32
      %shift_right_arithmetic3A_222 = arith.constant 3 : i32
      %shift_right_arithmetic3A_223 = arith.shrsi %shift_right_arithmetic3A_219, %shift_right_arithmetic3A_222 : i32
      %mul3A_224 = arith.constant 128 : i32
      %mul3A_225 = arith.muli %and3A_221, %mul3A_224 : i32
      %dma_start3A_226 = tpu.memref_slice %arg6[%shift_right_arithmetic3A_219, %mul3A_225] : memref<208x512xf32, #tpu.memory_space<vmem>> -> memref<1x128xf32, #tpu.memory_space<vmem>>
      %dma_start3A_227 = tpu.memref_squeeze %dma_start3A_226 : memref<1x128xf32, #tpu.memory_space<vmem>> -> memref<128xf32, #tpu.memory_space<vmem>>
      %dma_start3A_228 = arith.constant 0 : i32
      %dma_start3A_229 = tpu.memref_slice %arg5[%shift_right_arithmetic3A_223, %and3A_221, %dma_start3A_228] : memref<26x4x128xi32, #tpu.memory_space<vmem>> -> memref<1x1x128xi32, #tpu.memory_space<vmem>>
      %dma_start3A_230 = tpu.memref_squeeze %dma_start3A_229 : memref<1x1x128xi32, #tpu.memory_space<vmem>> -> memref<128xi32, #tpu.memory_space<vmem>>
      %dma_start3A_231 = arith.constant 0 : i32
      %dma_start3A_232 = tpu.memref_slice %arg3[%shift_right_arithmetic3A_219, %dma_start3A_231] : memref<208x100000xf32, #tpu.memory_space<hbm>> -> memref<1x100000xf32, #tpu.memory_space<hbm>>
      %dma_start3A_233 = tpu.memref_squeeze %dma_start3A_232 : memref<1x100000xf32, #tpu.memory_space<hbm>> -> memref<100000xf32, #tpu.memory_space<hbm>>
      %dma_start3A_234 = arith.constant 0 : i32
      %dma_start3A_235 = tpu.memref_slice %dma_start3A_233[%dma_start3A_234] : memref<100000xf32, #tpu.memory_space<hbm>> -> memref<100000xf32, #tpu.memory_space<hbm>>
      tpu.enqueue_indirect_dma source(%dma_start3A_235 : memref<100000xf32, #tpu.memory_space<hbm>>) target(%dma_start3A_227 : memref<128xf32, #tpu.memory_space<vmem>>) offsets(%dma_start3A_230 : memref<128xi32, #tpu.memory_space<vmem>>) semaphore(%arg7 : memref<!tpu.dma_semaphore, #tpu.memory_space<semaphore_mem>>)
      %mul3A_236 = arith.constant 64 : i32
      %mul3A_237 = arith.muli %scan3A_18, %mul3A_236 : i32
      %add3A_238 = arith.constant 10 : i32
      %add3A_239 = arith.addi %mul3A_237, %add3A_238 : i32
      %shift_right_arithmetic3A_240 = arith.constant 2 : i32
      %shift_right_arithmetic3A_241 = arith.shrsi %add3A_239, %shift_right_arithmetic3A_240 : i32
      %and3A_242 = arith.constant 3 : i32
      %and3A_243 = arith.andi %add3A_239, %and3A_242 : i32
      %shift_right_arithmetic3A_244 = arith.constant 3 : i32
      %shift_right_arithmetic3A_245 = arith.shrsi %shift_right_arithmetic3A_241, %shift_right_arithmetic3A_244 : i32
      %mul3A_246 = arith.constant 128 : i32
      %mul3A_247 = arith.muli %and3A_243, %mul3A_246 : i32
      %dma_start3A_248 = tpu.memref_slice %arg6[%shift_right_arithmetic3A_241, %mul3A_247] : memref<208x512xf32, #tpu.memory_space<vmem>> -> memref<1x128xf32, #tpu.memory_space<vmem>>
      %dma_start3A_249 = tpu.memref_squeeze %dma_start3A_248 : memref<1x128xf32, #tpu.memory_space<vmem>> -> memref<128xf32, #tpu.memory_space<vmem>>
      %dma_start3A_250 = arith.constant 0 : i32
      %dma_start3A_251 = tpu.memref_slice %arg5[%shift_right_arithmetic3A_245, %and3A_243, %dma_start3A_250] : memref<26x4x128xi32, #tpu.memory_space<vmem>> -> memref<1x1x128xi32, #tpu.memory_space<vmem>>
      %dma_start3A_252 = tpu.memref_squeeze %dma_start3A_251 : memref<1x1x128xi32, #tpu.memory_space<vmem>> -> memref<128xi32, #tpu.memory_space<vmem>>
      %dma_start3A_253 = arith.constant 0 : i32
      %dma_start3A_254 = tpu.memref_slice %arg3[%shift_right_arithmetic3A_241, %dma_start3A_253] : memref<208x100000xf32, #tpu.memory_space<hbm>> -> memref<1x100000xf32, #tpu.memory_space<hbm>>
      %dma_start3A_255 = tpu.memref_squeeze %dma_start3A_254 : memref<1x100000xf32, #tpu.memory_space<hbm>> -> memref<100000xf32, #tpu.memory_space<hbm>>
      %dma_start3A_256 = arith.constant 0 : i32
      %dma_start3A_257 = tpu.memref_slice %dma_start3A_255[%dma_start3A_256] : memref<100000xf32, #tpu.memory_space<hbm>> -> memref<100000xf32, #tpu.memory_space<hbm>>
      tpu.enqueue_indirect_dma source(%dma_start3A_257 : memref<100000xf32, #tpu.memory_space<hbm>>) target(%dma_start3A_249 : memref<128xf32, #tpu.memory_space<vmem>>) offsets(%dma_start3A_252 : memref<128xi32, #tpu.memory_space<vmem>>) semaphore(%arg7 : memref<!tpu.dma_semaphore, #tpu.memory_space<semaphore_mem>>)
      %mul3A_258 = arith.constant 64 : i32
      %mul3A_259 = arith.muli %scan3A_18, %mul3A_258 : i32
      %add3A_260 = arith.constant 11 : i32
      %add3A_261 = arith.addi %mul3A_259, %add3A_260 : i32
      %shift_right_arithmetic3A_262 = arith.constant 2 : i32
      %shift_right_arithmetic3A_263 = arith.shrsi %add3A_261, %shift_right_arithmetic3A_262 : i32
      %and3A_264 = arith.constant 3 : i32
      %and3A_265 = arith.andi %add3A_261, %and3A_264 : i32
      %shift_right_arithmetic3A_266 = arith.constant 3 : i32
      %shift_right_arithmetic3A_267 = arith.shrsi %shift_right_arithmetic3A_263, %shift_right_arithmetic3A_266 : i32
      %mul3A_268 = arith.constant 128 : i32
      %mul3A_269 = arith.muli %and3A_265, %mul3A_268 : i32
      %dma_start3A_270 = tpu.memref_slice %arg6[%shift_right_arithmetic3A_263, %mul3A_269] : memref<208x512xf32, #tpu.memory_space<vmem>> -> memref<1x128xf32, #tpu.memory_space<vmem>>
      %dma_start3A_271 = tpu.memref_squeeze %dma_start3A_270 : memref<1x128xf32, #tpu.memory_space<vmem>> -> memref<128xf32, #tpu.memory_space<vmem>>
      %dma_start3A_272 = arith.constant 0 : i32
      %dma_start3A_273 = tpu.memref_slice %arg5[%shift_right_arithmetic3A_267, %and3A_265, %dma_start3A_272] : memref<26x4x128xi32, #tpu.memory_space<vmem>> -> memref<1x1x128xi32, #tpu.memory_space<vmem>>
      %dma_start3A_274 = tpu.memref_squeeze %dma_start3A_273 : memref<1x1x128xi32, #tpu.memory_space<vmem>> -> memref<128xi32, #tpu.memory_space<vmem>>
      %dma_start3A_275 = arith.constant 0 : i32
      %dma_start3A_276 = tpu.memref_slice %arg3[%shift_right_arithmetic3A_263, %dma_start3A_275] : memref<208x100000xf32, #tpu.memory_space<hbm>> -> memref<1x100000xf32, #tpu.memory_space<hbm>>
      %dma_start3A_277 = tpu.memref_squeeze %dma_start3A_276 : memref<1x100000xf32, #tpu.memory_space<hbm>> -> memref<100000xf32, #tpu.memory_space<hbm>>
      %dma_start3A_278 = arith.constant 0 : i32
      %dma_start3A_279 = tpu.memref_slice %dma_start3A_277[%dma_start3A_278] : memref<100000xf32, #tpu.memory_space<hbm>> -> memref<100000xf32, #tpu.memory_space<hbm>>
      tpu.enqueue_indirect_dma source(%dma_start3A_279 : memref<100000xf32, #tpu.memory_space<hbm>>) target(%dma_start3A_271 : memref<128xf32, #tpu.memory_space<vmem>>) offsets(%dma_start3A_274 : memref<128xi32, #tpu.memory_space<vmem>>) semaphore(%arg7 : memref<!tpu.dma_semaphore, #tpu.memory_space<semaphore_mem>>)
      %mul3A_280 = arith.constant 64 : i32
      %mul3A_281 = arith.muli %scan3A_18, %mul3A_280 : i32
      %add3A_282 = arith.constant 12 : i32
      %add3A_283 = arith.addi %mul3A_281, %add3A_282 : i32
      %shift_right_arithmetic3A_284 = arith.constant 2 : i32
      %shift_right_arithmetic3A_285 = arith.shrsi %add3A_283, %shift_right_arithmetic3A_284 : i32
      %and3A_286 = arith.constant 3 : i32
      %and3A_287 = arith.andi %add3A_283, %and3A_286 : i32
      %shift_right_arithmetic3A_288 = arith.constant 3 : i32
      %shift_right_arithmetic3A_289 = arith.shrsi %shift_right_arithmetic3A_285, %shift_right_arithmetic3A_288 : i32
      %mul3A_290 = arith.constant 128 : i32
      %mul3A_291 = arith.muli %and3A_287, %mul3A_290 : i32
      %dma_start3A_292 = tpu.memref_slice %arg6[%shift_right_arithmetic3A_285, %mul3A_291] : memref<208x512xf32, #tpu.memory_space<vmem>> -> memref<1x128xf32, #tpu.memory_space<vmem>>
      %dma_start3A_293 = tpu.memref_squeeze %dma_start3A_292 : memref<1x128xf32, #tpu.memory_space<vmem>> -> memref<128xf32, #tpu.memory_space<vmem>>
      %dma_start3A_294 = arith.constant 0 : i32
      %dma_start3A_295 = tpu.memref_slice %arg5[%shift_right_arithmetic3A_289, %and3A_287, %dma_start3A_294] : memref<26x4x128xi32, #tpu.memory_space<vmem>> -> memref<1x1x128xi32, #tpu.memory_space<vmem>>
      %dma_start3A_296 = tpu.memref_squeeze %dma_start3A_295 : memref<1x1x128xi32, #tpu.memory_space<vmem>> -> memref<128xi32, #tpu.memory_space<vmem>>
      %dma_start3A_297 = arith.constant 0 : i32
      %dma_start3A_298 = tpu.memref_slice %arg3[%shift_right_arithmetic3A_285, %dma_start3A_297] : memref<208x100000xf32, #tpu.memory_space<hbm>> -> memref<1x100000xf32, #tpu.memory_space<hbm>>
      %dma_start3A_299 = tpu.memref_squeeze %dma_start3A_298 : memref<1x100000xf32, #tpu.memory_space<hbm>> -> memref<100000xf32, #tpu.memory_space<hbm>>
      %dma_start3A_300 = arith.constant 0 : i32
      %dma_start3A_301 = tpu.memref_slice %dma_start3A_299[%dma_start3A_300] : memref<100000xf32, #tpu.memory_space<hbm>> -> memref<100000xf32, #tpu.memory_space<hbm>>
      tpu.enqueue_indirect_dma source(%dma_start3A_301 : memref<100000xf32, #tpu.memory_space<hbm>>) target(%dma_start3A_293 : memref<128xf32, #tpu.memory_space<vmem>>) offsets(%dma_start3A_296 : memref<128xi32, #tpu.memory_space<vmem>>) semaphore(%arg7 : memref<!tpu.dma_semaphore, #tpu.memory_space<semaphore_mem>>)
      %mul3A_302 = arith.constant 64 : i32
      %mul3A_303 = arith.muli %scan3A_18, %mul3A_302 : i32
      %add3A_304 = arith.constant 13 : i32
      %add3A_305 = arith.addi %mul3A_303, %add3A_304 : i32
      %shift_right_arithmetic3A_306 = arith.constant 2 : i32
      %shift_right_arithmetic3A_307 = arith.shrsi %add3A_305, %shift_right_arithmetic3A_306 : i32
      %and3A_308 = arith.constant 3 : i32
      %and3A_309 = arith.andi %add3A_305, %and3A_308 : i32
      %shift_right_arithmetic3A_310 = arith.constant 3 : i32
      %shift_right_arithmetic3A_311 = arith.shrsi %shift_right_arithmetic3A_307, %shift_right_arithmetic3A_310 : i32
      %mul3A_312 = arith.constant 128 : i32
      %mul3A_313 = arith.muli %and3A_309, %mul3A_312 : i32
      %dma_start3A_314 = tpu.memref_slice %arg6[%shift_right_arithmetic3A_307, %mul3A_313] : memref<208x512xf32, #tpu.memory_space<vmem>> -> memref<1x128xf32, #tpu.memory_space<vmem>>
      %dma_start3A_315 = tpu.memref_squeeze %dma_start3A_314 : memref<1x128xf32, #tpu.memory_space<vmem>> -> memref<128xf32, #tpu.memory_space<vmem>>
      %dma_start3A_316 = arith.constant 0 : i32
      %dma_start3A_317 = tpu.memref_slice %arg5[%shift_right_arithmetic3A_311, %and3A_309, %dma_start3A_316] : memref<26x4x128xi32, #tpu.memory_space<vmem>> -> memref<1x1x128xi32, #tpu.memory_space<vmem>>
      %dma_start3A_318 = tpu.memref_squeeze %dma_start3A_317 : memref<1x1x128xi32, #tpu.memory_space<vmem>> -> memref<128xi32, #tpu.memory_space<vmem>>
      %dma_start3A_319 = arith.constant 0 : i32
      %dma_start3A_320 = tpu.memref_slice %arg3[%shift_right_arithmetic3A_307, %dma_start3A_319] : memref<208x100000xf32, #tpu.memory_space<hbm>> -> memref<1x100000xf32, #tpu.memory_space<hbm>>
      %dma_start3A_321 = tpu.memref_squeeze %dma_start3A_320 : memref<1x100000xf32, #tpu.memory_space<hbm>> -> memref<100000xf32, #tpu.memory_space<hbm>>
      %dma_start3A_322 = arith.constant 0 : i32
      %dma_start3A_323 = tpu.memref_slice %dma_start3A_321[%dma_start3A_322] : memref<100000xf32, #tpu.memory_space<hbm>> -> memref<100000xf32, #tpu.memory_space<hbm>>
      tpu.enqueue_indirect_dma source(%dma_start3A_323 : memref<100000xf32, #tpu.memory_space<hbm>>) target(%dma_start3A_315 : memref<128xf32, #tpu.memory_space<vmem>>) offsets(%dma_start3A_318 : memref<128xi32, #tpu.memory_space<vmem>>) semaphore(%arg7 : memref<!tpu.dma_semaphore, #tpu.memory_space<semaphore_mem>>)
      %mul3A_324 = arith.constant 64 : i32
      %mul3A_325 = arith.muli %scan3A_18, %mul3A_324 : i32
      %add3A_326 = arith.constant 14 : i32
      %add3A_327 = arith.addi %mul3A_325, %add3A_326 : i32
      %shift_right_arithmetic3A_328 = arith.constant 2 : i32
      %shift_right_arithmetic3A_329 = arith.shrsi %add3A_327, %shift_right_arithmetic3A_328 : i32
      %and3A_330 = arith.constant 3 : i32
      %and3A_331 = arith.andi %add3A_327, %and3A_330 : i32
      %shift_right_arithmetic3A_332 = arith.constant 3 : i32
      %shift_right_arithmetic3A_333 = arith.shrsi %shift_right_arithmetic3A_329, %shift_right_arithmetic3A_332 : i32
      %mul3A_334 = arith.constant 128 : i32
      %mul3A_335 = arith.muli %and3A_331, %mul3A_334 : i32
      %dma_start3A_336 = tpu.memref_slice %arg6[%shift_right_arithmetic3A_329, %mul3A_335] : memref<208x512xf32, #tpu.memory_space<vmem>> -> memref<1x128xf32, #tpu.memory_space<vmem>>
      %dma_start3A_337 = tpu.memref_squeeze %dma_start3A_336 : memref<1x128xf32, #tpu.memory_space<vmem>> -> memref<128xf32, #tpu.memory_space<vmem>>
      %dma_start3A_338 = arith.constant 0 : i32
      %dma_start3A_339 = tpu.memref_slice %arg5[%shift_right_arithmetic3A_333, %and3A_331, %dma_start3A_338] : memref<26x4x128xi32, #tpu.memory_space<vmem>> -> memref<1x1x128xi32, #tpu.memory_space<vmem>>
      %dma_start3A_340 = tpu.memref_squeeze %dma_start3A_339 : memref<1x1x128xi32, #tpu.memory_space<vmem>> -> memref<128xi32, #tpu.memory_space<vmem>>
      %dma_start3A_341 = arith.constant 0 : i32
      %dma_start3A_342 = tpu.memref_slice %arg3[%shift_right_arithmetic3A_329, %dma_start3A_341] : memref<208x100000xf32, #tpu.memory_space<hbm>> -> memref<1x100000xf32, #tpu.memory_space<hbm>>
      %dma_start3A_343 = tpu.memref_squeeze %dma_start3A_342 : memref<1x100000xf32, #tpu.memory_space<hbm>> -> memref<100000xf32, #tpu.memory_space<hbm>>
      %dma_start3A_344 = arith.constant 0 : i32
      %dma_start3A_345 = tpu.memref_slice %dma_start3A_343[%dma_start3A_344] : memref<100000xf32, #tpu.memory_space<hbm>> -> memref<100000xf32, #tpu.memory_space<hbm>>
      tpu.enqueue_indirect_dma source(%dma_start3A_345 : memref<100000xf32, #tpu.memory_space<hbm>>) target(%dma_start3A_337 : memref<128xf32, #tpu.memory_space<vmem>>) offsets(%dma_start3A_340 : memref<128xi32, #tpu.memory_space<vmem>>) semaphore(%arg7 : memref<!tpu.dma_semaphore, #tpu.memory_space<semaphore_mem>>)
      %mul3A_346 = arith.constant 64 : i32
      %mul3A_347 = arith.muli %scan3A_18, %mul3A_346 : i32
      %add3A_348 = arith.constant 15 : i32
      %add3A_349 = arith.addi %mul3A_347, %add3A_348 : i32
      %shift_right_arithmetic3A_350 = arith.constant 2 : i32
      %shift_right_arithmetic3A_351 = arith.shrsi %add3A_349, %shift_right_arithmetic3A_350 : i32
      %and3A_352 = arith.constant 3 : i32
      %and3A_353 = arith.andi %add3A_349, %and3A_352 : i32
      %shift_right_arithmetic3A_354 = arith.constant 3 : i32
      %shift_right_arithmetic3A_355 = arith.shrsi %shift_right_arithmetic3A_351, %shift_right_arithmetic3A_354 : i32
      %mul3A_356 = arith.constant 128 : i32
      %mul3A_357 = arith.muli %and3A_353, %mul3A_356 : i32
      %dma_start3A_358 = tpu.memref_slice %arg6[%shift_right_arithmetic3A_351, %mul3A_357] : memref<208x512xf32, #tpu.memory_space<vmem>> -> memref<1x128xf32, #tpu.memory_space<vmem>>
      %dma_start3A_359 = tpu.memref_squeeze %dma_start3A_358 : memref<1x128xf32, #tpu.memory_space<vmem>> -> memref<128xf32, #tpu.memory_space<vmem>>
      %dma_start3A_360 = arith.constant 0 : i32
      %dma_start3A_361 = tpu.memref_slice %arg5[%shift_right_arithmetic3A_355, %and3A_353, %dma_start3A_360] : memref<26x4x128xi32, #tpu.memory_space<vmem>> -> memref<1x1x128xi32, #tpu.memory_space<vmem>>
      %dma_start3A_362 = tpu.memref_squeeze %dma_start3A_361 : memref<1x1x128xi32, #tpu.memory_space<vmem>> -> memref<128xi32, #tpu.memory_space<vmem>>
      %dma_start3A_363 = arith.constant 0 : i32
      %dma_start3A_364 = tpu.memref_slice %arg3[%shift_right_arithmetic3A_351, %dma_start3A_363] : memref<208x100000xf32, #tpu.memory_space<hbm>> -> memref<1x100000xf32, #tpu.memory_space<hbm>>
      %dma_start3A_365 = tpu.memref_squeeze %dma_start3A_364 : memref<1x100000xf32, #tpu.memory_space<hbm>> -> memref<100000xf32, #tpu.memory_space<hbm>>
      %dma_start3A_366 = arith.constant 0 : i32
      %dma_start3A_367 = tpu.memref_slice %dma_start3A_365[%dma_start3A_366] : memref<100000xf32, #tpu.memory_space<hbm>> -> memref<100000xf32, #tpu.memory_space<hbm>>
      tpu.enqueue_indirect_dma source(%dma_start3A_367 : memref<100000xf32, #tpu.memory_space<hbm>>) target(%dma_start3A_359 : memref<128xf32, #tpu.memory_space<vmem>>) offsets(%dma_start3A_362 : memref<128xi32, #tpu.memory_space<vmem>>) semaphore(%arg7 : memref<!tpu.dma_semaphore, #tpu.memory_space<semaphore_mem>>)
      %mul3A_368 = arith.constant 64 : i32
      %mul3A_369 = arith.muli %scan3A_18, %mul3A_368 : i32
      %add3A_370 = arith.constant 16 : i32
      %add3A_371 = arith.addi %mul3A_369, %add3A_370 : i32
      %shift_right_arithmetic3A_372 = arith.constant 2 : i32
      %shift_right_arithmetic3A_373 = arith.shrsi %add3A_371, %shift_right_arithmetic3A_372 : i32
      %and3A_374 = arith.constant 3 : i32
      %and3A_375 = arith.andi %add3A_371, %and3A_374 : i32
      %shift_right_arithmetic3A_376 = arith.constant 3 : i32
      %shift_right_arithmetic3A_377 = arith.shrsi %shift_right_arithmetic3A_373, %shift_right_arithmetic3A_376 : i32
      %mul3A_378 = arith.constant 128 : i32
      %mul3A_379 = arith.muli %and3A_375, %mul3A_378 : i32
      %dma_start3A_380 = tpu.memref_slice %arg6[%shift_right_arithmetic3A_373, %mul3A_379] : memref<208x512xf32, #tpu.memory_space<vmem>> -> memref<1x128xf32, #tpu.memory_space<vmem>>
      %dma_start3A_381 = tpu.memref_squeeze %dma_start3A_380 : memref<1x128xf32, #tpu.memory_space<vmem>> -> memref<128xf32, #tpu.memory_space<vmem>>
      %dma_start3A_382 = arith.constant 0 : i32
      %dma_start3A_383 = tpu.memref_slice %arg5[%shift_right_arithmetic3A_377, %and3A_375, %dma_start3A_382] : memref<26x4x128xi32, #tpu.memory_space<vmem>> -> memref<1x1x128xi32, #tpu.memory_space<vmem>>
      %dma_start3A_384 = tpu.memref_squeeze %dma_start3A_383 : memref<1x1x128xi32, #tpu.memory_space<vmem>> -> memref<128xi32, #tpu.memory_space<vmem>>
      %dma_start3A_385 = arith.constant 0 : i32
      %dma_start3A_386 = tpu.memref_slice %arg3[%shift_right_arithmetic3A_373, %dma_start3A_385] : memref<208x100000xf32, #tpu.memory_space<hbm>> -> memref<1x100000xf32, #tpu.memory_space<hbm>>
      %dma_start3A_387 = tpu.memref_squeeze %dma_start3A_386 : memref<1x100000xf32, #tpu.memory_space<hbm>> -> memref<100000xf32, #tpu.memory_space<hbm>>
      %dma_start3A_388 = arith.constant 0 : i32
      %dma_start3A_389 = tpu.memref_slice %dma_start3A_387[%dma_start3A_388] : memref<100000xf32, #tpu.memory_space<hbm>> -> memref<100000xf32, #tpu.memory_space<hbm>>
      tpu.enqueue_indirect_dma source(%dma_start3A_389 : memref<100000xf32, #tpu.memory_space<hbm>>) target(%dma_start3A_381 : memref<128xf32, #tpu.memory_space<vmem>>) offsets(%dma_start3A_384 : memref<128xi32, #tpu.memory_space<vmem>>) semaphore(%arg7 : memref<!tpu.dma_semaphore, #tpu.memory_space<semaphore_mem>>)
      %mul3A_390 = arith.constant 64 : i32
      %mul3A_391 = arith.muli %scan3A_18, %mul3A_390 : i32
      %add3A_392 = arith.constant 17 : i32
      %add3A_393 = arith.addi %mul3A_391, %add3A_392 : i32
      %shift_right_arithmetic3A_394 = arith.constant 2 : i32
      %shift_right_arithmetic3A_395 = arith.shrsi %add3A_393, %shift_right_arithmetic3A_394 : i32
      %and3A_396 = arith.constant 3 : i32
      %and3A_397 = arith.andi %add3A_393, %and3A_396 : i32
      %shift_right_arithmetic3A_398 = arith.constant 3 : i32
      %shift_right_arithmetic3A_399 = arith.shrsi %shift_right_arithmetic3A_395, %shift_right_arithmetic3A_398 : i32
      %mul3A_400 = arith.constant 128 : i32
      %mul3A_401 = arith.muli %and3A_397, %mul3A_400 : i32
      %dma_start3A_402 = tpu.memref_slice %arg6[%shift_right_arithmetic3A_395, %mul3A_401] : memref<208x512xf32, #tpu.memory_space<vmem>> -> memref<1x128xf32, #tpu.memory_space<vmem>>
      %dma_start3A_403 = tpu.memref_squeeze %dma_start3A_402 : memref<1x128xf32, #tpu.memory_space<vmem>> -> memref<128xf32, #tpu.memory_space<vmem>>
      %dma_start3A_404 = arith.constant 0 : i32
      %dma_start3A_405 = tpu.memref_slice %arg5[%shift_right_arithmetic3A_399, %and3A_397, %dma_start3A_404] : memref<26x4x128xi32, #tpu.memory_space<vmem>> -> memref<1x1x128xi32, #tpu.memory_space<vmem>>
      %dma_start3A_406 = tpu.memref_squeeze %dma_start3A_405 : memref<1x1x128xi32, #tpu.memory_space<vmem>> -> memref<128xi32, #tpu.memory_space<vmem>>
      %dma_start3A_407 = arith.constant 0 : i32
      %dma_start3A_408 = tpu.memref_slice %arg3[%shift_right_arithmetic3A_395, %dma_start3A_407] : memref<208x100000xf32, #tpu.memory_space<hbm>> -> memref<1x100000xf32, #tpu.memory_space<hbm>>
      %dma_start3A_409 = tpu.memref_squeeze %dma_start3A_408 : memref<1x100000xf32, #tpu.memory_space<hbm>> -> memref<100000xf32, #tpu.memory_space<hbm>>
      %dma_start3A_410 = arith.constant 0 : i32
      %dma_start3A_411 = tpu.memref_slice %dma_start3A_409[%dma_start3A_410] : memref<100000xf32, #tpu.memory_space<hbm>> -> memref<100000xf32, #tpu.memory_space<hbm>>
      tpu.enqueue_indirect_dma source(%dma_start3A_411 : memref<100000xf32, #tpu.memory_space<hbm>>) target(%dma_start3A_403 : memref<128xf32, #tpu.memory_space<vmem>>) offsets(%dma_start3A_406 : memref<128xi32, #tpu.memory_space<vmem>>) semaphore(%arg7 : memref<!tpu.dma_semaphore, #tpu.memory_space<semaphore_mem>>)
      %mul3A_412 = arith.constant 64 : i32
      %mul3A_413 = arith.muli %scan3A_18, %mul3A_412 : i32
      %add3A_414 = arith.constant 18 : i32
      %add3A_415 = arith.addi %mul3A_413, %add3A_414 : i32
      %shift_right_arithmetic3A_416 = arith.constant 2 : i32
      %shift_right_arithmetic3A_417 = arith.shrsi %add3A_415, %shift_right_arithmetic3A_416 : i32
      %and3A_418 = arith.constant 3 : i32
      %and3A_419 = arith.andi %add3A_415, %and3A_418 : i32
      %shift_right_arithmetic3A_420 = arith.constant 3 : i32
      %shift_right_arithmetic3A_421 = arith.shrsi %shift_right_arithmetic3A_417, %shift_right_arithmetic3A_420 : i32
      %mul3A_422 = arith.constant 128 : i32
      %mul3A_423 = arith.muli %and3A_419, %mul3A_422 : i32
      %dma_start3A_424 = tpu.memref_slice %arg6[%shift_right_arithmetic3A_417, %mul3A_423] : memref<208x512xf32, #tpu.memory_space<vmem>> -> memref<1x128xf32, #tpu.memory_space<vmem>>
      %dma_start3A_425 = tpu.memref_squeeze %dma_start3A_424 : memref<1x128xf32, #tpu.memory_space<vmem>> -> memref<128xf32, #tpu.memory_space<vmem>>
      %dma_start3A_426 = arith.constant 0 : i32
      %dma_start3A_427 = tpu.memref_slice %arg5[%shift_right_arithmetic3A_421, %and3A_419, %dma_start3A_426] : memref<26x4x128xi32, #tpu.memory_space<vmem>> -> memref<1x1x128xi32, #tpu.memory_space<vmem>>
      %dma_start3A_428 = tpu.memref_squeeze %dma_start3A_427 : memref<1x1x128xi32, #tpu.memory_space<vmem>> -> memref<128xi32, #tpu.memory_space<vmem>>
      %dma_start3A_429 = arith.constant 0 : i32
      %dma_start3A_430 = tpu.memref_slice %arg3[%shift_right_arithmetic3A_417, %dma_start3A_429] : memref<208x100000xf32, #tpu.memory_space<hbm>> -> memref<1x100000xf32, #tpu.memory_space<hbm>>
      %dma_start3A_431 = tpu.memref_squeeze %dma_start3A_430 : memref<1x100000xf32, #tpu.memory_space<hbm>> -> memref<100000xf32, #tpu.memory_space<hbm>>
      %dma_start3A_432 = arith.constant 0 : i32
      %dma_start3A_433 = tpu.memref_slice %dma_start3A_431[%dma_start3A_432] : memref<100000xf32, #tpu.memory_space<hbm>> -> memref<100000xf32, #tpu.memory_space<hbm>>
      tpu.enqueue_indirect_dma source(%dma_start3A_433 : memref<100000xf32, #tpu.memory_space<hbm>>) target(%dma_start3A_425 : memref<128xf32, #tpu.memory_space<vmem>>) offsets(%dma_start3A_428 : memref<128xi32, #tpu.memory_space<vmem>>) semaphore(%arg7 : memref<!tpu.dma_semaphore, #tpu.memory_space<semaphore_mem>>)
      %mul3A_434 = arith.constant 64 : i32
      %mul3A_435 = arith.muli %scan3A_18, %mul3A_434 : i32
      %add3A_436 = arith.constant 19 : i32
      %add3A_437 = arith.addi %mul3A_435, %add3A_436 : i32
      %shift_right_arithmetic3A_438 = arith.constant 2 : i32
      %shift_right_arithmetic3A_439 = arith.shrsi %add3A_437, %shift_right_arithmetic3A_438 : i32
      %and3A_440 = arith.constant 3 : i32
      %and3A_441 = arith.andi %add3A_437, %and3A_440 : i32
      %shift_right_arithmetic3A_442 = arith.constant 3 : i32
      %shift_right_arithmetic3A_443 = arith.shrsi %shift_right_arithmetic3A_439, %shift_right_arithmetic3A_442 : i32
      %mul3A_444 = arith.constant 128 : i32
      %mul3A_445 = arith.muli %and3A_441, %mul3A_444 : i32
      %dma_start3A_446 = tpu.memref_slice %arg6[%shift_right_arithmetic3A_439, %mul3A_445] : memref<208x512xf32, #tpu.memory_space<vmem>> -> memref<1x128xf32, #tpu.memory_space<vmem>>
      %dma_start3A_447 = tpu.memref_squeeze %dma_start3A_446 : memref<1x128xf32, #tpu.memory_space<vmem>> -> memref<128xf32, #tpu.memory_space<vmem>>
      %dma_start3A_448 = arith.constant 0 : i32
      %dma_start3A_449 = tpu.memref_slice %arg5[%shift_right_arithmetic3A_443, %and3A_441, %dma_start3A_448] : memref<26x4x128xi32, #tpu.memory_space<vmem>> -> memref<1x1x128xi32, #tpu.memory_space<vmem>>
      %dma_start3A_450 = tpu.memref_squeeze %dma_start3A_449 : memref<1x1x128xi32, #tpu.memory_space<vmem>> -> memref<128xi32, #tpu.memory_space<vmem>>
      %dma_start3A_451 = arith.constant 0 : i32
      %dma_start3A_452 = tpu.memref_slice %arg3[%shift_right_arithmetic3A_439, %dma_start3A_451] : memref<208x100000xf32, #tpu.memory_space<hbm>> -> memref<1x100000xf32, #tpu.memory_space<hbm>>
      %dma_start3A_453 = tpu.memref_squeeze %dma_start3A_452 : memref<1x100000xf32, #tpu.memory_space<hbm>> -> memref<100000xf32, #tpu.memory_space<hbm>>
      %dma_start3A_454 = arith.constant 0 : i32
      %dma_start3A_455 = tpu.memref_slice %dma_start3A_453[%dma_start3A_454] : memref<100000xf32, #tpu.memory_space<hbm>> -> memref<100000xf32, #tpu.memory_space<hbm>>
      tpu.enqueue_indirect_dma source(%dma_start3A_455 : memref<100000xf32, #tpu.memory_space<hbm>>) target(%dma_start3A_447 : memref<128xf32, #tpu.memory_space<vmem>>) offsets(%dma_start3A_450 : memref<128xi32, #tpu.memory_space<vmem>>) semaphore(%arg7 : memref<!tpu.dma_semaphore, #tpu.memory_space<semaphore_mem>>)
      %mul3A_456 = arith.constant 64 : i32
      %mul3A_457 = arith.muli %scan3A_18, %mul3A_456 : i32
      %add3A_458 = arith.constant 20 : i32
      %add3A_459 = arith.addi %mul3A_457, %add3A_458 : i32
      %shift_right_arithmetic3A_460 = arith.constant 2 : i32
      %shift_right_arithmetic3A_461 = arith.shrsi %add3A_459, %shift_right_arithmetic3A_460 : i32
      %and3A_462 = arith.constant 3 : i32
      %and3A_463 = arith.andi %add3A_459, %and3A_462 : i32
      %shift_right_arithmetic3A_464 = arith.constant 3 : i32
      %shift_right_arithmetic3A_465 = arith.shrsi %shift_right_arithmetic3A_461, %shift_right_arithmetic3A_464 : i32
      %mul3A_466 = arith.constant 128 : i32
      %mul3A_467 = arith.muli %and3A_463, %mul3A_466 : i32
      %dma_start3A_468 = tpu.memref_slice %arg6[%shift_right_arithmetic3A_461, %mul3A_467] : memref<208x512xf32, #tpu.memory_space<vmem>> -> memref<1x128xf32, #tpu.memory_space<vmem>>
      %dma_start3A_469 = tpu.memref_squeeze %dma_start3A_468 : memref<1x128xf32, #tpu.memory_space<vmem>> -> memref<128xf32, #tpu.memory_space<vmem>>
      %dma_start3A_470 = arith.constant 0 : i32
      %dma_start3A_471 = tpu.memref_slice %arg5[%shift_right_arithmetic3A_465, %and3A_463, %dma_start3A_470] : memref<26x4x128xi32, #tpu.memory_space<vmem>> -> memref<1x1x128xi32, #tpu.memory_space<vmem>>
      %dma_start3A_472 = tpu.memref_squeeze %dma_start3A_471 : memref<1x1x128xi32, #tpu.memory_space<vmem>> -> memref<128xi32, #tpu.memory_space<vmem>>
      %dma_start3A_473 = arith.constant 0 : i32
      %dma_start3A_474 = tpu.memref_slice %arg3[%shift_right_arithmetic3A_461, %dma_start3A_473] : memref<208x100000xf32, #tpu.memory_space<hbm>> -> memref<1x100000xf32, #tpu.memory_space<hbm>>
      %dma_start3A_475 = tpu.memref_squeeze %dma_start3A_474 : memref<1x100000xf32, #tpu.memory_space<hbm>> -> memref<100000xf32, #tpu.memory_space<hbm>>
      %dma_start3A_476 = arith.constant 0 : i32
      %dma_start3A_477 = tpu.memref_slice %dma_start3A_475[%dma_start3A_476] : memref<100000xf32, #tpu.memory_space<hbm>> -> memref<100000xf32, #tpu.memory_space<hbm>>
      tpu.enqueue_indirect_dma source(%dma_start3A_477 : memref<100000xf32, #tpu.memory_space<hbm>>) target(%dma_start3A_469 : memref<128xf32, #tpu.memory_space<vmem>>) offsets(%dma_start3A_472 : memref<128xi32, #tpu.memory_space<vmem>>) semaphore(%arg7 : memref<!tpu.dma_semaphore, #tpu.memory_space<semaphore_mem>>)
      %mul3A_478 = arith.constant 64 : i32
      %mul3A_479 = arith.muli %scan3A_18, %mul3A_478 : i32
      %add3A_480 = arith.constant 21 : i32
      %add3A_481 = arith.addi %mul3A_479, %add3A_480 : i32
      %shift_right_arithmetic3A_482 = arith.constant 2 : i32
      %shift_right_arithmetic3A_483 = arith.shrsi %add3A_481, %shift_right_arithmetic3A_482 : i32
      %and3A_484 = arith.constant 3 : i32
      %and3A_485 = arith.andi %add3A_481, %and3A_484 : i32
      %shift_right_arithmetic3A_486 = arith.constant 3 : i32
      %shift_right_arithmetic3A_487 = arith.shrsi %shift_right_arithmetic3A_483, %shift_right_arithmetic3A_486 : i32
      %mul3A_488 = arith.constant 128 : i32
      %mul3A_489 = arith.muli %and3A_485, %mul3A_488 : i32
      %dma_start3A_490 = tpu.memref_slice %arg6[%shift_right_arithmetic3A_483, %mul3A_489] : memref<208x512xf32, #tpu.memory_space<vmem>> -> memref<1x128xf32, #tpu.memory_space<vmem>>
      %dma_start3A_491 = tpu.memref_squeeze %dma_start3A_490 : memref<1x128xf32, #tpu.memory_space<vmem>> -> memref<128xf32, #tpu.memory_space<vmem>>
      %dma_start3A_492 = arith.constant 0 : i32
      %dma_start3A_493 = tpu.memref_slice %arg5[%shift_right_arithmetic3A_487, %and3A_485, %dma_start3A_492] : memref<26x4x128xi32, #tpu.memory_space<vmem>> -> memref<1x1x128xi32, #tpu.memory_space<vmem>>
      %dma_start3A_494 = tpu.memref_squeeze %dma_start3A_493 : memref<1x1x128xi32, #tpu.memory_space<vmem>> -> memref<128xi32, #tpu.memory_space<vmem>>
      %dma_start3A_495 = arith.constant 0 : i32
      %dma_start3A_496 = tpu.memref_slice %arg3[%shift_right_arithmetic3A_483, %dma_start3A_495] : memref<208x100000xf32, #tpu.memory_space<hbm>> -> memref<1x100000xf32, #tpu.memory_space<hbm>>
      %dma_start3A_497 = tpu.memref_squeeze %dma_start3A_496 : memref<1x100000xf32, #tpu.memory_space<hbm>> -> memref<100000xf32, #tpu.memory_space<hbm>>
      %dma_start3A_498 = arith.constant 0 : i32
      %dma_start3A_499 = tpu.memref_slice %dma_start3A_497[%dma_start3A_498] : memref<100000xf32, #tpu.memory_space<hbm>> -> memref<100000xf32, #tpu.memory_space<hbm>>
      tpu.enqueue_indirect_dma source(%dma_start3A_499 : memref<100000xf32, #tpu.memory_space<hbm>>) target(%dma_start3A_491 : memref<128xf32, #tpu.memory_space<vmem>>) offsets(%dma_start3A_494 : memref<128xi32, #tpu.memory_space<vmem>>) semaphore(%arg7 : memref<!tpu.dma_semaphore, #tpu.memory_space<semaphore_mem>>)
      %mul3A_500 = arith.constant 64 : i32
      %mul3A_501 = arith.muli %scan3A_18, %mul3A_500 : i32
      %add3A_502 = arith.constant 22 : i32
      %add3A_503 = arith.addi %mul3A_501, %add3A_502 : i32
      %shift_right_arithmetic3A_504 = arith.constant 2 : i32
      %shift_right_arithmetic3A_505 = arith.shrsi %add3A_503, %shift_right_arithmetic3A_504 : i32
      %and3A_506 = arith.constant 3 : i32
      %and3A_507 = arith.andi %add3A_503, %and3A_506 : i32
      %shift_right_arithmetic3A_508 = arith.constant 3 : i32
      %shift_right_arithmetic3A_509 = arith.shrsi %shift_right_arithmetic3A_505, %shift_right_arithmetic3A_508 : i32
      %mul3A_510 = arith.constant 128 : i32
      %mul3A_511 = arith.muli %and3A_507, %mul3A_510 : i32
      %dma_start3A_512 = tpu.memref_slice %arg6[%shift_right_arithmetic3A_505, %mul3A_511] : memref<208x512xf32, #tpu.memory_space<vmem>> -> memref<1x128xf32, #tpu.memory_space<vmem>>
      %dma_start3A_513 = tpu.memref_squeeze %dma_start3A_512 : memref<1x128xf32, #tpu.memory_space<vmem>> -> memref<128xf32, #tpu.memory_space<vmem>>
      %dma_start3A_514 = arith.constant 0 : i32
      %dma_start3A_515 = tpu.memref_slice %arg5[%shift_right_arithmetic3A_509, %and3A_507, %dma_start3A_514] : memref<26x4x128xi32, #tpu.memory_space<vmem>> -> memref<1x1x128xi32, #tpu.memory_space<vmem>>
      %dma_start3A_516 = tpu.memref_squeeze %dma_start3A_515 : memref<1x1x128xi32, #tpu.memory_space<vmem>> -> memref<128xi32, #tpu.memory_space<vmem>>
      %dma_start3A_517 = arith.constant 0 : i32
      %dma_start3A_518 = tpu.memref_slice %arg3[%shift_right_arithmetic3A_505, %dma_start3A_517] : memref<208x100000xf32, #tpu.memory_space<hbm>> -> memref<1x100000xf32, #tpu.memory_space<hbm>>
      %dma_start3A_519 = tpu.memref_squeeze %dma_start3A_518 : memref<1x100000xf32, #tpu.memory_space<hbm>> -> memref<100000xf32, #tpu.memory_space<hbm>>
      %dma_start3A_520 = arith.constant 0 : i32
      %dma_start3A_521 = tpu.memref_slice %dma_start3A_519[%dma_start3A_520] : memref<100000xf32, #tpu.memory_space<hbm>> -> memref<100000xf32, #tpu.memory_space<hbm>>
      tpu.enqueue_indirect_dma source(%dma_start3A_521 : memref<100000xf32, #tpu.memory_space<hbm>>) target(%dma_start3A_513 : memref<128xf32, #tpu.memory_space<vmem>>) offsets(%dma_start3A_516 : memref<128xi32, #tpu.memory_space<vmem>>) semaphore(%arg7 : memref<!tpu.dma_semaphore, #tpu.memory_space<semaphore_mem>>)
      %mul3A_522 = arith.constant 64 : i32
      %mul3A_523 = arith.muli %scan3A_18, %mul3A_522 : i32
      %add3A_524 = arith.constant 23 : i32
      %add3A_525 = arith.addi %mul3A_523, %add3A_524 : i32
      %shift_right_arithmetic3A_526 = arith.constant 2 : i32
      %shift_right_arithmetic3A_527 = arith.shrsi %add3A_525, %shift_right_arithmetic3A_526 : i32
      %and3A_528 = arith.constant 3 : i32
      %and3A_529 = arith.andi %add3A_525, %and3A_528 : i32
      %shift_right_arithmetic3A_530 = arith.constant 3 : i32
      %shift_right_arithmetic3A_531 = arith.shrsi %shift_right_arithmetic3A_527, %shift_right_arithmetic3A_530 : i32
      %mul3A_532 = arith.constant 128 : i32
      %mul3A_533 = arith.muli %and3A_529, %mul3A_532 : i32
      %dma_start3A_534 = tpu.memref_slice %arg6[%shift_right_arithmetic3A_527, %mul3A_533] : memref<208x512xf32, #tpu.memory_space<vmem>> -> memref<1x128xf32, #tpu.memory_space<vmem>>
      %dma_start3A_535 = tpu.memref_squeeze %dma_start3A_534 : memref<1x128xf32, #tpu.memory_space<vmem>> -> memref<128xf32, #tpu.memory_space<vmem>>
      %dma_start3A_536 = arith.constant 0 : i32
      %dma_start3A_537 = tpu.memref_slice %arg5[%shift_right_arithmetic3A_531, %and3A_529, %dma_start3A_536] : memref<26x4x128xi32, #tpu.memory_space<vmem>> -> memref<1x1x128xi32, #tpu.memory_space<vmem>>
      %dma_start3A_538 = tpu.memref_squeeze %dma_start3A_537 : memref<1x1x128xi32, #tpu.memory_space<vmem>> -> memref<128xi32, #tpu.memory_space<vmem>>
      %dma_start3A_539 = arith.constant 0 : i32
      %dma_start3A_540 = tpu.memref_slice %arg3[%shift_right_arithmetic3A_527, %dma_start3A_539] : memref<208x100000xf32, #tpu.memory_space<hbm>> -> memref<1x100000xf32, #tpu.memory_space<hbm>>
      %dma_start3A_541 = tpu.memref_squeeze %dma_start3A_540 : memref<1x100000xf32, #tpu.memory_space<hbm>> -> memref<100000xf32, #tpu.memory_space<hbm>>
      %dma_start3A_542 = arith.constant 0 : i32
      %dma_start3A_543 = tpu.memref_slice %dma_start3A_541[%dma_start3A_542] : memref<100000xf32, #tpu.memory_space<hbm>> -> memref<100000xf32, #tpu.memory_space<hbm>>
      tpu.enqueue_indirect_dma source(%dma_start3A_543 : memref<100000xf32, #tpu.memory_space<hbm>>) target(%dma_start3A_535 : memref<128xf32, #tpu.memory_space<vmem>>) offsets(%dma_start3A_538 : memref<128xi32, #tpu.memory_space<vmem>>) semaphore(%arg7 : memref<!tpu.dma_semaphore, #tpu.memory_space<semaphore_mem>>)
      %mul3A_544 = arith.constant 64 : i32
      %mul3A_545 = arith.muli %scan3A_18, %mul3A_544 : i32
      %add3A_546 = arith.constant 24 : i32
      %add3A_547 = arith.addi %mul3A_545, %add3A_546 : i32
      %shift_right_arithmetic3A_548 = arith.constant 2 : i32
      %shift_right_arithmetic3A_549 = arith.shrsi %add3A_547, %shift_right_arithmetic3A_548 : i32
      %and3A_550 = arith.constant 3 : i32
      %and3A_551 = arith.andi %add3A_547, %and3A_550 : i32
      %shift_right_arithmetic3A_552 = arith.constant 3 : i32
      %shift_right_arithmetic3A_553 = arith.shrsi %shift_right_arithmetic3A_549, %shift_right_arithmetic3A_552 : i32
      %mul3A_554 = arith.constant 128 : i32
      %mul3A_555 = arith.muli %and3A_551, %mul3A_554 : i32
      %dma_start3A_556 = tpu.memref_slice %arg6[%shift_right_arithmetic3A_549, %mul3A_555] : memref<208x512xf32, #tpu.memory_space<vmem>> -> memref<1x128xf32, #tpu.memory_space<vmem>>
      %dma_start3A_557 = tpu.memref_squeeze %dma_start3A_556 : memref<1x128xf32, #tpu.memory_space<vmem>> -> memref<128xf32, #tpu.memory_space<vmem>>
      %dma_start3A_558 = arith.constant 0 : i32
      %dma_start3A_559 = tpu.memref_slice %arg5[%shift_right_arithmetic3A_553, %and3A_551, %dma_start3A_558] : memref<26x4x128xi32, #tpu.memory_space<vmem>> -> memref<1x1x128xi32, #tpu.memory_space<vmem>>
      %dma_start3A_560 = tpu.memref_squeeze %dma_start3A_559 : memref<1x1x128xi32, #tpu.memory_space<vmem>> -> memref<128xi32, #tpu.memory_space<vmem>>
      %dma_start3A_561 = arith.constant 0 : i32
      %dma_start3A_562 = tpu.memref_slice %arg3[%shift_right_arithmetic3A_549, %dma_start3A_561] : memref<208x100000xf32, #tpu.memory_space<hbm>> -> memref<1x100000xf32, #tpu.memory_space<hbm>>
      %dma_start3A_563 = tpu.memref_squeeze %dma_start3A_562 : memref<1x100000xf32, #tpu.memory_space<hbm>> -> memref<100000xf32, #tpu.memory_space<hbm>>
      %dma_start3A_564 = arith.constant 0 : i32
      %dma_start3A_565 = tpu.memref_slice %dma_start3A_563[%dma_start3A_564] : memref<100000xf32, #tpu.memory_space<hbm>> -> memref<100000xf32, #tpu.memory_space<hbm>>
      tpu.enqueue_indirect_dma source(%dma_start3A_565 : memref<100000xf32, #tpu.memory_space<hbm>>) target(%dma_start3A_557 : memref<128xf32, #tpu.memory_space<vmem>>) offsets(%dma_start3A_560 : memref<128xi32, #tpu.memory_space<vmem>>) semaphore(%arg7 : memref<!tpu.dma_semaphore, #tpu.memory_space<semaphore_mem>>)
      %mul3A_566 = arith.constant 64 : i32
      %mul3A_567 = arith.muli %scan3A_18, %mul3A_566 : i32
      %add3A_568 = arith.constant 25 : i32
      %add3A_569 = arith.addi %mul3A_567, %add3A_568 : i32
      %shift_right_arithmetic3A_570 = arith.constant 2 : i32
      %shift_right_arithmetic3A_571 = arith.shrsi %add3A_569, %shift_right_arithmetic3A_570 : i32
      %and3A_572 = arith.constant 3 : i32
      %and3A_573 = arith.andi %add3A_569, %and3A_572 : i32
      %shift_right_arithmetic3A_574 = arith.constant 3 : i32
      %shift_right_arithmetic3A_575 = arith.shrsi %shift_right_arithmetic3A_571, %shift_right_arithmetic3A_574 : i32
      %mul3A_576 = arith.constant 128 : i32
      %mul3A_577 = arith.muli %and3A_573, %mul3A_576 : i32
      %dma_start3A_578 = tpu.memref_slice %arg6[%shift_right_arithmetic3A_571, %mul3A_577] : memref<208x512xf32, #tpu.memory_space<vmem>> -> memref<1x128xf32, #tpu.memory_space<vmem>>
      %dma_start3A_579 = tpu.memref_squeeze %dma_start3A_578 : memref<1x128xf32, #tpu.memory_space<vmem>> -> memref<128xf32, #tpu.memory_space<vmem>>
      %dma_start3A_580 = arith.constant 0 : i32
      %dma_start3A_581 = tpu.memref_slice %arg5[%shift_right_arithmetic3A_575, %and3A_573, %dma_start3A_580] : memref<26x4x128xi32, #tpu.memory_space<vmem>> -> memref<1x1x128xi32, #tpu.memory_space<vmem>>
      %dma_start3A_582 = tpu.memref_squeeze %dma_start3A_581 : memref<1x1x128xi32, #tpu.memory_space<vmem>> -> memref<128xi32, #tpu.memory_space<vmem>>
      %dma_start3A_583 = arith.constant 0 : i32
      %dma_start3A_584 = tpu.memref_slice %arg3[%shift_right_arithmetic3A_571, %dma_start3A_583] : memref<208x100000xf32, #tpu.memory_space<hbm>> -> memref<1x100000xf32, #tpu.memory_space<hbm>>
      %dma_start3A_585 = tpu.memref_squeeze %dma_start3A_584 : memref<1x100000xf32, #tpu.memory_space<hbm>> -> memref<100000xf32, #tpu.memory_space<hbm>>
      %dma_start3A_586 = arith.constant 0 : i32
      %dma_start3A_587 = tpu.memref_slice %dma_start3A_585[%dma_start3A_586] : memref<100000xf32, #tpu.memory_space<hbm>> -> memref<100000xf32, #tpu.memory_space<hbm>>
      tpu.enqueue_indirect_dma source(%dma_start3A_587 : memref<100000xf32, #tpu.memory_space<hbm>>) target(%dma_start3A_579 : memref<128xf32, #tpu.memory_space<vmem>>) offsets(%dma_start3A_582 : memref<128xi32, #tpu.memory_space<vmem>>) semaphore(%arg7 : memref<!tpu.dma_semaphore, #tpu.memory_space<semaphore_mem>>)
      %mul3A_588 = arith.constant 64 : i32
      %mul3A_589 = arith.muli %scan3A_18, %mul3A_588 : i32
      %add3A_590 = arith.constant 26 : i32
      %add3A_591 = arith.addi %mul3A_589, %add3A_590 : i32
      %shift_right_arithmetic3A_592 = arith.constant 2 : i32
      %shift_right_arithmetic3A_593 = arith.shrsi %add3A_591, %shift_right_arithmetic3A_592 : i32
      %and3A_594 = arith.constant 3 : i32
      %and3A_595 = arith.andi %add3A_591, %and3A_594 : i32
      %shift_right_arithmetic3A_596 = arith.constant 3 : i32
      %shift_right_arithmetic3A_597 = arith.shrsi %shift_right_arithmetic3A_593, %shift_right_arithmetic3A_596 : i32
      %mul3A_598 = arith.constant 128 : i32
      %mul3A_599 = arith.muli %and3A_595, %mul3A_598 : i32
      %dma_start3A_600 = tpu.memref_slice %arg6[%shift_right_arithmetic3A_593, %mul3A_599] : memref<208x512xf32, #tpu.memory_space<vmem>> -> memref<1x128xf32, #tpu.memory_space<vmem>>
      %dma_start3A_601 = tpu.memref_squeeze %dma_start3A_600 : memref<1x128xf32, #tpu.memory_space<vmem>> -> memref<128xf32, #tpu.memory_space<vmem>>
      %dma_start3A_602 = arith.constant 0 : i32
      %dma_start3A_603 = tpu.memref_slice %arg5[%shift_right_arithmetic3A_597, %and3A_595, %dma_start3A_602] : memref<26x4x128xi32, #tpu.memory_space<vmem>> -> memref<1x1x128xi32, #tpu.memory_space<vmem>>
      %dma_start3A_604 = tpu.memref_squeeze %dma_start3A_603 : memref<1x1x128xi32, #tpu.memory_space<vmem>> -> memref<128xi32, #tpu.memory_space<vmem>>
      %dma_start3A_605 = arith.constant 0 : i32
      %dma_start3A_606 = tpu.memref_slice %arg3[%shift_right_arithmetic3A_593, %dma_start3A_605] : memref<208x100000xf32, #tpu.memory_space<hbm>> -> memref<1x100000xf32, #tpu.memory_space<hbm>>
      %dma_start3A_607 = tpu.memref_squeeze %dma_start3A_606 : memref<1x100000xf32, #tpu.memory_space<hbm>> -> memref<100000xf32, #tpu.memory_space<hbm>>
      %dma_start3A_608 = arith.constant 0 : i32
      %dma_start3A_609 = tpu.memref_slice %dma_start3A_607[%dma_start3A_608] : memref<100000xf32, #tpu.memory_space<hbm>> -> memref<100000xf32, #tpu.memory_space<hbm>>
      tpu.enqueue_indirect_dma source(%dma_start3A_609 : memref<100000xf32, #tpu.memory_space<hbm>>) target(%dma_start3A_601 : memref<128xf32, #tpu.memory_space<vmem>>) offsets(%dma_start3A_604 : memref<128xi32, #tpu.memory_space<vmem>>) semaphore(%arg7 : memref<!tpu.dma_semaphore, #tpu.memory_space<semaphore_mem>>)
      %mul3A_610 = arith.constant 64 : i32
      %mul3A_611 = arith.muli %scan3A_18, %mul3A_610 : i32
      %add3A_612 = arith.constant 27 : i32
      %add3A_613 = arith.addi %mul3A_611, %add3A_612 : i32
      %shift_right_arithmetic3A_614 = arith.constant 2 : i32
      %shift_right_arithmetic3A_615 = arith.shrsi %add3A_613, %shift_right_arithmetic3A_614 : i32
      %and3A_616 = arith.constant 3 : i32
      %and3A_617 = arith.andi %add3A_613, %and3A_616 : i32
      %shift_right_arithmetic3A_618 = arith.constant 3 : i32
      %shift_right_arithmetic3A_619 = arith.shrsi %shift_right_arithmetic3A_615, %shift_right_arithmetic3A_618 : i32
      %mul3A_620 = arith.constant 128 : i32
      %mul3A_621 = arith.muli %and3A_617, %mul3A_620 : i32
      %dma_start3A_622 = tpu.memref_slice %arg6[%shift_right_arithmetic3A_615, %mul3A_621] : memref<208x512xf32, #tpu.memory_space<vmem>> -> memref<1x128xf32, #tpu.memory_space<vmem>>
      %dma_start3A_623 = tpu.memref_squeeze %dma_start3A_622 : memref<1x128xf32, #tpu.memory_space<vmem>> -> memref<128xf32, #tpu.memory_space<vmem>>
      %dma_start3A_624 = arith.constant 0 : i32
      %dma_start3A_625 = tpu.memref_slice %arg5[%shift_right_arithmetic3A_619, %and3A_617, %dma_start3A_624] : memref<26x4x128xi32, #tpu.memory_space<vmem>> -> memref<1x1x128xi32, #tpu.memory_space<vmem>>
      %dma_start3A_626 = tpu.memref_squeeze %dma_start3A_625 : memref<1x1x128xi32, #tpu.memory_space<vmem>> -> memref<128xi32, #tpu.memory_space<vmem>>
      %dma_start3A_627 = arith.constant 0 : i32
      %dma_start3A_628 = tpu.memref_slice %arg3[%shift_right_arithmetic3A_615, %dma_start3A_627] : memref<208x100000xf32, #tpu.memory_space<hbm>> -> memref<1x100000xf32, #tpu.memory_space<hbm>>
      %dma_start3A_629 = tpu.memref_squeeze %dma_start3A_628 : memref<1x100000xf32, #tpu.memory_space<hbm>> -> memref<100000xf32, #tpu.memory_space<hbm>>
      %dma_start3A_630 = arith.constant 0 : i32
      %dma_start3A_631 = tpu.memref_slice %dma_start3A_629[%dma_start3A_630] : memref<100000xf32, #tpu.memory_space<hbm>> -> memref<100000xf32, #tpu.memory_space<hbm>>
      tpu.enqueue_indirect_dma source(%dma_start3A_631 : memref<100000xf32, #tpu.memory_space<hbm>>) target(%dma_start3A_623 : memref<128xf32, #tpu.memory_space<vmem>>) offsets(%dma_start3A_626 : memref<128xi32, #tpu.memory_space<vmem>>) semaphore(%arg7 : memref<!tpu.dma_semaphore, #tpu.memory_space<semaphore_mem>>)
      %mul3A_632 = arith.constant 64 : i32
      %mul3A_633 = arith.muli %scan3A_18, %mul3A_632 : i32
      %add3A_634 = arith.constant 28 : i32
      %add3A_635 = arith.addi %mul3A_633, %add3A_634 : i32
      %shift_right_arithmetic3A_636 = arith.constant 2 : i32
      %shift_right_arithmetic3A_637 = arith.shrsi %add3A_635, %shift_right_arithmetic3A_636 : i32
      %and3A_638 = arith.constant 3 : i32
      %and3A_639 = arith.andi %add3A_635, %and3A_638 : i32
      %shift_right_arithmetic3A_640 = arith.constant 3 : i32
      %shift_right_arithmetic3A_641 = arith.shrsi %shift_right_arithmetic3A_637, %shift_right_arithmetic3A_640 : i32
      %mul3A_642 = arith.constant 128 : i32
      %mul3A_643 = arith.muli %and3A_639, %mul3A_642 : i32
      %dma_start3A_644 = tpu.memref_slice %arg6[%shift_right_arithmetic3A_637, %mul3A_643] : memref<208x512xf32, #tpu.memory_space<vmem>> -> memref<1x128xf32, #tpu.memory_space<vmem>>
      %dma_start3A_645 = tpu.memref_squeeze %dma_start3A_644 : memref<1x128xf32, #tpu.memory_space<vmem>> -> memref<128xf32, #tpu.memory_space<vmem>>
      %dma_start3A_646 = arith.constant 0 : i32
      %dma_start3A_647 = tpu.memref_slice %arg5[%shift_right_arithmetic3A_641, %and3A_639, %dma_start3A_646] : memref<26x4x128xi32, #tpu.memory_space<vmem>> -> memref<1x1x128xi32, #tpu.memory_space<vmem>>
      %dma_start3A_648 = tpu.memref_squeeze %dma_start3A_647 : memref<1x1x128xi32, #tpu.memory_space<vmem>> -> memref<128xi32, #tpu.memory_space<vmem>>
      %dma_start3A_649 = arith.constant 0 : i32
      %dma_start3A_650 = tpu.memref_slice %arg3[%shift_right_arithmetic3A_637, %dma_start3A_649] : memref<208x100000xf32, #tpu.memory_space<hbm>> -> memref<1x100000xf32, #tpu.memory_space<hbm>>
      %dma_start3A_651 = tpu.memref_squeeze %dma_start3A_650 : memref<1x100000xf32, #tpu.memory_space<hbm>> -> memref<100000xf32, #tpu.memory_space<hbm>>
      %dma_start3A_652 = arith.constant 0 : i32
      %dma_start3A_653 = tpu.memref_slice %dma_start3A_651[%dma_start3A_652] : memref<100000xf32, #tpu.memory_space<hbm>> -> memref<100000xf32, #tpu.memory_space<hbm>>
      tpu.enqueue_indirect_dma source(%dma_start3A_653 : memref<100000xf32, #tpu.memory_space<hbm>>) target(%dma_start3A_645 : memref<128xf32, #tpu.memory_space<vmem>>) offsets(%dma_start3A_648 : memref<128xi32, #tpu.memory_space<vmem>>) semaphore(%arg7 : memref<!tpu.dma_semaphore, #tpu.memory_space<semaphore_mem>>)
      %mul3A_654 = arith.constant 64 : i32
      %mul3A_655 = arith.muli %scan3A_18, %mul3A_654 : i32
      %add3A_656 = arith.constant 29 : i32
      %add3A_657 = arith.addi %mul3A_655, %add3A_656 : i32
      %shift_right_arithmetic3A_658 = arith.constant 2 : i32
      %shift_right_arithmetic3A_659 = arith.shrsi %add3A_657, %shift_right_arithmetic3A_658 : i32
      %and3A_660 = arith.constant 3 : i32
      %and3A_661 = arith.andi %add3A_657, %and3A_660 : i32
      %shift_right_arithmetic3A_662 = arith.constant 3 : i32
      %shift_right_arithmetic3A_663 = arith.shrsi %shift_right_arithmetic3A_659, %shift_right_arithmetic3A_662 : i32
      %mul3A_664 = arith.constant 128 : i32
      %mul3A_665 = arith.muli %and3A_661, %mul3A_664 : i32
      %dma_start3A_666 = tpu.memref_slice %arg6[%shift_right_arithmetic3A_659, %mul3A_665] : memref<208x512xf32, #tpu.memory_space<vmem>> -> memref<1x128xf32, #tpu.memory_space<vmem>>
      %dma_start3A_667 = tpu.memref_squeeze %dma_start3A_666 : memref<1x128xf32, #tpu.memory_space<vmem>> -> memref<128xf32, #tpu.memory_space<vmem>>
      %dma_start3A_668 = arith.constant 0 : i32
      %dma_start3A_669 = tpu.memref_slice %arg5[%shift_right_arithmetic3A_663, %and3A_661, %dma_start3A_668] : memref<26x4x128xi32, #tpu.memory_space<vmem>> -> memref<1x1x128xi32, #tpu.memory_space<vmem>>
      %dma_start3A_670 = tpu.memref_squeeze %dma_start3A_669 : memref<1x1x128xi32, #tpu.memory_space<vmem>> -> memref<128xi32, #tpu.memory_space<vmem>>
      %dma_start3A_671 = arith.constant 0 : i32
      %dma_start3A_672 = tpu.memref_slice %arg3[%shift_right_arithmetic3A_659, %dma_start3A_671] : memref<208x100000xf32, #tpu.memory_space<hbm>> -> memref<1x100000xf32, #tpu.memory_space<hbm>>
      %dma_start3A_673 = tpu.memref_squeeze %dma_start3A_672 : memref<1x100000xf32, #tpu.memory_space<hbm>> -> memref<100000xf32, #tpu.memory_space<hbm>>
      %dma_start3A_674 = arith.constant 0 : i32
      %dma_start3A_675 = tpu.memref_slice %dma_start3A_673[%dma_start3A_674] : memref<100000xf32, #tpu.memory_space<hbm>> -> memref<100000xf32, #tpu.memory_space<hbm>>
      tpu.enqueue_indirect_dma source(%dma_start3A_675 : memref<100000xf32, #tpu.memory_space<hbm>>) target(%dma_start3A_667 : memref<128xf32, #tpu.memory_space<vmem>>) offsets(%dma_start3A_670 : memref<128xi32, #tpu.memory_space<vmem>>) semaphore(%arg7 : memref<!tpu.dma_semaphore, #tpu.memory_space<semaphore_mem>>)
      %mul3A_676 = arith.constant 64 : i32
      %mul3A_677 = arith.muli %scan3A_18, %mul3A_676 : i32
      %add3A_678 = arith.constant 30 : i32
      %add3A_679 = arith.addi %mul3A_677, %add3A_678 : i32
      %shift_right_arithmetic3A_680 = arith.constant 2 : i32
      %shift_right_arithmetic3A_681 = arith.shrsi %add3A_679, %shift_right_arithmetic3A_680 : i32
      %and3A_682 = arith.constant 3 : i32
      %and3A_683 = arith.andi %add3A_679, %and3A_682 : i32
      %shift_right_arithmetic3A_684 = arith.constant 3 : i32
      %shift_right_arithmetic3A_685 = arith.shrsi %shift_right_arithmetic3A_681, %shift_right_arithmetic3A_684 : i32
      %mul3A_686 = arith.constant 128 : i32
      %mul3A_687 = arith.muli %and3A_683, %mul3A_686 : i32
      %dma_start3A_688 = tpu.memref_slice %arg6[%shift_right_arithmetic3A_681, %mul3A_687] : memref<208x512xf32, #tpu.memory_space<vmem>> -> memref<1x128xf32, #tpu.memory_space<vmem>>
      %dma_start3A_689 = tpu.memref_squeeze %dma_start3A_688 : memref<1x128xf32, #tpu.memory_space<vmem>> -> memref<128xf32, #tpu.memory_space<vmem>>
      %dma_start3A_690 = arith.constant 0 : i32
      %dma_start3A_691 = tpu.memref_slice %arg5[%shift_right_arithmetic3A_685, %and3A_683, %dma_start3A_690] : memref<26x4x128xi32, #tpu.memory_space<vmem>> -> memref<1x1x128xi32, #tpu.memory_space<vmem>>
      %dma_start3A_692 = tpu.memref_squeeze %dma_start3A_691 : memref<1x1x128xi32, #tpu.memory_space<vmem>> -> memref<128xi32, #tpu.memory_space<vmem>>
      %dma_start3A_693 = arith.constant 0 : i32
      %dma_start3A_694 = tpu.memref_slice %arg3[%shift_right_arithmetic3A_681, %dma_start3A_693] : memref<208x100000xf32, #tpu.memory_space<hbm>> -> memref<1x100000xf32, #tpu.memory_space<hbm>>
      %dma_start3A_695 = tpu.memref_squeeze %dma_start3A_694 : memref<1x100000xf32, #tpu.memory_space<hbm>> -> memref<100000xf32, #tpu.memory_space<hbm>>
      %dma_start3A_696 = arith.constant 0 : i32
      %dma_start3A_697 = tpu.memref_slice %dma_start3A_695[%dma_start3A_696] : memref<100000xf32, #tpu.memory_space<hbm>> -> memref<100000xf32, #tpu.memory_space<hbm>>
      tpu.enqueue_indirect_dma source(%dma_start3A_697 : memref<100000xf32, #tpu.memory_space<hbm>>) target(%dma_start3A_689 : memref<128xf32, #tpu.memory_space<vmem>>) offsets(%dma_start3A_692 : memref<128xi32, #tpu.memory_space<vmem>>) semaphore(%arg7 : memref<!tpu.dma_semaphore, #tpu.memory_space<semaphore_mem>>)
      %mul3A_698 = arith.constant 64 : i32
      %mul3A_699 = arith.muli %scan3A_18, %mul3A_698 : i32
      %add3A_700 = arith.constant 31 : i32
      %add3A_701 = arith.addi %mul3A_699, %add3A_700 : i32
      %shift_right_arithmetic3A_702 = arith.constant 2 : i32
      %shift_right_arithmetic3A_703 = arith.shrsi %add3A_701, %shift_right_arithmetic3A_702 : i32
      %and3A_704 = arith.constant 3 : i32
      %and3A_705 = arith.andi %add3A_701, %and3A_704 : i32
      %shift_right_arithmetic3A_706 = arith.constant 3 : i32
      %shift_right_arithmetic3A_707 = arith.shrsi %shift_right_arithmetic3A_703, %shift_right_arithmetic3A_706 : i32
      %mul3A_708 = arith.constant 128 : i32
      %mul3A_709 = arith.muli %and3A_705, %mul3A_708 : i32
      %dma_start3A_710 = tpu.memref_slice %arg6[%shift_right_arithmetic3A_703, %mul3A_709] : memref<208x512xf32, #tpu.memory_space<vmem>> -> memref<1x128xf32, #tpu.memory_space<vmem>>
      %dma_start3A_711 = tpu.memref_squeeze %dma_start3A_710 : memref<1x128xf32, #tpu.memory_space<vmem>> -> memref<128xf32, #tpu.memory_space<vmem>>
      %dma_start3A_712 = arith.constant 0 : i32
      %dma_start3A_713 = tpu.memref_slice %arg5[%shift_right_arithmetic3A_707, %and3A_705, %dma_start3A_712] : memref<26x4x128xi32, #tpu.memory_space<vmem>> -> memref<1x1x128xi32, #tpu.memory_space<vmem>>
      %dma_start3A_714 = tpu.memref_squeeze %dma_start3A_713 : memref<1x1x128xi32, #tpu.memory_space<vmem>> -> memref<128xi32, #tpu.memory_space<vmem>>
      %dma_start3A_715 = arith.constant 0 : i32
      %dma_start3A_716 = tpu.memref_slice %arg3[%shift_right_arithmetic3A_703, %dma_start3A_715] : memref<208x100000xf32, #tpu.memory_space<hbm>> -> memref<1x100000xf32, #tpu.memory_space<hbm>>
      %dma_start3A_717 = tpu.memref_squeeze %dma_start3A_716 : memref<1x100000xf32, #tpu.memory_space<hbm>> -> memref<100000xf32, #tpu.memory_space<hbm>>
      %dma_start3A_718 = arith.constant 0 : i32
      %dma_start3A_719 = tpu.memref_slice %dma_start3A_717[%dma_start3A_718] : memref<100000xf32, #tpu.memory_space<hbm>> -> memref<100000xf32, #tpu.memory_space<hbm>>
      tpu.enqueue_indirect_dma source(%dma_start3A_719 : memref<100000xf32, #tpu.memory_space<hbm>>) target(%dma_start3A_711 : memref<128xf32, #tpu.memory_space<vmem>>) offsets(%dma_start3A_714 : memref<128xi32, #tpu.memory_space<vmem>>) semaphore(%arg7 : memref<!tpu.dma_semaphore, #tpu.memory_space<semaphore_mem>>)
      %mul3A_720 = arith.constant 64 : i32
      %mul3A_721 = arith.muli %scan3A_18, %mul3A_720 : i32
      %add3A_722 = arith.constant 32 : i32
      %add3A_723 = arith.addi %mul3A_721, %add3A_722 : i32
      %shift_right_arithmetic3A_724 = arith.constant 2 : i32
      %shift_right_arithmetic3A_725 = arith.shrsi %add3A_723, %shift_right_arithmetic3A_724 : i32
      %and3A_726 = arith.constant 3 : i32
      %and3A_727 = arith.andi %add3A_723, %and3A_726 : i32
      %shift_right_arithmetic3A_728 = arith.constant 3 : i32
      %shift_right_arithmetic3A_729 = arith.shrsi %shift_right_arithmetic3A_725, %shift_right_arithmetic3A_728 : i32
      %mul3A_730 = arith.constant 128 : i32
      %mul3A_731 = arith.muli %and3A_727, %mul3A_730 : i32
      %dma_start3A_732 = tpu.memref_slice %arg6[%shift_right_arithmetic3A_725, %mul3A_731] : memref<208x512xf32, #tpu.memory_space<vmem>> -> memref<1x128xf32, #tpu.memory_space<vmem>>
      %dma_start3A_733 = tpu.memref_squeeze %dma_start3A_732 : memref<1x128xf32, #tpu.memory_space<vmem>> -> memref<128xf32, #tpu.memory_space<vmem>>
      %dma_start3A_734 = arith.constant 0 : i32
      %dma_start3A_735 = tpu.memref_slice %arg5[%shift_right_arithmetic3A_729, %and3A_727, %dma_start3A_734] : memref<26x4x128xi32, #tpu.memory_space<vmem>> -> memref<1x1x128xi32, #tpu.memory_space<vmem>>
      %dma_start3A_736 = tpu.memref_squeeze %dma_start3A_735 : memref<1x1x128xi32, #tpu.memory_space<vmem>> -> memref<128xi32, #tpu.memory_space<vmem>>
      %dma_start3A_737 = arith.constant 0 : i32
      %dma_start3A_738 = tpu.memref_slice %arg3[%shift_right_arithmetic3A_725, %dma_start3A_737] : memref<208x100000xf32, #tpu.memory_space<hbm>> -> memref<1x100000xf32, #tpu.memory_space<hbm>>
      %dma_start3A_739 = tpu.memref_squeeze %dma_start3A_738 : memref<1x100000xf32, #tpu.memory_space<hbm>> -> memref<100000xf32, #tpu.memory_space<hbm>>
      %dma_start3A_740 = arith.constant 0 : i32
      %dma_start3A_741 = tpu.memref_slice %dma_start3A_739[%dma_start3A_740] : memref<100000xf32, #tpu.memory_space<hbm>> -> memref<100000xf32, #tpu.memory_space<hbm>>
      tpu.enqueue_indirect_dma source(%dma_start3A_741 : memref<100000xf32, #tpu.memory_space<hbm>>) target(%dma_start3A_733 : memref<128xf32, #tpu.memory_space<vmem>>) offsets(%dma_start3A_736 : memref<128xi32, #tpu.memory_space<vmem>>) semaphore(%arg7 : memref<!tpu.dma_semaphore, #tpu.memory_space<semaphore_mem>>)
      %mul3A_742 = arith.constant 64 : i32
      %mul3A_743 = arith.muli %scan3A_18, %mul3A_742 : i32
      %add3A_744 = arith.constant 33 : i32
      %add3A_745 = arith.addi %mul3A_743, %add3A_744 : i32
      %shift_right_arithmetic3A_746 = arith.constant 2 : i32
      %shift_right_arithmetic3A_747 = arith.shrsi %add3A_745, %shift_right_arithmetic3A_746 : i32
      %and3A_748 = arith.constant 3 : i32
      %and3A_749 = arith.andi %add3A_745, %and3A_748 : i32
      %shift_right_arithmetic3A_750 = arith.constant 3 : i32
      %shift_right_arithmetic3A_751 = arith.shrsi %shift_right_arithmetic3A_747, %shift_right_arithmetic3A_750 : i32
      %mul3A_752 = arith.constant 128 : i32
      %mul3A_753 = arith.muli %and3A_749, %mul3A_752 : i32
      %dma_start3A_754 = tpu.memref_slice %arg6[%shift_right_arithmetic3A_747, %mul3A_753] : memref<208x512xf32, #tpu.memory_space<vmem>> -> memref<1x128xf32, #tpu.memory_space<vmem>>
      %dma_start3A_755 = tpu.memref_squeeze %dma_start3A_754 : memref<1x128xf32, #tpu.memory_space<vmem>> -> memref<128xf32, #tpu.memory_space<vmem>>
      %dma_start3A_756 = arith.constant 0 : i32
      %dma_start3A_757 = tpu.memref_slice %arg5[%shift_right_arithmetic3A_751, %and3A_749, %dma_start3A_756] : memref<26x4x128xi32, #tpu.memory_space<vmem>> -> memref<1x1x128xi32, #tpu.memory_space<vmem>>
      %dma_start3A_758 = tpu.memref_squeeze %dma_start3A_757 : memref<1x1x128xi32, #tpu.memory_space<vmem>> -> memref<128xi32, #tpu.memory_space<vmem>>
      %dma_start3A_759 = arith.constant 0 : i32
      %dma_start3A_760 = tpu.memref_slice %arg3[%shift_right_arithmetic3A_747, %dma_start3A_759] : memref<208x100000xf32, #tpu.memory_space<hbm>> -> memref<1x100000xf32, #tpu.memory_space<hbm>>
      %dma_start3A_761 = tpu.memref_squeeze %dma_start3A_760 : memref<1x100000xf32, #tpu.memory_space<hbm>> -> memref<100000xf32, #tpu.memory_space<hbm>>
      %dma_start3A_762 = arith.constant 0 : i32
      %dma_start3A_763 = tpu.memref_slice %dma_start3A_761[%dma_start3A_762] : memref<100000xf32, #tpu.memory_space<hbm>> -> memref<100000xf32, #tpu.memory_space<hbm>>
      tpu.enqueue_indirect_dma source(%dma_start3A_763 : memref<100000xf32, #tpu.memory_space<hbm>>) target(%dma_start3A_755 : memref<128xf32, #tpu.memory_space<vmem>>) offsets(%dma_start3A_758 : memref<128xi32, #tpu.memory_space<vmem>>) semaphore(%arg7 : memref<!tpu.dma_semaphore, #tpu.memory_space<semaphore_mem>>)
      %mul3A_764 = arith.constant 64 : i32
      %mul3A_765 = arith.muli %scan3A_18, %mul3A_764 : i32
      %add3A_766 = arith.constant 34 : i32
      %add3A_767 = arith.addi %mul3A_765, %add3A_766 : i32
      %shift_right_arithmetic3A_768 = arith.constant 2 : i32
      %shift_right_arithmetic3A_769 = arith.shrsi %add3A_767, %shift_right_arithmetic3A_768 : i32
      %and3A_770 = arith.constant 3 : i32
      %and3A_771 = arith.andi %add3A_767, %and3A_770 : i32
      %shift_right_arithmetic3A_772 = arith.constant 3 : i32
      %shift_right_arithmetic3A_773 = arith.shrsi %shift_right_arithmetic3A_769, %shift_right_arithmetic3A_772 : i32
      %mul3A_774 = arith.constant 128 : i32
      %mul3A_775 = arith.muli %and3A_771, %mul3A_774 : i32
      %dma_start3A_776 = tpu.memref_slice %arg6[%shift_right_arithmetic3A_769, %mul3A_775] : memref<208x512xf32, #tpu.memory_space<vmem>> -> memref<1x128xf32, #tpu.memory_space<vmem>>
      %dma_start3A_777 = tpu.memref_squeeze %dma_start3A_776 : memref<1x128xf32, #tpu.memory_space<vmem>> -> memref<128xf32, #tpu.memory_space<vmem>>
      %dma_start3A_778 = arith.constant 0 : i32
      %dma_start3A_779 = tpu.memref_slice %arg5[%shift_right_arithmetic3A_773, %and3A_771, %dma_start3A_778] : memref<26x4x128xi32, #tpu.memory_space<vmem>> -> memref<1x1x128xi32, #tpu.memory_space<vmem>>
      %dma_start3A_780 = tpu.memref_squeeze %dma_start3A_779 : memref<1x1x128xi32, #tpu.memory_space<vmem>> -> memref<128xi32, #tpu.memory_space<vmem>>
      %dma_start3A_781 = arith.constant 0 : i32
      %dma_start3A_782 = tpu.memref_slice %arg3[%shift_right_arithmetic3A_769, %dma_start3A_781] : memref<208x100000xf32, #tpu.memory_space<hbm>> -> memref<1x100000xf32, #tpu.memory_space<hbm>>
      %dma_start3A_783 = tpu.memref_squeeze %dma_start3A_782 : memref<1x100000xf32, #tpu.memory_space<hbm>> -> memref<100000xf32, #tpu.memory_space<hbm>>
      %dma_start3A_784 = arith.constant 0 : i32
      %dma_start3A_785 = tpu.memref_slice %dma_start3A_783[%dma_start3A_784] : memref<100000xf32, #tpu.memory_space<hbm>> -> memref<100000xf32, #tpu.memory_space<hbm>>
      tpu.enqueue_indirect_dma source(%dma_start3A_785 : memref<100000xf32, #tpu.memory_space<hbm>>) target(%dma_start3A_777 : memref<128xf32, #tpu.memory_space<vmem>>) offsets(%dma_start3A_780 : memref<128xi32, #tpu.memory_space<vmem>>) semaphore(%arg7 : memref<!tpu.dma_semaphore, #tpu.memory_space<semaphore_mem>>)
      %mul3A_786 = arith.constant 64 : i32
      %mul3A_787 = arith.muli %scan3A_18, %mul3A_786 : i32
      %add3A_788 = arith.constant 35 : i32
      %add3A_789 = arith.addi %mul3A_787, %add3A_788 : i32
      %shift_right_arithmetic3A_790 = arith.constant 2 : i32
      %shift_right_arithmetic3A_791 = arith.shrsi %add3A_789, %shift_right_arithmetic3A_790 : i32
      %and3A_792 = arith.constant 3 : i32
      %and3A_793 = arith.andi %add3A_789, %and3A_792 : i32
      %shift_right_arithmetic3A_794 = arith.constant 3 : i32
      %shift_right_arithmetic3A_795 = arith.shrsi %shift_right_arithmetic3A_791, %shift_right_arithmetic3A_794 : i32
      %mul3A_796 = arith.constant 128 : i32
      %mul3A_797 = arith.muli %and3A_793, %mul3A_796 : i32
      %dma_start3A_798 = tpu.memref_slice %arg6[%shift_right_arithmetic3A_791, %mul3A_797] : memref<208x512xf32, #tpu.memory_space<vmem>> -> memref<1x128xf32, #tpu.memory_space<vmem>>
      %dma_start3A_799 = tpu.memref_squeeze %dma_start3A_798 : memref<1x128xf32, #tpu.memory_space<vmem>> -> memref<128xf32, #tpu.memory_space<vmem>>
      %dma_start3A_800 = arith.constant 0 : i32
      %dma_start3A_801 = tpu.memref_slice %arg5[%shift_right_arithmetic3A_795, %and3A_793, %dma_start3A_800] : memref<26x4x128xi32, #tpu.memory_space<vmem>> -> memref<1x1x128xi32, #tpu.memory_space<vmem>>
      %dma_start3A_802 = tpu.memref_squeeze %dma_start3A_801 : memref<1x1x128xi32, #tpu.memory_space<vmem>> -> memref<128xi32, #tpu.memory_space<vmem>>
      %dma_start3A_803 = arith.constant 0 : i32
      %dma_start3A_804 = tpu.memref_slice %arg3[%shift_right_arithmetic3A_791, %dma_start3A_803] : memref<208x100000xf32, #tpu.memory_space<hbm>> -> memref<1x100000xf32, #tpu.memory_space<hbm>>
      %dma_start3A_805 = tpu.memref_squeeze %dma_start3A_804 : memref<1x100000xf32, #tpu.memory_space<hbm>> -> memref<100000xf32, #tpu.memory_space<hbm>>
      %dma_start3A_806 = arith.constant 0 : i32
      %dma_start3A_807 = tpu.memref_slice %dma_start3A_805[%dma_start3A_806] : memref<100000xf32, #tpu.memory_space<hbm>> -> memref<100000xf32, #tpu.memory_space<hbm>>
      tpu.enqueue_indirect_dma source(%dma_start3A_807 : memref<100000xf32, #tpu.memory_space<hbm>>) target(%dma_start3A_799 : memref<128xf32, #tpu.memory_space<vmem>>) offsets(%dma_start3A_802 : memref<128xi32, #tpu.memory_space<vmem>>) semaphore(%arg7 : memref<!tpu.dma_semaphore, #tpu.memory_space<semaphore_mem>>)
      %mul3A_808 = arith.constant 64 : i32
      %mul3A_809 = arith.muli %scan3A_18, %mul3A_808 : i32
      %add3A_810 = arith.constant 36 : i32
      %add3A_811 = arith.addi %mul3A_809, %add3A_810 : i32
      %shift_right_arithmetic3A_812 = arith.constant 2 : i32
      %shift_right_arithmetic3A_813 = arith.shrsi %add3A_811, %shift_right_arithmetic3A_812 : i32
      %and3A_814 = arith.constant 3 : i32
      %and3A_815 = arith.andi %add3A_811, %and3A_814 : i32
      %shift_right_arithmetic3A_816 = arith.constant 3 : i32
      %shift_right_arithmetic3A_817 = arith.shrsi %shift_right_arithmetic3A_813, %shift_right_arithmetic3A_816 : i32
      %mul3A_818 = arith.constant 128 : i32
      %mul3A_819 = arith.muli %and3A_815, %mul3A_818 : i32
      %dma_start3A_820 = tpu.memref_slice %arg6[%shift_right_arithmetic3A_813, %mul3A_819] : memref<208x512xf32, #tpu.memory_space<vmem>> -> memref<1x128xf32, #tpu.memory_space<vmem>>
      %dma_start3A_821 = tpu.memref_squeeze %dma_start3A_820 : memref<1x128xf32, #tpu.memory_space<vmem>> -> memref<128xf32, #tpu.memory_space<vmem>>
      %dma_start3A_822 = arith.constant 0 : i32
      %dma_start3A_823 = tpu.memref_slice %arg5[%shift_right_arithmetic3A_817, %and3A_815, %dma_start3A_822] : memref<26x4x128xi32, #tpu.memory_space<vmem>> -> memref<1x1x128xi32, #tpu.memory_space<vmem>>
      %dma_start3A_824 = tpu.memref_squeeze %dma_start3A_823 : memref<1x1x128xi32, #tpu.memory_space<vmem>> -> memref<128xi32, #tpu.memory_space<vmem>>
      %dma_start3A_825 = arith.constant 0 : i32
      %dma_start3A_826 = tpu.memref_slice %arg3[%shift_right_arithmetic3A_813, %dma_start3A_825] : memref<208x100000xf32, #tpu.memory_space<hbm>> -> memref<1x100000xf32, #tpu.memory_space<hbm>>
      %dma_start3A_827 = tpu.memref_squeeze %dma_start3A_826 : memref<1x100000xf32, #tpu.memory_space<hbm>> -> memref<100000xf32, #tpu.memory_space<hbm>>
      %dma_start3A_828 = arith.constant 0 : i32
      %dma_start3A_829 = tpu.memref_slice %dma_start3A_827[%dma_start3A_828] : memref<100000xf32, #tpu.memory_space<hbm>> -> memref<100000xf32, #tpu.memory_space<hbm>>
      tpu.enqueue_indirect_dma source(%dma_start3A_829 : memref<100000xf32, #tpu.memory_space<hbm>>) target(%dma_start3A_821 : memref<128xf32, #tpu.memory_space<vmem>>) offsets(%dma_start3A_824 : memref<128xi32, #tpu.memory_space<vmem>>) semaphore(%arg7 : memref<!tpu.dma_semaphore, #tpu.memory_space<semaphore_mem>>)
      %mul3A_830 = arith.constant 64 : i32
      %mul3A_831 = arith.muli %scan3A_18, %mul3A_830 : i32
      %add3A_832 = arith.constant 37 : i32
      %add3A_833 = arith.addi %mul3A_831, %add3A_832 : i32
      %shift_right_arithmetic3A_834 = arith.constant 2 : i32
      %shift_right_arithmetic3A_835 = arith.shrsi %add3A_833, %shift_right_arithmetic3A_834 : i32
      %and3A_836 = arith.constant 3 : i32
      %and3A_837 = arith.andi %add3A_833, %and3A_836 : i32
      %shift_right_arithmetic3A_838 = arith.constant 3 : i32
      %shift_right_arithmetic3A_839 = arith.shrsi %shift_right_arithmetic3A_835, %shift_right_arithmetic3A_838 : i32
      %mul3A_840 = arith.constant 128 : i32
      %mul3A_841 = arith.muli %and3A_837, %mul3A_840 : i32
      %dma_start3A_842 = tpu.memref_slice %arg6[%shift_right_arithmetic3A_835, %mul3A_841] : memref<208x512xf32, #tpu.memory_space<vmem>> -> memref<1x128xf32, #tpu.memory_space<vmem>>
      %dma_start3A_843 = tpu.memref_squeeze %dma_start3A_842 : memref<1x128xf32, #tpu.memory_space<vmem>> -> memref<128xf32, #tpu.memory_space<vmem>>
      %dma_start3A_844 = arith.constant 0 : i32
      %dma_start3A_845 = tpu.memref_slice %arg5[%shift_right_arithmetic3A_839, %and3A_837, %dma_start3A_844] : memref<26x4x128xi32, #tpu.memory_space<vmem>> -> memref<1x1x128xi32, #tpu.memory_space<vmem>>
      %dma_start3A_846 = tpu.memref_squeeze %dma_start3A_845 : memref<1x1x128xi32, #tpu.memory_space<vmem>> -> memref<128xi32, #tpu.memory_space<vmem>>
      %dma_start3A_847 = arith.constant 0 : i32
      %dma_start3A_848 = tpu.memref_slice %arg3[%shift_right_arithmetic3A_835, %dma_start3A_847] : memref<208x100000xf32, #tpu.memory_space<hbm>> -> memref<1x100000xf32, #tpu.memory_space<hbm>>
      %dma_start3A_849 = tpu.memref_squeeze %dma_start3A_848 : memref<1x100000xf32, #tpu.memory_space<hbm>> -> memref<100000xf32, #tpu.memory_space<hbm>>
      %dma_start3A_850 = arith.constant 0 : i32
      %dma_start3A_851 = tpu.memref_slice %dma_start3A_849[%dma_start3A_850] : memref<100000xf32, #tpu.memory_space<hbm>> -> memref<100000xf32, #tpu.memory_space<hbm>>
      tpu.enqueue_indirect_dma source(%dma_start3A_851 : memref<100000xf32, #tpu.memory_space<hbm>>) target(%dma_start3A_843 : memref<128xf32, #tpu.memory_space<vmem>>) offsets(%dma_start3A_846 : memref<128xi32, #tpu.memory_space<vmem>>) semaphore(%arg7 : memref<!tpu.dma_semaphore, #tpu.memory_space<semaphore_mem>>)
      %mul3A_852 = arith.constant 64 : i32
      %mul3A_853 = arith.muli %scan3A_18, %mul3A_852 : i32
      %add3A_854 = arith.constant 38 : i32
      %add3A_855 = arith.addi %mul3A_853, %add3A_854 : i32
      %shift_right_arithmetic3A_856 = arith.constant 2 : i32
      %shift_right_arithmetic3A_857 = arith.shrsi %add3A_855, %shift_right_arithmetic3A_856 : i32
      %and3A_858 = arith.constant 3 : i32
      %and3A_859 = arith.andi %add3A_855, %and3A_858 : i32
      %shift_right_arithmetic3A_860 = arith.constant 3 : i32
      %shift_right_arithmetic3A_861 = arith.shrsi %shift_right_arithmetic3A_857, %shift_right_arithmetic3A_860 : i32
      %mul3A_862 = arith.constant 128 : i32
      %mul3A_863 = arith.muli %and3A_859, %mul3A_862 : i32
      %dma_start3A_864 = tpu.memref_slice %arg6[%shift_right_arithmetic3A_857, %mul3A_863] : memref<208x512xf32, #tpu.memory_space<vmem>> -> memref<1x128xf32, #tpu.memory_space<vmem>>
      %dma_start3A_865 = tpu.memref_squeeze %dma_start3A_864 : memref<1x128xf32, #tpu.memory_space<vmem>> -> memref<128xf32, #tpu.memory_space<vmem>>
      %dma_start3A_866 = arith.constant 0 : i32
      %dma_start3A_867 = tpu.memref_slice %arg5[%shift_right_arithmetic3A_861, %and3A_859, %dma_start3A_866] : memref<26x4x128xi32, #tpu.memory_space<vmem>> -> memref<1x1x128xi32, #tpu.memory_space<vmem>>
      %dma_start3A_868 = tpu.memref_squeeze %dma_start3A_867 : memref<1x1x128xi32, #tpu.memory_space<vmem>> -> memref<128xi32, #tpu.memory_space<vmem>>
      %dma_start3A_869 = arith.constant 0 : i32
      %dma_start3A_870 = tpu.memref_slice %arg3[%shift_right_arithmetic3A_857, %dma_start3A_869] : memref<208x100000xf32, #tpu.memory_space<hbm>> -> memref<1x100000xf32, #tpu.memory_space<hbm>>
      %dma_start3A_871 = tpu.memref_squeeze %dma_start3A_870 : memref<1x100000xf32, #tpu.memory_space<hbm>> -> memref<100000xf32, #tpu.memory_space<hbm>>
      %dma_start3A_872 = arith.constant 0 : i32
      %dma_start3A_873 = tpu.memref_slice %dma_start3A_871[%dma_start3A_872] : memref<100000xf32, #tpu.memory_space<hbm>> -> memref<100000xf32, #tpu.memory_space<hbm>>
      tpu.enqueue_indirect_dma source(%dma_start3A_873 : memref<100000xf32, #tpu.memory_space<hbm>>) target(%dma_start3A_865 : memref<128xf32, #tpu.memory_space<vmem>>) offsets(%dma_start3A_868 : memref<128xi32, #tpu.memory_space<vmem>>) semaphore(%arg7 : memref<!tpu.dma_semaphore, #tpu.memory_space<semaphore_mem>>)
      %mul3A_874 = arith.constant 64 : i32
      %mul3A_875 = arith.muli %scan3A_18, %mul3A_874 : i32
      %add3A_876 = arith.constant 39 : i32
      %add3A_877 = arith.addi %mul3A_875, %add3A_876 : i32
      %shift_right_arithmetic3A_878 = arith.constant 2 : i32
      %shift_right_arithmetic3A_879 = arith.shrsi %add3A_877, %shift_right_arithmetic3A_878 : i32
      %and3A_880 = arith.constant 3 : i32
      %and3A_881 = arith.andi %add3A_877, %and3A_880 : i32
      %shift_right_arithmetic3A_882 = arith.constant 3 : i32
      %shift_right_arithmetic3A_883 = arith.shrsi %shift_right_arithmetic3A_879, %shift_right_arithmetic3A_882 : i32
      %mul3A_884 = arith.constant 128 : i32
      %mul3A_885 = arith.muli %and3A_881, %mul3A_884 : i32
      %dma_start3A_886 = tpu.memref_slice %arg6[%shift_right_arithmetic3A_879, %mul3A_885] : memref<208x512xf32, #tpu.memory_space<vmem>> -> memref<1x128xf32, #tpu.memory_space<vmem>>
      %dma_start3A_887 = tpu.memref_squeeze %dma_start3A_886 : memref<1x128xf32, #tpu.memory_space<vmem>> -> memref<128xf32, #tpu.memory_space<vmem>>
      %dma_start3A_888 = arith.constant 0 : i32
      %dma_start3A_889 = tpu.memref_slice %arg5[%shift_right_arithmetic3A_883, %and3A_881, %dma_start3A_888] : memref<26x4x128xi32, #tpu.memory_space<vmem>> -> memref<1x1x128xi32, #tpu.memory_space<vmem>>
      %dma_start3A_890 = tpu.memref_squeeze %dma_start3A_889 : memref<1x1x128xi32, #tpu.memory_space<vmem>> -> memref<128xi32, #tpu.memory_space<vmem>>
      %dma_start3A_891 = arith.constant 0 : i32
      %dma_start3A_892 = tpu.memref_slice %arg3[%shift_right_arithmetic3A_879, %dma_start3A_891] : memref<208x100000xf32, #tpu.memory_space<hbm>> -> memref<1x100000xf32, #tpu.memory_space<hbm>>
      %dma_start3A_893 = tpu.memref_squeeze %dma_start3A_892 : memref<1x100000xf32, #tpu.memory_space<hbm>> -> memref<100000xf32, #tpu.memory_space<hbm>>
      %dma_start3A_894 = arith.constant 0 : i32
      %dma_start3A_895 = tpu.memref_slice %dma_start3A_893[%dma_start3A_894] : memref<100000xf32, #tpu.memory_space<hbm>> -> memref<100000xf32, #tpu.memory_space<hbm>>
      tpu.enqueue_indirect_dma source(%dma_start3A_895 : memref<100000xf32, #tpu.memory_space<hbm>>) target(%dma_start3A_887 : memref<128xf32, #tpu.memory_space<vmem>>) offsets(%dma_start3A_890 : memref<128xi32, #tpu.memory_space<vmem>>) semaphore(%arg7 : memref<!tpu.dma_semaphore, #tpu.memory_space<semaphore_mem>>)
      %mul3A_896 = arith.constant 64 : i32
      %mul3A_897 = arith.muli %scan3A_18, %mul3A_896 : i32
      %add3A_898 = arith.constant 40 : i32
      %add3A_899 = arith.addi %mul3A_897, %add3A_898 : i32
      %shift_right_arithmetic3A_900 = arith.constant 2 : i32
      %shift_right_arithmetic3A_901 = arith.shrsi %add3A_899, %shift_right_arithmetic3A_900 : i32
      %and3A_902 = arith.constant 3 : i32
      %and3A_903 = arith.andi %add3A_899, %and3A_902 : i32
      %shift_right_arithmetic3A_904 = arith.constant 3 : i32
      %shift_right_arithmetic3A_905 = arith.shrsi %shift_right_arithmetic3A_901, %shift_right_arithmetic3A_904 : i32
      %mul3A_906 = arith.constant 128 : i32
      %mul3A_907 = arith.muli %and3A_903, %mul3A_906 : i32
      %dma_start3A_908 = tpu.memref_slice %arg6[%shift_right_arithmetic3A_901, %mul3A_907] : memref<208x512xf32, #tpu.memory_space<vmem>> -> memref<1x128xf32, #tpu.memory_space<vmem>>
      %dma_start3A_909 = tpu.memref_squeeze %dma_start3A_908 : memref<1x128xf32, #tpu.memory_space<vmem>> -> memref<128xf32, #tpu.memory_space<vmem>>
      %dma_start3A_910 = arith.constant 0 : i32
      %dma_start3A_911 = tpu.memref_slice %arg5[%shift_right_arithmetic3A_905, %and3A_903, %dma_start3A_910] : memref<26x4x128xi32, #tpu.memory_space<vmem>> -> memref<1x1x128xi32, #tpu.memory_space<vmem>>
      %dma_start3A_912 = tpu.memref_squeeze %dma_start3A_911 : memref<1x1x128xi32, #tpu.memory_space<vmem>> -> memref<128xi32, #tpu.memory_space<vmem>>
      %dma_start3A_913 = arith.constant 0 : i32
      %dma_start3A_914 = tpu.memref_slice %arg3[%shift_right_arithmetic3A_901, %dma_start3A_913] : memref<208x100000xf32, #tpu.memory_space<hbm>> -> memref<1x100000xf32, #tpu.memory_space<hbm>>
      %dma_start3A_915 = tpu.memref_squeeze %dma_start3A_914 : memref<1x100000xf32, #tpu.memory_space<hbm>> -> memref<100000xf32, #tpu.memory_space<hbm>>
      %dma_start3A_916 = arith.constant 0 : i32
      %dma_start3A_917 = tpu.memref_slice %dma_start3A_915[%dma_start3A_916] : memref<100000xf32, #tpu.memory_space<hbm>> -> memref<100000xf32, #tpu.memory_space<hbm>>
      tpu.enqueue_indirect_dma source(%dma_start3A_917 : memref<100000xf32, #tpu.memory_space<hbm>>) target(%dma_start3A_909 : memref<128xf32, #tpu.memory_space<vmem>>) offsets(%dma_start3A_912 : memref<128xi32, #tpu.memory_space<vmem>>) semaphore(%arg7 : memref<!tpu.dma_semaphore, #tpu.memory_space<semaphore_mem>>)
      %mul3A_918 = arith.constant 64 : i32
      %mul3A_919 = arith.muli %scan3A_18, %mul3A_918 : i32
      %add3A_920 = arith.constant 41 : i32
      %add3A_921 = arith.addi %mul3A_919, %add3A_920 : i32
      %shift_right_arithmetic3A_922 = arith.constant 2 : i32
      %shift_right_arithmetic3A_923 = arith.shrsi %add3A_921, %shift_right_arithmetic3A_922 : i32
      %and3A_924 = arith.constant 3 : i32
      %and3A_925 = arith.andi %add3A_921, %and3A_924 : i32
      %shift_right_arithmetic3A_926 = arith.constant 3 : i32
      %shift_right_arithmetic3A_927 = arith.shrsi %shift_right_arithmetic3A_923, %shift_right_arithmetic3A_926 : i32
      %mul3A_928 = arith.constant 128 : i32
      %mul3A_929 = arith.muli %and3A_925, %mul3A_928 : i32
      %dma_start3A_930 = tpu.memref_slice %arg6[%shift_right_arithmetic3A_923, %mul3A_929] : memref<208x512xf32, #tpu.memory_space<vmem>> -> memref<1x128xf32, #tpu.memory_space<vmem>>
      %dma_start3A_931 = tpu.memref_squeeze %dma_start3A_930 : memref<1x128xf32, #tpu.memory_space<vmem>> -> memref<128xf32, #tpu.memory_space<vmem>>
      %dma_start3A_932 = arith.constant 0 : i32
      %dma_start3A_933 = tpu.memref_slice %arg5[%shift_right_arithmetic3A_927, %and3A_925, %dma_start3A_932] : memref<26x4x128xi32, #tpu.memory_space<vmem>> -> memref<1x1x128xi32, #tpu.memory_space<vmem>>
      %dma_start3A_934 = tpu.memref_squeeze %dma_start3A_933 : memref<1x1x128xi32, #tpu.memory_space<vmem>> -> memref<128xi32, #tpu.memory_space<vmem>>
      %dma_start3A_935 = arith.constant 0 : i32
      %dma_start3A_936 = tpu.memref_slice %arg3[%shift_right_arithmetic3A_923, %dma_start3A_935] : memref<208x100000xf32, #tpu.memory_space<hbm>> -> memref<1x100000xf32, #tpu.memory_space<hbm>>
      %dma_start3A_937 = tpu.memref_squeeze %dma_start3A_936 : memref<1x100000xf32, #tpu.memory_space<hbm>> -> memref<100000xf32, #tpu.memory_space<hbm>>
      %dma_start3A_938 = arith.constant 0 : i32
      %dma_start3A_939 = tpu.memref_slice %dma_start3A_937[%dma_start3A_938] : memref<100000xf32, #tpu.memory_space<hbm>> -> memref<100000xf32, #tpu.memory_space<hbm>>
      tpu.enqueue_indirect_dma source(%dma_start3A_939 : memref<100000xf32, #tpu.memory_space<hbm>>) target(%dma_start3A_931 : memref<128xf32, #tpu.memory_space<vmem>>) offsets(%dma_start3A_934 : memref<128xi32, #tpu.memory_space<vmem>>) semaphore(%arg7 : memref<!tpu.dma_semaphore, #tpu.memory_space<semaphore_mem>>)
      %mul3A_940 = arith.constant 64 : i32
      %mul3A_941 = arith.muli %scan3A_18, %mul3A_940 : i32
      %add3A_942 = arith.constant 42 : i32
      %add3A_943 = arith.addi %mul3A_941, %add3A_942 : i32
      %shift_right_arithmetic3A_944 = arith.constant 2 : i32
      %shift_right_arithmetic3A_945 = arith.shrsi %add3A_943, %shift_right_arithmetic3A_944 : i32
      %and3A_946 = arith.constant 3 : i32
      %and3A_947 = arith.andi %add3A_943, %and3A_946 : i32
      %shift_right_arithmetic3A_948 = arith.constant 3 : i32
      %shift_right_arithmetic3A_949 = arith.shrsi %shift_right_arithmetic3A_945, %shift_right_arithmetic3A_948 : i32
      %mul3A_950 = arith.constant 128 : i32
      %mul3A_951 = arith.muli %and3A_947, %mul3A_950 : i32
      %dma_start3A_952 = tpu.memref_slice %arg6[%shift_right_arithmetic3A_945, %mul3A_951] : memref<208x512xf32, #tpu.memory_space<vmem>> -> memref<1x128xf32, #tpu.memory_space<vmem>>
      %dma_start3A_953 = tpu.memref_squeeze %dma_start3A_952 : memref<1x128xf32, #tpu.memory_space<vmem>> -> memref<128xf32, #tpu.memory_space<vmem>>
      %dma_start3A_954 = arith.constant 0 : i32
      %dma_start3A_955 = tpu.memref_slice %arg5[%shift_right_arithmetic3A_949, %and3A_947, %dma_start3A_954] : memref<26x4x128xi32, #tpu.memory_space<vmem>> -> memref<1x1x128xi32, #tpu.memory_space<vmem>>
      %dma_start3A_956 = tpu.memref_squeeze %dma_start3A_955 : memref<1x1x128xi32, #tpu.memory_space<vmem>> -> memref<128xi32, #tpu.memory_space<vmem>>
      %dma_start3A_957 = arith.constant 0 : i32
      %dma_start3A_958 = tpu.memref_slice %arg3[%shift_right_arithmetic3A_945, %dma_start3A_957] : memref<208x100000xf32, #tpu.memory_space<hbm>> -> memref<1x100000xf32, #tpu.memory_space<hbm>>
      %dma_start3A_959 = tpu.memref_squeeze %dma_start3A_958 : memref<1x100000xf32, #tpu.memory_space<hbm>> -> memref<100000xf32, #tpu.memory_space<hbm>>
      %dma_start3A_960 = arith.constant 0 : i32
      %dma_start3A_961 = tpu.memref_slice %dma_start3A_959[%dma_start3A_960] : memref<100000xf32, #tpu.memory_space<hbm>> -> memref<100000xf32, #tpu.memory_space<hbm>>
      tpu.enqueue_indirect_dma source(%dma_start3A_961 : memref<100000xf32, #tpu.memory_space<hbm>>) target(%dma_start3A_953 : memref<128xf32, #tpu.memory_space<vmem>>) offsets(%dma_start3A_956 : memref<128xi32, #tpu.memory_space<vmem>>) semaphore(%arg7 : memref<!tpu.dma_semaphore, #tpu.memory_space<semaphore_mem>>)
      %mul3A_962 = arith.constant 64 : i32
      %mul3A_963 = arith.muli %scan3A_18, %mul3A_962 : i32
      %add3A_964 = arith.constant 43 : i32
      %add3A_965 = arith.addi %mul3A_963, %add3A_964 : i32
      %shift_right_arithmetic3A_966 = arith.constant 2 : i32
      %shift_right_arithmetic3A_967 = arith.shrsi %add3A_965, %shift_right_arithmetic3A_966 : i32
      %and3A_968 = arith.constant 3 : i32
      %and3A_969 = arith.andi %add3A_965, %and3A_968 : i32
      %shift_right_arithmetic3A_970 = arith.constant 3 : i32
      %shift_right_arithmetic3A_971 = arith.shrsi %shift_right_arithmetic3A_967, %shift_right_arithmetic3A_970 : i32
      %mul3A_972 = arith.constant 128 : i32
      %mul3A_973 = arith.muli %and3A_969, %mul3A_972 : i32
      %dma_start3A_974 = tpu.memref_slice %arg6[%shift_right_arithmetic3A_967, %mul3A_973] : memref<208x512xf32, #tpu.memory_space<vmem>> -> memref<1x128xf32, #tpu.memory_space<vmem>>
      %dma_start3A_975 = tpu.memref_squeeze %dma_start3A_974 : memref<1x128xf32, #tpu.memory_space<vmem>> -> memref<128xf32, #tpu.memory_space<vmem>>
      %dma_start3A_976 = arith.constant 0 : i32
      %dma_start3A_977 = tpu.memref_slice %arg5[%shift_right_arithmetic3A_971, %and3A_969, %dma_start3A_976] : memref<26x4x128xi32, #tpu.memory_space<vmem>> -> memref<1x1x128xi32, #tpu.memory_space<vmem>>
      %dma_start3A_978 = tpu.memref_squeeze %dma_start3A_977 : memref<1x1x128xi32, #tpu.memory_space<vmem>> -> memref<128xi32, #tpu.memory_space<vmem>>
      %dma_start3A_979 = arith.constant 0 : i32
      %dma_start3A_980 = tpu.memref_slice %arg3[%shift_right_arithmetic3A_967, %dma_start3A_979] : memref<208x100000xf32, #tpu.memory_space<hbm>> -> memref<1x100000xf32, #tpu.memory_space<hbm>>
      %dma_start3A_981 = tpu.memref_squeeze %dma_start3A_980 : memref<1x100000xf32, #tpu.memory_space<hbm>> -> memref<100000xf32, #tpu.memory_space<hbm>>
      %dma_start3A_982 = arith.constant 0 : i32
      %dma_start3A_983 = tpu.memref_slice %dma_start3A_981[%dma_start3A_982] : memref<100000xf32, #tpu.memory_space<hbm>> -> memref<100000xf32, #tpu.memory_space<hbm>>
      tpu.enqueue_indirect_dma source(%dma_start3A_983 : memref<100000xf32, #tpu.memory_space<hbm>>) target(%dma_start3A_975 : memref<128xf32, #tpu.memory_space<vmem>>) offsets(%dma_start3A_978 : memref<128xi32, #tpu.memory_space<vmem>>) semaphore(%arg7 : memref<!tpu.dma_semaphore, #tpu.memory_space<semaphore_mem>>)
      %mul3A_984 = arith.constant 64 : i32
      %mul3A_985 = arith.muli %scan3A_18, %mul3A_984 : i32
      %add3A_986 = arith.constant 44 : i32
      %add3A_987 = arith.addi %mul3A_985, %add3A_986 : i32
      %shift_right_arithmetic3A_988 = arith.constant 2 : i32
      %shift_right_arithmetic3A_989 = arith.shrsi %add3A_987, %shift_right_arithmetic3A_988 : i32
      %and3A_990 = arith.constant 3 : i32
      %and3A_991 = arith.andi %add3A_987, %and3A_990 : i32
      %shift_right_arithmetic3A_992 = arith.constant 3 : i32
      %shift_right_arithmetic3A_993 = arith.shrsi %shift_right_arithmetic3A_989, %shift_right_arithmetic3A_992 : i32
      %mul3A_994 = arith.constant 128 : i32
      %mul3A_995 = arith.muli %and3A_991, %mul3A_994 : i32
      %dma_start3A_996 = tpu.memref_slice %arg6[%shift_right_arithmetic3A_989, %mul3A_995] : memref<208x512xf32, #tpu.memory_space<vmem>> -> memref<1x128xf32, #tpu.memory_space<vmem>>
      %dma_start3A_997 = tpu.memref_squeeze %dma_start3A_996 : memref<1x128xf32, #tpu.memory_space<vmem>> -> memref<128xf32, #tpu.memory_space<vmem>>
      %dma_start3A_998 = arith.constant 0 : i32
      %dma_start3A_999 = tpu.memref_slice %arg5[%shift_right_arithmetic3A_993, %and3A_991, %dma_start3A_998] : memref<26x4x128xi32, #tpu.memory_space<vmem>> -> memref<1x1x128xi32, #tpu.memory_space<vmem>>
      %dma_start3A_1000 = tpu.memref_squeeze %dma_start3A_999 : memref<1x1x128xi32, #tpu.memory_space<vmem>> -> memref<128xi32, #tpu.memory_space<vmem>>
      %dma_start3A_1001 = arith.constant 0 : i32
      %dma_start3A_1002 = tpu.memref_slice %arg3[%shift_right_arithmetic3A_989, %dma_start3A_1001] : memref<208x100000xf32, #tpu.memory_space<hbm>> -> memref<1x100000xf32, #tpu.memory_space<hbm>>
      %dma_start3A_1003 = tpu.memref_squeeze %dma_start3A_1002 : memref<1x100000xf32, #tpu.memory_space<hbm>> -> memref<100000xf32, #tpu.memory_space<hbm>>
      %dma_start3A_1004 = arith.constant 0 : i32
      %dma_start3A_1005 = tpu.memref_slice %dma_start3A_1003[%dma_start3A_1004] : memref<100000xf32, #tpu.memory_space<hbm>> -> memref<100000xf32, #tpu.memory_space<hbm>>
      tpu.enqueue_indirect_dma source(%dma_start3A_1005 : memref<100000xf32, #tpu.memory_space<hbm>>) target(%dma_start3A_997 : memref<128xf32, #tpu.memory_space<vmem>>) offsets(%dma_start3A_1000 : memref<128xi32, #tpu.memory_space<vmem>>) semaphore(%arg7 : memref<!tpu.dma_semaphore, #tpu.memory_space<semaphore_mem>>)
      %mul3A_1006 = arith.constant 64 : i32
      %mul3A_1007 = arith.muli %scan3A_18, %mul3A_1006 : i32
      %add3A_1008 = arith.constant 45 : i32
      %add3A_1009 = arith.addi %mul3A_1007, %add3A_1008 : i32
      %shift_right_arithmetic3A_1010 = arith.constant 2 : i32
      %shift_right_arithmetic3A_1011 = arith.shrsi %add3A_1009, %shift_right_arithmetic3A_1010 : i32
      %and3A_1012 = arith.constant 3 : i32
      %and3A_1013 = arith.andi %add3A_1009, %and3A_1012 : i32
      %shift_right_arithmetic3A_1014 = arith.constant 3 : i32
      %shift_right_arithmetic3A_1015 = arith.shrsi %shift_right_arithmetic3A_1011, %shift_right_arithmetic3A_1014 : i32
      %mul3A_1016 = arith.constant 128 : i32
      %mul3A_1017 = arith.muli %and3A_1013, %mul3A_1016 : i32
      %dma_start3A_1018 = tpu.memref_slice %arg6[%shift_right_arithmetic3A_1011, %mul3A_1017] : memref<208x512xf32, #tpu.memory_space<vmem>> -> memref<1x128xf32, #tpu.memory_space<vmem>>
      %dma_start3A_1019 = tpu.memref_squeeze %dma_start3A_1018 : memref<1x128xf32, #tpu.memory_space<vmem>> -> memref<128xf32, #tpu.memory_space<vmem>>
      %dma_start3A_1020 = arith.constant 0 : i32
      %dma_start3A_1021 = tpu.memref_slice %arg5[%shift_right_arithmetic3A_1015, %and3A_1013, %dma_start3A_1020] : memref<26x4x128xi32, #tpu.memory_space<vmem>> -> memref<1x1x128xi32, #tpu.memory_space<vmem>>
      %dma_start3A_1022 = tpu.memref_squeeze %dma_start3A_1021 : memref<1x1x128xi32, #tpu.memory_space<vmem>> -> memref<128xi32, #tpu.memory_space<vmem>>
      %dma_start3A_1023 = arith.constant 0 : i32
      %dma_start3A_1024 = tpu.memref_slice %arg3[%shift_right_arithmetic3A_1011, %dma_start3A_1023] : memref<208x100000xf32, #tpu.memory_space<hbm>> -> memref<1x100000xf32, #tpu.memory_space<hbm>>
      %dma_start3A_1025 = tpu.memref_squeeze %dma_start3A_1024 : memref<1x100000xf32, #tpu.memory_space<hbm>> -> memref<100000xf32, #tpu.memory_space<hbm>>
      %dma_start3A_1026 = arith.constant 0 : i32
      %dma_start3A_1027 = tpu.memref_slice %dma_start3A_1025[%dma_start3A_1026] : memref<100000xf32, #tpu.memory_space<hbm>> -> memref<100000xf32, #tpu.memory_space<hbm>>
      tpu.enqueue_indirect_dma source(%dma_start3A_1027 : memref<100000xf32, #tpu.memory_space<hbm>>) target(%dma_start3A_1019 : memref<128xf32, #tpu.memory_space<vmem>>) offsets(%dma_start3A_1022 : memref<128xi32, #tpu.memory_space<vmem>>) semaphore(%arg7 : memref<!tpu.dma_semaphore, #tpu.memory_space<semaphore_mem>>)
      %mul3A_1028 = arith.constant 64 : i32
      %mul3A_1029 = arith.muli %scan3A_18, %mul3A_1028 : i32
      %add3A_1030 = arith.constant 46 : i32
      %add3A_1031 = arith.addi %mul3A_1029, %add3A_1030 : i32
      %shift_right_arithmetic3A_1032 = arith.constant 2 : i32
      %shift_right_arithmetic3A_1033 = arith.shrsi %add3A_1031, %shift_right_arithmetic3A_1032 : i32
      %and3A_1034 = arith.constant 3 : i32
      %and3A_1035 = arith.andi %add3A_1031, %and3A_1034 : i32
      %shift_right_arithmetic3A_1036 = arith.constant 3 : i32
      %shift_right_arithmetic3A_1037 = arith.shrsi %shift_right_arithmetic3A_1033, %shift_right_arithmetic3A_1036 : i32
      %mul3A_1038 = arith.constant 128 : i32
      %mul3A_1039 = arith.muli %and3A_1035, %mul3A_1038 : i32
      %dma_start3A_1040 = tpu.memref_slice %arg6[%shift_right_arithmetic3A_1033, %mul3A_1039] : memref<208x512xf32, #tpu.memory_space<vmem>> -> memref<1x128xf32, #tpu.memory_space<vmem>>
      %dma_start3A_1041 = tpu.memref_squeeze %dma_start3A_1040 : memref<1x128xf32, #tpu.memory_space<vmem>> -> memref<128xf32, #tpu.memory_space<vmem>>
      %dma_start3A_1042 = arith.constant 0 : i32
      %dma_start3A_1043 = tpu.memref_slice %arg5[%shift_right_arithmetic3A_1037, %and3A_1035, %dma_start3A_1042] : memref<26x4x128xi32, #tpu.memory_space<vmem>> -> memref<1x1x128xi32, #tpu.memory_space<vmem>>
      %dma_start3A_1044 = tpu.memref_squeeze %dma_start3A_1043 : memref<1x1x128xi32, #tpu.memory_space<vmem>> -> memref<128xi32, #tpu.memory_space<vmem>>
      %dma_start3A_1045 = arith.constant 0 : i32
      %dma_start3A_1046 = tpu.memref_slice %arg3[%shift_right_arithmetic3A_1033, %dma_start3A_1045] : memref<208x100000xf32, #tpu.memory_space<hbm>> -> memref<1x100000xf32, #tpu.memory_space<hbm>>
      %dma_start3A_1047 = tpu.memref_squeeze %dma_start3A_1046 : memref<1x100000xf32, #tpu.memory_space<hbm>> -> memref<100000xf32, #tpu.memory_space<hbm>>
      %dma_start3A_1048 = arith.constant 0 : i32
      %dma_start3A_1049 = tpu.memref_slice %dma_start3A_1047[%dma_start3A_1048] : memref<100000xf32, #tpu.memory_space<hbm>> -> memref<100000xf32, #tpu.memory_space<hbm>>
      tpu.enqueue_indirect_dma source(%dma_start3A_1049 : memref<100000xf32, #tpu.memory_space<hbm>>) target(%dma_start3A_1041 : memref<128xf32, #tpu.memory_space<vmem>>) offsets(%dma_start3A_1044 : memref<128xi32, #tpu.memory_space<vmem>>) semaphore(%arg7 : memref<!tpu.dma_semaphore, #tpu.memory_space<semaphore_mem>>)
      %mul3A_1050 = arith.constant 64 : i32
      %mul3A_1051 = arith.muli %scan3A_18, %mul3A_1050 : i32
      %add3A_1052 = arith.constant 47 : i32
      %add3A_1053 = arith.addi %mul3A_1051, %add3A_1052 : i32
      %shift_right_arithmetic3A_1054 = arith.constant 2 : i32
      %shift_right_arithmetic3A_1055 = arith.shrsi %add3A_1053, %shift_right_arithmetic3A_1054 : i32
      %and3A_1056 = arith.constant 3 : i32
      %and3A_1057 = arith.andi %add3A_1053, %and3A_1056 : i32
      %shift_right_arithmetic3A_1058 = arith.constant 3 : i32
      %shift_right_arithmetic3A_1059 = arith.shrsi %shift_right_arithmetic3A_1055, %shift_right_arithmetic3A_1058 : i32
      %mul3A_1060 = arith.constant 128 : i32
      %mul3A_1061 = arith.muli %and3A_1057, %mul3A_1060 : i32
      %dma_start3A_1062 = tpu.memref_slice %arg6[%shift_right_arithmetic3A_1055, %mul3A_1061] : memref<208x512xf32, #tpu.memory_space<vmem>> -> memref<1x128xf32, #tpu.memory_space<vmem>>
      %dma_start3A_1063 = tpu.memref_squeeze %dma_start3A_1062 : memref<1x128xf32, #tpu.memory_space<vmem>> -> memref<128xf32, #tpu.memory_space<vmem>>
      %dma_start3A_1064 = arith.constant 0 : i32
      %dma_start3A_1065 = tpu.memref_slice %arg5[%shift_right_arithmetic3A_1059, %and3A_1057, %dma_start3A_1064] : memref<26x4x128xi32, #tpu.memory_space<vmem>> -> memref<1x1x128xi32, #tpu.memory_space<vmem>>
      %dma_start3A_1066 = tpu.memref_squeeze %dma_start3A_1065 : memref<1x1x128xi32, #tpu.memory_space<vmem>> -> memref<128xi32, #tpu.memory_space<vmem>>
      %dma_start3A_1067 = arith.constant 0 : i32
      %dma_start3A_1068 = tpu.memref_slice %arg3[%shift_right_arithmetic3A_1055, %dma_start3A_1067] : memref<208x100000xf32, #tpu.memory_space<hbm>> -> memref<1x100000xf32, #tpu.memory_space<hbm>>
      %dma_start3A_1069 = tpu.memref_squeeze %dma_start3A_1068 : memref<1x100000xf32, #tpu.memory_space<hbm>> -> memref<100000xf32, #tpu.memory_space<hbm>>
      %dma_start3A_1070 = arith.constant 0 : i32
      %dma_start3A_1071 = tpu.memref_slice %dma_start3A_1069[%dma_start3A_1070] : memref<100000xf32, #tpu.memory_space<hbm>> -> memref<100000xf32, #tpu.memory_space<hbm>>
      tpu.enqueue_indirect_dma source(%dma_start3A_1071 : memref<100000xf32, #tpu.memory_space<hbm>>) target(%dma_start3A_1063 : memref<128xf32, #tpu.memory_space<vmem>>) offsets(%dma_start3A_1066 : memref<128xi32, #tpu.memory_space<vmem>>) semaphore(%arg7 : memref<!tpu.dma_semaphore, #tpu.memory_space<semaphore_mem>>)
      %mul3A_1072 = arith.constant 64 : i32
      %mul3A_1073 = arith.muli %scan3A_18, %mul3A_1072 : i32
      %add3A_1074 = arith.constant 48 : i32
      %add3A_1075 = arith.addi %mul3A_1073, %add3A_1074 : i32
      %shift_right_arithmetic3A_1076 = arith.constant 2 : i32
      %shift_right_arithmetic3A_1077 = arith.shrsi %add3A_1075, %shift_right_arithmetic3A_1076 : i32
      %and3A_1078 = arith.constant 3 : i32
      %and3A_1079 = arith.andi %add3A_1075, %and3A_1078 : i32
      %shift_right_arithmetic3A_1080 = arith.constant 3 : i32
      %shift_right_arithmetic3A_1081 = arith.shrsi %shift_right_arithmetic3A_1077, %shift_right_arithmetic3A_1080 : i32
      %mul3A_1082 = arith.constant 128 : i32
      %mul3A_1083 = arith.muli %and3A_1079, %mul3A_1082 : i32
      %dma_start3A_1084 = tpu.memref_slice %arg6[%shift_right_arithmetic3A_1077, %mul3A_1083] : memref<208x512xf32, #tpu.memory_space<vmem>> -> memref<1x128xf32, #tpu.memory_space<vmem>>
      %dma_start3A_1085 = tpu.memref_squeeze %dma_start3A_1084 : memref<1x128xf32, #tpu.memory_space<vmem>> -> memref<128xf32, #tpu.memory_space<vmem>>
      %dma_start3A_1086 = arith.constant 0 : i32
      %dma_start3A_1087 = tpu.memref_slice %arg5[%shift_right_arithmetic3A_1081, %and3A_1079, %dma_start3A_1086] : memref<26x4x128xi32, #tpu.memory_space<vmem>> -> memref<1x1x128xi32, #tpu.memory_space<vmem>>
      %dma_start3A_1088 = tpu.memref_squeeze %dma_start3A_1087 : memref<1x1x128xi32, #tpu.memory_space<vmem>> -> memref<128xi32, #tpu.memory_space<vmem>>
      %dma_start3A_1089 = arith.constant 0 : i32
      %dma_start3A_1090 = tpu.memref_slice %arg3[%shift_right_arithmetic3A_1077, %dma_start3A_1089] : memref<208x100000xf32, #tpu.memory_space<hbm>> -> memref<1x100000xf32, #tpu.memory_space<hbm>>
      %dma_start3A_1091 = tpu.memref_squeeze %dma_start3A_1090 : memref<1x100000xf32, #tpu.memory_space<hbm>> -> memref<100000xf32, #tpu.memory_space<hbm>>
      %dma_start3A_1092 = arith.constant 0 : i32
      %dma_start3A_1093 = tpu.memref_slice %dma_start3A_1091[%dma_start3A_1092] : memref<100000xf32, #tpu.memory_space<hbm>> -> memref<100000xf32, #tpu.memory_space<hbm>>
      tpu.enqueue_indirect_dma source(%dma_start3A_1093 : memref<100000xf32, #tpu.memory_space<hbm>>) target(%dma_start3A_1085 : memref<128xf32, #tpu.memory_space<vmem>>) offsets(%dma_start3A_1088 : memref<128xi32, #tpu.memory_space<vmem>>) semaphore(%arg7 : memref<!tpu.dma_semaphore, #tpu.memory_space<semaphore_mem>>)
      %mul3A_1094 = arith.constant 64 : i32
      %mul3A_1095 = arith.muli %scan3A_18, %mul3A_1094 : i32
      %add3A_1096 = arith.constant 49 : i32
      %add3A_1097 = arith.addi %mul3A_1095, %add3A_1096 : i32
      %shift_right_arithmetic3A_1098 = arith.constant 2 : i32
      %shift_right_arithmetic3A_1099 = arith.shrsi %add3A_1097, %shift_right_arithmetic3A_1098 : i32
      %and3A_1100 = arith.constant 3 : i32
      %and3A_1101 = arith.andi %add3A_1097, %and3A_1100 : i32
      %shift_right_arithmetic3A_1102 = arith.constant 3 : i32
      %shift_right_arithmetic3A_1103 = arith.shrsi %shift_right_arithmetic3A_1099, %shift_right_arithmetic3A_1102 : i32
      %mul3A_1104 = arith.constant 128 : i32
      %mul3A_1105 = arith.muli %and3A_1101, %mul3A_1104 : i32
      %dma_start3A_1106 = tpu.memref_slice %arg6[%shift_right_arithmetic3A_1099, %mul3A_1105] : memref<208x512xf32, #tpu.memory_space<vmem>> -> memref<1x128xf32, #tpu.memory_space<vmem>>
      %dma_start3A_1107 = tpu.memref_squeeze %dma_start3A_1106 : memref<1x128xf32, #tpu.memory_space<vmem>> -> memref<128xf32, #tpu.memory_space<vmem>>
      %dma_start3A_1108 = arith.constant 0 : i32
      %dma_start3A_1109 = tpu.memref_slice %arg5[%shift_right_arithmetic3A_1103, %and3A_1101, %dma_start3A_1108] : memref<26x4x128xi32, #tpu.memory_space<vmem>> -> memref<1x1x128xi32, #tpu.memory_space<vmem>>
      %dma_start3A_1110 = tpu.memref_squeeze %dma_start3A_1109 : memref<1x1x128xi32, #tpu.memory_space<vmem>> -> memref<128xi32, #tpu.memory_space<vmem>>
      %dma_start3A_1111 = arith.constant 0 : i32
      %dma_start3A_1112 = tpu.memref_slice %arg3[%shift_right_arithmetic3A_1099, %dma_start3A_1111] : memref<208x100000xf32, #tpu.memory_space<hbm>> -> memref<1x100000xf32, #tpu.memory_space<hbm>>
      %dma_start3A_1113 = tpu.memref_squeeze %dma_start3A_1112 : memref<1x100000xf32, #tpu.memory_space<hbm>> -> memref<100000xf32, #tpu.memory_space<hbm>>
      %dma_start3A_1114 = arith.constant 0 : i32
      %dma_start3A_1115 = tpu.memref_slice %dma_start3A_1113[%dma_start3A_1114] : memref<100000xf32, #tpu.memory_space<hbm>> -> memref<100000xf32, #tpu.memory_space<hbm>>
      tpu.enqueue_indirect_dma source(%dma_start3A_1115 : memref<100000xf32, #tpu.memory_space<hbm>>) target(%dma_start3A_1107 : memref<128xf32, #tpu.memory_space<vmem>>) offsets(%dma_start3A_1110 : memref<128xi32, #tpu.memory_space<vmem>>) semaphore(%arg7 : memref<!tpu.dma_semaphore, #tpu.memory_space<semaphore_mem>>)
      %mul3A_1116 = arith.constant 64 : i32
      %mul3A_1117 = arith.muli %scan3A_18, %mul3A_1116 : i32
      %add3A_1118 = arith.constant 50 : i32
      %add3A_1119 = arith.addi %mul3A_1117, %add3A_1118 : i32
      %shift_right_arithmetic3A_1120 = arith.constant 2 : i32
      %shift_right_arithmetic3A_1121 = arith.shrsi %add3A_1119, %shift_right_arithmetic3A_1120 : i32
      %and3A_1122 = arith.constant 3 : i32
      %and3A_1123 = arith.andi %add3A_1119, %and3A_1122 : i32
      %shift_right_arithmetic3A_1124 = arith.constant 3 : i32
      %shift_right_arithmetic3A_1125 = arith.shrsi %shift_right_arithmetic3A_1121, %shift_right_arithmetic3A_1124 : i32
      %mul3A_1126 = arith.constant 128 : i32
      %mul3A_1127 = arith.muli %and3A_1123, %mul3A_1126 : i32
      %dma_start3A_1128 = tpu.memref_slice %arg6[%shift_right_arithmetic3A_1121, %mul3A_1127] : memref<208x512xf32, #tpu.memory_space<vmem>> -> memref<1x128xf32, #tpu.memory_space<vmem>>
      %dma_start3A_1129 = tpu.memref_squeeze %dma_start3A_1128 : memref<1x128xf32, #tpu.memory_space<vmem>> -> memref<128xf32, #tpu.memory_space<vmem>>
      %dma_start3A_1130 = arith.constant 0 : i32
      %dma_start3A_1131 = tpu.memref_slice %arg5[%shift_right_arithmetic3A_1125, %and3A_1123, %dma_start3A_1130] : memref<26x4x128xi32, #tpu.memory_space<vmem>> -> memref<1x1x128xi32, #tpu.memory_space<vmem>>
      %dma_start3A_1132 = tpu.memref_squeeze %dma_start3A_1131 : memref<1x1x128xi32, #tpu.memory_space<vmem>> -> memref<128xi32, #tpu.memory_space<vmem>>
      %dma_start3A_1133 = arith.constant 0 : i32
      %dma_start3A_1134 = tpu.memref_slice %arg3[%shift_right_arithmetic3A_1121, %dma_start3A_1133] : memref<208x100000xf32, #tpu.memory_space<hbm>> -> memref<1x100000xf32, #tpu.memory_space<hbm>>
      %dma_start3A_1135 = tpu.memref_squeeze %dma_start3A_1134 : memref<1x100000xf32, #tpu.memory_space<hbm>> -> memref<100000xf32, #tpu.memory_space<hbm>>
      %dma_start3A_1136 = arith.constant 0 : i32
      %dma_start3A_1137 = tpu.memref_slice %dma_start3A_1135[%dma_start3A_1136] : memref<100000xf32, #tpu.memory_space<hbm>> -> memref<100000xf32, #tpu.memory_space<hbm>>
      tpu.enqueue_indirect_dma source(%dma_start3A_1137 : memref<100000xf32, #tpu.memory_space<hbm>>) target(%dma_start3A_1129 : memref<128xf32, #tpu.memory_space<vmem>>) offsets(%dma_start3A_1132 : memref<128xi32, #tpu.memory_space<vmem>>) semaphore(%arg7 : memref<!tpu.dma_semaphore, #tpu.memory_space<semaphore_mem>>)
      %mul3A_1138 = arith.constant 64 : i32
      %mul3A_1139 = arith.muli %scan3A_18, %mul3A_1138 : i32
      %add3A_1140 = arith.constant 51 : i32
      %add3A_1141 = arith.addi %mul3A_1139, %add3A_1140 : i32
      %shift_right_arithmetic3A_1142 = arith.constant 2 : i32
      %shift_right_arithmetic3A_1143 = arith.shrsi %add3A_1141, %shift_right_arithmetic3A_1142 : i32
      %and3A_1144 = arith.constant 3 : i32
      %and3A_1145 = arith.andi %add3A_1141, %and3A_1144 : i32
      %shift_right_arithmetic3A_1146 = arith.constant 3 : i32
      %shift_right_arithmetic3A_1147 = arith.shrsi %shift_right_arithmetic3A_1143, %shift_right_arithmetic3A_1146 : i32
      %mul3A_1148 = arith.constant 128 : i32
      %mul3A_1149 = arith.muli %and3A_1145, %mul3A_1148 : i32
      %dma_start3A_1150 = tpu.memref_slice %arg6[%shift_right_arithmetic3A_1143, %mul3A_1149] : memref<208x512xf32, #tpu.memory_space<vmem>> -> memref<1x128xf32, #tpu.memory_space<vmem>>
      %dma_start3A_1151 = tpu.memref_squeeze %dma_start3A_1150 : memref<1x128xf32, #tpu.memory_space<vmem>> -> memref<128xf32, #tpu.memory_space<vmem>>
      %dma_start3A_1152 = arith.constant 0 : i32
      %dma_start3A_1153 = tpu.memref_slice %arg5[%shift_right_arithmetic3A_1147, %and3A_1145, %dma_start3A_1152] : memref<26x4x128xi32, #tpu.memory_space<vmem>> -> memref<1x1x128xi32, #tpu.memory_space<vmem>>
      %dma_start3A_1154 = tpu.memref_squeeze %dma_start3A_1153 : memref<1x1x128xi32, #tpu.memory_space<vmem>> -> memref<128xi32, #tpu.memory_space<vmem>>
      %dma_start3A_1155 = arith.constant 0 : i32
      %dma_start3A_1156 = tpu.memref_slice %arg3[%shift_right_arithmetic3A_1143, %dma_start3A_1155] : memref<208x100000xf32, #tpu.memory_space<hbm>> -> memref<1x100000xf32, #tpu.memory_space<hbm>>
      %dma_start3A_1157 = tpu.memref_squeeze %dma_start3A_1156 : memref<1x100000xf32, #tpu.memory_space<hbm>> -> memref<100000xf32, #tpu.memory_space<hbm>>
      %dma_start3A_1158 = arith.constant 0 : i32
      %dma_start3A_1159 = tpu.memref_slice %dma_start3A_1157[%dma_start3A_1158] : memref<100000xf32, #tpu.memory_space<hbm>> -> memref<100000xf32, #tpu.memory_space<hbm>>
      tpu.enqueue_indirect_dma source(%dma_start3A_1159 : memref<100000xf32, #tpu.memory_space<hbm>>) target(%dma_start3A_1151 : memref<128xf32, #tpu.memory_space<vmem>>) offsets(%dma_start3A_1154 : memref<128xi32, #tpu.memory_space<vmem>>) semaphore(%arg7 : memref<!tpu.dma_semaphore, #tpu.memory_space<semaphore_mem>>)
      %mul3A_1160 = arith.constant 64 : i32
      %mul3A_1161 = arith.muli %scan3A_18, %mul3A_1160 : i32
      %add3A_1162 = arith.constant 52 : i32
      %add3A_1163 = arith.addi %mul3A_1161, %add3A_1162 : i32
      %shift_right_arithmetic3A_1164 = arith.constant 2 : i32
      %shift_right_arithmetic3A_1165 = arith.shrsi %add3A_1163, %shift_right_arithmetic3A_1164 : i32
      %and3A_1166 = arith.constant 3 : i32
      %and3A_1167 = arith.andi %add3A_1163, %and3A_1166 : i32
      %shift_right_arithmetic3A_1168 = arith.constant 3 : i32
      %shift_right_arithmetic3A_1169 = arith.shrsi %shift_right_arithmetic3A_1165, %shift_right_arithmetic3A_1168 : i32
      %mul3A_1170 = arith.constant 128 : i32
      %mul3A_1171 = arith.muli %and3A_1167, %mul3A_1170 : i32
      %dma_start3A_1172 = tpu.memref_slice %arg6[%shift_right_arithmetic3A_1165, %mul3A_1171] : memref<208x512xf32, #tpu.memory_space<vmem>> -> memref<1x128xf32, #tpu.memory_space<vmem>>
      %dma_start3A_1173 = tpu.memref_squeeze %dma_start3A_1172 : memref<1x128xf32, #tpu.memory_space<vmem>> -> memref<128xf32, #tpu.memory_space<vmem>>
      %dma_start3A_1174 = arith.constant 0 : i32
      %dma_start3A_1175 = tpu.memref_slice %arg5[%shift_right_arithmetic3A_1169, %and3A_1167, %dma_start3A_1174] : memref<26x4x128xi32, #tpu.memory_space<vmem>> -> memref<1x1x128xi32, #tpu.memory_space<vmem>>
      %dma_start3A_1176 = tpu.memref_squeeze %dma_start3A_1175 : memref<1x1x128xi32, #tpu.memory_space<vmem>> -> memref<128xi32, #tpu.memory_space<vmem>>
      %dma_start3A_1177 = arith.constant 0 : i32
      %dma_start3A_1178 = tpu.memref_slice %arg3[%shift_right_arithmetic3A_1165, %dma_start3A_1177] : memref<208x100000xf32, #tpu.memory_space<hbm>> -> memref<1x100000xf32, #tpu.memory_space<hbm>>
      %dma_start3A_1179 = tpu.memref_squeeze %dma_start3A_1178 : memref<1x100000xf32, #tpu.memory_space<hbm>> -> memref<100000xf32, #tpu.memory_space<hbm>>
      %dma_start3A_1180 = arith.constant 0 : i32
      %dma_start3A_1181 = tpu.memref_slice %dma_start3A_1179[%dma_start3A_1180] : memref<100000xf32, #tpu.memory_space<hbm>> -> memref<100000xf32, #tpu.memory_space<hbm>>
      tpu.enqueue_indirect_dma source(%dma_start3A_1181 : memref<100000xf32, #tpu.memory_space<hbm>>) target(%dma_start3A_1173 : memref<128xf32, #tpu.memory_space<vmem>>) offsets(%dma_start3A_1176 : memref<128xi32, #tpu.memory_space<vmem>>) semaphore(%arg7 : memref<!tpu.dma_semaphore, #tpu.memory_space<semaphore_mem>>)
      %mul3A_1182 = arith.constant 64 : i32
      %mul3A_1183 = arith.muli %scan3A_18, %mul3A_1182 : i32
      %add3A_1184 = arith.constant 53 : i32
      %add3A_1185 = arith.addi %mul3A_1183, %add3A_1184 : i32
      %shift_right_arithmetic3A_1186 = arith.constant 2 : i32
      %shift_right_arithmetic3A_1187 = arith.shrsi %add3A_1185, %shift_right_arithmetic3A_1186 : i32
      %and3A_1188 = arith.constant 3 : i32
      %and3A_1189 = arith.andi %add3A_1185, %and3A_1188 : i32
      %shift_right_arithmetic3A_1190 = arith.constant 3 : i32
      %shift_right_arithmetic3A_1191 = arith.shrsi %shift_right_arithmetic3A_1187, %shift_right_arithmetic3A_1190 : i32
      %mul3A_1192 = arith.constant 128 : i32
      %mul3A_1193 = arith.muli %and3A_1189, %mul3A_1192 : i32
      %dma_start3A_1194 = tpu.memref_slice %arg6[%shift_right_arithmetic3A_1187, %mul3A_1193] : memref<208x512xf32, #tpu.memory_space<vmem>> -> memref<1x128xf32, #tpu.memory_space<vmem>>
      %dma_start3A_1195 = tpu.memref_squeeze %dma_start3A_1194 : memref<1x128xf32, #tpu.memory_space<vmem>> -> memref<128xf32, #tpu.memory_space<vmem>>
      %dma_start3A_1196 = arith.constant 0 : i32
      %dma_start3A_1197 = tpu.memref_slice %arg5[%shift_right_arithmetic3A_1191, %and3A_1189, %dma_start3A_1196] : memref<26x4x128xi32, #tpu.memory_space<vmem>> -> memref<1x1x128xi32, #tpu.memory_space<vmem>>
      %dma_start3A_1198 = tpu.memref_squeeze %dma_start3A_1197 : memref<1x1x128xi32, #tpu.memory_space<vmem>> -> memref<128xi32, #tpu.memory_space<vmem>>
      %dma_start3A_1199 = arith.constant 0 : i32
      %dma_start3A_1200 = tpu.memref_slice %arg3[%shift_right_arithmetic3A_1187, %dma_start3A_1199] : memref<208x100000xf32, #tpu.memory_space<hbm>> -> memref<1x100000xf32, #tpu.memory_space<hbm>>
      %dma_start3A_1201 = tpu.memref_squeeze %dma_start3A_1200 : memref<1x100000xf32, #tpu.memory_space<hbm>> -> memref<100000xf32, #tpu.memory_space<hbm>>
      %dma_start3A_1202 = arith.constant 0 : i32
      %dma_start3A_1203 = tpu.memref_slice %dma_start3A_1201[%dma_start3A_1202] : memref<100000xf32, #tpu.memory_space<hbm>> -> memref<100000xf32, #tpu.memory_space<hbm>>
      tpu.enqueue_indirect_dma source(%dma_start3A_1203 : memref<100000xf32, #tpu.memory_space<hbm>>) target(%dma_start3A_1195 : memref<128xf32, #tpu.memory_space<vmem>>) offsets(%dma_start3A_1198 : memref<128xi32, #tpu.memory_space<vmem>>) semaphore(%arg7 : memref<!tpu.dma_semaphore, #tpu.memory_space<semaphore_mem>>)
      %mul3A_1204 = arith.constant 64 : i32
      %mul3A_1205 = arith.muli %scan3A_18, %mul3A_1204 : i32
      %add3A_1206 = arith.constant 54 : i32
      %add3A_1207 = arith.addi %mul3A_1205, %add3A_1206 : i32
      %shift_right_arithmetic3A_1208 = arith.constant 2 : i32
      %shift_right_arithmetic3A_1209 = arith.shrsi %add3A_1207, %shift_right_arithmetic3A_1208 : i32
      %and3A_1210 = arith.constant 3 : i32
      %and3A_1211 = arith.andi %add3A_1207, %and3A_1210 : i32
      %shift_right_arithmetic3A_1212 = arith.constant 3 : i32
      %shift_right_arithmetic3A_1213 = arith.shrsi %shift_right_arithmetic3A_1209, %shift_right_arithmetic3A_1212 : i32
      %mul3A_1214 = arith.constant 128 : i32
      %mul3A_1215 = arith.muli %and3A_1211, %mul3A_1214 : i32
      %dma_start3A_1216 = tpu.memref_slice %arg6[%shift_right_arithmetic3A_1209, %mul3A_1215] : memref<208x512xf32, #tpu.memory_space<vmem>> -> memref<1x128xf32, #tpu.memory_space<vmem>>
      %dma_start3A_1217 = tpu.memref_squeeze %dma_start3A_1216 : memref<1x128xf32, #tpu.memory_space<vmem>> -> memref<128xf32, #tpu.memory_space<vmem>>
      %dma_start3A_1218 = arith.constant 0 : i32
      %dma_start3A_1219 = tpu.memref_slice %arg5[%shift_right_arithmetic3A_1213, %and3A_1211, %dma_start3A_1218] : memref<26x4x128xi32, #tpu.memory_space<vmem>> -> memref<1x1x128xi32, #tpu.memory_space<vmem>>
      %dma_start3A_1220 = tpu.memref_squeeze %dma_start3A_1219 : memref<1x1x128xi32, #tpu.memory_space<vmem>> -> memref<128xi32, #tpu.memory_space<vmem>>
      %dma_start3A_1221 = arith.constant 0 : i32
      %dma_start3A_1222 = tpu.memref_slice %arg3[%shift_right_arithmetic3A_1209, %dma_start3A_1221] : memref<208x100000xf32, #tpu.memory_space<hbm>> -> memref<1x100000xf32, #tpu.memory_space<hbm>>
      %dma_start3A_1223 = tpu.memref_squeeze %dma_start3A_1222 : memref<1x100000xf32, #tpu.memory_space<hbm>> -> memref<100000xf32, #tpu.memory_space<hbm>>
      %dma_start3A_1224 = arith.constant 0 : i32
      %dma_start3A_1225 = tpu.memref_slice %dma_start3A_1223[%dma_start3A_1224] : memref<100000xf32, #tpu.memory_space<hbm>> -> memref<100000xf32, #tpu.memory_space<hbm>>
      tpu.enqueue_indirect_dma source(%dma_start3A_1225 : memref<100000xf32, #tpu.memory_space<hbm>>) target(%dma_start3A_1217 : memref<128xf32, #tpu.memory_space<vmem>>) offsets(%dma_start3A_1220 : memref<128xi32, #tpu.memory_space<vmem>>) semaphore(%arg7 : memref<!tpu.dma_semaphore, #tpu.memory_space<semaphore_mem>>)
      %mul3A_1226 = arith.constant 64 : i32
      %mul3A_1227 = arith.muli %scan3A_18, %mul3A_1226 : i32
      %add3A_1228 = arith.constant 55 : i32
      %add3A_1229 = arith.addi %mul3A_1227, %add3A_1228 : i32
      %shift_right_arithmetic3A_1230 = arith.constant 2 : i32
      %shift_right_arithmetic3A_1231 = arith.shrsi %add3A_1229, %shift_right_arithmetic3A_1230 : i32
      %and3A_1232 = arith.constant 3 : i32
      %and3A_1233 = arith.andi %add3A_1229, %and3A_1232 : i32
      %shift_right_arithmetic3A_1234 = arith.constant 3 : i32
      %shift_right_arithmetic3A_1235 = arith.shrsi %shift_right_arithmetic3A_1231, %shift_right_arithmetic3A_1234 : i32
      %mul3A_1236 = arith.constant 128 : i32
      %mul3A_1237 = arith.muli %and3A_1233, %mul3A_1236 : i32
      %dma_start3A_1238 = tpu.memref_slice %arg6[%shift_right_arithmetic3A_1231, %mul3A_1237] : memref<208x512xf32, #tpu.memory_space<vmem>> -> memref<1x128xf32, #tpu.memory_space<vmem>>
      %dma_start3A_1239 = tpu.memref_squeeze %dma_start3A_1238 : memref<1x128xf32, #tpu.memory_space<vmem>> -> memref<128xf32, #tpu.memory_space<vmem>>
      %dma_start3A_1240 = arith.constant 0 : i32
      %dma_start3A_1241 = tpu.memref_slice %arg5[%shift_right_arithmetic3A_1235, %and3A_1233, %dma_start3A_1240] : memref<26x4x128xi32, #tpu.memory_space<vmem>> -> memref<1x1x128xi32, #tpu.memory_space<vmem>>
      %dma_start3A_1242 = tpu.memref_squeeze %dma_start3A_1241 : memref<1x1x128xi32, #tpu.memory_space<vmem>> -> memref<128xi32, #tpu.memory_space<vmem>>
      %dma_start3A_1243 = arith.constant 0 : i32
      %dma_start3A_1244 = tpu.memref_slice %arg3[%shift_right_arithmetic3A_1231, %dma_start3A_1243] : memref<208x100000xf32, #tpu.memory_space<hbm>> -> memref<1x100000xf32, #tpu.memory_space<hbm>>
      %dma_start3A_1245 = tpu.memref_squeeze %dma_start3A_1244 : memref<1x100000xf32, #tpu.memory_space<hbm>> -> memref<100000xf32, #tpu.memory_space<hbm>>
      %dma_start3A_1246 = arith.constant 0 : i32
      %dma_start3A_1247 = tpu.memref_slice %dma_start3A_1245[%dma_start3A_1246] : memref<100000xf32, #tpu.memory_space<hbm>> -> memref<100000xf32, #tpu.memory_space<hbm>>
      tpu.enqueue_indirect_dma source(%dma_start3A_1247 : memref<100000xf32, #tpu.memory_space<hbm>>) target(%dma_start3A_1239 : memref<128xf32, #tpu.memory_space<vmem>>) offsets(%dma_start3A_1242 : memref<128xi32, #tpu.memory_space<vmem>>) semaphore(%arg7 : memref<!tpu.dma_semaphore, #tpu.memory_space<semaphore_mem>>)
      %mul3A_1248 = arith.constant 64 : i32
      %mul3A_1249 = arith.muli %scan3A_18, %mul3A_1248 : i32
      %add3A_1250 = arith.constant 56 : i32
      %add3A_1251 = arith.addi %mul3A_1249, %add3A_1250 : i32
      %shift_right_arithmetic3A_1252 = arith.constant 2 : i32
      %shift_right_arithmetic3A_1253 = arith.shrsi %add3A_1251, %shift_right_arithmetic3A_1252 : i32
      %and3A_1254 = arith.constant 3 : i32
      %and3A_1255 = arith.andi %add3A_1251, %and3A_1254 : i32
      %shift_right_arithmetic3A_1256 = arith.constant 3 : i32
      %shift_right_arithmetic3A_1257 = arith.shrsi %shift_right_arithmetic3A_1253, %shift_right_arithmetic3A_1256 : i32
      %mul3A_1258 = arith.constant 128 : i32
      %mul3A_1259 = arith.muli %and3A_1255, %mul3A_1258 : i32
      %dma_start3A_1260 = tpu.memref_slice %arg6[%shift_right_arithmetic3A_1253, %mul3A_1259] : memref<208x512xf32, #tpu.memory_space<vmem>> -> memref<1x128xf32, #tpu.memory_space<vmem>>
      %dma_start3A_1261 = tpu.memref_squeeze %dma_start3A_1260 : memref<1x128xf32, #tpu.memory_space<vmem>> -> memref<128xf32, #tpu.memory_space<vmem>>
      %dma_start3A_1262 = arith.constant 0 : i32
      %dma_start3A_1263 = tpu.memref_slice %arg5[%shift_right_arithmetic3A_1257, %and3A_1255, %dma_start3A_1262] : memref<26x4x128xi32, #tpu.memory_space<vmem>> -> memref<1x1x128xi32, #tpu.memory_space<vmem>>
      %dma_start3A_1264 = tpu.memref_squeeze %dma_start3A_1263 : memref<1x1x128xi32, #tpu.memory_space<vmem>> -> memref<128xi32, #tpu.memory_space<vmem>>
      %dma_start3A_1265 = arith.constant 0 : i32
      %dma_start3A_1266 = tpu.memref_slice %arg3[%shift_right_arithmetic3A_1253, %dma_start3A_1265] : memref<208x100000xf32, #tpu.memory_space<hbm>> -> memref<1x100000xf32, #tpu.memory_space<hbm>>
      %dma_start3A_1267 = tpu.memref_squeeze %dma_start3A_1266 : memref<1x100000xf32, #tpu.memory_space<hbm>> -> memref<100000xf32, #tpu.memory_space<hbm>>
      %dma_start3A_1268 = arith.constant 0 : i32
      %dma_start3A_1269 = tpu.memref_slice %dma_start3A_1267[%dma_start3A_1268] : memref<100000xf32, #tpu.memory_space<hbm>> -> memref<100000xf32, #tpu.memory_space<hbm>>
      tpu.enqueue_indirect_dma source(%dma_start3A_1269 : memref<100000xf32, #tpu.memory_space<hbm>>) target(%dma_start3A_1261 : memref<128xf32, #tpu.memory_space<vmem>>) offsets(%dma_start3A_1264 : memref<128xi32, #tpu.memory_space<vmem>>) semaphore(%arg7 : memref<!tpu.dma_semaphore, #tpu.memory_space<semaphore_mem>>)
      %mul3A_1270 = arith.constant 64 : i32
      %mul3A_1271 = arith.muli %scan3A_18, %mul3A_1270 : i32
      %add3A_1272 = arith.constant 57 : i32
      %add3A_1273 = arith.addi %mul3A_1271, %add3A_1272 : i32
      %shift_right_arithmetic3A_1274 = arith.constant 2 : i32
      %shift_right_arithmetic3A_1275 = arith.shrsi %add3A_1273, %shift_right_arithmetic3A_1274 : i32
      %and3A_1276 = arith.constant 3 : i32
      %and3A_1277 = arith.andi %add3A_1273, %and3A_1276 : i32
      %shift_right_arithmetic3A_1278 = arith.constant 3 : i32
      %shift_right_arithmetic3A_1279 = arith.shrsi %shift_right_arithmetic3A_1275, %shift_right_arithmetic3A_1278 : i32
      %mul3A_1280 = arith.constant 128 : i32
      %mul3A_1281 = arith.muli %and3A_1277, %mul3A_1280 : i32
      %dma_start3A_1282 = tpu.memref_slice %arg6[%shift_right_arithmetic3A_1275, %mul3A_1281] : memref<208x512xf32, #tpu.memory_space<vmem>> -> memref<1x128xf32, #tpu.memory_space<vmem>>
      %dma_start3A_1283 = tpu.memref_squeeze %dma_start3A_1282 : memref<1x128xf32, #tpu.memory_space<vmem>> -> memref<128xf32, #tpu.memory_space<vmem>>
      %dma_start3A_1284 = arith.constant 0 : i32
      %dma_start3A_1285 = tpu.memref_slice %arg5[%shift_right_arithmetic3A_1279, %and3A_1277, %dma_start3A_1284] : memref<26x4x128xi32, #tpu.memory_space<vmem>> -> memref<1x1x128xi32, #tpu.memory_space<vmem>>
      %dma_start3A_1286 = tpu.memref_squeeze %dma_start3A_1285 : memref<1x1x128xi32, #tpu.memory_space<vmem>> -> memref<128xi32, #tpu.memory_space<vmem>>
      %dma_start3A_1287 = arith.constant 0 : i32
      %dma_start3A_1288 = tpu.memref_slice %arg3[%shift_right_arithmetic3A_1275, %dma_start3A_1287] : memref<208x100000xf32, #tpu.memory_space<hbm>> -> memref<1x100000xf32, #tpu.memory_space<hbm>>
      %dma_start3A_1289 = tpu.memref_squeeze %dma_start3A_1288 : memref<1x100000xf32, #tpu.memory_space<hbm>> -> memref<100000xf32, #tpu.memory_space<hbm>>
      %dma_start3A_1290 = arith.constant 0 : i32
      %dma_start3A_1291 = tpu.memref_slice %dma_start3A_1289[%dma_start3A_1290] : memref<100000xf32, #tpu.memory_space<hbm>> -> memref<100000xf32, #tpu.memory_space<hbm>>
      tpu.enqueue_indirect_dma source(%dma_start3A_1291 : memref<100000xf32, #tpu.memory_space<hbm>>) target(%dma_start3A_1283 : memref<128xf32, #tpu.memory_space<vmem>>) offsets(%dma_start3A_1286 : memref<128xi32, #tpu.memory_space<vmem>>) semaphore(%arg7 : memref<!tpu.dma_semaphore, #tpu.memory_space<semaphore_mem>>)
      %mul3A_1292 = arith.constant 64 : i32
      %mul3A_1293 = arith.muli %scan3A_18, %mul3A_1292 : i32
      %add3A_1294 = arith.constant 58 : i32
      %add3A_1295 = arith.addi %mul3A_1293, %add3A_1294 : i32
      %shift_right_arithmetic3A_1296 = arith.constant 2 : i32
      %shift_right_arithmetic3A_1297 = arith.shrsi %add3A_1295, %shift_right_arithmetic3A_1296 : i32
      %and3A_1298 = arith.constant 3 : i32
      %and3A_1299 = arith.andi %add3A_1295, %and3A_1298 : i32
      %shift_right_arithmetic3A_1300 = arith.constant 3 : i32
      %shift_right_arithmetic3A_1301 = arith.shrsi %shift_right_arithmetic3A_1297, %shift_right_arithmetic3A_1300 : i32
      %mul3A_1302 = arith.constant 128 : i32
      %mul3A_1303 = arith.muli %and3A_1299, %mul3A_1302 : i32
      %dma_start3A_1304 = tpu.memref_slice %arg6[%shift_right_arithmetic3A_1297, %mul3A_1303] : memref<208x512xf32, #tpu.memory_space<vmem>> -> memref<1x128xf32, #tpu.memory_space<vmem>>
      %dma_start3A_1305 = tpu.memref_squeeze %dma_start3A_1304 : memref<1x128xf32, #tpu.memory_space<vmem>> -> memref<128xf32, #tpu.memory_space<vmem>>
      %dma_start3A_1306 = arith.constant 0 : i32
      %dma_start3A_1307 = tpu.memref_slice %arg5[%shift_right_arithmetic3A_1301, %and3A_1299, %dma_start3A_1306] : memref<26x4x128xi32, #tpu.memory_space<vmem>> -> memref<1x1x128xi32, #tpu.memory_space<vmem>>
      %dma_start3A_1308 = tpu.memref_squeeze %dma_start3A_1307 : memref<1x1x128xi32, #tpu.memory_space<vmem>> -> memref<128xi32, #tpu.memory_space<vmem>>
      %dma_start3A_1309 = arith.constant 0 : i32
      %dma_start3A_1310 = tpu.memref_slice %arg3[%shift_right_arithmetic3A_1297, %dma_start3A_1309] : memref<208x100000xf32, #tpu.memory_space<hbm>> -> memref<1x100000xf32, #tpu.memory_space<hbm>>
      %dma_start3A_1311 = tpu.memref_squeeze %dma_start3A_1310 : memref<1x100000xf32, #tpu.memory_space<hbm>> -> memref<100000xf32, #tpu.memory_space<hbm>>
      %dma_start3A_1312 = arith.constant 0 : i32
      %dma_start3A_1313 = tpu.memref_slice %dma_start3A_1311[%dma_start3A_1312] : memref<100000xf32, #tpu.memory_space<hbm>> -> memref<100000xf32, #tpu.memory_space<hbm>>
      tpu.enqueue_indirect_dma source(%dma_start3A_1313 : memref<100000xf32, #tpu.memory_space<hbm>>) target(%dma_start3A_1305 : memref<128xf32, #tpu.memory_space<vmem>>) offsets(%dma_start3A_1308 : memref<128xi32, #tpu.memory_space<vmem>>) semaphore(%arg7 : memref<!tpu.dma_semaphore, #tpu.memory_space<semaphore_mem>>)
      %mul3A_1314 = arith.constant 64 : i32
      %mul3A_1315 = arith.muli %scan3A_18, %mul3A_1314 : i32
      %add3A_1316 = arith.constant 59 : i32
      %add3A_1317 = arith.addi %mul3A_1315, %add3A_1316 : i32
      %shift_right_arithmetic3A_1318 = arith.constant 2 : i32
      %shift_right_arithmetic3A_1319 = arith.shrsi %add3A_1317, %shift_right_arithmetic3A_1318 : i32
      %and3A_1320 = arith.constant 3 : i32
      %and3A_1321 = arith.andi %add3A_1317, %and3A_1320 : i32
      %shift_right_arithmetic3A_1322 = arith.constant 3 : i32
      %shift_right_arithmetic3A_1323 = arith.shrsi %shift_right_arithmetic3A_1319, %shift_right_arithmetic3A_1322 : i32
      %mul3A_1324 = arith.constant 128 : i32
      %mul3A_1325 = arith.muli %and3A_1321, %mul3A_1324 : i32
      %dma_start3A_1326 = tpu.memref_slice %arg6[%shift_right_arithmetic3A_1319, %mul3A_1325] : memref<208x512xf32, #tpu.memory_space<vmem>> -> memref<1x128xf32, #tpu.memory_space<vmem>>
      %dma_start3A_1327 = tpu.memref_squeeze %dma_start3A_1326 : memref<1x128xf32, #tpu.memory_space<vmem>> -> memref<128xf32, #tpu.memory_space<vmem>>
      %dma_start3A_1328 = arith.constant 0 : i32
      %dma_start3A_1329 = tpu.memref_slice %arg5[%shift_right_arithmetic3A_1323, %and3A_1321, %dma_start3A_1328] : memref<26x4x128xi32, #tpu.memory_space<vmem>> -> memref<1x1x128xi32, #tpu.memory_space<vmem>>
      %dma_start3A_1330 = tpu.memref_squeeze %dma_start3A_1329 : memref<1x1x128xi32, #tpu.memory_space<vmem>> -> memref<128xi32, #tpu.memory_space<vmem>>
      %dma_start3A_1331 = arith.constant 0 : i32
      %dma_start3A_1332 = tpu.memref_slice %arg3[%shift_right_arithmetic3A_1319, %dma_start3A_1331] : memref<208x100000xf32, #tpu.memory_space<hbm>> -> memref<1x100000xf32, #tpu.memory_space<hbm>>
      %dma_start3A_1333 = tpu.memref_squeeze %dma_start3A_1332 : memref<1x100000xf32, #tpu.memory_space<hbm>> -> memref<100000xf32, #tpu.memory_space<hbm>>
      %dma_start3A_1334 = arith.constant 0 : i32
      %dma_start3A_1335 = tpu.memref_slice %dma_start3A_1333[%dma_start3A_1334] : memref<100000xf32, #tpu.memory_space<hbm>> -> memref<100000xf32, #tpu.memory_space<hbm>>
      tpu.enqueue_indirect_dma source(%dma_start3A_1335 : memref<100000xf32, #tpu.memory_space<hbm>>) target(%dma_start3A_1327 : memref<128xf32, #tpu.memory_space<vmem>>) offsets(%dma_start3A_1330 : memref<128xi32, #tpu.memory_space<vmem>>) semaphore(%arg7 : memref<!tpu.dma_semaphore, #tpu.memory_space<semaphore_mem>>)
      %mul3A_1336 = arith.constant 64 : i32
      %mul3A_1337 = arith.muli %scan3A_18, %mul3A_1336 : i32
      %add3A_1338 = arith.constant 60 : i32
      %add3A_1339 = arith.addi %mul3A_1337, %add3A_1338 : i32
      %shift_right_arithmetic3A_1340 = arith.constant 2 : i32
      %shift_right_arithmetic3A_1341 = arith.shrsi %add3A_1339, %shift_right_arithmetic3A_1340 : i32
      %and3A_1342 = arith.constant 3 : i32
      %and3A_1343 = arith.andi %add3A_1339, %and3A_1342 : i32
      %shift_right_arithmetic3A_1344 = arith.constant 3 : i32
      %shift_right_arithmetic3A_1345 = arith.shrsi %shift_right_arithmetic3A_1341, %shift_right_arithmetic3A_1344 : i32
      %mul3A_1346 = arith.constant 128 : i32
      %mul3A_1347 = arith.muli %and3A_1343, %mul3A_1346 : i32
      %dma_start3A_1348 = tpu.memref_slice %arg6[%shift_right_arithmetic3A_1341, %mul3A_1347] : memref<208x512xf32, #tpu.memory_space<vmem>> -> memref<1x128xf32, #tpu.memory_space<vmem>>
      %dma_start3A_1349 = tpu.memref_squeeze %dma_start3A_1348 : memref<1x128xf32, #tpu.memory_space<vmem>> -> memref<128xf32, #tpu.memory_space<vmem>>
      %dma_start3A_1350 = arith.constant 0 : i32
      %dma_start3A_1351 = tpu.memref_slice %arg5[%shift_right_arithmetic3A_1345, %and3A_1343, %dma_start3A_1350] : memref<26x4x128xi32, #tpu.memory_space<vmem>> -> memref<1x1x128xi32, #tpu.memory_space<vmem>>
      %dma_start3A_1352 = tpu.memref_squeeze %dma_start3A_1351 : memref<1x1x128xi32, #tpu.memory_space<vmem>> -> memref<128xi32, #tpu.memory_space<vmem>>
      %dma_start3A_1353 = arith.constant 0 : i32
      %dma_start3A_1354 = tpu.memref_slice %arg3[%shift_right_arithmetic3A_1341, %dma_start3A_1353] : memref<208x100000xf32, #tpu.memory_space<hbm>> -> memref<1x100000xf32, #tpu.memory_space<hbm>>
      %dma_start3A_1355 = tpu.memref_squeeze %dma_start3A_1354 : memref<1x100000xf32, #tpu.memory_space<hbm>> -> memref<100000xf32, #tpu.memory_space<hbm>>
      %dma_start3A_1356 = arith.constant 0 : i32
      %dma_start3A_1357 = tpu.memref_slice %dma_start3A_1355[%dma_start3A_1356] : memref<100000xf32, #tpu.memory_space<hbm>> -> memref<100000xf32, #tpu.memory_space<hbm>>
      tpu.enqueue_indirect_dma source(%dma_start3A_1357 : memref<100000xf32, #tpu.memory_space<hbm>>) target(%dma_start3A_1349 : memref<128xf32, #tpu.memory_space<vmem>>) offsets(%dma_start3A_1352 : memref<128xi32, #tpu.memory_space<vmem>>) semaphore(%arg7 : memref<!tpu.dma_semaphore, #tpu.memory_space<semaphore_mem>>)
      %mul3A_1358 = arith.constant 64 : i32
      %mul3A_1359 = arith.muli %scan3A_18, %mul3A_1358 : i32
      %add3A_1360 = arith.constant 61 : i32
      %add3A_1361 = arith.addi %mul3A_1359, %add3A_1360 : i32
      %shift_right_arithmetic3A_1362 = arith.constant 2 : i32
      %shift_right_arithmetic3A_1363 = arith.shrsi %add3A_1361, %shift_right_arithmetic3A_1362 : i32
      %and3A_1364 = arith.constant 3 : i32
      %and3A_1365 = arith.andi %add3A_1361, %and3A_1364 : i32
      %shift_right_arithmetic3A_1366 = arith.constant 3 : i32
      %shift_right_arithmetic3A_1367 = arith.shrsi %shift_right_arithmetic3A_1363, %shift_right_arithmetic3A_1366 : i32
      %mul3A_1368 = arith.constant 128 : i32
      %mul3A_1369 = arith.muli %and3A_1365, %mul3A_1368 : i32
      %dma_start3A_1370 = tpu.memref_slice %arg6[%shift_right_arithmetic3A_1363, %mul3A_1369] : memref<208x512xf32, #tpu.memory_space<vmem>> -> memref<1x128xf32, #tpu.memory_space<vmem>>
      %dma_start3A_1371 = tpu.memref_squeeze %dma_start3A_1370 : memref<1x128xf32, #tpu.memory_space<vmem>> -> memref<128xf32, #tpu.memory_space<vmem>>
      %dma_start3A_1372 = arith.constant 0 : i32
      %dma_start3A_1373 = tpu.memref_slice %arg5[%shift_right_arithmetic3A_1367, %and3A_1365, %dma_start3A_1372] : memref<26x4x128xi32, #tpu.memory_space<vmem>> -> memref<1x1x128xi32, #tpu.memory_space<vmem>>
      %dma_start3A_1374 = tpu.memref_squeeze %dma_start3A_1373 : memref<1x1x128xi32, #tpu.memory_space<vmem>> -> memref<128xi32, #tpu.memory_space<vmem>>
      %dma_start3A_1375 = arith.constant 0 : i32
      %dma_start3A_1376 = tpu.memref_slice %arg3[%shift_right_arithmetic3A_1363, %dma_start3A_1375] : memref<208x100000xf32, #tpu.memory_space<hbm>> -> memref<1x100000xf32, #tpu.memory_space<hbm>>
      %dma_start3A_1377 = tpu.memref_squeeze %dma_start3A_1376 : memref<1x100000xf32, #tpu.memory_space<hbm>> -> memref<100000xf32, #tpu.memory_space<hbm>>
      %dma_start3A_1378 = arith.constant 0 : i32
      %dma_start3A_1379 = tpu.memref_slice %dma_start3A_1377[%dma_start3A_1378] : memref<100000xf32, #tpu.memory_space<hbm>> -> memref<100000xf32, #tpu.memory_space<hbm>>
      tpu.enqueue_indirect_dma source(%dma_start3A_1379 : memref<100000xf32, #tpu.memory_space<hbm>>) target(%dma_start3A_1371 : memref<128xf32, #tpu.memory_space<vmem>>) offsets(%dma_start3A_1374 : memref<128xi32, #tpu.memory_space<vmem>>) semaphore(%arg7 : memref<!tpu.dma_semaphore, #tpu.memory_space<semaphore_mem>>)
      %mul3A_1380 = arith.constant 64 : i32
      %mul3A_1381 = arith.muli %scan3A_18, %mul3A_1380 : i32
      %add3A_1382 = arith.constant 62 : i32
      %add3A_1383 = arith.addi %mul3A_1381, %add3A_1382 : i32
      %shift_right_arithmetic3A_1384 = arith.constant 2 : i32
      %shift_right_arithmetic3A_1385 = arith.shrsi %add3A_1383, %shift_right_arithmetic3A_1384 : i32
      %and3A_1386 = arith.constant 3 : i32
      %and3A_1387 = arith.andi %add3A_1383, %and3A_1386 : i32
      %shift_right_arithmetic3A_1388 = arith.constant 3 : i32
      %shift_right_arithmetic3A_1389 = arith.shrsi %shift_right_arithmetic3A_1385, %shift_right_arithmetic3A_1388 : i32
      %mul3A_1390 = arith.constant 128 : i32
      %mul3A_1391 = arith.muli %and3A_1387, %mul3A_1390 : i32
      %dma_start3A_1392 = tpu.memref_slice %arg6[%shift_right_arithmetic3A_1385, %mul3A_1391] : memref<208x512xf32, #tpu.memory_space<vmem>> -> memref<1x128xf32, #tpu.memory_space<vmem>>
      %dma_start3A_1393 = tpu.memref_squeeze %dma_start3A_1392 : memref<1x128xf32, #tpu.memory_space<vmem>> -> memref<128xf32, #tpu.memory_space<vmem>>
      %dma_start3A_1394 = arith.constant 0 : i32
      %dma_start3A_1395 = tpu.memref_slice %arg5[%shift_right_arithmetic3A_1389, %and3A_1387, %dma_start3A_1394] : memref<26x4x128xi32, #tpu.memory_space<vmem>> -> memref<1x1x128xi32, #tpu.memory_space<vmem>>
      %dma_start3A_1396 = tpu.memref_squeeze %dma_start3A_1395 : memref<1x1x128xi32, #tpu.memory_space<vmem>> -> memref<128xi32, #tpu.memory_space<vmem>>
      %dma_start3A_1397 = arith.constant 0 : i32
      %dma_start3A_1398 = tpu.memref_slice %arg3[%shift_right_arithmetic3A_1385, %dma_start3A_1397] : memref<208x100000xf32, #tpu.memory_space<hbm>> -> memref<1x100000xf32, #tpu.memory_space<hbm>>
      %dma_start3A_1399 = tpu.memref_squeeze %dma_start3A_1398 : memref<1x100000xf32, #tpu.memory_space<hbm>> -> memref<100000xf32, #tpu.memory_space<hbm>>
      %dma_start3A_1400 = arith.constant 0 : i32
      %dma_start3A_1401 = tpu.memref_slice %dma_start3A_1399[%dma_start3A_1400] : memref<100000xf32, #tpu.memory_space<hbm>> -> memref<100000xf32, #tpu.memory_space<hbm>>
      tpu.enqueue_indirect_dma source(%dma_start3A_1401 : memref<100000xf32, #tpu.memory_space<hbm>>) target(%dma_start3A_1393 : memref<128xf32, #tpu.memory_space<vmem>>) offsets(%dma_start3A_1396 : memref<128xi32, #tpu.memory_space<vmem>>) semaphore(%arg7 : memref<!tpu.dma_semaphore, #tpu.memory_space<semaphore_mem>>)
      %mul3A_1402 = arith.constant 64 : i32
      %mul3A_1403 = arith.muli %scan3A_18, %mul3A_1402 : i32
      %add3A_1404 = arith.constant 63 : i32
      %add3A_1405 = arith.addi %mul3A_1403, %add3A_1404 : i32
      %shift_right_arithmetic3A_1406 = arith.constant 2 : i32
      %shift_right_arithmetic3A_1407 = arith.shrsi %add3A_1405, %shift_right_arithmetic3A_1406 : i32
      %and3A_1408 = arith.constant 3 : i32
      %and3A_1409 = arith.andi %add3A_1405, %and3A_1408 : i32
      %shift_right_arithmetic3A_1410 = arith.constant 3 : i32
      %shift_right_arithmetic3A_1411 = arith.shrsi %shift_right_arithmetic3A_1407, %shift_right_arithmetic3A_1410 : i32
      %mul3A_1412 = arith.constant 128 : i32
      %mul3A_1413 = arith.muli %and3A_1409, %mul3A_1412 : i32
      %dma_start3A_1414 = tpu.memref_slice %arg6[%shift_right_arithmetic3A_1407, %mul3A_1413] : memref<208x512xf32, #tpu.memory_space<vmem>> -> memref<1x128xf32, #tpu.memory_space<vmem>>
      %dma_start3A_1415 = tpu.memref_squeeze %dma_start3A_1414 : memref<1x128xf32, #tpu.memory_space<vmem>> -> memref<128xf32, #tpu.memory_space<vmem>>
      %dma_start3A_1416 = arith.constant 0 : i32
      %dma_start3A_1417 = tpu.memref_slice %arg5[%shift_right_arithmetic3A_1411, %and3A_1409, %dma_start3A_1416] : memref<26x4x128xi32, #tpu.memory_space<vmem>> -> memref<1x1x128xi32, #tpu.memory_space<vmem>>
      %dma_start3A_1418 = tpu.memref_squeeze %dma_start3A_1417 : memref<1x1x128xi32, #tpu.memory_space<vmem>> -> memref<128xi32, #tpu.memory_space<vmem>>
      %dma_start3A_1419 = arith.constant 0 : i32
      %dma_start3A_1420 = tpu.memref_slice %arg3[%shift_right_arithmetic3A_1407, %dma_start3A_1419] : memref<208x100000xf32, #tpu.memory_space<hbm>> -> memref<1x100000xf32, #tpu.memory_space<hbm>>
      %dma_start3A_1421 = tpu.memref_squeeze %dma_start3A_1420 : memref<1x100000xf32, #tpu.memory_space<hbm>> -> memref<100000xf32, #tpu.memory_space<hbm>>
      %dma_start3A_1422 = arith.constant 0 : i32
      %dma_start3A_1423 = tpu.memref_slice %dma_start3A_1421[%dma_start3A_1422] : memref<100000xf32, #tpu.memory_space<hbm>> -> memref<100000xf32, #tpu.memory_space<hbm>>
      tpu.enqueue_indirect_dma source(%dma_start3A_1423 : memref<100000xf32, #tpu.memory_space<hbm>>) target(%dma_start3A_1415 : memref<128xf32, #tpu.memory_space<vmem>>) offsets(%dma_start3A_1418 : memref<128xi32, #tpu.memory_space<vmem>>) semaphore(%arg7 : memref<!tpu.dma_semaphore, #tpu.memory_space<semaphore_mem>>)
      %dma_wait3A = tpu.memref_slice %arg6[%shift_right_arithmetic3A_23, %mul3A_28] : memref<208x512xf32, #tpu.memory_space<vmem>> -> memref<1x128xf32, #tpu.memory_space<vmem>>
      %dma_wait3A_1424 = tpu.memref_squeeze %dma_wait3A : memref<1x128xf32, #tpu.memory_space<vmem>> -> memref<128xf32, #tpu.memory_space<vmem>>
      %dma_wait3A_1425 = arith.constant 0 : i32
      %dma_wait3A_1426 = tpu.memref_slice %arg5[%shift_right_arithmetic3A_26, %and3A_24, %dma_wait3A_1425] : memref<26x4x128xi32, #tpu.memory_space<vmem>> -> memref<1x1x128xi32, #tpu.memory_space<vmem>>
      %dma_wait3A_1427 = tpu.memref_squeeze %dma_wait3A_1426 : memref<1x1x128xi32, #tpu.memory_space<vmem>> -> memref<128xi32, #tpu.memory_space<vmem>>
      %dma_wait3A_1428 = arith.constant 0 : i32
      %dma_wait3A_1429 = tpu.memref_slice %arg3[%shift_right_arithmetic3A_23, %dma_wait3A_1428] : memref<208x100000xf32, #tpu.memory_space<hbm>> -> memref<1x100000xf32, #tpu.memory_space<hbm>>
      %dma_wait3A_1430 = tpu.memref_squeeze %dma_wait3A_1429 : memref<1x100000xf32, #tpu.memory_space<hbm>> -> memref<100000xf32, #tpu.memory_space<hbm>>
      %dma_wait3A_1431 = arith.constant 0 : i32
      %dma_wait3A_1432 = tpu.memref_slice %dma_wait3A_1430[%dma_wait3A_1431] : memref<100000xf32, #tpu.memory_space<hbm>> -> memref<100000xf32, #tpu.memory_space<hbm>>
      tpu.wait_indirect_dma semaphore(%arg7 : memref<!tpu.dma_semaphore, #tpu.memory_space<semaphore_mem>>) src(%dma_wait3A_1432 : memref<100000xf32, #tpu.memory_space<hbm>>) dst(%dma_wait3A_1424 : memref<128xf32, #tpu.memory_space<vmem>>)
      %dma_wait3A_1433 = tpu.memref_slice %arg6[%shift_right_arithmetic3A_43, %mul3A_49] : memref<208x512xf32, #tpu.memory_space<vmem>> -> memref<1x128xf32, #tpu.memory_space<vmem>>
      %dma_wait3A_1434 = tpu.memref_squeeze %dma_wait3A_1433 : memref<1x128xf32, #tpu.memory_space<vmem>> -> memref<128xf32, #tpu.memory_space<vmem>>
      %dma_wait3A_1435 = arith.constant 0 : i32
      %dma_wait3A_1436 = tpu.memref_slice %arg5[%shift_right_arithmetic3A_47, %and3A_45, %dma_wait3A_1435] : memref<26x4x128xi32, #tpu.memory_space<vmem>> -> memref<1x1x128xi32, #tpu.memory_space<vmem>>
      %dma_wait3A_1437 = tpu.memref_squeeze %dma_wait3A_1436 : memref<1x1x128xi32, #tpu.memory_space<vmem>> -> memref<128xi32, #tpu.memory_space<vmem>>
      %dma_wait3A_1438 = arith.constant 0 : i32
      %dma_wait3A_1439 = tpu.memref_slice %arg3[%shift_right_arithmetic3A_43, %dma_wait3A_1438] : memref<208x100000xf32, #tpu.memory_space<hbm>> -> memref<1x100000xf32, #tpu.memory_space<hbm>>
      %dma_wait3A_1440 = tpu.memref_squeeze %dma_wait3A_1439 : memref<1x100000xf32, #tpu.memory_space<hbm>> -> memref<100000xf32, #tpu.memory_space<hbm>>
      %dma_wait3A_1441 = arith.constant 0 : i32
      %dma_wait3A_1442 = tpu.memref_slice %dma_wait3A_1440[%dma_wait3A_1441] : memref<100000xf32, #tpu.memory_space<hbm>> -> memref<100000xf32, #tpu.memory_space<hbm>>
      tpu.wait_indirect_dma semaphore(%arg7 : memref<!tpu.dma_semaphore, #tpu.memory_space<semaphore_mem>>) src(%dma_wait3A_1442 : memref<100000xf32, #tpu.memory_space<hbm>>) dst(%dma_wait3A_1434 : memref<128xf32, #tpu.memory_space<vmem>>)
      %dma_wait3A_1443 = tpu.memref_slice %arg6[%shift_right_arithmetic3A_65, %mul3A_71] : memref<208x512xf32, #tpu.memory_space<vmem>> -> memref<1x128xf32, #tpu.memory_space<vmem>>
      %dma_wait3A_1444 = tpu.memref_squeeze %dma_wait3A_1443 : memref<1x128xf32, #tpu.memory_space<vmem>> -> memref<128xf32, #tpu.memory_space<vmem>>
      %dma_wait3A_1445 = arith.constant 0 : i32
      %dma_wait3A_1446 = tpu.memref_slice %arg5[%shift_right_arithmetic3A_69, %and3A_67, %dma_wait3A_1445] : memref<26x4x128xi32, #tpu.memory_space<vmem>> -> memref<1x1x128xi32, #tpu.memory_space<vmem>>
      %dma_wait3A_1447 = tpu.memref_squeeze %dma_wait3A_1446 : memref<1x1x128xi32, #tpu.memory_space<vmem>> -> memref<128xi32, #tpu.memory_space<vmem>>
      %dma_wait3A_1448 = arith.constant 0 : i32
      %dma_wait3A_1449 = tpu.memref_slice %arg3[%shift_right_arithmetic3A_65, %dma_wait3A_1448] : memref<208x100000xf32, #tpu.memory_space<hbm>> -> memref<1x100000xf32, #tpu.memory_space<hbm>>
      %dma_wait3A_1450 = tpu.memref_squeeze %dma_wait3A_1449 : memref<1x100000xf32, #tpu.memory_space<hbm>> -> memref<100000xf32, #tpu.memory_space<hbm>>
      %dma_wait3A_1451 = arith.constant 0 : i32
      %dma_wait3A_1452 = tpu.memref_slice %dma_wait3A_1450[%dma_wait3A_1451] : memref<100000xf32, #tpu.memory_space<hbm>> -> memref<100000xf32, #tpu.memory_space<hbm>>
      tpu.wait_indirect_dma semaphore(%arg7 : memref<!tpu.dma_semaphore, #tpu.memory_space<semaphore_mem>>) src(%dma_wait3A_1452 : memref<100000xf32, #tpu.memory_space<hbm>>) dst(%dma_wait3A_1444 : memref<128xf32, #tpu.memory_space<vmem>>)
      %dma_wait3A_1453 = tpu.memref_slice %arg6[%shift_right_arithmetic3A_87, %mul3A_93] : memref<208x512xf32, #tpu.memory_space<vmem>> -> memref<1x128xf32, #tpu.memory_space<vmem>>
      %dma_wait3A_1454 = tpu.memref_squeeze %dma_wait3A_1453 : memref<1x128xf32, #tpu.memory_space<vmem>> -> memref<128xf32, #tpu.memory_space<vmem>>
      %dma_wait3A_1455 = arith.constant 0 : i32
      %dma_wait3A_1456 = tpu.memref_slice %arg5[%shift_right_arithmetic3A_91, %and3A_89, %dma_wait3A_1455] : memref<26x4x128xi32, #tpu.memory_space<vmem>> -> memref<1x1x128xi32, #tpu.memory_space<vmem>>
      %dma_wait3A_1457 = tpu.memref_squeeze %dma_wait3A_1456 : memref<1x1x128xi32, #tpu.memory_space<vmem>> -> memref<128xi32, #tpu.memory_space<vmem>>
      %dma_wait3A_1458 = arith.constant 0 : i32
      %dma_wait3A_1459 = tpu.memref_slice %arg3[%shift_right_arithmetic3A_87, %dma_wait3A_1458] : memref<208x100000xf32, #tpu.memory_space<hbm>> -> memref<1x100000xf32, #tpu.memory_space<hbm>>
      %dma_wait3A_1460 = tpu.memref_squeeze %dma_wait3A_1459 : memref<1x100000xf32, #tpu.memory_space<hbm>> -> memref<100000xf32, #tpu.memory_space<hbm>>
      %dma_wait3A_1461 = arith.constant 0 : i32
      %dma_wait3A_1462 = tpu.memref_slice %dma_wait3A_1460[%dma_wait3A_1461] : memref<100000xf32, #tpu.memory_space<hbm>> -> memref<100000xf32, #tpu.memory_space<hbm>>
      tpu.wait_indirect_dma semaphore(%arg7 : memref<!tpu.dma_semaphore, #tpu.memory_space<semaphore_mem>>) src(%dma_wait3A_1462 : memref<100000xf32, #tpu.memory_space<hbm>>) dst(%dma_wait3A_1454 : memref<128xf32, #tpu.memory_space<vmem>>)
      %dma_wait3A_1463 = tpu.memref_slice %arg6[%shift_right_arithmetic3A_109, %mul3A_115] : memref<208x512xf32, #tpu.memory_space<vmem>> -> memref<1x128xf32, #tpu.memory_space<vmem>>
      %dma_wait3A_1464 = tpu.memref_squeeze %dma_wait3A_1463 : memref<1x128xf32, #tpu.memory_space<vmem>> -> memref<128xf32, #tpu.memory_space<vmem>>
      %dma_wait3A_1465 = arith.constant 0 : i32
      %dma_wait3A_1466 = tpu.memref_slice %arg5[%shift_right_arithmetic3A_113, %and3A_111, %dma_wait3A_1465] : memref<26x4x128xi32, #tpu.memory_space<vmem>> -> memref<1x1x128xi32, #tpu.memory_space<vmem>>
      %dma_wait3A_1467 = tpu.memref_squeeze %dma_wait3A_1466 : memref<1x1x128xi32, #tpu.memory_space<vmem>> -> memref<128xi32, #tpu.memory_space<vmem>>
      %dma_wait3A_1468 = arith.constant 0 : i32
      %dma_wait3A_1469 = tpu.memref_slice %arg3[%shift_right_arithmetic3A_109, %dma_wait3A_1468] : memref<208x100000xf32, #tpu.memory_space<hbm>> -> memref<1x100000xf32, #tpu.memory_space<hbm>>
      %dma_wait3A_1470 = tpu.memref_squeeze %dma_wait3A_1469 : memref<1x100000xf32, #tpu.memory_space<hbm>> -> memref<100000xf32, #tpu.memory_space<hbm>>
      %dma_wait3A_1471 = arith.constant 0 : i32
      %dma_wait3A_1472 = tpu.memref_slice %dma_wait3A_1470[%dma_wait3A_1471] : memref<100000xf32, #tpu.memory_space<hbm>> -> memref<100000xf32, #tpu.memory_space<hbm>>
      tpu.wait_indirect_dma semaphore(%arg7 : memref<!tpu.dma_semaphore, #tpu.memory_space<semaphore_mem>>) src(%dma_wait3A_1472 : memref<100000xf32, #tpu.memory_space<hbm>>) dst(%dma_wait3A_1464 : memref<128xf32, #tpu.memory_space<vmem>>)
      %dma_wait3A_1473 = tpu.memref_slice %arg6[%shift_right_arithmetic3A_131, %mul3A_137] : memref<208x512xf32, #tpu.memory_space<vmem>> -> memref<1x128xf32, #tpu.memory_space<vmem>>
      %dma_wait3A_1474 = tpu.memref_squeeze %dma_wait3A_1473 : memref<1x128xf32, #tpu.memory_space<vmem>> -> memref<128xf32, #tpu.memory_space<vmem>>
      %dma_wait3A_1475 = arith.constant 0 : i32
      %dma_wait3A_1476 = tpu.memref_slice %arg5[%shift_right_arithmetic3A_135, %and3A_133, %dma_wait3A_1475] : memref<26x4x128xi32, #tpu.memory_space<vmem>> -> memref<1x1x128xi32, #tpu.memory_space<vmem>>
      %dma_wait3A_1477 = tpu.memref_squeeze %dma_wait3A_1476 : memref<1x1x128xi32, #tpu.memory_space<vmem>> -> memref<128xi32, #tpu.memory_space<vmem>>
      %dma_wait3A_1478 = arith.constant 0 : i32
      %dma_wait3A_1479 = tpu.memref_slice %arg3[%shift_right_arithmetic3A_131, %dma_wait3A_1478] : memref<208x100000xf32, #tpu.memory_space<hbm>> -> memref<1x100000xf32, #tpu.memory_space<hbm>>
      %dma_wait3A_1480 = tpu.memref_squeeze %dma_wait3A_1479 : memref<1x100000xf32, #tpu.memory_space<hbm>> -> memref<100000xf32, #tpu.memory_space<hbm>>
      %dma_wait3A_1481 = arith.constant 0 : i32
      %dma_wait3A_1482 = tpu.memref_slice %dma_wait3A_1480[%dma_wait3A_1481] : memref<100000xf32, #tpu.memory_space<hbm>> -> memref<100000xf32, #tpu.memory_space<hbm>>
      tpu.wait_indirect_dma semaphore(%arg7 : memref<!tpu.dma_semaphore, #tpu.memory_space<semaphore_mem>>) src(%dma_wait3A_1482 : memref<100000xf32, #tpu.memory_space<hbm>>) dst(%dma_wait3A_1474 : memref<128xf32, #tpu.memory_space<vmem>>)
      %dma_wait3A_1483 = tpu.memref_slice %arg6[%shift_right_arithmetic3A_153, %mul3A_159] : memref<208x512xf32, #tpu.memory_space<vmem>> -> memref<1x128xf32, #tpu.memory_space<vmem>>
      %dma_wait3A_1484 = tpu.memref_squeeze %dma_wait3A_1483 : memref<1x128xf32, #tpu.memory_space<vmem>> -> memref<128xf32, #tpu.memory_space<vmem>>
      %dma_wait3A_1485 = arith.constant 0 : i32
      %dma_wait3A_1486 = tpu.memref_slice %arg5[%shift_right_arithmetic3A_157, %and3A_155, %dma_wait3A_1485] : memref<26x4x128xi32, #tpu.memory_space<vmem>> -> memref<1x1x128xi32, #tpu.memory_space<vmem>>
      %dma_wait3A_1487 = tpu.memref_squeeze %dma_wait3A_1486 : memref<1x1x128xi32, #tpu.memory_space<vmem>> -> memref<128xi32, #tpu.memory_space<vmem>>
      %dma_wait3A_1488 = arith.constant 0 : i32
      %dma_wait3A_1489 = tpu.memref_slice %arg3[%shift_right_arithmetic3A_153, %dma_wait3A_1488] : memref<208x100000xf32, #tpu.memory_space<hbm>> -> memref<1x100000xf32, #tpu.memory_space<hbm>>
      %dma_wait3A_1490 = tpu.memref_squeeze %dma_wait3A_1489 : memref<1x100000xf32, #tpu.memory_space<hbm>> -> memref<100000xf32, #tpu.memory_space<hbm>>
      %dma_wait3A_1491 = arith.constant 0 : i32
      %dma_wait3A_1492 = tpu.memref_slice %dma_wait3A_1490[%dma_wait3A_1491] : memref<100000xf32, #tpu.memory_space<hbm>> -> memref<100000xf32, #tpu.memory_space<hbm>>
      tpu.wait_indirect_dma semaphore(%arg7 : memref<!tpu.dma_semaphore, #tpu.memory_space<semaphore_mem>>) src(%dma_wait3A_1492 : memref<100000xf32, #tpu.memory_space<hbm>>) dst(%dma_wait3A_1484 : memref<128xf32, #tpu.memory_space<vmem>>)
      %dma_wait3A_1493 = tpu.memref_slice %arg6[%shift_right_arithmetic3A_175, %mul3A_181] : memref<208x512xf32, #tpu.memory_space<vmem>> -> memref<1x128xf32, #tpu.memory_space<vmem>>
      %dma_wait3A_1494 = tpu.memref_squeeze %dma_wait3A_1493 : memref<1x128xf32, #tpu.memory_space<vmem>> -> memref<128xf32, #tpu.memory_space<vmem>>
      %dma_wait3A_1495 = arith.constant 0 : i32
      %dma_wait3A_1496 = tpu.memref_slice %arg5[%shift_right_arithmetic3A_179, %and3A_177, %dma_wait3A_1495] : memref<26x4x128xi32, #tpu.memory_space<vmem>> -> memref<1x1x128xi32, #tpu.memory_space<vmem>>
      %dma_wait3A_1497 = tpu.memref_squeeze %dma_wait3A_1496 : memref<1x1x128xi32, #tpu.memory_space<vmem>> -> memref<128xi32, #tpu.memory_space<vmem>>
      %dma_wait3A_1498 = arith.constant 0 : i32
      %dma_wait3A_1499 = tpu.memref_slice %arg3[%shift_right_arithmetic3A_175, %dma_wait3A_1498] : memref<208x100000xf32, #tpu.memory_space<hbm>> -> memref<1x100000xf32, #tpu.memory_space<hbm>>
      %dma_wait3A_1500 = tpu.memref_squeeze %dma_wait3A_1499 : memref<1x100000xf32, #tpu.memory_space<hbm>> -> memref<100000xf32, #tpu.memory_space<hbm>>
      %dma_wait3A_1501 = arith.constant 0 : i32
      %dma_wait3A_1502 = tpu.memref_slice %dma_wait3A_1500[%dma_wait3A_1501] : memref<100000xf32, #tpu.memory_space<hbm>> -> memref<100000xf32, #tpu.memory_space<hbm>>
      tpu.wait_indirect_dma semaphore(%arg7 : memref<!tpu.dma_semaphore, #tpu.memory_space<semaphore_mem>>) src(%dma_wait3A_1502 : memref<100000xf32, #tpu.memory_space<hbm>>) dst(%dma_wait3A_1494 : memref<128xf32, #tpu.memory_space<vmem>>)
      %dma_wait3A_1503 = tpu.memref_slice %arg6[%shift_right_arithmetic3A_197, %mul3A_203] : memref<208x512xf32, #tpu.memory_space<vmem>> -> memref<1x128xf32, #tpu.memory_space<vmem>>
      %dma_wait3A_1504 = tpu.memref_squeeze %dma_wait3A_1503 : memref<1x128xf32, #tpu.memory_space<vmem>> -> memref<128xf32, #tpu.memory_space<vmem>>
      %dma_wait3A_1505 = arith.constant 0 : i32
      %dma_wait3A_1506 = tpu.memref_slice %arg5[%shift_right_arithmetic3A_201, %and3A_199, %dma_wait3A_1505] : memref<26x4x128xi32, #tpu.memory_space<vmem>> -> memref<1x1x128xi32, #tpu.memory_space<vmem>>
      %dma_wait3A_1507 = tpu.memref_squeeze %dma_wait3A_1506 : memref<1x1x128xi32, #tpu.memory_space<vmem>> -> memref<128xi32, #tpu.memory_space<vmem>>
      %dma_wait3A_1508 = arith.constant 0 : i32
      %dma_wait3A_1509 = tpu.memref_slice %arg3[%shift_right_arithmetic3A_197, %dma_wait3A_1508] : memref<208x100000xf32, #tpu.memory_space<hbm>> -> memref<1x100000xf32, #tpu.memory_space<hbm>>
      %dma_wait3A_1510 = tpu.memref_squeeze %dma_wait3A_1509 : memref<1x100000xf32, #tpu.memory_space<hbm>> -> memref<100000xf32, #tpu.memory_space<hbm>>
      %dma_wait3A_1511 = arith.constant 0 : i32
      %dma_wait3A_1512 = tpu.memref_slice %dma_wait3A_1510[%dma_wait3A_1511] : memref<100000xf32, #tpu.memory_space<hbm>> -> memref<100000xf32, #tpu.memory_space<hbm>>
      tpu.wait_indirect_dma semaphore(%arg7 : memref<!tpu.dma_semaphore, #tpu.memory_space<semaphore_mem>>) src(%dma_wait3A_1512 : memref<100000xf32, #tpu.memory_space<hbm>>) dst(%dma_wait3A_1504 : memref<128xf32, #tpu.memory_space<vmem>>)
      %dma_wait3A_1513 = tpu.memref_slice %arg6[%shift_right_arithmetic3A_219, %mul3A_225] : memref<208x512xf32, #tpu.memory_space<vmem>> -> memref<1x128xf32, #tpu.memory_space<vmem>>
      %dma_wait3A_1514 = tpu.memref_squeeze %dma_wait3A_1513 : memref<1x128xf32, #tpu.memory_space<vmem>> -> memref<128xf32, #tpu.memory_space<vmem>>
      %dma_wait3A_1515 = arith.constant 0 : i32
      %dma_wait3A_1516 = tpu.memref_slice %arg5[%shift_right_arithmetic3A_223, %and3A_221, %dma_wait3A_1515] : memref<26x4x128xi32, #tpu.memory_space<vmem>> -> memref<1x1x128xi32, #tpu.memory_space<vmem>>
      %dma_wait3A_1517 = tpu.memref_squeeze %dma_wait3A_1516 : memref<1x1x128xi32, #tpu.memory_space<vmem>> -> memref<128xi32, #tpu.memory_space<vmem>>
      %dma_wait3A_1518 = arith.constant 0 : i32
      %dma_wait3A_1519 = tpu.memref_slice %arg3[%shift_right_arithmetic3A_219, %dma_wait3A_1518] : memref<208x100000xf32, #tpu.memory_space<hbm>> -> memref<1x100000xf32, #tpu.memory_space<hbm>>
      %dma_wait3A_1520 = tpu.memref_squeeze %dma_wait3A_1519 : memref<1x100000xf32, #tpu.memory_space<hbm>> -> memref<100000xf32, #tpu.memory_space<hbm>>
      %dma_wait3A_1521 = arith.constant 0 : i32
      %dma_wait3A_1522 = tpu.memref_slice %dma_wait3A_1520[%dma_wait3A_1521] : memref<100000xf32, #tpu.memory_space<hbm>> -> memref<100000xf32, #tpu.memory_space<hbm>>
      tpu.wait_indirect_dma semaphore(%arg7 : memref<!tpu.dma_semaphore, #tpu.memory_space<semaphore_mem>>) src(%dma_wait3A_1522 : memref<100000xf32, #tpu.memory_space<hbm>>) dst(%dma_wait3A_1514 : memref<128xf32, #tpu.memory_space<vmem>>)
      %dma_wait3A_1523 = tpu.memref_slice %arg6[%shift_right_arithmetic3A_241, %mul3A_247] : memref<208x512xf32, #tpu.memory_space<vmem>> -> memref<1x128xf32, #tpu.memory_space<vmem>>
      %dma_wait3A_1524 = tpu.memref_squeeze %dma_wait3A_1523 : memref<1x128xf32, #tpu.memory_space<vmem>> -> memref<128xf32, #tpu.memory_space<vmem>>
      %dma_wait3A_1525 = arith.constant 0 : i32
      %dma_wait3A_1526 = tpu.memref_slice %arg5[%shift_right_arithmetic3A_245, %and3A_243, %dma_wait3A_1525] : memref<26x4x128xi32, #tpu.memory_space<vmem>> -> memref<1x1x128xi32, #tpu.memory_space<vmem>>
      %dma_wait3A_1527 = tpu.memref_squeeze %dma_wait3A_1526 : memref<1x1x128xi32, #tpu.memory_space<vmem>> -> memref<128xi32, #tpu.memory_space<vmem>>
      %dma_wait3A_1528 = arith.constant 0 : i32
      %dma_wait3A_1529 = tpu.memref_slice %arg3[%shift_right_arithmetic3A_241, %dma_wait3A_1528] : memref<208x100000xf32, #tpu.memory_space<hbm>> -> memref<1x100000xf32, #tpu.memory_space<hbm>>
      %dma_wait3A_1530 = tpu.memref_squeeze %dma_wait3A_1529 : memref<1x100000xf32, #tpu.memory_space<hbm>> -> memref<100000xf32, #tpu.memory_space<hbm>>
      %dma_wait3A_1531 = arith.constant 0 : i32
      %dma_wait3A_1532 = tpu.memref_slice %dma_wait3A_1530[%dma_wait3A_1531] : memref<100000xf32, #tpu.memory_space<hbm>> -> memref<100000xf32, #tpu.memory_space<hbm>>
      tpu.wait_indirect_dma semaphore(%arg7 : memref<!tpu.dma_semaphore, #tpu.memory_space<semaphore_mem>>) src(%dma_wait3A_1532 : memref<100000xf32, #tpu.memory_space<hbm>>) dst(%dma_wait3A_1524 : memref<128xf32, #tpu.memory_space<vmem>>)
      %dma_wait3A_1533 = tpu.memref_slice %arg6[%shift_right_arithmetic3A_263, %mul3A_269] : memref<208x512xf32, #tpu.memory_space<vmem>> -> memref<1x128xf32, #tpu.memory_space<vmem>>
      %dma_wait3A_1534 = tpu.memref_squeeze %dma_wait3A_1533 : memref<1x128xf32, #tpu.memory_space<vmem>> -> memref<128xf32, #tpu.memory_space<vmem>>
      %dma_wait3A_1535 = arith.constant 0 : i32
      %dma_wait3A_1536 = tpu.memref_slice %arg5[%shift_right_arithmetic3A_267, %and3A_265, %dma_wait3A_1535] : memref<26x4x128xi32, #tpu.memory_space<vmem>> -> memref<1x1x128xi32, #tpu.memory_space<vmem>>
      %dma_wait3A_1537 = tpu.memref_squeeze %dma_wait3A_1536 : memref<1x1x128xi32, #tpu.memory_space<vmem>> -> memref<128xi32, #tpu.memory_space<vmem>>
      %dma_wait3A_1538 = arith.constant 0 : i32
      %dma_wait3A_1539 = tpu.memref_slice %arg3[%shift_right_arithmetic3A_263, %dma_wait3A_1538] : memref<208x100000xf32, #tpu.memory_space<hbm>> -> memref<1x100000xf32, #tpu.memory_space<hbm>>
      %dma_wait3A_1540 = tpu.memref_squeeze %dma_wait3A_1539 : memref<1x100000xf32, #tpu.memory_space<hbm>> -> memref<100000xf32, #tpu.memory_space<hbm>>
      %dma_wait3A_1541 = arith.constant 0 : i32
      %dma_wait3A_1542 = tpu.memref_slice %dma_wait3A_1540[%dma_wait3A_1541] : memref<100000xf32, #tpu.memory_space<hbm>> -> memref<100000xf32, #tpu.memory_space<hbm>>
      tpu.wait_indirect_dma semaphore(%arg7 : memref<!tpu.dma_semaphore, #tpu.memory_space<semaphore_mem>>) src(%dma_wait3A_1542 : memref<100000xf32, #tpu.memory_space<hbm>>) dst(%dma_wait3A_1534 : memref<128xf32, #tpu.memory_space<vmem>>)
      %dma_wait3A_1543 = tpu.memref_slice %arg6[%shift_right_arithmetic3A_285, %mul3A_291] : memref<208x512xf32, #tpu.memory_space<vmem>> -> memref<1x128xf32, #tpu.memory_space<vmem>>
      %dma_wait3A_1544 = tpu.memref_squeeze %dma_wait3A_1543 : memref<1x128xf32, #tpu.memory_space<vmem>> -> memref<128xf32, #tpu.memory_space<vmem>>
      %dma_wait3A_1545 = arith.constant 0 : i32
      %dma_wait3A_1546 = tpu.memref_slice %arg5[%shift_right_arithmetic3A_289, %and3A_287, %dma_wait3A_1545] : memref<26x4x128xi32, #tpu.memory_space<vmem>> -> memref<1x1x128xi32, #tpu.memory_space<vmem>>
      %dma_wait3A_1547 = tpu.memref_squeeze %dma_wait3A_1546 : memref<1x1x128xi32, #tpu.memory_space<vmem>> -> memref<128xi32, #tpu.memory_space<vmem>>
      %dma_wait3A_1548 = arith.constant 0 : i32
      %dma_wait3A_1549 = tpu.memref_slice %arg3[%shift_right_arithmetic3A_285, %dma_wait3A_1548] : memref<208x100000xf32, #tpu.memory_space<hbm>> -> memref<1x100000xf32, #tpu.memory_space<hbm>>
      %dma_wait3A_1550 = tpu.memref_squeeze %dma_wait3A_1549 : memref<1x100000xf32, #tpu.memory_space<hbm>> -> memref<100000xf32, #tpu.memory_space<hbm>>
      %dma_wait3A_1551 = arith.constant 0 : i32
      %dma_wait3A_1552 = tpu.memref_slice %dma_wait3A_1550[%dma_wait3A_1551] : memref<100000xf32, #tpu.memory_space<hbm>> -> memref<100000xf32, #tpu.memory_space<hbm>>
      tpu.wait_indirect_dma semaphore(%arg7 : memref<!tpu.dma_semaphore, #tpu.memory_space<semaphore_mem>>) src(%dma_wait3A_1552 : memref<100000xf32, #tpu.memory_space<hbm>>) dst(%dma_wait3A_1544 : memref<128xf32, #tpu.memory_space<vmem>>)
      %dma_wait3A_1553 = tpu.memref_slice %arg6[%shift_right_arithmetic3A_307, %mul3A_313] : memref<208x512xf32, #tpu.memory_space<vmem>> -> memref<1x128xf32, #tpu.memory_space<vmem>>
      %dma_wait3A_1554 = tpu.memref_squeeze %dma_wait3A_1553 : memref<1x128xf32, #tpu.memory_space<vmem>> -> memref<128xf32, #tpu.memory_space<vmem>>
      %dma_wait3A_1555 = arith.constant 0 : i32
      %dma_wait3A_1556 = tpu.memref_slice %arg5[%shift_right_arithmetic3A_311, %and3A_309, %dma_wait3A_1555] : memref<26x4x128xi32, #tpu.memory_space<vmem>> -> memref<1x1x128xi32, #tpu.memory_space<vmem>>
      %dma_wait3A_1557 = tpu.memref_squeeze %dma_wait3A_1556 : memref<1x1x128xi32, #tpu.memory_space<vmem>> -> memref<128xi32, #tpu.memory_space<vmem>>
      %dma_wait3A_1558 = arith.constant 0 : i32
      %dma_wait3A_1559 = tpu.memref_slice %arg3[%shift_right_arithmetic3A_307, %dma_wait3A_1558] : memref<208x100000xf32, #tpu.memory_space<hbm>> -> memref<1x100000xf32, #tpu.memory_space<hbm>>
      %dma_wait3A_1560 = tpu.memref_squeeze %dma_wait3A_1559 : memref<1x100000xf32, #tpu.memory_space<hbm>> -> memref<100000xf32, #tpu.memory_space<hbm>>
      %dma_wait3A_1561 = arith.constant 0 : i32
      %dma_wait3A_1562 = tpu.memref_slice %dma_wait3A_1560[%dma_wait3A_1561] : memref<100000xf32, #tpu.memory_space<hbm>> -> memref<100000xf32, #tpu.memory_space<hbm>>
      tpu.wait_indirect_dma semaphore(%arg7 : memref<!tpu.dma_semaphore, #tpu.memory_space<semaphore_mem>>) src(%dma_wait3A_1562 : memref<100000xf32, #tpu.memory_space<hbm>>) dst(%dma_wait3A_1554 : memref<128xf32, #tpu.memory_space<vmem>>)
      %dma_wait3A_1563 = tpu.memref_slice %arg6[%shift_right_arithmetic3A_329, %mul3A_335] : memref<208x512xf32, #tpu.memory_space<vmem>> -> memref<1x128xf32, #tpu.memory_space<vmem>>
      %dma_wait3A_1564 = tpu.memref_squeeze %dma_wait3A_1563 : memref<1x128xf32, #tpu.memory_space<vmem>> -> memref<128xf32, #tpu.memory_space<vmem>>
      %dma_wait3A_1565 = arith.constant 0 : i32
      %dma_wait3A_1566 = tpu.memref_slice %arg5[%shift_right_arithmetic3A_333, %and3A_331, %dma_wait3A_1565] : memref<26x4x128xi32, #tpu.memory_space<vmem>> -> memref<1x1x128xi32, #tpu.memory_space<vmem>>
      %dma_wait3A_1567 = tpu.memref_squeeze %dma_wait3A_1566 : memref<1x1x128xi32, #tpu.memory_space<vmem>> -> memref<128xi32, #tpu.memory_space<vmem>>
      %dma_wait3A_1568 = arith.constant 0 : i32
      %dma_wait3A_1569 = tpu.memref_slice %arg3[%shift_right_arithmetic3A_329, %dma_wait3A_1568] : memref<208x100000xf32, #tpu.memory_space<hbm>> -> memref<1x100000xf32, #tpu.memory_space<hbm>>
      %dma_wait3A_1570 = tpu.memref_squeeze %dma_wait3A_1569 : memref<1x100000xf32, #tpu.memory_space<hbm>> -> memref<100000xf32, #tpu.memory_space<hbm>>
      %dma_wait3A_1571 = arith.constant 0 : i32
      %dma_wait3A_1572 = tpu.memref_slice %dma_wait3A_1570[%dma_wait3A_1571] : memref<100000xf32, #tpu.memory_space<hbm>> -> memref<100000xf32, #tpu.memory_space<hbm>>
      tpu.wait_indirect_dma semaphore(%arg7 : memref<!tpu.dma_semaphore, #tpu.memory_space<semaphore_mem>>) src(%dma_wait3A_1572 : memref<100000xf32, #tpu.memory_space<hbm>>) dst(%dma_wait3A_1564 : memref<128xf32, #tpu.memory_space<vmem>>)
      %dma_wait3A_1573 = tpu.memref_slice %arg6[%shift_right_arithmetic3A_351, %mul3A_357] : memref<208x512xf32, #tpu.memory_space<vmem>> -> memref<1x128xf32, #tpu.memory_space<vmem>>
      %dma_wait3A_1574 = tpu.memref_squeeze %dma_wait3A_1573 : memref<1x128xf32, #tpu.memory_space<vmem>> -> memref<128xf32, #tpu.memory_space<vmem>>
      %dma_wait3A_1575 = arith.constant 0 : i32
      %dma_wait3A_1576 = tpu.memref_slice %arg5[%shift_right_arithmetic3A_355, %and3A_353, %dma_wait3A_1575] : memref<26x4x128xi32, #tpu.memory_space<vmem>> -> memref<1x1x128xi32, #tpu.memory_space<vmem>>
      %dma_wait3A_1577 = tpu.memref_squeeze %dma_wait3A_1576 : memref<1x1x128xi32, #tpu.memory_space<vmem>> -> memref<128xi32, #tpu.memory_space<vmem>>
      %dma_wait3A_1578 = arith.constant 0 : i32
      %dma_wait3A_1579 = tpu.memref_slice %arg3[%shift_right_arithmetic3A_351, %dma_wait3A_1578] : memref<208x100000xf32, #tpu.memory_space<hbm>> -> memref<1x100000xf32, #tpu.memory_space<hbm>>
      %dma_wait3A_1580 = tpu.memref_squeeze %dma_wait3A_1579 : memref<1x100000xf32, #tpu.memory_space<hbm>> -> memref<100000xf32, #tpu.memory_space<hbm>>
      %dma_wait3A_1581 = arith.constant 0 : i32
      %dma_wait3A_1582 = tpu.memref_slice %dma_wait3A_1580[%dma_wait3A_1581] : memref<100000xf32, #tpu.memory_space<hbm>> -> memref<100000xf32, #tpu.memory_space<hbm>>
      tpu.wait_indirect_dma semaphore(%arg7 : memref<!tpu.dma_semaphore, #tpu.memory_space<semaphore_mem>>) src(%dma_wait3A_1582 : memref<100000xf32, #tpu.memory_space<hbm>>) dst(%dma_wait3A_1574 : memref<128xf32, #tpu.memory_space<vmem>>)
      %dma_wait3A_1583 = tpu.memref_slice %arg6[%shift_right_arithmetic3A_373, %mul3A_379] : memref<208x512xf32, #tpu.memory_space<vmem>> -> memref<1x128xf32, #tpu.memory_space<vmem>>
      %dma_wait3A_1584 = tpu.memref_squeeze %dma_wait3A_1583 : memref<1x128xf32, #tpu.memory_space<vmem>> -> memref<128xf32, #tpu.memory_space<vmem>>
      %dma_wait3A_1585 = arith.constant 0 : i32
      %dma_wait3A_1586 = tpu.memref_slice %arg5[%shift_right_arithmetic3A_377, %and3A_375, %dma_wait3A_1585] : memref<26x4x128xi32, #tpu.memory_space<vmem>> -> memref<1x1x128xi32, #tpu.memory_space<vmem>>
      %dma_wait3A_1587 = tpu.memref_squeeze %dma_wait3A_1586 : memref<1x1x128xi32, #tpu.memory_space<vmem>> -> memref<128xi32, #tpu.memory_space<vmem>>
      %dma_wait3A_1588 = arith.constant 0 : i32
      %dma_wait3A_1589 = tpu.memref_slice %arg3[%shift_right_arithmetic3A_373, %dma_wait3A_1588] : memref<208x100000xf32, #tpu.memory_space<hbm>> -> memref<1x100000xf32, #tpu.memory_space<hbm>>
      %dma_wait3A_1590 = tpu.memref_squeeze %dma_wait3A_1589 : memref<1x100000xf32, #tpu.memory_space<hbm>> -> memref<100000xf32, #tpu.memory_space<hbm>>
      %dma_wait3A_1591 = arith.constant 0 : i32
      %dma_wait3A_1592 = tpu.memref_slice %dma_wait3A_1590[%dma_wait3A_1591] : memref<100000xf32, #tpu.memory_space<hbm>> -> memref<100000xf32, #tpu.memory_space<hbm>>
      tpu.wait_indirect_dma semaphore(%arg7 : memref<!tpu.dma_semaphore, #tpu.memory_space<semaphore_mem>>) src(%dma_wait3A_1592 : memref<100000xf32, #tpu.memory_space<hbm>>) dst(%dma_wait3A_1584 : memref<128xf32, #tpu.memory_space<vmem>>)
      %dma_wait3A_1593 = tpu.memref_slice %arg6[%shift_right_arithmetic3A_395, %mul3A_401] : memref<208x512xf32, #tpu.memory_space<vmem>> -> memref<1x128xf32, #tpu.memory_space<vmem>>
      %dma_wait3A_1594 = tpu.memref_squeeze %dma_wait3A_1593 : memref<1x128xf32, #tpu.memory_space<vmem>> -> memref<128xf32, #tpu.memory_space<vmem>>
      %dma_wait3A_1595 = arith.constant 0 : i32
      %dma_wait3A_1596 = tpu.memref_slice %arg5[%shift_right_arithmetic3A_399, %and3A_397, %dma_wait3A_1595] : memref<26x4x128xi32, #tpu.memory_space<vmem>> -> memref<1x1x128xi32, #tpu.memory_space<vmem>>
      %dma_wait3A_1597 = tpu.memref_squeeze %dma_wait3A_1596 : memref<1x1x128xi32, #tpu.memory_space<vmem>> -> memref<128xi32, #tpu.memory_space<vmem>>
      %dma_wait3A_1598 = arith.constant 0 : i32
      %dma_wait3A_1599 = tpu.memref_slice %arg3[%shift_right_arithmetic3A_395, %dma_wait3A_1598] : memref<208x100000xf32, #tpu.memory_space<hbm>> -> memref<1x100000xf32, #tpu.memory_space<hbm>>
      %dma_wait3A_1600 = tpu.memref_squeeze %dma_wait3A_1599 : memref<1x100000xf32, #tpu.memory_space<hbm>> -> memref<100000xf32, #tpu.memory_space<hbm>>
      %dma_wait3A_1601 = arith.constant 0 : i32
      %dma_wait3A_1602 = tpu.memref_slice %dma_wait3A_1600[%dma_wait3A_1601] : memref<100000xf32, #tpu.memory_space<hbm>> -> memref<100000xf32, #tpu.memory_space<hbm>>
      tpu.wait_indirect_dma semaphore(%arg7 : memref<!tpu.dma_semaphore, #tpu.memory_space<semaphore_mem>>) src(%dma_wait3A_1602 : memref<100000xf32, #tpu.memory_space<hbm>>) dst(%dma_wait3A_1594 : memref<128xf32, #tpu.memory_space<vmem>>)
      %dma_wait3A_1603 = tpu.memref_slice %arg6[%shift_right_arithmetic3A_417, %mul3A_423] : memref<208x512xf32, #tpu.memory_space<vmem>> -> memref<1x128xf32, #tpu.memory_space<vmem>>
      %dma_wait3A_1604 = tpu.memref_squeeze %dma_wait3A_1603 : memref<1x128xf32, #tpu.memory_space<vmem>> -> memref<128xf32, #tpu.memory_space<vmem>>
      %dma_wait3A_1605 = arith.constant 0 : i32
      %dma_wait3A_1606 = tpu.memref_slice %arg5[%shift_right_arithmetic3A_421, %and3A_419, %dma_wait3A_1605] : memref<26x4x128xi32, #tpu.memory_space<vmem>> -> memref<1x1x128xi32, #tpu.memory_space<vmem>>
      %dma_wait3A_1607 = tpu.memref_squeeze %dma_wait3A_1606 : memref<1x1x128xi32, #tpu.memory_space<vmem>> -> memref<128xi32, #tpu.memory_space<vmem>>
      %dma_wait3A_1608 = arith.constant 0 : i32
      %dma_wait3A_1609 = tpu.memref_slice %arg3[%shift_right_arithmetic3A_417, %dma_wait3A_1608] : memref<208x100000xf32, #tpu.memory_space<hbm>> -> memref<1x100000xf32, #tpu.memory_space<hbm>>
      %dma_wait3A_1610 = tpu.memref_squeeze %dma_wait3A_1609 : memref<1x100000xf32, #tpu.memory_space<hbm>> -> memref<100000xf32, #tpu.memory_space<hbm>>
      %dma_wait3A_1611 = arith.constant 0 : i32
      %dma_wait3A_1612 = tpu.memref_slice %dma_wait3A_1610[%dma_wait3A_1611] : memref<100000xf32, #tpu.memory_space<hbm>> -> memref<100000xf32, #tpu.memory_space<hbm>>
      tpu.wait_indirect_dma semaphore(%arg7 : memref<!tpu.dma_semaphore, #tpu.memory_space<semaphore_mem>>) src(%dma_wait3A_1612 : memref<100000xf32, #tpu.memory_space<hbm>>) dst(%dma_wait3A_1604 : memref<128xf32, #tpu.memory_space<vmem>>)
      %dma_wait3A_1613 = tpu.memref_slice %arg6[%shift_right_arithmetic3A_439, %mul3A_445] : memref<208x512xf32, #tpu.memory_space<vmem>> -> memref<1x128xf32, #tpu.memory_space<vmem>>
      %dma_wait3A_1614 = tpu.memref_squeeze %dma_wait3A_1613 : memref<1x128xf32, #tpu.memory_space<vmem>> -> memref<128xf32, #tpu.memory_space<vmem>>
      %dma_wait3A_1615 = arith.constant 0 : i32
      %dma_wait3A_1616 = tpu.memref_slice %arg5[%shift_right_arithmetic3A_443, %and3A_441, %dma_wait3A_1615] : memref<26x4x128xi32, #tpu.memory_space<vmem>> -> memref<1x1x128xi32, #tpu.memory_space<vmem>>
      %dma_wait3A_1617 = tpu.memref_squeeze %dma_wait3A_1616 : memref<1x1x128xi32, #tpu.memory_space<vmem>> -> memref<128xi32, #tpu.memory_space<vmem>>
      %dma_wait3A_1618 = arith.constant 0 : i32
      %dma_wait3A_1619 = tpu.memref_slice %arg3[%shift_right_arithmetic3A_439, %dma_wait3A_1618] : memref<208x100000xf32, #tpu.memory_space<hbm>> -> memref<1x100000xf32, #tpu.memory_space<hbm>>
      %dma_wait3A_1620 = tpu.memref_squeeze %dma_wait3A_1619 : memref<1x100000xf32, #tpu.memory_space<hbm>> -> memref<100000xf32, #tpu.memory_space<hbm>>
      %dma_wait3A_1621 = arith.constant 0 : i32
      %dma_wait3A_1622 = tpu.memref_slice %dma_wait3A_1620[%dma_wait3A_1621] : memref<100000xf32, #tpu.memory_space<hbm>> -> memref<100000xf32, #tpu.memory_space<hbm>>
      tpu.wait_indirect_dma semaphore(%arg7 : memref<!tpu.dma_semaphore, #tpu.memory_space<semaphore_mem>>) src(%dma_wait3A_1622 : memref<100000xf32, #tpu.memory_space<hbm>>) dst(%dma_wait3A_1614 : memref<128xf32, #tpu.memory_space<vmem>>)
      %dma_wait3A_1623 = tpu.memref_slice %arg6[%shift_right_arithmetic3A_461, %mul3A_467] : memref<208x512xf32, #tpu.memory_space<vmem>> -> memref<1x128xf32, #tpu.memory_space<vmem>>
      %dma_wait3A_1624 = tpu.memref_squeeze %dma_wait3A_1623 : memref<1x128xf32, #tpu.memory_space<vmem>> -> memref<128xf32, #tpu.memory_space<vmem>>
      %dma_wait3A_1625 = arith.constant 0 : i32
      %dma_wait3A_1626 = tpu.memref_slice %arg5[%shift_right_arithmetic3A_465, %and3A_463, %dma_wait3A_1625] : memref<26x4x128xi32, #tpu.memory_space<vmem>> -> memref<1x1x128xi32, #tpu.memory_space<vmem>>
      %dma_wait3A_1627 = tpu.memref_squeeze %dma_wait3A_1626 : memref<1x1x128xi32, #tpu.memory_space<vmem>> -> memref<128xi32, #tpu.memory_space<vmem>>
      %dma_wait3A_1628 = arith.constant 0 : i32
      %dma_wait3A_1629 = tpu.memref_slice %arg3[%shift_right_arithmetic3A_461, %dma_wait3A_1628] : memref<208x100000xf32, #tpu.memory_space<hbm>> -> memref<1x100000xf32, #tpu.memory_space<hbm>>
      %dma_wait3A_1630 = tpu.memref_squeeze %dma_wait3A_1629 : memref<1x100000xf32, #tpu.memory_space<hbm>> -> memref<100000xf32, #tpu.memory_space<hbm>>
      %dma_wait3A_1631 = arith.constant 0 : i32
      %dma_wait3A_1632 = tpu.memref_slice %dma_wait3A_1630[%dma_wait3A_1631] : memref<100000xf32, #tpu.memory_space<hbm>> -> memref<100000xf32, #tpu.memory_space<hbm>>
      tpu.wait_indirect_dma semaphore(%arg7 : memref<!tpu.dma_semaphore, #tpu.memory_space<semaphore_mem>>) src(%dma_wait3A_1632 : memref<100000xf32, #tpu.memory_space<hbm>>) dst(%dma_wait3A_1624 : memref<128xf32, #tpu.memory_space<vmem>>)
      %dma_wait3A_1633 = tpu.memref_slice %arg6[%shift_right_arithmetic3A_483, %mul3A_489] : memref<208x512xf32, #tpu.memory_space<vmem>> -> memref<1x128xf32, #tpu.memory_space<vmem>>
      %dma_wait3A_1634 = tpu.memref_squeeze %dma_wait3A_1633 : memref<1x128xf32, #tpu.memory_space<vmem>> -> memref<128xf32, #tpu.memory_space<vmem>>
      %dma_wait3A_1635 = arith.constant 0 : i32
      %dma_wait3A_1636 = tpu.memref_slice %arg5[%shift_right_arithmetic3A_487, %and3A_485, %dma_wait3A_1635] : memref<26x4x128xi32, #tpu.memory_space<vmem>> -> memref<1x1x128xi32, #tpu.memory_space<vmem>>
      %dma_wait3A_1637 = tpu.memref_squeeze %dma_wait3A_1636 : memref<1x1x128xi32, #tpu.memory_space<vmem>> -> memref<128xi32, #tpu.memory_space<vmem>>
      %dma_wait3A_1638 = arith.constant 0 : i32
      %dma_wait3A_1639 = tpu.memref_slice %arg3[%shift_right_arithmetic3A_483, %dma_wait3A_1638] : memref<208x100000xf32, #tpu.memory_space<hbm>> -> memref<1x100000xf32, #tpu.memory_space<hbm>>
      %dma_wait3A_1640 = tpu.memref_squeeze %dma_wait3A_1639 : memref<1x100000xf32, #tpu.memory_space<hbm>> -> memref<100000xf32, #tpu.memory_space<hbm>>
      %dma_wait3A_1641 = arith.constant 0 : i32
      %dma_wait3A_1642 = tpu.memref_slice %dma_wait3A_1640[%dma_wait3A_1641] : memref<100000xf32, #tpu.memory_space<hbm>> -> memref<100000xf32, #tpu.memory_space<hbm>>
      tpu.wait_indirect_dma semaphore(%arg7 : memref<!tpu.dma_semaphore, #tpu.memory_space<semaphore_mem>>) src(%dma_wait3A_1642 : memref<100000xf32, #tpu.memory_space<hbm>>) dst(%dma_wait3A_1634 : memref<128xf32, #tpu.memory_space<vmem>>)
      %dma_wait3A_1643 = tpu.memref_slice %arg6[%shift_right_arithmetic3A_505, %mul3A_511] : memref<208x512xf32, #tpu.memory_space<vmem>> -> memref<1x128xf32, #tpu.memory_space<vmem>>
      %dma_wait3A_1644 = tpu.memref_squeeze %dma_wait3A_1643 : memref<1x128xf32, #tpu.memory_space<vmem>> -> memref<128xf32, #tpu.memory_space<vmem>>
      %dma_wait3A_1645 = arith.constant 0 : i32
      %dma_wait3A_1646 = tpu.memref_slice %arg5[%shift_right_arithmetic3A_509, %and3A_507, %dma_wait3A_1645] : memref<26x4x128xi32, #tpu.memory_space<vmem>> -> memref<1x1x128xi32, #tpu.memory_space<vmem>>
      %dma_wait3A_1647 = tpu.memref_squeeze %dma_wait3A_1646 : memref<1x1x128xi32, #tpu.memory_space<vmem>> -> memref<128xi32, #tpu.memory_space<vmem>>
      %dma_wait3A_1648 = arith.constant 0 : i32
      %dma_wait3A_1649 = tpu.memref_slice %arg3[%shift_right_arithmetic3A_505, %dma_wait3A_1648] : memref<208x100000xf32, #tpu.memory_space<hbm>> -> memref<1x100000xf32, #tpu.memory_space<hbm>>
      %dma_wait3A_1650 = tpu.memref_squeeze %dma_wait3A_1649 : memref<1x100000xf32, #tpu.memory_space<hbm>> -> memref<100000xf32, #tpu.memory_space<hbm>>
      %dma_wait3A_1651 = arith.constant 0 : i32
      %dma_wait3A_1652 = tpu.memref_slice %dma_wait3A_1650[%dma_wait3A_1651] : memref<100000xf32, #tpu.memory_space<hbm>> -> memref<100000xf32, #tpu.memory_space<hbm>>
      tpu.wait_indirect_dma semaphore(%arg7 : memref<!tpu.dma_semaphore, #tpu.memory_space<semaphore_mem>>) src(%dma_wait3A_1652 : memref<100000xf32, #tpu.memory_space<hbm>>) dst(%dma_wait3A_1644 : memref<128xf32, #tpu.memory_space<vmem>>)
      %dma_wait3A_1653 = tpu.memref_slice %arg6[%shift_right_arithmetic3A_527, %mul3A_533] : memref<208x512xf32, #tpu.memory_space<vmem>> -> memref<1x128xf32, #tpu.memory_space<vmem>>
      %dma_wait3A_1654 = tpu.memref_squeeze %dma_wait3A_1653 : memref<1x128xf32, #tpu.memory_space<vmem>> -> memref<128xf32, #tpu.memory_space<vmem>>
      %dma_wait3A_1655 = arith.constant 0 : i32
      %dma_wait3A_1656 = tpu.memref_slice %arg5[%shift_right_arithmetic3A_531, %and3A_529, %dma_wait3A_1655] : memref<26x4x128xi32, #tpu.memory_space<vmem>> -> memref<1x1x128xi32, #tpu.memory_space<vmem>>
      %dma_wait3A_1657 = tpu.memref_squeeze %dma_wait3A_1656 : memref<1x1x128xi32, #tpu.memory_space<vmem>> -> memref<128xi32, #tpu.memory_space<vmem>>
      %dma_wait3A_1658 = arith.constant 0 : i32
      %dma_wait3A_1659 = tpu.memref_slice %arg3[%shift_right_arithmetic3A_527, %dma_wait3A_1658] : memref<208x100000xf32, #tpu.memory_space<hbm>> -> memref<1x100000xf32, #tpu.memory_space<hbm>>
      %dma_wait3A_1660 = tpu.memref_squeeze %dma_wait3A_1659 : memref<1x100000xf32, #tpu.memory_space<hbm>> -> memref<100000xf32, #tpu.memory_space<hbm>>
      %dma_wait3A_1661 = arith.constant 0 : i32
      %dma_wait3A_1662 = tpu.memref_slice %dma_wait3A_1660[%dma_wait3A_1661] : memref<100000xf32, #tpu.memory_space<hbm>> -> memref<100000xf32, #tpu.memory_space<hbm>>
      tpu.wait_indirect_dma semaphore(%arg7 : memref<!tpu.dma_semaphore, #tpu.memory_space<semaphore_mem>>) src(%dma_wait3A_1662 : memref<100000xf32, #tpu.memory_space<hbm>>) dst(%dma_wait3A_1654 : memref<128xf32, #tpu.memory_space<vmem>>)
      %dma_wait3A_1663 = tpu.memref_slice %arg6[%shift_right_arithmetic3A_549, %mul3A_555] : memref<208x512xf32, #tpu.memory_space<vmem>> -> memref<1x128xf32, #tpu.memory_space<vmem>>
      %dma_wait3A_1664 = tpu.memref_squeeze %dma_wait3A_1663 : memref<1x128xf32, #tpu.memory_space<vmem>> -> memref<128xf32, #tpu.memory_space<vmem>>
      %dma_wait3A_1665 = arith.constant 0 : i32
      %dma_wait3A_1666 = tpu.memref_slice %arg5[%shift_right_arithmetic3A_553, %and3A_551, %dma_wait3A_1665] : memref<26x4x128xi32, #tpu.memory_space<vmem>> -> memref<1x1x128xi32, #tpu.memory_space<vmem>>
      %dma_wait3A_1667 = tpu.memref_squeeze %dma_wait3A_1666 : memref<1x1x128xi32, #tpu.memory_space<vmem>> -> memref<128xi32, #tpu.memory_space<vmem>>
      %dma_wait3A_1668 = arith.constant 0 : i32
      %dma_wait3A_1669 = tpu.memref_slice %arg3[%shift_right_arithmetic3A_549, %dma_wait3A_1668] : memref<208x100000xf32, #tpu.memory_space<hbm>> -> memref<1x100000xf32, #tpu.memory_space<hbm>>
      %dma_wait3A_1670 = tpu.memref_squeeze %dma_wait3A_1669 : memref<1x100000xf32, #tpu.memory_space<hbm>> -> memref<100000xf32, #tpu.memory_space<hbm>>
      %dma_wait3A_1671 = arith.constant 0 : i32
      %dma_wait3A_1672 = tpu.memref_slice %dma_wait3A_1670[%dma_wait3A_1671] : memref<100000xf32, #tpu.memory_space<hbm>> -> memref<100000xf32, #tpu.memory_space<hbm>>
      tpu.wait_indirect_dma semaphore(%arg7 : memref<!tpu.dma_semaphore, #tpu.memory_space<semaphore_mem>>) src(%dma_wait3A_1672 : memref<100000xf32, #tpu.memory_space<hbm>>) dst(%dma_wait3A_1664 : memref<128xf32, #tpu.memory_space<vmem>>)
      %dma_wait3A_1673 = tpu.memref_slice %arg6[%shift_right_arithmetic3A_571, %mul3A_577] : memref<208x512xf32, #tpu.memory_space<vmem>> -> memref<1x128xf32, #tpu.memory_space<vmem>>
      %dma_wait3A_1674 = tpu.memref_squeeze %dma_wait3A_1673 : memref<1x128xf32, #tpu.memory_space<vmem>> -> memref<128xf32, #tpu.memory_space<vmem>>
      %dma_wait3A_1675 = arith.constant 0 : i32
      %dma_wait3A_1676 = tpu.memref_slice %arg5[%shift_right_arithmetic3A_575, %and3A_573, %dma_wait3A_1675] : memref<26x4x128xi32, #tpu.memory_space<vmem>> -> memref<1x1x128xi32, #tpu.memory_space<vmem>>
      %dma_wait3A_1677 = tpu.memref_squeeze %dma_wait3A_1676 : memref<1x1x128xi32, #tpu.memory_space<vmem>> -> memref<128xi32, #tpu.memory_space<vmem>>
      %dma_wait3A_1678 = arith.constant 0 : i32
      %dma_wait3A_1679 = tpu.memref_slice %arg3[%shift_right_arithmetic3A_571, %dma_wait3A_1678] : memref<208x100000xf32, #tpu.memory_space<hbm>> -> memref<1x100000xf32, #tpu.memory_space<hbm>>
      %dma_wait3A_1680 = tpu.memref_squeeze %dma_wait3A_1679 : memref<1x100000xf32, #tpu.memory_space<hbm>> -> memref<100000xf32, #tpu.memory_space<hbm>>
      %dma_wait3A_1681 = arith.constant 0 : i32
      %dma_wait3A_1682 = tpu.memref_slice %dma_wait3A_1680[%dma_wait3A_1681] : memref<100000xf32, #tpu.memory_space<hbm>> -> memref<100000xf32, #tpu.memory_space<hbm>>
      tpu.wait_indirect_dma semaphore(%arg7 : memref<!tpu.dma_semaphore, #tpu.memory_space<semaphore_mem>>) src(%dma_wait3A_1682 : memref<100000xf32, #tpu.memory_space<hbm>>) dst(%dma_wait3A_1674 : memref<128xf32, #tpu.memory_space<vmem>>)
      %dma_wait3A_1683 = tpu.memref_slice %arg6[%shift_right_arithmetic3A_593, %mul3A_599] : memref<208x512xf32, #tpu.memory_space<vmem>> -> memref<1x128xf32, #tpu.memory_space<vmem>>
      %dma_wait3A_1684 = tpu.memref_squeeze %dma_wait3A_1683 : memref<1x128xf32, #tpu.memory_space<vmem>> -> memref<128xf32, #tpu.memory_space<vmem>>
      %dma_wait3A_1685 = arith.constant 0 : i32
      %dma_wait3A_1686 = tpu.memref_slice %arg5[%shift_right_arithmetic3A_597, %and3A_595, %dma_wait3A_1685] : memref<26x4x128xi32, #tpu.memory_space<vmem>> -> memref<1x1x128xi32, #tpu.memory_space<vmem>>
      %dma_wait3A_1687 = tpu.memref_squeeze %dma_wait3A_1686 : memref<1x1x128xi32, #tpu.memory_space<vmem>> -> memref<128xi32, #tpu.memory_space<vmem>>
      %dma_wait3A_1688 = arith.constant 0 : i32
      %dma_wait3A_1689 = tpu.memref_slice %arg3[%shift_right_arithmetic3A_593, %dma_wait3A_1688] : memref<208x100000xf32, #tpu.memory_space<hbm>> -> memref<1x100000xf32, #tpu.memory_space<hbm>>
      %dma_wait3A_1690 = tpu.memref_squeeze %dma_wait3A_1689 : memref<1x100000xf32, #tpu.memory_space<hbm>> -> memref<100000xf32, #tpu.memory_space<hbm>>
      %dma_wait3A_1691 = arith.constant 0 : i32
      %dma_wait3A_1692 = tpu.memref_slice %dma_wait3A_1690[%dma_wait3A_1691] : memref<100000xf32, #tpu.memory_space<hbm>> -> memref<100000xf32, #tpu.memory_space<hbm>>
      tpu.wait_indirect_dma semaphore(%arg7 : memref<!tpu.dma_semaphore, #tpu.memory_space<semaphore_mem>>) src(%dma_wait3A_1692 : memref<100000xf32, #tpu.memory_space<hbm>>) dst(%dma_wait3A_1684 : memref<128xf32, #tpu.memory_space<vmem>>)
      %dma_wait3A_1693 = tpu.memref_slice %arg6[%shift_right_arithmetic3A_615, %mul3A_621] : memref<208x512xf32, #tpu.memory_space<vmem>> -> memref<1x128xf32, #tpu.memory_space<vmem>>
      %dma_wait3A_1694 = tpu.memref_squeeze %dma_wait3A_1693 : memref<1x128xf32, #tpu.memory_space<vmem>> -> memref<128xf32, #tpu.memory_space<vmem>>
      %dma_wait3A_1695 = arith.constant 0 : i32
      %dma_wait3A_1696 = tpu.memref_slice %arg5[%shift_right_arithmetic3A_619, %and3A_617, %dma_wait3A_1695] : memref<26x4x128xi32, #tpu.memory_space<vmem>> -> memref<1x1x128xi32, #tpu.memory_space<vmem>>
      %dma_wait3A_1697 = tpu.memref_squeeze %dma_wait3A_1696 : memref<1x1x128xi32, #tpu.memory_space<vmem>> -> memref<128xi32, #tpu.memory_space<vmem>>
      %dma_wait3A_1698 = arith.constant 0 : i32
      %dma_wait3A_1699 = tpu.memref_slice %arg3[%shift_right_arithmetic3A_615, %dma_wait3A_1698] : memref<208x100000xf32, #tpu.memory_space<hbm>> -> memref<1x100000xf32, #tpu.memory_space<hbm>>
      %dma_wait3A_1700 = tpu.memref_squeeze %dma_wait3A_1699 : memref<1x100000xf32, #tpu.memory_space<hbm>> -> memref<100000xf32, #tpu.memory_space<hbm>>
      %dma_wait3A_1701 = arith.constant 0 : i32
      %dma_wait3A_1702 = tpu.memref_slice %dma_wait3A_1700[%dma_wait3A_1701] : memref<100000xf32, #tpu.memory_space<hbm>> -> memref<100000xf32, #tpu.memory_space<hbm>>
      tpu.wait_indirect_dma semaphore(%arg7 : memref<!tpu.dma_semaphore, #tpu.memory_space<semaphore_mem>>) src(%dma_wait3A_1702 : memref<100000xf32, #tpu.memory_space<hbm>>) dst(%dma_wait3A_1694 : memref<128xf32, #tpu.memory_space<vmem>>)
      %dma_wait3A_1703 = tpu.memref_slice %arg6[%shift_right_arithmetic3A_637, %mul3A_643] : memref<208x512xf32, #tpu.memory_space<vmem>> -> memref<1x128xf32, #tpu.memory_space<vmem>>
      %dma_wait3A_1704 = tpu.memref_squeeze %dma_wait3A_1703 : memref<1x128xf32, #tpu.memory_space<vmem>> -> memref<128xf32, #tpu.memory_space<vmem>>
      %dma_wait3A_1705 = arith.constant 0 : i32
      %dma_wait3A_1706 = tpu.memref_slice %arg5[%shift_right_arithmetic3A_641, %and3A_639, %dma_wait3A_1705] : memref<26x4x128xi32, #tpu.memory_space<vmem>> -> memref<1x1x128xi32, #tpu.memory_space<vmem>>
      %dma_wait3A_1707 = tpu.memref_squeeze %dma_wait3A_1706 : memref<1x1x128xi32, #tpu.memory_space<vmem>> -> memref<128xi32, #tpu.memory_space<vmem>>
      %dma_wait3A_1708 = arith.constant 0 : i32
      %dma_wait3A_1709 = tpu.memref_slice %arg3[%shift_right_arithmetic3A_637, %dma_wait3A_1708] : memref<208x100000xf32, #tpu.memory_space<hbm>> -> memref<1x100000xf32, #tpu.memory_space<hbm>>
      %dma_wait3A_1710 = tpu.memref_squeeze %dma_wait3A_1709 : memref<1x100000xf32, #tpu.memory_space<hbm>> -> memref<100000xf32, #tpu.memory_space<hbm>>
      %dma_wait3A_1711 = arith.constant 0 : i32
      %dma_wait3A_1712 = tpu.memref_slice %dma_wait3A_1710[%dma_wait3A_1711] : memref<100000xf32, #tpu.memory_space<hbm>> -> memref<100000xf32, #tpu.memory_space<hbm>>
      tpu.wait_indirect_dma semaphore(%arg7 : memref<!tpu.dma_semaphore, #tpu.memory_space<semaphore_mem>>) src(%dma_wait3A_1712 : memref<100000xf32, #tpu.memory_space<hbm>>) dst(%dma_wait3A_1704 : memref<128xf32, #tpu.memory_space<vmem>>)
      %dma_wait3A_1713 = tpu.memref_slice %arg6[%shift_right_arithmetic3A_659, %mul3A_665] : memref<208x512xf32, #tpu.memory_space<vmem>> -> memref<1x128xf32, #tpu.memory_space<vmem>>
      %dma_wait3A_1714 = tpu.memref_squeeze %dma_wait3A_1713 : memref<1x128xf32, #tpu.memory_space<vmem>> -> memref<128xf32, #tpu.memory_space<vmem>>
      %dma_wait3A_1715 = arith.constant 0 : i32
      %dma_wait3A_1716 = tpu.memref_slice %arg5[%shift_right_arithmetic3A_663, %and3A_661, %dma_wait3A_1715] : memref<26x4x128xi32, #tpu.memory_space<vmem>> -> memref<1x1x128xi32, #tpu.memory_space<vmem>>
      %dma_wait3A_1717 = tpu.memref_squeeze %dma_wait3A_1716 : memref<1x1x128xi32, #tpu.memory_space<vmem>> -> memref<128xi32, #tpu.memory_space<vmem>>
      %dma_wait3A_1718 = arith.constant 0 : i32
      %dma_wait3A_1719 = tpu.memref_slice %arg3[%shift_right_arithmetic3A_659, %dma_wait3A_1718] : memref<208x100000xf32, #tpu.memory_space<hbm>> -> memref<1x100000xf32, #tpu.memory_space<hbm>>
      %dma_wait3A_1720 = tpu.memref_squeeze %dma_wait3A_1719 : memref<1x100000xf32, #tpu.memory_space<hbm>> -> memref<100000xf32, #tpu.memory_space<hbm>>
      %dma_wait3A_1721 = arith.constant 0 : i32
      %dma_wait3A_1722 = tpu.memref_slice %dma_wait3A_1720[%dma_wait3A_1721] : memref<100000xf32, #tpu.memory_space<hbm>> -> memref<100000xf32, #tpu.memory_space<hbm>>
      tpu.wait_indirect_dma semaphore(%arg7 : memref<!tpu.dma_semaphore, #tpu.memory_space<semaphore_mem>>) src(%dma_wait3A_1722 : memref<100000xf32, #tpu.memory_space<hbm>>) dst(%dma_wait3A_1714 : memref<128xf32, #tpu.memory_space<vmem>>)
      %dma_wait3A_1723 = tpu.memref_slice %arg6[%shift_right_arithmetic3A_681, %mul3A_687] : memref<208x512xf32, #tpu.memory_space<vmem>> -> memref<1x128xf32, #tpu.memory_space<vmem>>
      %dma_wait3A_1724 = tpu.memref_squeeze %dma_wait3A_1723 : memref<1x128xf32, #tpu.memory_space<vmem>> -> memref<128xf32, #tpu.memory_space<vmem>>
      %dma_wait3A_1725 = arith.constant 0 : i32
      %dma_wait3A_1726 = tpu.memref_slice %arg5[%shift_right_arithmetic3A_685, %and3A_683, %dma_wait3A_1725] : memref<26x4x128xi32, #tpu.memory_space<vmem>> -> memref<1x1x128xi32, #tpu.memory_space<vmem>>
      %dma_wait3A_1727 = tpu.memref_squeeze %dma_wait3A_1726 : memref<1x1x128xi32, #tpu.memory_space<vmem>> -> memref<128xi32, #tpu.memory_space<vmem>>
      %dma_wait3A_1728 = arith.constant 0 : i32
      %dma_wait3A_1729 = tpu.memref_slice %arg3[%shift_right_arithmetic3A_681, %dma_wait3A_1728] : memref<208x100000xf32, #tpu.memory_space<hbm>> -> memref<1x100000xf32, #tpu.memory_space<hbm>>
      %dma_wait3A_1730 = tpu.memref_squeeze %dma_wait3A_1729 : memref<1x100000xf32, #tpu.memory_space<hbm>> -> memref<100000xf32, #tpu.memory_space<hbm>>
      %dma_wait3A_1731 = arith.constant 0 : i32
      %dma_wait3A_1732 = tpu.memref_slice %dma_wait3A_1730[%dma_wait3A_1731] : memref<100000xf32, #tpu.memory_space<hbm>> -> memref<100000xf32, #tpu.memory_space<hbm>>
      tpu.wait_indirect_dma semaphore(%arg7 : memref<!tpu.dma_semaphore, #tpu.memory_space<semaphore_mem>>) src(%dma_wait3A_1732 : memref<100000xf32, #tpu.memory_space<hbm>>) dst(%dma_wait3A_1724 : memref<128xf32, #tpu.memory_space<vmem>>)
      %dma_wait3A_1733 = tpu.memref_slice %arg6[%shift_right_arithmetic3A_703, %mul3A_709] : memref<208x512xf32, #tpu.memory_space<vmem>> -> memref<1x128xf32, #tpu.memory_space<vmem>>
      %dma_wait3A_1734 = tpu.memref_squeeze %dma_wait3A_1733 : memref<1x128xf32, #tpu.memory_space<vmem>> -> memref<128xf32, #tpu.memory_space<vmem>>
      %dma_wait3A_1735 = arith.constant 0 : i32
      %dma_wait3A_1736 = tpu.memref_slice %arg5[%shift_right_arithmetic3A_707, %and3A_705, %dma_wait3A_1735] : memref<26x4x128xi32, #tpu.memory_space<vmem>> -> memref<1x1x128xi32, #tpu.memory_space<vmem>>
      %dma_wait3A_1737 = tpu.memref_squeeze %dma_wait3A_1736 : memref<1x1x128xi32, #tpu.memory_space<vmem>> -> memref<128xi32, #tpu.memory_space<vmem>>
      %dma_wait3A_1738 = arith.constant 0 : i32
      %dma_wait3A_1739 = tpu.memref_slice %arg3[%shift_right_arithmetic3A_703, %dma_wait3A_1738] : memref<208x100000xf32, #tpu.memory_space<hbm>> -> memref<1x100000xf32, #tpu.memory_space<hbm>>
      %dma_wait3A_1740 = tpu.memref_squeeze %dma_wait3A_1739 : memref<1x100000xf32, #tpu.memory_space<hbm>> -> memref<100000xf32, #tpu.memory_space<hbm>>
      %dma_wait3A_1741 = arith.constant 0 : i32
      %dma_wait3A_1742 = tpu.memref_slice %dma_wait3A_1740[%dma_wait3A_1741] : memref<100000xf32, #tpu.memory_space<hbm>> -> memref<100000xf32, #tpu.memory_space<hbm>>
      tpu.wait_indirect_dma semaphore(%arg7 : memref<!tpu.dma_semaphore, #tpu.memory_space<semaphore_mem>>) src(%dma_wait3A_1742 : memref<100000xf32, #tpu.memory_space<hbm>>) dst(%dma_wait3A_1734 : memref<128xf32, #tpu.memory_space<vmem>>)
      %dma_wait3A_1743 = tpu.memref_slice %arg6[%shift_right_arithmetic3A_725, %mul3A_731] : memref<208x512xf32, #tpu.memory_space<vmem>> -> memref<1x128xf32, #tpu.memory_space<vmem>>
      %dma_wait3A_1744 = tpu.memref_squeeze %dma_wait3A_1743 : memref<1x128xf32, #tpu.memory_space<vmem>> -> memref<128xf32, #tpu.memory_space<vmem>>
      %dma_wait3A_1745 = arith.constant 0 : i32
      %dma_wait3A_1746 = tpu.memref_slice %arg5[%shift_right_arithmetic3A_729, %and3A_727, %dma_wait3A_1745] : memref<26x4x128xi32, #tpu.memory_space<vmem>> -> memref<1x1x128xi32, #tpu.memory_space<vmem>>
      %dma_wait3A_1747 = tpu.memref_squeeze %dma_wait3A_1746 : memref<1x1x128xi32, #tpu.memory_space<vmem>> -> memref<128xi32, #tpu.memory_space<vmem>>
      %dma_wait3A_1748 = arith.constant 0 : i32
      %dma_wait3A_1749 = tpu.memref_slice %arg3[%shift_right_arithmetic3A_725, %dma_wait3A_1748] : memref<208x100000xf32, #tpu.memory_space<hbm>> -> memref<1x100000xf32, #tpu.memory_space<hbm>>
      %dma_wait3A_1750 = tpu.memref_squeeze %dma_wait3A_1749 : memref<1x100000xf32, #tpu.memory_space<hbm>> -> memref<100000xf32, #tpu.memory_space<hbm>>
      %dma_wait3A_1751 = arith.constant 0 : i32
      %dma_wait3A_1752 = tpu.memref_slice %dma_wait3A_1750[%dma_wait3A_1751] : memref<100000xf32, #tpu.memory_space<hbm>> -> memref<100000xf32, #tpu.memory_space<hbm>>
      tpu.wait_indirect_dma semaphore(%arg7 : memref<!tpu.dma_semaphore, #tpu.memory_space<semaphore_mem>>) src(%dma_wait3A_1752 : memref<100000xf32, #tpu.memory_space<hbm>>) dst(%dma_wait3A_1744 : memref<128xf32, #tpu.memory_space<vmem>>)
      %dma_wait3A_1753 = tpu.memref_slice %arg6[%shift_right_arithmetic3A_747, %mul3A_753] : memref<208x512xf32, #tpu.memory_space<vmem>> -> memref<1x128xf32, #tpu.memory_space<vmem>>
      %dma_wait3A_1754 = tpu.memref_squeeze %dma_wait3A_1753 : memref<1x128xf32, #tpu.memory_space<vmem>> -> memref<128xf32, #tpu.memory_space<vmem>>
      %dma_wait3A_1755 = arith.constant 0 : i32
      %dma_wait3A_1756 = tpu.memref_slice %arg5[%shift_right_arithmetic3A_751, %and3A_749, %dma_wait3A_1755] : memref<26x4x128xi32, #tpu.memory_space<vmem>> -> memref<1x1x128xi32, #tpu.memory_space<vmem>>
      %dma_wait3A_1757 = tpu.memref_squeeze %dma_wait3A_1756 : memref<1x1x128xi32, #tpu.memory_space<vmem>> -> memref<128xi32, #tpu.memory_space<vmem>>
      %dma_wait3A_1758 = arith.constant 0 : i32
      %dma_wait3A_1759 = tpu.memref_slice %arg3[%shift_right_arithmetic3A_747, %dma_wait3A_1758] : memref<208x100000xf32, #tpu.memory_space<hbm>> -> memref<1x100000xf32, #tpu.memory_space<hbm>>
      %dma_wait3A_1760 = tpu.memref_squeeze %dma_wait3A_1759 : memref<1x100000xf32, #tpu.memory_space<hbm>> -> memref<100000xf32, #tpu.memory_space<hbm>>
      %dma_wait3A_1761 = arith.constant 0 : i32
      %dma_wait3A_1762 = tpu.memref_slice %dma_wait3A_1760[%dma_wait3A_1761] : memref<100000xf32, #tpu.memory_space<hbm>> -> memref<100000xf32, #tpu.memory_space<hbm>>
      tpu.wait_indirect_dma semaphore(%arg7 : memref<!tpu.dma_semaphore, #tpu.memory_space<semaphore_mem>>) src(%dma_wait3A_1762 : memref<100000xf32, #tpu.memory_space<hbm>>) dst(%dma_wait3A_1754 : memref<128xf32, #tpu.memory_space<vmem>>)
      %dma_wait3A_1763 = tpu.memref_slice %arg6[%shift_right_arithmetic3A_769, %mul3A_775] : memref<208x512xf32, #tpu.memory_space<vmem>> -> memref<1x128xf32, #tpu.memory_space<vmem>>
      %dma_wait3A_1764 = tpu.memref_squeeze %dma_wait3A_1763 : memref<1x128xf32, #tpu.memory_space<vmem>> -> memref<128xf32, #tpu.memory_space<vmem>>
      %dma_wait3A_1765 = arith.constant 0 : i32
      %dma_wait3A_1766 = tpu.memref_slice %arg5[%shift_right_arithmetic3A_773, %and3A_771, %dma_wait3A_1765] : memref<26x4x128xi32, #tpu.memory_space<vmem>> -> memref<1x1x128xi32, #tpu.memory_space<vmem>>
      %dma_wait3A_1767 = tpu.memref_squeeze %dma_wait3A_1766 : memref<1x1x128xi32, #tpu.memory_space<vmem>> -> memref<128xi32, #tpu.memory_space<vmem>>
      %dma_wait3A_1768 = arith.constant 0 : i32
      %dma_wait3A_1769 = tpu.memref_slice %arg3[%shift_right_arithmetic3A_769, %dma_wait3A_1768] : memref<208x100000xf32, #tpu.memory_space<hbm>> -> memref<1x100000xf32, #tpu.memory_space<hbm>>
      %dma_wait3A_1770 = tpu.memref_squeeze %dma_wait3A_1769 : memref<1x100000xf32, #tpu.memory_space<hbm>> -> memref<100000xf32, #tpu.memory_space<hbm>>
      %dma_wait3A_1771 = arith.constant 0 : i32
      %dma_wait3A_1772 = tpu.memref_slice %dma_wait3A_1770[%dma_wait3A_1771] : memref<100000xf32, #tpu.memory_space<hbm>> -> memref<100000xf32, #tpu.memory_space<hbm>>
      tpu.wait_indirect_dma semaphore(%arg7 : memref<!tpu.dma_semaphore, #tpu.memory_space<semaphore_mem>>) src(%dma_wait3A_1772 : memref<100000xf32, #tpu.memory_space<hbm>>) dst(%dma_wait3A_1764 : memref<128xf32, #tpu.memory_space<vmem>>)
      %dma_wait3A_1773 = tpu.memref_slice %arg6[%shift_right_arithmetic3A_791, %mul3A_797] : memref<208x512xf32, #tpu.memory_space<vmem>> -> memref<1x128xf32, #tpu.memory_space<vmem>>
      %dma_wait3A_1774 = tpu.memref_squeeze %dma_wait3A_1773 : memref<1x128xf32, #tpu.memory_space<vmem>> -> memref<128xf32, #tpu.memory_space<vmem>>
      %dma_wait3A_1775 = arith.constant 0 : i32
      %dma_wait3A_1776 = tpu.memref_slice %arg5[%shift_right_arithmetic3A_795, %and3A_793, %dma_wait3A_1775] : memref<26x4x128xi32, #tpu.memory_space<vmem>> -> memref<1x1x128xi32, #tpu.memory_space<vmem>>
      %dma_wait3A_1777 = tpu.memref_squeeze %dma_wait3A_1776 : memref<1x1x128xi32, #tpu.memory_space<vmem>> -> memref<128xi32, #tpu.memory_space<vmem>>
      %dma_wait3A_1778 = arith.constant 0 : i32
      %dma_wait3A_1779 = tpu.memref_slice %arg3[%shift_right_arithmetic3A_791, %dma_wait3A_1778] : memref<208x100000xf32, #tpu.memory_space<hbm>> -> memref<1x100000xf32, #tpu.memory_space<hbm>>
      %dma_wait3A_1780 = tpu.memref_squeeze %dma_wait3A_1779 : memref<1x100000xf32, #tpu.memory_space<hbm>> -> memref<100000xf32, #tpu.memory_space<hbm>>
      %dma_wait3A_1781 = arith.constant 0 : i32
      %dma_wait3A_1782 = tpu.memref_slice %dma_wait3A_1780[%dma_wait3A_1781] : memref<100000xf32, #tpu.memory_space<hbm>> -> memref<100000xf32, #tpu.memory_space<hbm>>
      tpu.wait_indirect_dma semaphore(%arg7 : memref<!tpu.dma_semaphore, #tpu.memory_space<semaphore_mem>>) src(%dma_wait3A_1782 : memref<100000xf32, #tpu.memory_space<hbm>>) dst(%dma_wait3A_1774 : memref<128xf32, #tpu.memory_space<vmem>>)
      %dma_wait3A_1783 = tpu.memref_slice %arg6[%shift_right_arithmetic3A_813, %mul3A_819] : memref<208x512xf32, #tpu.memory_space<vmem>> -> memref<1x128xf32, #tpu.memory_space<vmem>>
      %dma_wait3A_1784 = tpu.memref_squeeze %dma_wait3A_1783 : memref<1x128xf32, #tpu.memory_space<vmem>> -> memref<128xf32, #tpu.memory_space<vmem>>
      %dma_wait3A_1785 = arith.constant 0 : i32
      %dma_wait3A_1786 = tpu.memref_slice %arg5[%shift_right_arithmetic3A_817, %and3A_815, %dma_wait3A_1785] : memref<26x4x128xi32, #tpu.memory_space<vmem>> -> memref<1x1x128xi32, #tpu.memory_space<vmem>>
      %dma_wait3A_1787 = tpu.memref_squeeze %dma_wait3A_1786 : memref<1x1x128xi32, #tpu.memory_space<vmem>> -> memref<128xi32, #tpu.memory_space<vmem>>
      %dma_wait3A_1788 = arith.constant 0 : i32
      %dma_wait3A_1789 = tpu.memref_slice %arg3[%shift_right_arithmetic3A_813, %dma_wait3A_1788] : memref<208x100000xf32, #tpu.memory_space<hbm>> -> memref<1x100000xf32, #tpu.memory_space<hbm>>
      %dma_wait3A_1790 = tpu.memref_squeeze %dma_wait3A_1789 : memref<1x100000xf32, #tpu.memory_space<hbm>> -> memref<100000xf32, #tpu.memory_space<hbm>>
      %dma_wait3A_1791 = arith.constant 0 : i32
      %dma_wait3A_1792 = tpu.memref_slice %dma_wait3A_1790[%dma_wait3A_1791] : memref<100000xf32, #tpu.memory_space<hbm>> -> memref<100000xf32, #tpu.memory_space<hbm>>
      tpu.wait_indirect_dma semaphore(%arg7 : memref<!tpu.dma_semaphore, #tpu.memory_space<semaphore_mem>>) src(%dma_wait3A_1792 : memref<100000xf32, #tpu.memory_space<hbm>>) dst(%dma_wait3A_1784 : memref<128xf32, #tpu.memory_space<vmem>>)
      %dma_wait3A_1793 = tpu.memref_slice %arg6[%shift_right_arithmetic3A_835, %mul3A_841] : memref<208x512xf32, #tpu.memory_space<vmem>> -> memref<1x128xf32, #tpu.memory_space<vmem>>
      %dma_wait3A_1794 = tpu.memref_squeeze %dma_wait3A_1793 : memref<1x128xf32, #tpu.memory_space<vmem>> -> memref<128xf32, #tpu.memory_space<vmem>>
      %dma_wait3A_1795 = arith.constant 0 : i32
      %dma_wait3A_1796 = tpu.memref_slice %arg5[%shift_right_arithmetic3A_839, %and3A_837, %dma_wait3A_1795] : memref<26x4x128xi32, #tpu.memory_space<vmem>> -> memref<1x1x128xi32, #tpu.memory_space<vmem>>
      %dma_wait3A_1797 = tpu.memref_squeeze %dma_wait3A_1796 : memref<1x1x128xi32, #tpu.memory_space<vmem>> -> memref<128xi32, #tpu.memory_space<vmem>>
      %dma_wait3A_1798 = arith.constant 0 : i32
      %dma_wait3A_1799 = tpu.memref_slice %arg3[%shift_right_arithmetic3A_835, %dma_wait3A_1798] : memref<208x100000xf32, #tpu.memory_space<hbm>> -> memref<1x100000xf32, #tpu.memory_space<hbm>>
      %dma_wait3A_1800 = tpu.memref_squeeze %dma_wait3A_1799 : memref<1x100000xf32, #tpu.memory_space<hbm>> -> memref<100000xf32, #tpu.memory_space<hbm>>
      %dma_wait3A_1801 = arith.constant 0 : i32
      %dma_wait3A_1802 = tpu.memref_slice %dma_wait3A_1800[%dma_wait3A_1801] : memref<100000xf32, #tpu.memory_space<hbm>> -> memref<100000xf32, #tpu.memory_space<hbm>>
      tpu.wait_indirect_dma semaphore(%arg7 : memref<!tpu.dma_semaphore, #tpu.memory_space<semaphore_mem>>) src(%dma_wait3A_1802 : memref<100000xf32, #tpu.memory_space<hbm>>) dst(%dma_wait3A_1794 : memref<128xf32, #tpu.memory_space<vmem>>)
      %dma_wait3A_1803 = tpu.memref_slice %arg6[%shift_right_arithmetic3A_857, %mul3A_863] : memref<208x512xf32, #tpu.memory_space<vmem>> -> memref<1x128xf32, #tpu.memory_space<vmem>>
      %dma_wait3A_1804 = tpu.memref_squeeze %dma_wait3A_1803 : memref<1x128xf32, #tpu.memory_space<vmem>> -> memref<128xf32, #tpu.memory_space<vmem>>
      %dma_wait3A_1805 = arith.constant 0 : i32
      %dma_wait3A_1806 = tpu.memref_slice %arg5[%shift_right_arithmetic3A_861, %and3A_859, %dma_wait3A_1805] : memref<26x4x128xi32, #tpu.memory_space<vmem>> -> memref<1x1x128xi32, #tpu.memory_space<vmem>>
      %dma_wait3A_1807 = tpu.memref_squeeze %dma_wait3A_1806 : memref<1x1x128xi32, #tpu.memory_space<vmem>> -> memref<128xi32, #tpu.memory_space<vmem>>
      %dma_wait3A_1808 = arith.constant 0 : i32
      %dma_wait3A_1809 = tpu.memref_slice %arg3[%shift_right_arithmetic3A_857, %dma_wait3A_1808] : memref<208x100000xf32, #tpu.memory_space<hbm>> -> memref<1x100000xf32, #tpu.memory_space<hbm>>
      %dma_wait3A_1810 = tpu.memref_squeeze %dma_wait3A_1809 : memref<1x100000xf32, #tpu.memory_space<hbm>> -> memref<100000xf32, #tpu.memory_space<hbm>>
      %dma_wait3A_1811 = arith.constant 0 : i32
      %dma_wait3A_1812 = tpu.memref_slice %dma_wait3A_1810[%dma_wait3A_1811] : memref<100000xf32, #tpu.memory_space<hbm>> -> memref<100000xf32, #tpu.memory_space<hbm>>
      tpu.wait_indirect_dma semaphore(%arg7 : memref<!tpu.dma_semaphore, #tpu.memory_space<semaphore_mem>>) src(%dma_wait3A_1812 : memref<100000xf32, #tpu.memory_space<hbm>>) dst(%dma_wait3A_1804 : memref<128xf32, #tpu.memory_space<vmem>>)
      %dma_wait3A_1813 = tpu.memref_slice %arg6[%shift_right_arithmetic3A_879, %mul3A_885] : memref<208x512xf32, #tpu.memory_space<vmem>> -> memref<1x128xf32, #tpu.memory_space<vmem>>
      %dma_wait3A_1814 = tpu.memref_squeeze %dma_wait3A_1813 : memref<1x128xf32, #tpu.memory_space<vmem>> -> memref<128xf32, #tpu.memory_space<vmem>>
      %dma_wait3A_1815 = arith.constant 0 : i32
      %dma_wait3A_1816 = tpu.memref_slice %arg5[%shift_right_arithmetic3A_883, %and3A_881, %dma_wait3A_1815] : memref<26x4x128xi32, #tpu.memory_space<vmem>> -> memref<1x1x128xi32, #tpu.memory_space<vmem>>
      %dma_wait3A_1817 = tpu.memref_squeeze %dma_wait3A_1816 : memref<1x1x128xi32, #tpu.memory_space<vmem>> -> memref<128xi32, #tpu.memory_space<vmem>>
      %dma_wait3A_1818 = arith.constant 0 : i32
      %dma_wait3A_1819 = tpu.memref_slice %arg3[%shift_right_arithmetic3A_879, %dma_wait3A_1818] : memref<208x100000xf32, #tpu.memory_space<hbm>> -> memref<1x100000xf32, #tpu.memory_space<hbm>>
      %dma_wait3A_1820 = tpu.memref_squeeze %dma_wait3A_1819 : memref<1x100000xf32, #tpu.memory_space<hbm>> -> memref<100000xf32, #tpu.memory_space<hbm>>
      %dma_wait3A_1821 = arith.constant 0 : i32
      %dma_wait3A_1822 = tpu.memref_slice %dma_wait3A_1820[%dma_wait3A_1821] : memref<100000xf32, #tpu.memory_space<hbm>> -> memref<100000xf32, #tpu.memory_space<hbm>>
      tpu.wait_indirect_dma semaphore(%arg7 : memref<!tpu.dma_semaphore, #tpu.memory_space<semaphore_mem>>) src(%dma_wait3A_1822 : memref<100000xf32, #tpu.memory_space<hbm>>) dst(%dma_wait3A_1814 : memref<128xf32, #tpu.memory_space<vmem>>)
      %dma_wait3A_1823 = tpu.memref_slice %arg6[%shift_right_arithmetic3A_901, %mul3A_907] : memref<208x512xf32, #tpu.memory_space<vmem>> -> memref<1x128xf32, #tpu.memory_space<vmem>>
      %dma_wait3A_1824 = tpu.memref_squeeze %dma_wait3A_1823 : memref<1x128xf32, #tpu.memory_space<vmem>> -> memref<128xf32, #tpu.memory_space<vmem>>
      %dma_wait3A_1825 = arith.constant 0 : i32
      %dma_wait3A_1826 = tpu.memref_slice %arg5[%shift_right_arithmetic3A_905, %and3A_903, %dma_wait3A_1825] : memref<26x4x128xi32, #tpu.memory_space<vmem>> -> memref<1x1x128xi32, #tpu.memory_space<vmem>>
      %dma_wait3A_1827 = tpu.memref_squeeze %dma_wait3A_1826 : memref<1x1x128xi32, #tpu.memory_space<vmem>> -> memref<128xi32, #tpu.memory_space<vmem>>
      %dma_wait3A_1828 = arith.constant 0 : i32
      %dma_wait3A_1829 = tpu.memref_slice %arg3[%shift_right_arithmetic3A_901, %dma_wait3A_1828] : memref<208x100000xf32, #tpu.memory_space<hbm>> -> memref<1x100000xf32, #tpu.memory_space<hbm>>
      %dma_wait3A_1830 = tpu.memref_squeeze %dma_wait3A_1829 : memref<1x100000xf32, #tpu.memory_space<hbm>> -> memref<100000xf32, #tpu.memory_space<hbm>>
      %dma_wait3A_1831 = arith.constant 0 : i32
      %dma_wait3A_1832 = tpu.memref_slice %dma_wait3A_1830[%dma_wait3A_1831] : memref<100000xf32, #tpu.memory_space<hbm>> -> memref<100000xf32, #tpu.memory_space<hbm>>
      tpu.wait_indirect_dma semaphore(%arg7 : memref<!tpu.dma_semaphore, #tpu.memory_space<semaphore_mem>>) src(%dma_wait3A_1832 : memref<100000xf32, #tpu.memory_space<hbm>>) dst(%dma_wait3A_1824 : memref<128xf32, #tpu.memory_space<vmem>>)
      %dma_wait3A_1833 = tpu.memref_slice %arg6[%shift_right_arithmetic3A_923, %mul3A_929] : memref<208x512xf32, #tpu.memory_space<vmem>> -> memref<1x128xf32, #tpu.memory_space<vmem>>
      %dma_wait3A_1834 = tpu.memref_squeeze %dma_wait3A_1833 : memref<1x128xf32, #tpu.memory_space<vmem>> -> memref<128xf32, #tpu.memory_space<vmem>>
      %dma_wait3A_1835 = arith.constant 0 : i32
      %dma_wait3A_1836 = tpu.memref_slice %arg5[%shift_right_arithmetic3A_927, %and3A_925, %dma_wait3A_1835] : memref<26x4x128xi32, #tpu.memory_space<vmem>> -> memref<1x1x128xi32, #tpu.memory_space<vmem>>
      %dma_wait3A_1837 = tpu.memref_squeeze %dma_wait3A_1836 : memref<1x1x128xi32, #tpu.memory_space<vmem>> -> memref<128xi32, #tpu.memory_space<vmem>>
      %dma_wait3A_1838 = arith.constant 0 : i32
      %dma_wait3A_1839 = tpu.memref_slice %arg3[%shift_right_arithmetic3A_923, %dma_wait3A_1838] : memref<208x100000xf32, #tpu.memory_space<hbm>> -> memref<1x100000xf32, #tpu.memory_space<hbm>>
      %dma_wait3A_1840 = tpu.memref_squeeze %dma_wait3A_1839 : memref<1x100000xf32, #tpu.memory_space<hbm>> -> memref<100000xf32, #tpu.memory_space<hbm>>
      %dma_wait3A_1841 = arith.constant 0 : i32
      %dma_wait3A_1842 = tpu.memref_slice %dma_wait3A_1840[%dma_wait3A_1841] : memref<100000xf32, #tpu.memory_space<hbm>> -> memref<100000xf32, #tpu.memory_space<hbm>>
      tpu.wait_indirect_dma semaphore(%arg7 : memref<!tpu.dma_semaphore, #tpu.memory_space<semaphore_mem>>) src(%dma_wait3A_1842 : memref<100000xf32, #tpu.memory_space<hbm>>) dst(%dma_wait3A_1834 : memref<128xf32, #tpu.memory_space<vmem>>)
      %dma_wait3A_1843 = tpu.memref_slice %arg6[%shift_right_arithmetic3A_945, %mul3A_951] : memref<208x512xf32, #tpu.memory_space<vmem>> -> memref<1x128xf32, #tpu.memory_space<vmem>>
      %dma_wait3A_1844 = tpu.memref_squeeze %dma_wait3A_1843 : memref<1x128xf32, #tpu.memory_space<vmem>> -> memref<128xf32, #tpu.memory_space<vmem>>
      %dma_wait3A_1845 = arith.constant 0 : i32
      %dma_wait3A_1846 = tpu.memref_slice %arg5[%shift_right_arithmetic3A_949, %and3A_947, %dma_wait3A_1845] : memref<26x4x128xi32, #tpu.memory_space<vmem>> -> memref<1x1x128xi32, #tpu.memory_space<vmem>>
      %dma_wait3A_1847 = tpu.memref_squeeze %dma_wait3A_1846 : memref<1x1x128xi32, #tpu.memory_space<vmem>> -> memref<128xi32, #tpu.memory_space<vmem>>
      %dma_wait3A_1848 = arith.constant 0 : i32
      %dma_wait3A_1849 = tpu.memref_slice %arg3[%shift_right_arithmetic3A_945, %dma_wait3A_1848] : memref<208x100000xf32, #tpu.memory_space<hbm>> -> memref<1x100000xf32, #tpu.memory_space<hbm>>
      %dma_wait3A_1850 = tpu.memref_squeeze %dma_wait3A_1849 : memref<1x100000xf32, #tpu.memory_space<hbm>> -> memref<100000xf32, #tpu.memory_space<hbm>>
      %dma_wait3A_1851 = arith.constant 0 : i32
      %dma_wait3A_1852 = tpu.memref_slice %dma_wait3A_1850[%dma_wait3A_1851] : memref<100000xf32, #tpu.memory_space<hbm>> -> memref<100000xf32, #tpu.memory_space<hbm>>
      tpu.wait_indirect_dma semaphore(%arg7 : memref<!tpu.dma_semaphore, #tpu.memory_space<semaphore_mem>>) src(%dma_wait3A_1852 : memref<100000xf32, #tpu.memory_space<hbm>>) dst(%dma_wait3A_1844 : memref<128xf32, #tpu.memory_space<vmem>>)
      %dma_wait3A_1853 = tpu.memref_slice %arg6[%shift_right_arithmetic3A_967, %mul3A_973] : memref<208x512xf32, #tpu.memory_space<vmem>> -> memref<1x128xf32, #tpu.memory_space<vmem>>
      %dma_wait3A_1854 = tpu.memref_squeeze %dma_wait3A_1853 : memref<1x128xf32, #tpu.memory_space<vmem>> -> memref<128xf32, #tpu.memory_space<vmem>>
      %dma_wait3A_1855 = arith.constant 0 : i32
      %dma_wait3A_1856 = tpu.memref_slice %arg5[%shift_right_arithmetic3A_971, %and3A_969, %dma_wait3A_1855] : memref<26x4x128xi32, #tpu.memory_space<vmem>> -> memref<1x1x128xi32, #tpu.memory_space<vmem>>
      %dma_wait3A_1857 = tpu.memref_squeeze %dma_wait3A_1856 : memref<1x1x128xi32, #tpu.memory_space<vmem>> -> memref<128xi32, #tpu.memory_space<vmem>>
      %dma_wait3A_1858 = arith.constant 0 : i32
      %dma_wait3A_1859 = tpu.memref_slice %arg3[%shift_right_arithmetic3A_967, %dma_wait3A_1858] : memref<208x100000xf32, #tpu.memory_space<hbm>> -> memref<1x100000xf32, #tpu.memory_space<hbm>>
      %dma_wait3A_1860 = tpu.memref_squeeze %dma_wait3A_1859 : memref<1x100000xf32, #tpu.memory_space<hbm>> -> memref<100000xf32, #tpu.memory_space<hbm>>
      %dma_wait3A_1861 = arith.constant 0 : i32
      %dma_wait3A_1862 = tpu.memref_slice %dma_wait3A_1860[%dma_wait3A_1861] : memref<100000xf32, #tpu.memory_space<hbm>> -> memref<100000xf32, #tpu.memory_space<hbm>>
      tpu.wait_indirect_dma semaphore(%arg7 : memref<!tpu.dma_semaphore, #tpu.memory_space<semaphore_mem>>) src(%dma_wait3A_1862 : memref<100000xf32, #tpu.memory_space<hbm>>) dst(%dma_wait3A_1854 : memref<128xf32, #tpu.memory_space<vmem>>)
      %dma_wait3A_1863 = tpu.memref_slice %arg6[%shift_right_arithmetic3A_989, %mul3A_995] : memref<208x512xf32, #tpu.memory_space<vmem>> -> memref<1x128xf32, #tpu.memory_space<vmem>>
      %dma_wait3A_1864 = tpu.memref_squeeze %dma_wait3A_1863 : memref<1x128xf32, #tpu.memory_space<vmem>> -> memref<128xf32, #tpu.memory_space<vmem>>
      %dma_wait3A_1865 = arith.constant 0 : i32
      %dma_wait3A_1866 = tpu.memref_slice %arg5[%shift_right_arithmetic3A_993, %and3A_991, %dma_wait3A_1865] : memref<26x4x128xi32, #tpu.memory_space<vmem>> -> memref<1x1x128xi32, #tpu.memory_space<vmem>>
      %dma_wait3A_1867 = tpu.memref_squeeze %dma_wait3A_1866 : memref<1x1x128xi32, #tpu.memory_space<vmem>> -> memref<128xi32, #tpu.memory_space<vmem>>
      %dma_wait3A_1868 = arith.constant 0 : i32
      %dma_wait3A_1869 = tpu.memref_slice %arg3[%shift_right_arithmetic3A_989, %dma_wait3A_1868] : memref<208x100000xf32, #tpu.memory_space<hbm>> -> memref<1x100000xf32, #tpu.memory_space<hbm>>
      %dma_wait3A_1870 = tpu.memref_squeeze %dma_wait3A_1869 : memref<1x100000xf32, #tpu.memory_space<hbm>> -> memref<100000xf32, #tpu.memory_space<hbm>>
      %dma_wait3A_1871 = arith.constant 0 : i32
      %dma_wait3A_1872 = tpu.memref_slice %dma_wait3A_1870[%dma_wait3A_1871] : memref<100000xf32, #tpu.memory_space<hbm>> -> memref<100000xf32, #tpu.memory_space<hbm>>
      tpu.wait_indirect_dma semaphore(%arg7 : memref<!tpu.dma_semaphore, #tpu.memory_space<semaphore_mem>>) src(%dma_wait3A_1872 : memref<100000xf32, #tpu.memory_space<hbm>>) dst(%dma_wait3A_1864 : memref<128xf32, #tpu.memory_space<vmem>>)
      %dma_wait3A_1873 = tpu.memref_slice %arg6[%shift_right_arithmetic3A_1011, %mul3A_1017] : memref<208x512xf32, #tpu.memory_space<vmem>> -> memref<1x128xf32, #tpu.memory_space<vmem>>
      %dma_wait3A_1874 = tpu.memref_squeeze %dma_wait3A_1873 : memref<1x128xf32, #tpu.memory_space<vmem>> -> memref<128xf32, #tpu.memory_space<vmem>>
      %dma_wait3A_1875 = arith.constant 0 : i32
      %dma_wait3A_1876 = tpu.memref_slice %arg5[%shift_right_arithmetic3A_1015, %and3A_1013, %dma_wait3A_1875] : memref<26x4x128xi32, #tpu.memory_space<vmem>> -> memref<1x1x128xi32, #tpu.memory_space<vmem>>
      %dma_wait3A_1877 = tpu.memref_squeeze %dma_wait3A_1876 : memref<1x1x128xi32, #tpu.memory_space<vmem>> -> memref<128xi32, #tpu.memory_space<vmem>>
      %dma_wait3A_1878 = arith.constant 0 : i32
      %dma_wait3A_1879 = tpu.memref_slice %arg3[%shift_right_arithmetic3A_1011, %dma_wait3A_1878] : memref<208x100000xf32, #tpu.memory_space<hbm>> -> memref<1x100000xf32, #tpu.memory_space<hbm>>
      %dma_wait3A_1880 = tpu.memref_squeeze %dma_wait3A_1879 : memref<1x100000xf32, #tpu.memory_space<hbm>> -> memref<100000xf32, #tpu.memory_space<hbm>>
      %dma_wait3A_1881 = arith.constant 0 : i32
      %dma_wait3A_1882 = tpu.memref_slice %dma_wait3A_1880[%dma_wait3A_1881] : memref<100000xf32, #tpu.memory_space<hbm>> -> memref<100000xf32, #tpu.memory_space<hbm>>
      tpu.wait_indirect_dma semaphore(%arg7 : memref<!tpu.dma_semaphore, #tpu.memory_space<semaphore_mem>>) src(%dma_wait3A_1882 : memref<100000xf32, #tpu.memory_space<hbm>>) dst(%dma_wait3A_1874 : memref<128xf32, #tpu.memory_space<vmem>>)
      %dma_wait3A_1883 = tpu.memref_slice %arg6[%shift_right_arithmetic3A_1033, %mul3A_1039] : memref<208x512xf32, #tpu.memory_space<vmem>> -> memref<1x128xf32, #tpu.memory_space<vmem>>
      %dma_wait3A_1884 = tpu.memref_squeeze %dma_wait3A_1883 : memref<1x128xf32, #tpu.memory_space<vmem>> -> memref<128xf32, #tpu.memory_space<vmem>>
      %dma_wait3A_1885 = arith.constant 0 : i32
      %dma_wait3A_1886 = tpu.memref_slice %arg5[%shift_right_arithmetic3A_1037, %and3A_1035, %dma_wait3A_1885] : memref<26x4x128xi32, #tpu.memory_space<vmem>> -> memref<1x1x128xi32, #tpu.memory_space<vmem>>
      %dma_wait3A_1887 = tpu.memref_squeeze %dma_wait3A_1886 : memref<1x1x128xi32, #tpu.memory_space<vmem>> -> memref<128xi32, #tpu.memory_space<vmem>>
      %dma_wait3A_1888 = arith.constant 0 : i32
      %dma_wait3A_1889 = tpu.memref_slice %arg3[%shift_right_arithmetic3A_1033, %dma_wait3A_1888] : memref<208x100000xf32, #tpu.memory_space<hbm>> -> memref<1x100000xf32, #tpu.memory_space<hbm>>
      %dma_wait3A_1890 = tpu.memref_squeeze %dma_wait3A_1889 : memref<1x100000xf32, #tpu.memory_space<hbm>> -> memref<100000xf32, #tpu.memory_space<hbm>>
      %dma_wait3A_1891 = arith.constant 0 : i32
      %dma_wait3A_1892 = tpu.memref_slice %dma_wait3A_1890[%dma_wait3A_1891] : memref<100000xf32, #tpu.memory_space<hbm>> -> memref<100000xf32, #tpu.memory_space<hbm>>
      tpu.wait_indirect_dma semaphore(%arg7 : memref<!tpu.dma_semaphore, #tpu.memory_space<semaphore_mem>>) src(%dma_wait3A_1892 : memref<100000xf32, #tpu.memory_space<hbm>>) dst(%dma_wait3A_1884 : memref<128xf32, #tpu.memory_space<vmem>>)
      %dma_wait3A_1893 = tpu.memref_slice %arg6[%shift_right_arithmetic3A_1055, %mul3A_1061] : memref<208x512xf32, #tpu.memory_space<vmem>> -> memref<1x128xf32, #tpu.memory_space<vmem>>
      %dma_wait3A_1894 = tpu.memref_squeeze %dma_wait3A_1893 : memref<1x128xf32, #tpu.memory_space<vmem>> -> memref<128xf32, #tpu.memory_space<vmem>>
      %dma_wait3A_1895 = arith.constant 0 : i32
      %dma_wait3A_1896 = tpu.memref_slice %arg5[%shift_right_arithmetic3A_1059, %and3A_1057, %dma_wait3A_1895] : memref<26x4x128xi32, #tpu.memory_space<vmem>> -> memref<1x1x128xi32, #tpu.memory_space<vmem>>
      %dma_wait3A_1897 = tpu.memref_squeeze %dma_wait3A_1896 : memref<1x1x128xi32, #tpu.memory_space<vmem>> -> memref<128xi32, #tpu.memory_space<vmem>>
      %dma_wait3A_1898 = arith.constant 0 : i32
      %dma_wait3A_1899 = tpu.memref_slice %arg3[%shift_right_arithmetic3A_1055, %dma_wait3A_1898] : memref<208x100000xf32, #tpu.memory_space<hbm>> -> memref<1x100000xf32, #tpu.memory_space<hbm>>
      %dma_wait3A_1900 = tpu.memref_squeeze %dma_wait3A_1899 : memref<1x100000xf32, #tpu.memory_space<hbm>> -> memref<100000xf32, #tpu.memory_space<hbm>>
      %dma_wait3A_1901 = arith.constant 0 : i32
      %dma_wait3A_1902 = tpu.memref_slice %dma_wait3A_1900[%dma_wait3A_1901] : memref<100000xf32, #tpu.memory_space<hbm>> -> memref<100000xf32, #tpu.memory_space<hbm>>
      tpu.wait_indirect_dma semaphore(%arg7 : memref<!tpu.dma_semaphore, #tpu.memory_space<semaphore_mem>>) src(%dma_wait3A_1902 : memref<100000xf32, #tpu.memory_space<hbm>>) dst(%dma_wait3A_1894 : memref<128xf32, #tpu.memory_space<vmem>>)
      %dma_wait3A_1903 = tpu.memref_slice %arg6[%shift_right_arithmetic3A_1077, %mul3A_1083] : memref<208x512xf32, #tpu.memory_space<vmem>> -> memref<1x128xf32, #tpu.memory_space<vmem>>
      %dma_wait3A_1904 = tpu.memref_squeeze %dma_wait3A_1903 : memref<1x128xf32, #tpu.memory_space<vmem>> -> memref<128xf32, #tpu.memory_space<vmem>>
      %dma_wait3A_1905 = arith.constant 0 : i32
      %dma_wait3A_1906 = tpu.memref_slice %arg5[%shift_right_arithmetic3A_1081, %and3A_1079, %dma_wait3A_1905] : memref<26x4x128xi32, #tpu.memory_space<vmem>> -> memref<1x1x128xi32, #tpu.memory_space<vmem>>
      %dma_wait3A_1907 = tpu.memref_squeeze %dma_wait3A_1906 : memref<1x1x128xi32, #tpu.memory_space<vmem>> -> memref<128xi32, #tpu.memory_space<vmem>>
      %dma_wait3A_1908 = arith.constant 0 : i32
      %dma_wait3A_1909 = tpu.memref_slice %arg3[%shift_right_arithmetic3A_1077, %dma_wait3A_1908] : memref<208x100000xf32, #tpu.memory_space<hbm>> -> memref<1x100000xf32, #tpu.memory_space<hbm>>
      %dma_wait3A_1910 = tpu.memref_squeeze %dma_wait3A_1909 : memref<1x100000xf32, #tpu.memory_space<hbm>> -> memref<100000xf32, #tpu.memory_space<hbm>>
      %dma_wait3A_1911 = arith.constant 0 : i32
      %dma_wait3A_1912 = tpu.memref_slice %dma_wait3A_1910[%dma_wait3A_1911] : memref<100000xf32, #tpu.memory_space<hbm>> -> memref<100000xf32, #tpu.memory_space<hbm>>
      tpu.wait_indirect_dma semaphore(%arg7 : memref<!tpu.dma_semaphore, #tpu.memory_space<semaphore_mem>>) src(%dma_wait3A_1912 : memref<100000xf32, #tpu.memory_space<hbm>>) dst(%dma_wait3A_1904 : memref<128xf32, #tpu.memory_space<vmem>>)
      %dma_wait3A_1913 = tpu.memref_slice %arg6[%shift_right_arithmetic3A_1099, %mul3A_1105] : memref<208x512xf32, #tpu.memory_space<vmem>> -> memref<1x128xf32, #tpu.memory_space<vmem>>
      %dma_wait3A_1914 = tpu.memref_squeeze %dma_wait3A_1913 : memref<1x128xf32, #tpu.memory_space<vmem>> -> memref<128xf32, #tpu.memory_space<vmem>>
      %dma_wait3A_1915 = arith.constant 0 : i32
      %dma_wait3A_1916 = tpu.memref_slice %arg5[%shift_right_arithmetic3A_1103, %and3A_1101, %dma_wait3A_1915] : memref<26x4x128xi32, #tpu.memory_space<vmem>> -> memref<1x1x128xi32, #tpu.memory_space<vmem>>
      %dma_wait3A_1917 = tpu.memref_squeeze %dma_wait3A_1916 : memref<1x1x128xi32, #tpu.memory_space<vmem>> -> memref<128xi32, #tpu.memory_space<vmem>>
      %dma_wait3A_1918 = arith.constant 0 : i32
      %dma_wait3A_1919 = tpu.memref_slice %arg3[%shift_right_arithmetic3A_1099, %dma_wait3A_1918] : memref<208x100000xf32, #tpu.memory_space<hbm>> -> memref<1x100000xf32, #tpu.memory_space<hbm>>
      %dma_wait3A_1920 = tpu.memref_squeeze %dma_wait3A_1919 : memref<1x100000xf32, #tpu.memory_space<hbm>> -> memref<100000xf32, #tpu.memory_space<hbm>>
      %dma_wait3A_1921 = arith.constant 0 : i32
      %dma_wait3A_1922 = tpu.memref_slice %dma_wait3A_1920[%dma_wait3A_1921] : memref<100000xf32, #tpu.memory_space<hbm>> -> memref<100000xf32, #tpu.memory_space<hbm>>
      tpu.wait_indirect_dma semaphore(%arg7 : memref<!tpu.dma_semaphore, #tpu.memory_space<semaphore_mem>>) src(%dma_wait3A_1922 : memref<100000xf32, #tpu.memory_space<hbm>>) dst(%dma_wait3A_1914 : memref<128xf32, #tpu.memory_space<vmem>>)
      %dma_wait3A_1923 = tpu.memref_slice %arg6[%shift_right_arithmetic3A_1121, %mul3A_1127] : memref<208x512xf32, #tpu.memory_space<vmem>> -> memref<1x128xf32, #tpu.memory_space<vmem>>
      %dma_wait3A_1924 = tpu.memref_squeeze %dma_wait3A_1923 : memref<1x128xf32, #tpu.memory_space<vmem>> -> memref<128xf32, #tpu.memory_space<vmem>>
      %dma_wait3A_1925 = arith.constant 0 : i32
      %dma_wait3A_1926 = tpu.memref_slice %arg5[%shift_right_arithmetic3A_1125, %and3A_1123, %dma_wait3A_1925] : memref<26x4x128xi32, #tpu.memory_space<vmem>> -> memref<1x1x128xi32, #tpu.memory_space<vmem>>
      %dma_wait3A_1927 = tpu.memref_squeeze %dma_wait3A_1926 : memref<1x1x128xi32, #tpu.memory_space<vmem>> -> memref<128xi32, #tpu.memory_space<vmem>>
      %dma_wait3A_1928 = arith.constant 0 : i32
      %dma_wait3A_1929 = tpu.memref_slice %arg3[%shift_right_arithmetic3A_1121, %dma_wait3A_1928] : memref<208x100000xf32, #tpu.memory_space<hbm>> -> memref<1x100000xf32, #tpu.memory_space<hbm>>
      %dma_wait3A_1930 = tpu.memref_squeeze %dma_wait3A_1929 : memref<1x100000xf32, #tpu.memory_space<hbm>> -> memref<100000xf32, #tpu.memory_space<hbm>>
      %dma_wait3A_1931 = arith.constant 0 : i32
      %dma_wait3A_1932 = tpu.memref_slice %dma_wait3A_1930[%dma_wait3A_1931] : memref<100000xf32, #tpu.memory_space<hbm>> -> memref<100000xf32, #tpu.memory_space<hbm>>
      tpu.wait_indirect_dma semaphore(%arg7 : memref<!tpu.dma_semaphore, #tpu.memory_space<semaphore_mem>>) src(%dma_wait3A_1932 : memref<100000xf32, #tpu.memory_space<hbm>>) dst(%dma_wait3A_1924 : memref<128xf32, #tpu.memory_space<vmem>>)
      %dma_wait3A_1933 = tpu.memref_slice %arg6[%shift_right_arithmetic3A_1143, %mul3A_1149] : memref<208x512xf32, #tpu.memory_space<vmem>> -> memref<1x128xf32, #tpu.memory_space<vmem>>
      %dma_wait3A_1934 = tpu.memref_squeeze %dma_wait3A_1933 : memref<1x128xf32, #tpu.memory_space<vmem>> -> memref<128xf32, #tpu.memory_space<vmem>>
      %dma_wait3A_1935 = arith.constant 0 : i32
      %dma_wait3A_1936 = tpu.memref_slice %arg5[%shift_right_arithmetic3A_1147, %and3A_1145, %dma_wait3A_1935] : memref<26x4x128xi32, #tpu.memory_space<vmem>> -> memref<1x1x128xi32, #tpu.memory_space<vmem>>
      %dma_wait3A_1937 = tpu.memref_squeeze %dma_wait3A_1936 : memref<1x1x128xi32, #tpu.memory_space<vmem>> -> memref<128xi32, #tpu.memory_space<vmem>>
      %dma_wait3A_1938 = arith.constant 0 : i32
      %dma_wait3A_1939 = tpu.memref_slice %arg3[%shift_right_arithmetic3A_1143, %dma_wait3A_1938] : memref<208x100000xf32, #tpu.memory_space<hbm>> -> memref<1x100000xf32, #tpu.memory_space<hbm>>
      %dma_wait3A_1940 = tpu.memref_squeeze %dma_wait3A_1939 : memref<1x100000xf32, #tpu.memory_space<hbm>> -> memref<100000xf32, #tpu.memory_space<hbm>>
      %dma_wait3A_1941 = arith.constant 0 : i32
      %dma_wait3A_1942 = tpu.memref_slice %dma_wait3A_1940[%dma_wait3A_1941] : memref<100000xf32, #tpu.memory_space<hbm>> -> memref<100000xf32, #tpu.memory_space<hbm>>
      tpu.wait_indirect_dma semaphore(%arg7 : memref<!tpu.dma_semaphore, #tpu.memory_space<semaphore_mem>>) src(%dma_wait3A_1942 : memref<100000xf32, #tpu.memory_space<hbm>>) dst(%dma_wait3A_1934 : memref<128xf32, #tpu.memory_space<vmem>>)
      %dma_wait3A_1943 = tpu.memref_slice %arg6[%shift_right_arithmetic3A_1165, %mul3A_1171] : memref<208x512xf32, #tpu.memory_space<vmem>> -> memref<1x128xf32, #tpu.memory_space<vmem>>
      %dma_wait3A_1944 = tpu.memref_squeeze %dma_wait3A_1943 : memref<1x128xf32, #tpu.memory_space<vmem>> -> memref<128xf32, #tpu.memory_space<vmem>>
      %dma_wait3A_1945 = arith.constant 0 : i32
      %dma_wait3A_1946 = tpu.memref_slice %arg5[%shift_right_arithmetic3A_1169, %and3A_1167, %dma_wait3A_1945] : memref<26x4x128xi32, #tpu.memory_space<vmem>> -> memref<1x1x128xi32, #tpu.memory_space<vmem>>
      %dma_wait3A_1947 = tpu.memref_squeeze %dma_wait3A_1946 : memref<1x1x128xi32, #tpu.memory_space<vmem>> -> memref<128xi32, #tpu.memory_space<vmem>>
      %dma_wait3A_1948 = arith.constant 0 : i32
      %dma_wait3A_1949 = tpu.memref_slice %arg3[%shift_right_arithmetic3A_1165, %dma_wait3A_1948] : memref<208x100000xf32, #tpu.memory_space<hbm>> -> memref<1x100000xf32, #tpu.memory_space<hbm>>
      %dma_wait3A_1950 = tpu.memref_squeeze %dma_wait3A_1949 : memref<1x100000xf32, #tpu.memory_space<hbm>> -> memref<100000xf32, #tpu.memory_space<hbm>>
      %dma_wait3A_1951 = arith.constant 0 : i32
      %dma_wait3A_1952 = tpu.memref_slice %dma_wait3A_1950[%dma_wait3A_1951] : memref<100000xf32, #tpu.memory_space<hbm>> -> memref<100000xf32, #tpu.memory_space<hbm>>
      tpu.wait_indirect_dma semaphore(%arg7 : memref<!tpu.dma_semaphore, #tpu.memory_space<semaphore_mem>>) src(%dma_wait3A_1952 : memref<100000xf32, #tpu.memory_space<hbm>>) dst(%dma_wait3A_1944 : memref<128xf32, #tpu.memory_space<vmem>>)
      %dma_wait3A_1953 = tpu.memref_slice %arg6[%shift_right_arithmetic3A_1187, %mul3A_1193] : memref<208x512xf32, #tpu.memory_space<vmem>> -> memref<1x128xf32, #tpu.memory_space<vmem>>
      %dma_wait3A_1954 = tpu.memref_squeeze %dma_wait3A_1953 : memref<1x128xf32, #tpu.memory_space<vmem>> -> memref<128xf32, #tpu.memory_space<vmem>>
      %dma_wait3A_1955 = arith.constant 0 : i32
      %dma_wait3A_1956 = tpu.memref_slice %arg5[%shift_right_arithmetic3A_1191, %and3A_1189, %dma_wait3A_1955] : memref<26x4x128xi32, #tpu.memory_space<vmem>> -> memref<1x1x128xi32, #tpu.memory_space<vmem>>
      %dma_wait3A_1957 = tpu.memref_squeeze %dma_wait3A_1956 : memref<1x1x128xi32, #tpu.memory_space<vmem>> -> memref<128xi32, #tpu.memory_space<vmem>>
      %dma_wait3A_1958 = arith.constant 0 : i32
      %dma_wait3A_1959 = tpu.memref_slice %arg3[%shift_right_arithmetic3A_1187, %dma_wait3A_1958] : memref<208x100000xf32, #tpu.memory_space<hbm>> -> memref<1x100000xf32, #tpu.memory_space<hbm>>
      %dma_wait3A_1960 = tpu.memref_squeeze %dma_wait3A_1959 : memref<1x100000xf32, #tpu.memory_space<hbm>> -> memref<100000xf32, #tpu.memory_space<hbm>>
      %dma_wait3A_1961 = arith.constant 0 : i32
      %dma_wait3A_1962 = tpu.memref_slice %dma_wait3A_1960[%dma_wait3A_1961] : memref<100000xf32, #tpu.memory_space<hbm>> -> memref<100000xf32, #tpu.memory_space<hbm>>
      tpu.wait_indirect_dma semaphore(%arg7 : memref<!tpu.dma_semaphore, #tpu.memory_space<semaphore_mem>>) src(%dma_wait3A_1962 : memref<100000xf32, #tpu.memory_space<hbm>>) dst(%dma_wait3A_1954 : memref<128xf32, #tpu.memory_space<vmem>>)
      %dma_wait3A_1963 = tpu.memref_slice %arg6[%shift_right_arithmetic3A_1209, %mul3A_1215] : memref<208x512xf32, #tpu.memory_space<vmem>> -> memref<1x128xf32, #tpu.memory_space<vmem>>
      %dma_wait3A_1964 = tpu.memref_squeeze %dma_wait3A_1963 : memref<1x128xf32, #tpu.memory_space<vmem>> -> memref<128xf32, #tpu.memory_space<vmem>>
      %dma_wait3A_1965 = arith.constant 0 : i32
      %dma_wait3A_1966 = tpu.memref_slice %arg5[%shift_right_arithmetic3A_1213, %and3A_1211, %dma_wait3A_1965] : memref<26x4x128xi32, #tpu.memory_space<vmem>> -> memref<1x1x128xi32, #tpu.memory_space<vmem>>
      %dma_wait3A_1967 = tpu.memref_squeeze %dma_wait3A_1966 : memref<1x1x128xi32, #tpu.memory_space<vmem>> -> memref<128xi32, #tpu.memory_space<vmem>>
      %dma_wait3A_1968 = arith.constant 0 : i32
      %dma_wait3A_1969 = tpu.memref_slice %arg3[%shift_right_arithmetic3A_1209, %dma_wait3A_1968] : memref<208x100000xf32, #tpu.memory_space<hbm>> -> memref<1x100000xf32, #tpu.memory_space<hbm>>
      %dma_wait3A_1970 = tpu.memref_squeeze %dma_wait3A_1969 : memref<1x100000xf32, #tpu.memory_space<hbm>> -> memref<100000xf32, #tpu.memory_space<hbm>>
      %dma_wait3A_1971 = arith.constant 0 : i32
      %dma_wait3A_1972 = tpu.memref_slice %dma_wait3A_1970[%dma_wait3A_1971] : memref<100000xf32, #tpu.memory_space<hbm>> -> memref<100000xf32, #tpu.memory_space<hbm>>
      tpu.wait_indirect_dma semaphore(%arg7 : memref<!tpu.dma_semaphore, #tpu.memory_space<semaphore_mem>>) src(%dma_wait3A_1972 : memref<100000xf32, #tpu.memory_space<hbm>>) dst(%dma_wait3A_1964 : memref<128xf32, #tpu.memory_space<vmem>>)
      %dma_wait3A_1973 = tpu.memref_slice %arg6[%shift_right_arithmetic3A_1231, %mul3A_1237] : memref<208x512xf32, #tpu.memory_space<vmem>> -> memref<1x128xf32, #tpu.memory_space<vmem>>
      %dma_wait3A_1974 = tpu.memref_squeeze %dma_wait3A_1973 : memref<1x128xf32, #tpu.memory_space<vmem>> -> memref<128xf32, #tpu.memory_space<vmem>>
      %dma_wait3A_1975 = arith.constant 0 : i32
      %dma_wait3A_1976 = tpu.memref_slice %arg5[%shift_right_arithmetic3A_1235, %and3A_1233, %dma_wait3A_1975] : memref<26x4x128xi32, #tpu.memory_space<vmem>> -> memref<1x1x128xi32, #tpu.memory_space<vmem>>
      %dma_wait3A_1977 = tpu.memref_squeeze %dma_wait3A_1976 : memref<1x1x128xi32, #tpu.memory_space<vmem>> -> memref<128xi32, #tpu.memory_space<vmem>>
      %dma_wait3A_1978 = arith.constant 0 : i32
      %dma_wait3A_1979 = tpu.memref_slice %arg3[%shift_right_arithmetic3A_1231, %dma_wait3A_1978] : memref<208x100000xf32, #tpu.memory_space<hbm>> -> memref<1x100000xf32, #tpu.memory_space<hbm>>
      %dma_wait3A_1980 = tpu.memref_squeeze %dma_wait3A_1979 : memref<1x100000xf32, #tpu.memory_space<hbm>> -> memref<100000xf32, #tpu.memory_space<hbm>>
      %dma_wait3A_1981 = arith.constant 0 : i32
      %dma_wait3A_1982 = tpu.memref_slice %dma_wait3A_1980[%dma_wait3A_1981] : memref<100000xf32, #tpu.memory_space<hbm>> -> memref<100000xf32, #tpu.memory_space<hbm>>
      tpu.wait_indirect_dma semaphore(%arg7 : memref<!tpu.dma_semaphore, #tpu.memory_space<semaphore_mem>>) src(%dma_wait3A_1982 : memref<100000xf32, #tpu.memory_space<hbm>>) dst(%dma_wait3A_1974 : memref<128xf32, #tpu.memory_space<vmem>>)
      %dma_wait3A_1983 = tpu.memref_slice %arg6[%shift_right_arithmetic3A_1253, %mul3A_1259] : memref<208x512xf32, #tpu.memory_space<vmem>> -> memref<1x128xf32, #tpu.memory_space<vmem>>
      %dma_wait3A_1984 = tpu.memref_squeeze %dma_wait3A_1983 : memref<1x128xf32, #tpu.memory_space<vmem>> -> memref<128xf32, #tpu.memory_space<vmem>>
      %dma_wait3A_1985 = arith.constant 0 : i32
      %dma_wait3A_1986 = tpu.memref_slice %arg5[%shift_right_arithmetic3A_1257, %and3A_1255, %dma_wait3A_1985] : memref<26x4x128xi32, #tpu.memory_space<vmem>> -> memref<1x1x128xi32, #tpu.memory_space<vmem>>
      %dma_wait3A_1987 = tpu.memref_squeeze %dma_wait3A_1986 : memref<1x1x128xi32, #tpu.memory_space<vmem>> -> memref<128xi32, #tpu.memory_space<vmem>>
      %dma_wait3A_1988 = arith.constant 0 : i32
      %dma_wait3A_1989 = tpu.memref_slice %arg3[%shift_right_arithmetic3A_1253, %dma_wait3A_1988] : memref<208x100000xf32, #tpu.memory_space<hbm>> -> memref<1x100000xf32, #tpu.memory_space<hbm>>
      %dma_wait3A_1990 = tpu.memref_squeeze %dma_wait3A_1989 : memref<1x100000xf32, #tpu.memory_space<hbm>> -> memref<100000xf32, #tpu.memory_space<hbm>>
      %dma_wait3A_1991 = arith.constant 0 : i32
      %dma_wait3A_1992 = tpu.memref_slice %dma_wait3A_1990[%dma_wait3A_1991] : memref<100000xf32, #tpu.memory_space<hbm>> -> memref<100000xf32, #tpu.memory_space<hbm>>
      tpu.wait_indirect_dma semaphore(%arg7 : memref<!tpu.dma_semaphore, #tpu.memory_space<semaphore_mem>>) src(%dma_wait3A_1992 : memref<100000xf32, #tpu.memory_space<hbm>>) dst(%dma_wait3A_1984 : memref<128xf32, #tpu.memory_space<vmem>>)
      %dma_wait3A_1993 = tpu.memref_slice %arg6[%shift_right_arithmetic3A_1275, %mul3A_1281] : memref<208x512xf32, #tpu.memory_space<vmem>> -> memref<1x128xf32, #tpu.memory_space<vmem>>
      %dma_wait3A_1994 = tpu.memref_squeeze %dma_wait3A_1993 : memref<1x128xf32, #tpu.memory_space<vmem>> -> memref<128xf32, #tpu.memory_space<vmem>>
      %dma_wait3A_1995 = arith.constant 0 : i32
      %dma_wait3A_1996 = tpu.memref_slice %arg5[%shift_right_arithmetic3A_1279, %and3A_1277, %dma_wait3A_1995] : memref<26x4x128xi32, #tpu.memory_space<vmem>> -> memref<1x1x128xi32, #tpu.memory_space<vmem>>
      %dma_wait3A_1997 = tpu.memref_squeeze %dma_wait3A_1996 : memref<1x1x128xi32, #tpu.memory_space<vmem>> -> memref<128xi32, #tpu.memory_space<vmem>>
      %dma_wait3A_1998 = arith.constant 0 : i32
      %dma_wait3A_1999 = tpu.memref_slice %arg3[%shift_right_arithmetic3A_1275, %dma_wait3A_1998] : memref<208x100000xf32, #tpu.memory_space<hbm>> -> memref<1x100000xf32, #tpu.memory_space<hbm>>
      %dma_wait3A_2000 = tpu.memref_squeeze %dma_wait3A_1999 : memref<1x100000xf32, #tpu.memory_space<hbm>> -> memref<100000xf32, #tpu.memory_space<hbm>>
      %dma_wait3A_2001 = arith.constant 0 : i32
      %dma_wait3A_2002 = tpu.memref_slice %dma_wait3A_2000[%dma_wait3A_2001] : memref<100000xf32, #tpu.memory_space<hbm>> -> memref<100000xf32, #tpu.memory_space<hbm>>
      tpu.wait_indirect_dma semaphore(%arg7 : memref<!tpu.dma_semaphore, #tpu.memory_space<semaphore_mem>>) src(%dma_wait3A_2002 : memref<100000xf32, #tpu.memory_space<hbm>>) dst(%dma_wait3A_1994 : memref<128xf32, #tpu.memory_space<vmem>>)
      %dma_wait3A_2003 = tpu.memref_slice %arg6[%shift_right_arithmetic3A_1297, %mul3A_1303] : memref<208x512xf32, #tpu.memory_space<vmem>> -> memref<1x128xf32, #tpu.memory_space<vmem>>
      %dma_wait3A_2004 = tpu.memref_squeeze %dma_wait3A_2003 : memref<1x128xf32, #tpu.memory_space<vmem>> -> memref<128xf32, #tpu.memory_space<vmem>>
      %dma_wait3A_2005 = arith.constant 0 : i32
      %dma_wait3A_2006 = tpu.memref_slice %arg5[%shift_right_arithmetic3A_1301, %and3A_1299, %dma_wait3A_2005] : memref<26x4x128xi32, #tpu.memory_space<vmem>> -> memref<1x1x128xi32, #tpu.memory_space<vmem>>
      %dma_wait3A_2007 = tpu.memref_squeeze %dma_wait3A_2006 : memref<1x1x128xi32, #tpu.memory_space<vmem>> -> memref<128xi32, #tpu.memory_space<vmem>>
      %dma_wait3A_2008 = arith.constant 0 : i32
      %dma_wait3A_2009 = tpu.memref_slice %arg3[%shift_right_arithmetic3A_1297, %dma_wait3A_2008] : memref<208x100000xf32, #tpu.memory_space<hbm>> -> memref<1x100000xf32, #tpu.memory_space<hbm>>
      %dma_wait3A_2010 = tpu.memref_squeeze %dma_wait3A_2009 : memref<1x100000xf32, #tpu.memory_space<hbm>> -> memref<100000xf32, #tpu.memory_space<hbm>>
      %dma_wait3A_2011 = arith.constant 0 : i32
      %dma_wait3A_2012 = tpu.memref_slice %dma_wait3A_2010[%dma_wait3A_2011] : memref<100000xf32, #tpu.memory_space<hbm>> -> memref<100000xf32, #tpu.memory_space<hbm>>
      tpu.wait_indirect_dma semaphore(%arg7 : memref<!tpu.dma_semaphore, #tpu.memory_space<semaphore_mem>>) src(%dma_wait3A_2012 : memref<100000xf32, #tpu.memory_space<hbm>>) dst(%dma_wait3A_2004 : memref<128xf32, #tpu.memory_space<vmem>>)
      %dma_wait3A_2013 = tpu.memref_slice %arg6[%shift_right_arithmetic3A_1319, %mul3A_1325] : memref<208x512xf32, #tpu.memory_space<vmem>> -> memref<1x128xf32, #tpu.memory_space<vmem>>
      %dma_wait3A_2014 = tpu.memref_squeeze %dma_wait3A_2013 : memref<1x128xf32, #tpu.memory_space<vmem>> -> memref<128xf32, #tpu.memory_space<vmem>>
      %dma_wait3A_2015 = arith.constant 0 : i32
      %dma_wait3A_2016 = tpu.memref_slice %arg5[%shift_right_arithmetic3A_1323, %and3A_1321, %dma_wait3A_2015] : memref<26x4x128xi32, #tpu.memory_space<vmem>> -> memref<1x1x128xi32, #tpu.memory_space<vmem>>
      %dma_wait3A_2017 = tpu.memref_squeeze %dma_wait3A_2016 : memref<1x1x128xi32, #tpu.memory_space<vmem>> -> memref<128xi32, #tpu.memory_space<vmem>>
      %dma_wait3A_2018 = arith.constant 0 : i32
      %dma_wait3A_2019 = tpu.memref_slice %arg3[%shift_right_arithmetic3A_1319, %dma_wait3A_2018] : memref<208x100000xf32, #tpu.memory_space<hbm>> -> memref<1x100000xf32, #tpu.memory_space<hbm>>
      %dma_wait3A_2020 = tpu.memref_squeeze %dma_wait3A_2019 : memref<1x100000xf32, #tpu.memory_space<hbm>> -> memref<100000xf32, #tpu.memory_space<hbm>>
      %dma_wait3A_2021 = arith.constant 0 : i32
      %dma_wait3A_2022 = tpu.memref_slice %dma_wait3A_2020[%dma_wait3A_2021] : memref<100000xf32, #tpu.memory_space<hbm>> -> memref<100000xf32, #tpu.memory_space<hbm>>
      tpu.wait_indirect_dma semaphore(%arg7 : memref<!tpu.dma_semaphore, #tpu.memory_space<semaphore_mem>>) src(%dma_wait3A_2022 : memref<100000xf32, #tpu.memory_space<hbm>>) dst(%dma_wait3A_2014 : memref<128xf32, #tpu.memory_space<vmem>>)
      %dma_wait3A_2023 = tpu.memref_slice %arg6[%shift_right_arithmetic3A_1341, %mul3A_1347] : memref<208x512xf32, #tpu.memory_space<vmem>> -> memref<1x128xf32, #tpu.memory_space<vmem>>
      %dma_wait3A_2024 = tpu.memref_squeeze %dma_wait3A_2023 : memref<1x128xf32, #tpu.memory_space<vmem>> -> memref<128xf32, #tpu.memory_space<vmem>>
      %dma_wait3A_2025 = arith.constant 0 : i32
      %dma_wait3A_2026 = tpu.memref_slice %arg5[%shift_right_arithmetic3A_1345, %and3A_1343, %dma_wait3A_2025] : memref<26x4x128xi32, #tpu.memory_space<vmem>> -> memref<1x1x128xi32, #tpu.memory_space<vmem>>
      %dma_wait3A_2027 = tpu.memref_squeeze %dma_wait3A_2026 : memref<1x1x128xi32, #tpu.memory_space<vmem>> -> memref<128xi32, #tpu.memory_space<vmem>>
      %dma_wait3A_2028 = arith.constant 0 : i32
      %dma_wait3A_2029 = tpu.memref_slice %arg3[%shift_right_arithmetic3A_1341, %dma_wait3A_2028] : memref<208x100000xf32, #tpu.memory_space<hbm>> -> memref<1x100000xf32, #tpu.memory_space<hbm>>
      %dma_wait3A_2030 = tpu.memref_squeeze %dma_wait3A_2029 : memref<1x100000xf32, #tpu.memory_space<hbm>> -> memref<100000xf32, #tpu.memory_space<hbm>>
      %dma_wait3A_2031 = arith.constant 0 : i32
      %dma_wait3A_2032 = tpu.memref_slice %dma_wait3A_2030[%dma_wait3A_2031] : memref<100000xf32, #tpu.memory_space<hbm>> -> memref<100000xf32, #tpu.memory_space<hbm>>
      tpu.wait_indirect_dma semaphore(%arg7 : memref<!tpu.dma_semaphore, #tpu.memory_space<semaphore_mem>>) src(%dma_wait3A_2032 : memref<100000xf32, #tpu.memory_space<hbm>>) dst(%dma_wait3A_2024 : memref<128xf32, #tpu.memory_space<vmem>>)
      %dma_wait3A_2033 = tpu.memref_slice %arg6[%shift_right_arithmetic3A_1363, %mul3A_1369] : memref<208x512xf32, #tpu.memory_space<vmem>> -> memref<1x128xf32, #tpu.memory_space<vmem>>
      %dma_wait3A_2034 = tpu.memref_squeeze %dma_wait3A_2033 : memref<1x128xf32, #tpu.memory_space<vmem>> -> memref<128xf32, #tpu.memory_space<vmem>>
      %dma_wait3A_2035 = arith.constant 0 : i32
      %dma_wait3A_2036 = tpu.memref_slice %arg5[%shift_right_arithmetic3A_1367, %and3A_1365, %dma_wait3A_2035] : memref<26x4x128xi32, #tpu.memory_space<vmem>> -> memref<1x1x128xi32, #tpu.memory_space<vmem>>
      %dma_wait3A_2037 = tpu.memref_squeeze %dma_wait3A_2036 : memref<1x1x128xi32, #tpu.memory_space<vmem>> -> memref<128xi32, #tpu.memory_space<vmem>>
      %dma_wait3A_2038 = arith.constant 0 : i32
      %dma_wait3A_2039 = tpu.memref_slice %arg3[%shift_right_arithmetic3A_1363, %dma_wait3A_2038] : memref<208x100000xf32, #tpu.memory_space<hbm>> -> memref<1x100000xf32, #tpu.memory_space<hbm>>
      %dma_wait3A_2040 = tpu.memref_squeeze %dma_wait3A_2039 : memref<1x100000xf32, #tpu.memory_space<hbm>> -> memref<100000xf32, #tpu.memory_space<hbm>>
      %dma_wait3A_2041 = arith.constant 0 : i32
      %dma_wait3A_2042 = tpu.memref_slice %dma_wait3A_2040[%dma_wait3A_2041] : memref<100000xf32, #tpu.memory_space<hbm>> -> memref<100000xf32, #tpu.memory_space<hbm>>
      tpu.wait_indirect_dma semaphore(%arg7 : memref<!tpu.dma_semaphore, #tpu.memory_space<semaphore_mem>>) src(%dma_wait3A_2042 : memref<100000xf32, #tpu.memory_space<hbm>>) dst(%dma_wait3A_2034 : memref<128xf32, #tpu.memory_space<vmem>>)
      %dma_wait3A_2043 = tpu.memref_slice %arg6[%shift_right_arithmetic3A_1385, %mul3A_1391] : memref<208x512xf32, #tpu.memory_space<vmem>> -> memref<1x128xf32, #tpu.memory_space<vmem>>
      %dma_wait3A_2044 = tpu.memref_squeeze %dma_wait3A_2043 : memref<1x128xf32, #tpu.memory_space<vmem>> -> memref<128xf32, #tpu.memory_space<vmem>>
      %dma_wait3A_2045 = arith.constant 0 : i32
      %dma_wait3A_2046 = tpu.memref_slice %arg5[%shift_right_arithmetic3A_1389, %and3A_1387, %dma_wait3A_2045] : memref<26x4x128xi32, #tpu.memory_space<vmem>> -> memref<1x1x128xi32, #tpu.memory_space<vmem>>
      %dma_wait3A_2047 = tpu.memref_squeeze %dma_wait3A_2046 : memref<1x1x128xi32, #tpu.memory_space<vmem>> -> memref<128xi32, #tpu.memory_space<vmem>>
      %dma_wait3A_2048 = arith.constant 0 : i32
      %dma_wait3A_2049 = tpu.memref_slice %arg3[%shift_right_arithmetic3A_1385, %dma_wait3A_2048] : memref<208x100000xf32, #tpu.memory_space<hbm>> -> memref<1x100000xf32, #tpu.memory_space<hbm>>
      %dma_wait3A_2050 = tpu.memref_squeeze %dma_wait3A_2049 : memref<1x100000xf32, #tpu.memory_space<hbm>> -> memref<100000xf32, #tpu.memory_space<hbm>>
      %dma_wait3A_2051 = arith.constant 0 : i32
      %dma_wait3A_2052 = tpu.memref_slice %dma_wait3A_2050[%dma_wait3A_2051] : memref<100000xf32, #tpu.memory_space<hbm>> -> memref<100000xf32, #tpu.memory_space<hbm>>
      tpu.wait_indirect_dma semaphore(%arg7 : memref<!tpu.dma_semaphore, #tpu.memory_space<semaphore_mem>>) src(%dma_wait3A_2052 : memref<100000xf32, #tpu.memory_space<hbm>>) dst(%dma_wait3A_2044 : memref<128xf32, #tpu.memory_space<vmem>>)
      %dma_wait3A_2053 = tpu.memref_slice %arg6[%shift_right_arithmetic3A_1407, %mul3A_1413] : memref<208x512xf32, #tpu.memory_space<vmem>> -> memref<1x128xf32, #tpu.memory_space<vmem>>
      %dma_wait3A_2054 = tpu.memref_squeeze %dma_wait3A_2053 : memref<1x128xf32, #tpu.memory_space<vmem>> -> memref<128xf32, #tpu.memory_space<vmem>>
      %dma_wait3A_2055 = arith.constant 0 : i32
      %dma_wait3A_2056 = tpu.memref_slice %arg5[%shift_right_arithmetic3A_1411, %and3A_1409, %dma_wait3A_2055] : memref<26x4x128xi32, #tpu.memory_space<vmem>> -> memref<1x1x128xi32, #tpu.memory_space<vmem>>
      %dma_wait3A_2057 = tpu.memref_squeeze %dma_wait3A_2056 : memref<1x1x128xi32, #tpu.memory_space<vmem>> -> memref<128xi32, #tpu.memory_space<vmem>>
      %dma_wait3A_2058 = arith.constant 0 : i32
      %dma_wait3A_2059 = tpu.memref_slice %arg3[%shift_right_arithmetic3A_1407, %dma_wait3A_2058] : memref<208x100000xf32, #tpu.memory_space<hbm>> -> memref<1x100000xf32, #tpu.memory_space<hbm>>
      %dma_wait3A_2060 = tpu.memref_squeeze %dma_wait3A_2059 : memref<1x100000xf32, #tpu.memory_space<hbm>> -> memref<100000xf32, #tpu.memory_space<hbm>>
      %dma_wait3A_2061 = arith.constant 0 : i32
      %dma_wait3A_2062 = tpu.memref_slice %dma_wait3A_2060[%dma_wait3A_2061] : memref<100000xf32, #tpu.memory_space<hbm>> -> memref<100000xf32, #tpu.memory_space<hbm>>
      tpu.wait_indirect_dma semaphore(%arg7 : memref<!tpu.dma_semaphore, #tpu.memory_space<semaphore_mem>>) src(%dma_wait3A_2062 : memref<100000xf32, #tpu.memory_space<hbm>>) dst(%dma_wait3A_2054 : memref<128xf32, #tpu.memory_space<vmem>>)
    }
    %scan3A_17 = arith.constant 13 : i32
    "tpu.region"() ({
      %run_scoped3A = tpu.sem_alloc : memref<!tpu.dma_semaphore, #tpu.memory_space<semaphore_mem>>
      %dma_start3A = arith.constant 0 : i32
      %dma_start3A_18 = arith.constant 0 : i32
      %dma_start3A_19 = tpu.memref_slice %arg4[%add3A, %dma_start3A, %dma_start3A_18] : memref<32x208x512xf32, #tpu.memory_space<hbm>> -> memref<1x208x512xf32, #tpu.memory_space<hbm>>
      %dma_start3A_20 = tpu.memref_squeeze %dma_start3A_19 : memref<1x208x512xf32, #tpu.memory_space<hbm>> -> memref<208x512xf32, #tpu.memory_space<hbm>>
      %dma_start3A_21 = arith.constant 0 : i32
      %dma_start3A_22 = arith.constant 0 : i32
      %dma_start3A_23 = tpu.memref_slice %arg4[%add3A, %dma_start3A_21, %dma_start3A_22] : memref<32x208x512xf32, #tpu.memory_space<hbm>> -> memref<1x208x512xf32, #tpu.memory_space<hbm>>
      %dma_start3A_24 = tpu.memref_squeeze %dma_start3A_23 : memref<1x208x512xf32, #tpu.memory_space<hbm>> -> memref<208x512xf32, #tpu.memory_space<hbm>>
      tpu.enqueue_dma source(%arg6 : memref<208x512xf32, #tpu.memory_space<vmem>>) target(%dma_start3A_24 : memref<208x512xf32, #tpu.memory_space<hbm>>) target_semaphore(%run_scoped3A : memref<!tpu.dma_semaphore, #tpu.memory_space<semaphore_mem>>)
      %dma_wait3A = arith.constant 0 : i32
      %dma_wait3A_25 = arith.constant 0 : i32
      %dma_wait3A_26 = tpu.memref_slice %arg4[%add3A, %dma_wait3A, %dma_wait3A_25] : memref<32x208x512xf32, #tpu.memory_space<hbm>> -> memref<1x208x512xf32, #tpu.memory_space<hbm>>
      %dma_wait3A_27 = tpu.memref_squeeze %dma_wait3A_26 : memref<1x208x512xf32, #tpu.memory_space<hbm>> -> memref<208x512xf32, #tpu.memory_space<hbm>>
      %dma_wait3A_28 = arith.constant 0 : i32
      %dma_wait3A_29 = arith.constant 0 : i32
      %dma_wait3A_30 = tpu.memref_slice %arg4[%add3A, %dma_wait3A_28, %dma_wait3A_29] : memref<32x208x512xf32, #tpu.memory_space<hbm>> -> memref<1x208x512xf32, #tpu.memory_space<hbm>>
      %dma_wait3A_31 = tpu.memref_squeeze %dma_wait3A_30 : memref<1x208x512xf32, #tpu.memory_space<hbm>> -> memref<208x512xf32, #tpu.memory_space<hbm>>
      tpu.wait_dma2 semaphore(%run_scoped3A : memref<!tpu.dma_semaphore, #tpu.memory_space<semaphore_mem>>) src(%arg6 : memref<208x512xf32, #tpu.memory_space<vmem>>) dst(%dma_wait3A_31 : memref<208x512xf32, #tpu.memory_space<hbm>>)
      tpu.yield
    }) : () -> ()
    return
  }
}

</mosaic_0001>

<sc_bundles>
// kernel: _sc_embed.3.cloned.1.call-start
scs
__scs_entry_jumppad:
0x0: {  	(pc) =	sbr.rel $0x88, $3  }
0x1: {  	(tag) =	ssettag $0x0;
	lr =	simm.s32 $0x1  }
0x2: {  	[smem:$0x3F9F] =	sst lr;
	_ =	strace $0xD0000000  }
0x3: {  	_ = 	snop  }
0x4: {  	_ = 	snop  }
0x5: {  	_ = 	snop  }
0x6: {  	_ = 	snop  }
0x7: {  	_ = 	snop  }
__scs_overlays_trampoline_lowered:
0x8: {  	[smem:$0x3FAE] =	sst s0  }
0x9: {  	[smem:$0x3FAF] =	sst s1  }
0xa: {  	[smem:$0x3FB0] =	sst s2  }
0xb: {  	[smem:$0x3FB1] =	sst s3  }
0xc: {  	[smem:$0x3FB2] =	sst s4  }
0xd: {  	[smem:$0x3FB3] =	sst s5  }
0xe: {  	[smem:$0x3FB4] =	sst s6  }
0xf: {  	[smem:$0x3FB5] =	sst s7  }
0x10: {  	[smem:$0x3FB6] =	sst s8  }
0x11: {  	[smem:$0x3FB7] =	sst s9;
	s0 =	simm.s32 @!p0 $0x0  }
0x12: {  	s1 =	sld [smem:$0x3F9D];
	s0 =	simm.s32 @p0 $0x1  }
0x13: {  	[smem:$0x3FB8] =	sst s0;
	s0 =	simm.s32 @!p1 $0x0  }
0x14: {  	s2 =	sld [smem:$0x3F9C];
	s0 =	simm.s32 @p1 $0x1  }
0x15: {  	[smem:$0x3FB9] =	sst s0;
	s0 =	simm.s32 @!p2 $0x0  }
0x16: {  	s3 =	sld [smem:$0x3FDB];
	s0 =	simm.s32 @p2 $0x1  }
0x17: {  	s4 =	simm.s32 $0x1BF5;
	[smem:$0x3FBB] =	sst s0  }
0x18: {  	s0 =	sld [smem:$0x3F9E];
	_ =	swait.ge [sflag:s4], $0x0  }
0x19: {  	s7 =	sld [smem:$0x3F9F]  }
0x1a: {  	s8 =	sadd.s32 $0xFFFFE003, lr  }
0x1b: {  	s9 =	sadd.s32 $0xFFFFFEF7, lr;
	s5 =	simm.s32 $0xFFFFFFFF;
	p2 =	slt.u32 s8, $0xFFFFF086  }
0x1c: {  	p1 =	slt.u32 s9, $0xF7A;
	s5 =	simm.s32 @!p2 $0x0  }
0x1d: {  	s5 =	simm.s32 @p1 $0x1;
	p0 =	seq.s32 s7, s2  }
0x1e: {  	s7 =	smul.u32 @!p0 $0xF7A, s2;
	p2 =	seq.s32 @!p0 s5, $0x0  }
0x1f: {  	s9 =	smul.u32 $0xF7A, s1;
	s8 =	simm.s32 @!p0 $0x1BF5;
	p2 =	por !p2, p0  }
0x20: {  	[sflag:s8] =	ssyncset.s32 @!p0 $0xFFFFF086;
	s6 =	sadd.s32 @!p0 s3, s7;
	s7 =	simm.s32 @!p0 $0x108  }
0x21: {  	s3 =	sadd.s32 s3, s9;
	s6 =	sadd.s32 @!p0 $0x88, s6;
	s7 =	simm.s32 @p2 $0x1082  }
0x22: {  	[simem:s7], [sflag:s8] =	dma.local @!p0 [hbm:s6], $0xF7A  }
0x23: {  	s9 =	sor.u32 $0xD0000000, s2;
	s6 =	simm.s32 $0x108;
	_ =	swait.ge @!p0 [sflag:s8], $0x0  }
0x24: {  	s3 =	sadd.s32 $0x88, s3;
	s6 =	simm.s32 @!p1 $0x1082;
	[sflag:s4] =	ssyncset.s32 $0xFFFFF086  }
0x25: {  	[simem:s6], [sflag:s4] =	dma.local [hbm:s3], $0xF7A  }
0x26: {  	[smem:$0x3F9F] =	sst s1;
	(tag) =	ssettag s2;
	_ =	strace s9  }
0x27: {  	s1 =	sld [smem:$0x3FAF]  }
0x28: {  	s2 =	sld [smem:$0x3FB0]  }
0x29: {  	s4 =	sld [smem:$0x3FB2]  }
0x2a: {  	p0 =	seq.s32 s5, $0x0;
	s5 =	sld [smem:$0x3FB3]  }
0x2b: {  	s6 =	sld [smem:$0x3FB4]  }
0x2c: {  	s7 =	sld [smem:$0x3FB5]  }
0x2d: {  	s3 =	simm.s32 $0x108;
	s8 =	sld [smem:$0x3FB6]  }
0x2e: {  	s3 =	simm.s32 @!p0 $0x1082;
	s9 =	sld [smem:$0x3FB7]  }
0x2f: {  	lr =	sadd.s32 s0, s3;
	s0 =	sld [smem:$0x3FAE]  }
0x30: {  	s3 =	sld [smem:$0x3FB1]  }
0x31: {  	[smem:$0x3FBA] =	sst s10  }
0x32: {  	s10 =	sld [smem:$0x3FB8];
	_ =	sdelay $0x3  }
0x33: {  	p0 =	seq.s32 s10, $0x1;
	s10 =	sld [smem:$0x3FBA];
	_ =	sdelay $0x3  }
0x34: {  	[smem:$0x3FBA] =	sst s10  }
0x35: {  	s10 =	sld [smem:$0x3FB9];
	_ =	sdelay $0x3  }
0x36: {  	p1 =	seq.s32 s10, $0x1;
	s10 =	sld [smem:$0x3FBA];
	_ =	sdelay $0x3  }
0x37: {  	[smem:$0x3FBA] =	sst s10  }
0x38: {  	s10 =	sld [smem:$0x3FBB]  }
0x39: {  	_ = 	snop;
	(pc) =	sbr.ind lr, $3  }
0x3a: {  	_ = 	snop  }
0x3b: {  	_ = 	snop  }
0x3c: {  	p2 =	seq.s32 s10, $0x1;
	s10 =	sld [smem:$0x3FBA]  }
0x3d: {  	_ =	shalt  }
0x3e: {  	_ =	shalt  }
0x3f: {  	_ =	shalt  }
0x40: {  	_ =	shalt  }
0x41: {  	_ =	shalt  }
0x42: {  	_ =	shalt  }
0x43: {  	_ =	shalt  }
0x44: {  	_ =	shalt  }
0x45: {  	_ =	shalt  }
0x46: {  	_ =	shalt  }
0x47: {  	_ =	shalt  }
0x48: {  	_ =	shalt  }
0x49: {  	_ =	shalt  }
0x4a: {  	_ =	shalt  }
0x4b: {  	_ =	shalt  }
0x4c: {  	_ =	shalt  }
0x4d: {  	_ =	shalt  }
0x4e: {  	_ =	shalt  }
0x4f: {  	_ =	shalt  }
0x50: {  	_ =	shalt  }
0x51: {  	_ =	shalt  }
0x52: {  	_ =	shalt  }
0x53: {  	_ =	shalt  }
0x54: {  	_ =	shalt  }
0x55: {  	_ =	shalt  }
0x56: {  	_ =	shalt  }
0x57: {  	_ =	shalt  }
0x58: {  	_ =	shalt  }
0x59: {  	_ =	shalt  }
0x5a: {  	_ =	shalt  }
0x5b: {  	_ =	shalt  }
0x5c: {  	_ =	shalt  }
0x5d: {  	_ =	shalt  }
0x5e: {  	_ =	shalt  }
0x5f: {  	_ =	shalt  }
0x60: {  	_ =	shalt  }
0x61: {  	_ =	shalt  }
0x62: {  	_ =	shalt  }
0x63: {  	_ =	shalt  }
0x64: {  	_ =	shalt  }
0x65: {  	_ =	shalt  }
0x66: {  	_ =	shalt  }
0x67: {  	_ =	shalt  }
0x68: {  	_ =	shalt  }
0x69: {  	_ =	shalt  }
0x6a: {  	_ =	shalt  }
0x6b: {  	_ =	shalt  }
0x6c: {  	_ =	shalt  }
0x6d: {  	_ =	shalt  }
0x6e: {  	_ =	shalt  }
0x6f: {  	_ =	shalt  }
0x70: {  	_ =	shalt  }
0x71: {  	_ =	shalt  }
0x72: {  	_ =	shalt  }
0x73: {  	_ =	shalt  }
0x74: {  	_ =	shalt  }
0x75: {  	_ =	shalt  }
0x76: {  	_ =	shalt  }
0x77: {  	_ =	shalt  }
0x78: {  	_ =	shalt  }
0x79: {  	_ =	shalt  }
0x7a: {  	_ =	shalt  }
0x7b: {  	_ =	shalt  }
0x7c: {  	_ =	shalt  }
0x7d: {  	_ =	shalt  }
0x7e: {  	_ =	shalt  }
0x7f: {  	_ =	shalt  }
0x80: {  	_ =	shalt  }
0x81: {  	_ =	shalt  }
0x82: {  	_ =	shalt  }
0x83: {  	_ =	shalt  }
0x84: {  	_ =	shalt  }
0x85: {  	_ =	shalt  }
0x86: {  	_ =	shalt  }
0x87: {  	_ =	shalt  }
.Lfunc_end0:
.L_simem_size_0:
called_computation_lowered:
.L_overlay_start_0:
0x88: {  	s2 =	sld [smem:$0x3FD9]  }
0x89: {  	s3 =	sld [smem:$0x3FFE];
	_ =	sdelay $0x1  }
0x8a: {  	s1 =	srdreg.scid  }
0x8b: {  	s0 =	sand.u32 $0x1, s1  }
0x8c: {  	s17 =	sshll.u32 s0, $0xA;
	s2 =	sadd.s32 s3, s2  }
0x8d: {  	s2 =	sadd.s32 s2, s17  }
0x8e: {  	[smem:$0x3FC6] =	sst s2  }
0x8f: {  	_ = 	snop  }
0x90: {  	s2 =	sld [smem:$0x3FD0];
	(tm) =	ssettm $0x1  }
0x91: {  	s18 =	sld [smem:$0x3FFB];
	_ =	sdelay $0x3  }
0x92: {  	_ =	strace s18  }
0x93: {  	s3 =	sld [smem:$0x3FFC];
	_ =	sdelay $0x3  }
0x94: {  	_ =	strace s3  }
0x95: {  	s3 =	sld [smem:$0x3FFD];
	_ =	sdelay $0x3  }
0x96: {  	_ =	strace s3  }
0x97: {  	_ =	strace $0x8FFFFFFF  }
0x98: {  	s19 =	sld [smem:$0x3FDB];
	_ =	sdelay $0x1  }
0x99: {  	s4 =	simm.s32 $_scs_section_size  }
0x9a: {  	s5 =	simm.s32 $_size__tile_overlayer_lowered;
	s6 =	simm.s32 $_tile_overlayer_lowered  }
0x9b: {  	s22 =	simm.s32 $0x1BFF;
	s21 =	sshll.u32 s6, $0x1;
	s3 =	sadd.s32 s4, s19  }
0x9c: {  	s7 =	simm.s32 $0x0;
	s20 =	sshll.u32 s5, $0x1;
	s5 =	sadd.s32 s21, s3  }
0x9d: {  	[timem:s7], [sflag:s22] =	dma.local [hbm:s5], s20  }
0x9e: {  	_ =	swait.ge [sflag:s22], s20  }
0x9f: {  	s4 =	ssub.s32 $0x0, s20;
	[sflag:s22] =	ssyncset.done $0x0  }
0xa0: {  	[sflag:s22] =	ssyncadd.s32 s4;
	_ =	sdelay $0x1  }
0xa1: {  	s23 =	simm.s32 $0x1B8B  }
0xa2: {  	_ =	swait.ge [sflag:s23], $0x1  }
0xa3: {  	[sflag:s23] =	ssyncset.done $0x0  }
0xa4: {  	s25 =	simm.s32 $0x1B8E;
	s24 =	sld [smem:$0x3FFE];
	[sflag:s23] =	ssyncadd.s32 $0xFFFFFFFF  }
0xa5: {  	s26 =	simm.s32 $execute0_lowered;
	[smem:$0x3FD2] =	sst s25  }
0xa6: {  	s5 =	sshll.u32 s26, $0x1;
	_ =	strace $0x80000046;
	[dreg:$0x1] =	wrdreg $0xFFFFFFFF  }
0xa7: {  	s28 =	simm.s32 $_size_execute0_lowered;
	s3 =	sadd.s32 s3, s5;
	[dreg:$0x0] =	wrdreg $0x0  }
0xa8: {  	s5 =	sshll.u32 s28, $0x1;
	[dreg:$0x2] =	wrdreg s3  }
0xa9: {  	[dreg:$0x3] =	wrdreg s5  }
0xaa: {  	[dreg:$0x4] =	wrdreg $0xC0  }
0xab: {  	_ =	task [dreg:s7], $0x5FFFF  }
0xac: {  	[dreg:$0x1] =	wrdreg $0xFFFFFFFF  }
0xad: {  	[dreg:$0x0] =	wrdreg $0x60  }
0xae: {  	[dreg:$0x2] =	wrdreg s24  }
0xaf: {  	[dreg:$0x3] =	wrdreg s2  }
0xb0: {  	[dreg:$0x4] =	wrdreg $0x9  }
0xb1: {  	_ =	task.clear_ibuf [dreg:s7], $0x5FFFF;
	_ =	strace $0x90000046  }
0xb2: {  	s29 =	simm.s32 $0x9;
	_ =	strace $0x80000048  }
0xb3: {  	_ =	swait.ge [sflag:s29], $0x1  }
0xb4: {  	[sflag:s29] =	ssyncadd.s32 $0xFFFFFFFF  }
0xb5: {  	_ =	strace $0x90000048  }
0xb6: {  	_ =	sfence  }
0xb7: {  	s30 =	sld [smem:$0x0];
	_ =	sdelay $0x2  }
0xb8: {  	s31 =	sshll.u32 s1, $0xD;
	s1 =	sshrl.u32 s1, $0x2  }
0xb9: {  	s3 =	sand.u32 $0x4000, s31;
	s1 =	sadd.s32 s1, s30  }
0xba: {  	s0 =	sor.u32 s3, s0;
	s1 =	sshll.u32 s1, $0x11  }
0xbb: {  	s0 =	sor.u32 s1, s0  }
0xbc: {  	s0 =	sadd.s32 $0x8F2B, s0  }
0xbd: {  	[sflag:s0] =	ssyncadd.remote.s32 $0x1  }
0xbe: {  	_ =	sfence.sel $0xFFFF  }
0xbf: {  	[dreg:$0x0] =	wrdreg $0xFFFFFFFF;
	(pc) =	sbr.abs _section_cstart, $3  }
0xc0: {  	[dreg:$0x1] =	wrdreg $0xFFFFFFFF  }
0xc1: {  	_ =	task.clear_ibuf [dreg:s7], $0x2FFFF;
	_ =	strace $0x9FFFFFFF  }
0xc2: {  	(tm) =	ssettm $0x7FFFFFFF  }
0xc3: {  	_ =	shalt  }
tec
execute0_lowered:
.L_overlay_start_1:
0x0: {  	(tag) =	ssettag $0x1  }
0x1: {  	s6 =	rddreg [dreg:$0x0]  }
0x2: {  	s3 =	rddreg [dreg:$0x1]  }
0x3: {  	s0 =	rddreg [dreg:$0x2];
	s2 =	simm.s32 $0x0;
	s1 =	stileid.u32  }
0x4: {  	s4 =	srdreg.scid;
	s10 =	simm.s32 $0x3400;
	s11 =	simm.s32 $0x3  }
0x5: {  	s12 =	simm.s32 $0x0;
	[smem:$0x7FF] =	sst s2;
	s4 =	sand.u32 $0x1, s4  }
0x6: {  	s5 =	sshll.u32 s1, $0x1;
	s7 =	sshll.u32 s1, $0x7;
	_ =	strace $0x80000047  }
0x7: {  	s5 =	sor.u32 s4, s5;
	s8 =	ssub.s32 $0x2, s4;
	s7 =	sadd.s32 s7, s6  }
0x8: {  	s4 =	sshll.u32 s4, $0x6;
	s6 =	sadd.s32 $0x3B06C, s6;
	s5 =	smul.u32 $0x3400, s5  }
0x9: {  	s9 =	sshrl.u32 s8, $0x1;
	s31 =	sadd.s32 s4, s7;
	s7 =	simm.s32 $0x2  }
0xa: {  	s8 =	ssub.s32 s8, s9;
	s9 =	simm.s32 $0x1;
	s3 =	sadd.s32 s3, s5  }
0xb: {  	s4 =	smax.u32 s8, $0x1;
	s5 =	sadd.s32 $0x400, s31;
	s8 =	simm.s32 $0x80  }
.LBB2_1:
0xc: {  	s13 =	simm.s32 $0x800;
	s14 =	simm.s32 $0x0;
	s15 =	sadd.s32 $0x0, s5  }
.LBB2_2:
0xd: {  	[tilespmem:s14], [sflag:$0x2] =	stream.linear.gather [hbm4b:s15+s2], $0x200, $0x38;
	[tilespmem:$0x1D400] =	vst v63  }
0xe: {  	s15 =	smov.u32 s13;
	p0 =	sne.s32 s13, $0xC800  }
.Ltmp0:
0xf: {  	s13 =	sadd.s32 $0x800, s13;
	(pc) =	sbr.rel @p0 .LBB2_2-.Ltmp0, $2  }
0x10: {  	_ =	sdelay $0x2  }
0x11: {  	s14 =	sshra.s32 s15, $0x2;
	s15 =	sadd.s32 s15, s5  }
0x12: {  	[tilespmem:s14], [sflag:$0x2] =	stream.linear.gather [hbm4b:s15+s2], $0x200, $0x38;
	[tilespmem:$0x1D400] =	vst v63  }
0x13: {  	_ =	swait.ge [sflag:s7], $0x200  }
0x14: {  	[sflag:s7] =	ssyncset.done $0x0  }
0x15: {  	[sflag:s7] =	ssyncadd.s32 $0xFFFFFE00  }
0x16: {  	_ =	swait.ge [sflag:s7], $0x200  }
0x17: {  	[sflag:s7] =	ssyncset.done $0x0  }
0x18: {  	[sflag:s7] =	ssyncadd.s32 $0xFFFFFE00  }
0x19: {  	_ =	swait.ge [sflag:s7], $0x200  }
0x1a: {  	[sflag:s7] =	ssyncset.done $0x0  }
0x1b: {  	[sflag:s7] =	ssyncadd.s32 $0xFFFFFE00  }
0x1c: {  	_ =	swait.ge [sflag:s7], $0x200  }
0x1d: {  	[sflag:s7] =	ssyncset.done $0x0  }
0x1e: {  	[sflag:s7] =	ssyncadd.s32 $0xFFFFFE00  }
0x1f: {  	_ =	swait.ge [sflag:s7], $0x200  }
0x20: {  	[sflag:s7] =	ssyncset.done $0x0  }
0x21: {  	[sflag:s7] =	ssyncadd.s32 $0xFFFFFE00  }
0x22: {  	_ =	swait.ge [sflag:s7], $0x200  }
0x23: {  	[sflag:s7] =	ssyncset.done $0x0  }
0x24: {  	[sflag:s7] =	ssyncadd.s32 $0xFFFFFE00  }
0x25: {  	_ =	swait.ge [sflag:s7], $0x200  }
0x26: {  	[sflag:s7] =	ssyncset.done $0x0  }
0x27: {  	[sflag:s7] =	ssyncadd.s32 $0xFFFFFE00  }
0x28: {  	_ =	swait.ge [sflag:s7], $0x200  }
0x29: {  	[sflag:s7] =	ssyncset.done $0x0  }
0x2a: {  	[sflag:s7] =	ssyncadd.s32 $0xFFFFFE00  }
0x2b: {  	_ =	swait.ge [sflag:s7], $0x200  }
0x2c: {  	[sflag:s7] =	ssyncset.done $0x0  }
0x2d: {  	[sflag:s7] =	ssyncadd.s32 $0xFFFFFE00  }
0x2e: {  	_ =	swait.ge [sflag:s7], $0x200  }
0x2f: {  	[sflag:s7] =	ssyncset.done $0x0  }
0x30: {  	[sflag:s7] =	ssyncadd.s32 $0xFFFFFE00  }
0x31: {  	_ =	swait.ge [sflag:s7], $0x200  }
0x32: {  	[sflag:s7] =	ssyncset.done $0x0  }
0x33: {  	[sflag:s7] =	ssyncadd.s32 $0xFFFFFE00  }
0x34: {  	_ =	swait.ge [sflag:s7], $0x200  }
0x35: {  	[sflag:s7] =	ssyncset.done $0x0  }
0x36: {  	[sflag:s7] =	ssyncadd.s32 $0xFFFFFE00  }
0x37: {  	_ =	swait.ge [sflag:s7], $0x200  }
0x38: {  	[sflag:s7] =	ssyncset.done $0x0  }
0x39: {  	[sflag:s7] =	ssyncadd.s32 $0xFFFFFE00  }
0x3a: {  	_ =	swait.ge [sflag:s7], $0x200  }
0x3b: {  	[sflag:s7] =	ssyncset.done $0x0  }
0x3c: {  	[sflag:s7] =	ssyncadd.s32 $0xFFFFFE00  }
0x3d: {  	_ =	swait.ge [sflag:s7], $0x200  }
0x3e: {  	[sflag:s7] =	ssyncset.done $0x0  }
0x3f: {  	[sflag:s7] =	ssyncadd.s32 $0xFFFFFE00  }
0x40: {  	_ =	swait.ge [sflag:s7], $0x200  }
0x41: {  	[sflag:s7] =	ssyncset.done $0x0  }
0x42: {  	[sflag:s7] =	ssyncadd.s32 $0xFFFFFE00  }
0x43: {  	_ =	swait.ge [sflag:s7], $0x200  }
0x44: {  	[sflag:s7] =	ssyncset.done $0x0  }
0x45: {  	[sflag:s7] =	ssyncadd.s32 $0xFFFFFE00  }
0x46: {  	_ =	swait.ge [sflag:s7], $0x200  }
0x47: {  	[sflag:s7] =	ssyncset.done $0x0  }
0x48: {  	[sflag:s7] =	ssyncadd.s32 $0xFFFFFE00  }
0x49: {  	_ =	swait.ge [sflag:s7], $0x200  }
0x4a: {  	[sflag:s7] =	ssyncset.done $0x0  }
0x4b: {  	[sflag:s7] =	ssyncadd.s32 $0xFFFFFE00  }
0x4c: {  	_ =	swait.ge [sflag:s7], $0x200  }
0x4d: {  	[sflag:s7] =	ssyncset.done $0x0  }
0x4e: {  	[sflag:s7] =	ssyncadd.s32 $0xFFFFFE00  }
0x4f: {  	_ =	swait.ge [sflag:s7], $0x200  }
0x50: {  	[sflag:s7] =	ssyncset.done $0x0  }
0x51: {  	[sflag:s7] =	ssyncadd.s32 $0xFFFFFE00  }
0x52: {  	_ =	swait.ge [sflag:s7], $0x200  }
0x53: {  	[sflag:s7] =	ssyncset.done $0x0  }
0x54: {  	[sflag:s7] =	ssyncadd.s32 $0xFFFFFE00  }
0x55: {  	_ =	swait.ge [sflag:s7], $0x200  }
0x56: {  	[sflag:s7] =	ssyncset.done $0x0  }
0x57: {  	[sflag:s7] =	ssyncadd.s32 $0xFFFFFE00  }
0x58: {  	_ =	swait.ge [sflag:s7], $0x200  }
0x59: {  	[sflag:s7] =	ssyncset.done $0x0  }
0x5a: {  	[sflag:s7] =	ssyncadd.s32 $0xFFFFFE00  }
0x5b: {  	_ =	swait.ge [sflag:s7], $0x200  }
0x5c: {  	[sflag:s7] =	ssyncset.done $0x0  }
0x5d: {  	[sflag:s7] =	ssyncadd.s32 $0xFFFFFE00  }
0x5e: {  	_ =	swait.ge [sflag:s7], $0x200  }
0x5f: {  	s13 =	simm.s32 $0x0;
	[sflag:s7] =	ssyncset.done $0x0  }
0x60: {  	s17 =	sadd.s32 $0xFFFD2394, s6;
	s26 =	simm.s32 $0x3400;
	[sflag:s7] =	ssyncadd.s32 $0xFFFFFE00  }
0x61: {  	[tilespmem:s26], [sflag:$0x1] =	stream.indirect.gather [hbm4b:s17+s8], $0x1, s13, s8, $0xb8;
	[tilespmem:$0x1D400] =	vst v63  }
0x62: {  	s14 =	simm.s32 $0x80;
	s28 =	simm.s32 $0x3480  }
0x63: {  	[tilespmem:s28], [sflag:$0x1] =	stream.indirect.gather [hbm4b:s17+s8], $0x1, s14, s8, $0xb8;
	[tilespmem:$0x1D400] =	vst v63  }
0x64: {  	s15 =	simm.s32 $0x100;
	s16 =	simm.s32 $0x3500  }
0x65: {  	[tilespmem:s16], [sflag:$0x1] =	stream.indirect.gather [hbm4b:s17+s8], $0x1, s15, s8, $0xb8;
	[tilespmem:$0x1D400] =	vst v63  }
0x66: {  	s18 =	simm.s32 $0x3580;
	s16 =	simm.s32 $0x180  }
0x67: {  	[tilespmem:s18], [sflag:$0x1] =	stream.indirect.gather [hbm4b:s17+s8], $0x1, s16, s8, $0xb8;
	[tilespmem:$0x1D400] =	vst v63  }
0x68: {  	s29 =	simm.s32 $0x3600;
	s30 =	sadd.s32 $0xFFFD5468, s6  }
0x69: {  	[tilespmem:s29], [sflag:$0x1] =	stream.indirect.gather [hbm4b:s30+s8], $0x1, s13, s8, $0xb8;
	[tilespmem:$0x1D400] =	vst v63  }
0x6a: {  	s31 =	simm.s32 $0x3680  }
0x6b: {  	[tilespmem:s31], [sflag:$0x1] =	stream.indirect.gather [hbm4b:s30+s8], $0x1, s14, s8, $0xb8;
	[tilespmem:$0x1D400] =	vst v63  }
0x6c: {  	s19 =	simm.s32 $0x3700  }
0x6d: {  	[tilespmem:s19], [sflag:$0x1] =	stream.indirect.gather [hbm4b:s30+s8], $0x1, s15, s8, $0xb8;
	[tilespmem:$0x1D400] =	vst v63  }
0x6e: {  	s20 =	simm.s32 $0x3780  }
0x6f: {  	[tilespmem:s20], [sflag:$0x1] =	stream.indirect.gather [hbm4b:s30+s8], $0x1, s16, s8, $0xb8;
	[tilespmem:$0x1D400] =	vst v63  }
0x70: {  	s21 =	simm.s32 $0x3800;
	s22 =	sadd.s32 $0xFFFD853C, s6  }
0x71: {  	[tilespmem:s21], [sflag:$0x1] =	stream.indirect.gather [hbm4b:s22+s8], $0x1, s13, s8, $0xb8;
	[tilespmem:$0x1D400] =	vst v63  }
0x72: {  	s23 =	simm.s32 $0x3880  }
0x73: {  	[tilespmem:s23], [sflag:$0x1] =	stream.indirect.gather [hbm4b:s22+s8], $0x1, s14, s8, $0xb8;
	[tilespmem:$0x1D400] =	vst v63  }
0x74: {  	s24 =	simm.s32 $0x3900  }
0x75: {  	[tilespmem:s24], [sflag:$0x1] =	stream.indirect.gather [hbm4b:s22+s8], $0x1, s15, s8, $0xb8;
	[tilespmem:$0x1D400] =	vst v63  }
0x76: {  	s25 =	simm.s32 $0x3980  }
0x77: {  	[tilespmem:s25], [sflag:$0x1] =	stream.indirect.gather [hbm4b:s22+s8], $0x1, s16, s8, $0xb8;
	[tilespmem:$0x1D400] =	vst v63  }
0x78: {  	s26 =	simm.s32 $0x3A00;
	s28 =	sadd.s32 $0xFFFDB610, s6  }
0x79: {  	[tilespmem:s26], [sflag:$0x1] =	stream.indirect.gather [hbm4b:s28+s8], $0x1, s13, s8, $0xb8;
	[tilespmem:$0x1D400] =	vst v63  }
0x7a: {  	s29 =	simm.s32 $0x3A80  }
0x7b: {  	[tilespmem:s29], [sflag:$0x1] =	stream.indirect.gather [hbm4b:s28+s8], $0x1, s14, s8, $0xb8;
	[tilespmem:$0x1D400] =	vst v63  }
0x7c: {  	s30 =	simm.s32 $0x3B00  }
0x7d: {  	[tilespmem:s30], [sflag:$0x1] =	stream.indirect.gather [hbm4b:s28+s8], $0x1, s15, s8, $0xb8;
	[tilespmem:$0x1D400] =	vst v63  }
0x7e: {  	s31 =	simm.s32 $0x3B80  }
0x7f: {  	[tilespmem:s31], [sflag:$0x1] =	stream.indirect.gather [hbm4b:s28+s8], $0x1, s16, s8, $0xb8;
	[tilespmem:$0x1D400] =	vst v63  }
0x80: {  	s18 =	simm.s32 $0x3C00;
	s19 =	sadd.s32 $0xFFFDE6E4, s6  }
0x81: {  	[tilespmem:s18], [sflag:$0x1] =	stream.indirect.gather [hbm4b:s19+s8], $0x1, s13, s8, $0xb8;
	[tilespmem:$0x1D400] =	vst v63  }
0x82: {  	s20 =	simm.s32 $0x3C80  }
0x83: {  	[tilespmem:s20], [sflag:$0x1] =	stream.indirect.gather [hbm4b:s19+s8], $0x1, s14, s8, $0xb8;
	[tilespmem:$0x1D400] =	vst v63  }
0x84: {  	s21 =	simm.s32 $0x3D00  }
0x85: {  	[tilespmem:s21], [sflag:$0x1] =	stream.indirect.gather [hbm4b:s19+s8], $0x1, s15, s8, $0xb8;
	[tilespmem:$0x1D400] =	vst v63  }
0x86: {  	s22 =	simm.s32 $0x3D80  }
0x87: {  	[tilespmem:s22], [sflag:$0x1] =	stream.indirect.gather [hbm4b:s19+s8], $0x1, s16, s8, $0xb8;
	[tilespmem:$0x1D400] =	vst v63  }
0x88: {  	s23 =	simm.s32 $0x3E00;
	s24 =	sadd.s32 $0xFFFE17B8, s6  }
0x89: {  	[tilespmem:s23], [sflag:$0x1] =	stream.indirect.gather [hbm4b:s24+s8], $0x1, s13, s8, $0xb8;
	[tilespmem:$0x1D400] =	vst v63  }
0x8a: {  	s25 =	simm.s32 $0x3E80  }
0x8b: {  	[tilespmem:s25], [sflag:$0x1] =	stream.indirect.gather [hbm4b:s24+s8], $0x1, s14, s8, $0xb8;
	[tilespmem:$0x1D400] =	vst v63  }
0x8c: {  	s26 =	simm.s32 $0x3F00  }
0x8d: {  	[tilespmem:s26], [sflag:$0x1] =	stream.indirect.gather [hbm4b:s24+s8], $0x1, s15, s8, $0xb8;
	[tilespmem:$0x1D400] =	vst v63  }
0x8e: {  	s28 =	simm.s32 $0x3F80  }
0x8f: {  	[tilespmem:s28], [sflag:$0x1] =	stream.indirect.gather [hbm4b:s24+s8], $0x1, s16, s8, $0xb8;
	[tilespmem:$0x1D400] =	vst v63  }
0x90: {  	s29 =	simm.s32 $0x4000;
	s30 =	sadd.s32 $0xFFFE488C, s6  }
0x91: {  	[tilespmem:s29], [sflag:$0x1] =	stream.indirect.gather [hbm4b:s30+s8], $0x1, s13, s8, $0xb8;
	[tilespmem:$0x1D400] =	vst v63  }
0x92: {  	s31 =	simm.s32 $0x4080  }
0x93: {  	[tilespmem:s31], [sflag:$0x1] =	stream.indirect.gather [hbm4b:s30+s8], $0x1, s14, s8, $0xb8;
	[tilespmem:$0x1D400] =	vst v63  }
0x94: {  	s19 =	simm.s32 $0x4100  }
0x95: {  	[tilespmem:s19], [sflag:$0x1] =	stream.indirect.gather [hbm4b:s30+s8], $0x1, s15, s8, $0xb8;
	[tilespmem:$0x1D400] =	vst v63  }
0x96: {  	s20 =	simm.s32 $0x4180  }
0x97: {  	[tilespmem:s20], [sflag:$0x1] =	stream.indirect.gather [hbm4b:s30+s8], $0x1, s16, s8, $0xb8;
	[tilespmem:$0x1D400] =	vst v63  }
0x98: {  	s21 =	simm.s32 $0x4200;
	s22 =	sadd.s32 $0xFFFE7960, s6  }
0x99: {  	[tilespmem:s21], [sflag:$0x1] =	stream.indirect.gather [hbm4b:s22+s8], $0x1, s13, s8, $0xb8;
	[tilespmem:$0x1D400] =	vst v63  }
0x9a: {  	s23 =	simm.s32 $0x4280  }
0x9b: {  	[tilespmem:s23], [sflag:$0x1] =	stream.indirect.gather [hbm4b:s22+s8], $0x1, s14, s8, $0xb8;
	[tilespmem:$0x1D400] =	vst v63  }
0x9c: {  	s24 =	simm.s32 $0x4300  }
0x9d: {  	[tilespmem:s24], [sflag:$0x1] =	stream.indirect.gather [hbm4b:s22+s8], $0x1, s15, s8, $0xb8;
	[tilespmem:$0x1D400] =	vst v63  }
0x9e: {  	s25 =	simm.s32 $0x4380  }
0x9f: {  	[tilespmem:s25], [sflag:$0x1] =	stream.indirect.gather [hbm4b:s22+s8], $0x1, s16, s8, $0xb8;
	[tilespmem:$0x1D400] =	vst v63  }
0xa0: {  	s26 =	simm.s32 $0x4400;
	s28 =	sadd.s32 $0xFFFEAA34, s6;
	s13 =	simm.s32 $0x200  }
0xa1: {  	[tilespmem:s26], [sflag:$0x1] =	stream.indirect.gather [hbm4b:s28+s8], $0x1, s13, s8, $0xb8;
	[tilespmem:$0x1D400] =	vst v63  }
0xa2: {  	s17 =	simm.s32 $0x280;
	s29 =	simm.s32 $0x4480  }
0xa3: {  	[tilespmem:s29], [sflag:$0x1] =	stream.indirect.gather [hbm4b:s28+s8], $0x1, s17, s8, $0xb8;
	[tilespmem:$0x1D400] =	vst v63  }
0xa4: {  	s30 =	simm.s32 $0x4500;
	s14 =	simm.s32 $0x300  }
0xa5: {  	[tilespmem:s30], [sflag:$0x1] =	stream.indirect.gather [hbm4b:s28+s8], $0x1, s14, s8, $0xb8;
	[tilespmem:$0x1D400] =	vst v63  }
0xa6: {  	s31 =	simm.s32 $0x4580;
	s15 =	simm.s32 $0x380  }
0xa7: {  	[tilespmem:s31], [sflag:$0x1] =	stream.indirect.gather [hbm4b:s28+s8], $0x1, s15, s8, $0xb8;
	[tilespmem:$0x1D400] =	vst v63  }
0xa8: {  	s18 =	simm.s32 $0x4600;
	s19 =	sadd.s32 $0xFFFEDB08, s6  }
0xa9: {  	[tilespmem:s18], [sflag:$0x1] =	stream.indirect.gather [hbm4b:s19+s8], $0x1, s13, s8, $0xb8;
	[tilespmem:$0x1D400] =	vst v63  }
0xaa: {  	s20 =	simm.s32 $0x4680  }
0xab: {  	[tilespmem:s20], [sflag:$0x1] =	stream.indirect.gather [hbm4b:s19+s8], $0x1, s17, s8, $0xb8;
	[tilespmem:$0x1D400] =	vst v63  }
0xac: {  	s21 =	simm.s32 $0x4700  }
0xad: {  	[tilespmem:s21], [sflag:$0x1] =	stream.indirect.gather [hbm4b:s19+s8], $0x1, s14, s8, $0xb8;
	[tilespmem:$0x1D400] =	vst v63  }
0xae: {  	s22 =	simm.s32 $0x4780  }
0xaf: {  	[tilespmem:s22], [sflag:$0x1] =	stream.indirect.gather [hbm4b:s19+s8], $0x1, s15, s8, $0xb8;
	[tilespmem:$0x1D400] =	vst v63  }
0xb0: {  	s23 =	simm.s32 $0x4800;
	s24 =	sadd.s32 $0xFFFF0BDC, s6  }
0xb1: {  	[tilespmem:s23], [sflag:$0x1] =	stream.indirect.gather [hbm4b:s24+s8], $0x1, s13, s8, $0xb8;
	[tilespmem:$0x1D400] =	vst v63  }
0xb2: {  	s25 =	simm.s32 $0x4880  }
0xb3: {  	[tilespmem:s25], [sflag:$0x1] =	stream.indirect.gather [hbm4b:s24+s8], $0x1, s17, s8, $0xb8;
	[tilespmem:$0x1D400] =	vst v63  }
0xb4: {  	s26 =	simm.s32 $0x280;
	s19 =	simm.s32 $0x4900  }
0xb5: {  	[tilespmem:s19], [sflag:$0x1] =	stream.indirect.gather [hbm4b:s24+s8], $0x1, s14, s8, $0xb8;
	[tilespmem:$0x1D400] =	vst v63  }
0xb6: {  	s16 =	sor.u32 $0x180, s26;
	s28 =	simm.s32 $0x4980  }
0xb7: {  	[tilespmem:s28], [sflag:$0x1] =	stream.indirect.gather [hbm4b:s24+s8], $0x1, s16, s8, $0xb8;
	[tilespmem:$0x1D400] =	vst v63  }
0xb8: {  	s29 =	simm.s32 $0x4A00;
	s30 =	sadd.s32 $0xFFFF3CB0, s6  }
0xb9: {  	[tilespmem:s29], [sflag:$0x1] =	stream.indirect.gather [hbm4b:s30+s8], $0x1, s13, s8, $0xb8;
	[tilespmem:$0x1D400] =	vst v63  }
0xba: {  	s31 =	simm.s32 $0x4A80  }
0xbb: {  	[tilespmem:s31], [sflag:$0x1] =	stream.indirect.gather [hbm4b:s30+s8], $0x1, s17, s8, $0xb8;
	[tilespmem:$0x1D400] =	vst v63  }
0xbc: {  	s19 =	simm.s32 $0x4B00  }
0xbd: {  	[tilespmem:s19], [sflag:$0x1] =	stream.indirect.gather [hbm4b:s30+s8], $0x1, s14, s8, $0xb8;
	[tilespmem:$0x1D400] =	vst v63  }
0xbe: {  	s20 =	simm.s32 $0x4B80  }
0xbf: {  	[tilespmem:s20], [sflag:$0x1] =	stream.indirect.gather [hbm4b:s30+s8], $0x1, s15, s8, $0xb8;
	[tilespmem:$0x1D400] =	vst v63  }
0xc0: {  	s21 =	simm.s32 $0x4C00;
	s22 =	sadd.s32 $0xFFFF6D84, s6  }
0xc1: {  	[tilespmem:s21], [sflag:$0x1] =	stream.indirect.gather [hbm4b:s22+s8], $0x1, s13, s8, $0xb8;
	[tilespmem:$0x1D400] =	vst v63  }
0xc2: {  	s23 =	simm.s32 $0x4C80  }
0xc3: {  	[tilespmem:s23], [sflag:$0x1] =	stream.indirect.gather [hbm4b:s22+s8], $0x1, s17, s8, $0xb8;
	[tilespmem:$0x1D400] =	vst v63  }
0xc4: {  	s25 =	simm.s32 $0x4D00;
	s24 =	simm.s32 $0x300  }
0xc5: {  	[tilespmem:s25], [sflag:$0x1] =	stream.indirect.gather [hbm4b:s22+s8], $0x1, s14, s8, $0xb8;
	[tilespmem:$0x1D400] =	vst v63  }
0xc6: {  	s26 =	simm.s32 $0x4D80;
	s16 =	sor.u32 $0x180, s24  }
0xc7: {  	[tilespmem:s26], [sflag:$0x1] =	stream.indirect.gather [hbm4b:s22+s8], $0x1, s16, s8, $0xb8;
	[tilespmem:$0x1D400] =	vst v63  }
0xc8: {  	s28 =	simm.s32 $0x4E00;
	s29 =	sadd.s32 $0xFFFF9E58, s6  }
0xc9: {  	[tilespmem:s28], [sflag:$0x1] =	stream.indirect.gather [hbm4b:s29+s8], $0x1, s13, s8, $0xb8;
	[tilespmem:$0x1D400] =	vst v63  }
0xca: {  	s30 =	simm.s32 $0x4E80  }
0xcb: {  	[tilespmem:s30], [sflag:$0x1] =	stream.indirect.gather [hbm4b:s29+s8], $0x1, s17, s8, $0xb8;
	[tilespmem:$0x1D400] =	vst v63  }
0xcc: {  	s31 =	simm.s32 $0x4F00  }
0xcd: {  	[tilespmem:s31], [sflag:$0x1] =	stream.indirect.gather [hbm4b:s29+s8], $0x1, s14, s8, $0xb8;
	[tilespmem:$0x1D400] =	vst v63  }
0xce: {  	s17 =	simm.s32 $0x4F80  }
0xcf: {  	[tilespmem:s17], [sflag:$0x1] =	stream.indirect.gather [hbm4b:s29+s8], $0x1, s15, s8, $0xb8;
	[tilespmem:$0x1D400] =	vst v63  }
0xd0: {  	s19 =	simm.s32 $0x380;
	s20 =	simm.s32 $0x5000;
	s21 =	sadd.s32 $0xFFFFCF2C, s6  }
0xd1: {  	[tilespmem:s20], [sflag:$0x1] =	stream.indirect.gather [hbm4b:s21+s8], $0x1, s13, s8, $0xb8;
	[tilespmem:$0x1D400] =	vst v63  }
0xd2: {  	s16 =	sand.u32 $0x3E80, s19;
	s22 =	simm.s32 $0x5080  }
0xd3: {  	[tilespmem:s22], [sflag:$0x1] =	stream.indirect.gather [hbm4b:s21+s8], $0x1, s16, s8, $0xb8;
	[tilespmem:$0x1D400] =	vst v63  }
0xd4: {  	s23 =	simm.s32 $0x5100  }
0xd5: {  	[tilespmem:s23], [sflag:$0x1] =	stream.indirect.gather [hbm4b:s21+s8], $0x1, s14, s8, $0xb8;
	[tilespmem:$0x1D400] =	vst v63  }
0xd6: {  	s24 =	simm.s32 $0x5180  }
0xd7: {  	[tilespmem:s24], [sflag:$0x1] =	stream.indirect.gather [hbm4b:s21+s8], $0x1, s15, s8, $0xb8;
	[tilespmem:$0x1D400] =	vst v63  }
0xd8: {  	s25 =	simm.s32 $0x3C0;
	s26 =	simm.s32 $0x5200  }
0xd9: {  	[tilespmem:s26], [sflag:$0x1] =	stream.indirect.gather [hbm4b:s6+s8], $0x1, s13, s8, $0xb8;
	[tilespmem:$0x1D400] =	vst v63  }
0xda: {  	s28 =	sand.u32 $0x3E80, s25;
	s29 =	simm.s32 $0x5280  }
0xdb: {  	[tilespmem:s29], [sflag:$0x1] =	stream.indirect.gather [hbm4b:s6+s8], $0x1, s28, s8, $0xb8;
	[tilespmem:$0x1D400] =	vst v63  }
0xdc: {  	s30 =	simm.s32 $0x5300  }
0xdd: {  	[tilespmem:s30], [sflag:$0x1] =	stream.indirect.gather [hbm4b:s6+s8], $0x1, s14, s8, $0xb8;
	[tilespmem:$0x1D400] =	vst v63  }
0xde: {  	s31 =	simm.s32 $0x5380  }
0xdf: {  	[tilespmem:s31], [sflag:$0x1] =	stream.indirect.gather [hbm4b:s6+s8], $0x1, s15, s8, $0xb8;
	[tilespmem:$0x1D400] =	vst v63  }
0xe0: {  	_ =	swait.ge [sflag:s9], $0x80  }
0xe1: {  	[sflag:s9] =	ssyncset.done $0x0  }
0xe2: {  	[sflag:s9] =	ssyncadd.s32 $0xFFFFFF80  }
0xe3: {  	_ =	swait.ge [sflag:s9], $0x80  }
0xe4: {  	[sflag:s9] =	ssyncset.done $0x0  }
0xe5: {  	[sflag:s9] =	ssyncadd.s32 $0xFFFFFF80  }
0xe6: {  	_ =	swait.ge [sflag:s9], $0x80  }
0xe7: {  	[sflag:s9] =	ssyncset.done $0x0  }
0xe8: {  	[sflag:s9] =	ssyncadd.s32 $0xFFFFFF80  }
0xe9: {  	_ =	swait.ge [sflag:s9], $0x80  }
0xea: {  	[sflag:s9] =	ssyncset.done $0x0  }
0xeb: {  	[sflag:s9] =	ssyncadd.s32 $0xFFFFFF80  }
0xec: {  	_ =	swait.ge [sflag:s9], $0x80  }
0xed: {  	[sflag:s9] =	ssyncset.done $0x0  }
0xee: {  	[sflag:s9] =	ssyncadd.s32 $0xFFFFFF80  }
0xef: {  	_ =	swait.ge [sflag:s9], $0x80  }
0xf0: {  	[sflag:s9] =	ssyncset.done $0x0  }
0xf1: {  	[sflag:s9] =	ssyncadd.s32 $0xFFFFFF80  }
0xf2: {  	_ =	swait.ge [sflag:s9], $0x80  }
0xf3: {  	[sflag:s9] =	ssyncset.done $0x0  }
0xf4: {  	[sflag:s9] =	ssyncadd.s32 $0xFFFFFF80  }
0xf5: {  	_ =	swait.ge [sflag:s9], $0x80  }
0xf6: {  	[sflag:s9] =	ssyncset.done $0x0  }
0xf7: {  	[sflag:s9] =	ssyncadd.s32 $0xFFFFFF80  }
0xf8: {  	_ =	swait.ge [sflag:s9], $0x80  }
0xf9: {  	[sflag:s9] =	ssyncset.done $0x0  }
0xfa: {  	[sflag:s9] =	ssyncadd.s32 $0xFFFFFF80  }
0xfb: {  	_ =	swait.ge [sflag:s9], $0x80  }
0xfc: {  	[sflag:s9] =	ssyncset.done $0x0  }
0xfd: {  	[sflag:s9] =	ssyncadd.s32 $0xFFFFFF80  }
0xfe: {  	_ =	swait.ge [sflag:s9], $0x80  }
0xff: {  	[sflag:s9] =	ssyncset.done $0x0  }
0x100: {  	[sflag:s9] =	ssyncadd.s32 $0xFFFFFF80  }
0x101: {  	_ =	swait.ge [sflag:s9], $0x80  }
0x102: {  	[sflag:s9] =	ssyncset.done $0x0  }
0x103: {  	[sflag:s9] =	ssyncadd.s32 $0xFFFFFF80  }
0x104: {  	_ =	swait.ge [sflag:s9], $0x80  }
0x105: {  	[sflag:s9] =	ssyncset.done $0x0  }
0x106: {  	[sflag:s9] =	ssyncadd.s32 $0xFFFFFF80  }
0x107: {  	_ =	swait.ge [sflag:s9], $0x80  }
0x108: {  	[sflag:s9] =	ssyncset.done $0x0  }
0x109: {  	[sflag:s9] =	ssyncadd.s32 $0xFFFFFF80  }
0x10a: {  	_ =	swait.ge [sflag:s9], $0x80  }
0x10b: {  	[sflag:s9] =	ssyncset.done $0x0  }
0x10c: {  	[sflag:s9] =	ssyncadd.s32 $0xFFFFFF80  }
0x10d: {  	_ =	swait.ge [sflag:s9], $0x80  }
0x10e: {  	[sflag:s9] =	ssyncset.done $0x0  }
0x10f: {  	[sflag:s9] =	ssyncadd.s32 $0xFFFFFF80  }
0x110: {  	_ =	swait.ge [sflag:s9], $0x80  }
0x111: {  	[sflag:s9] =	ssyncset.done $0x0  }
0x112: {  	[sflag:s9] =	ssyncadd.s32 $0xFFFFFF80  }
0x113: {  	_ =	swait.ge [sflag:s9], $0x80  }
0x114: {  	[sflag:s9] =	ssyncset.done $0x0  }
0x115: {  	[sflag:s9] =	ssyncadd.s32 $0xFFFFFF80  }
0x116: {  	_ =	swait.ge [sflag:s9], $0x80  }
0x117: {  	[sflag:s9] =	ssyncset.done $0x0  }
0x118: {  	[sflag:s9] =	ssyncadd.s32 $0xFFFFFF80  }
0x119: {  	_ =	swait.ge [sflag:s9], $0x80  }
0x11a: {  	[sflag:s9] =	ssyncset.done $0x0  }
0x11b: {  	[sflag:s9] =	ssyncadd.s32 $0xFFFFFF80  }
0x11c: {  	_ =	swait.ge [sflag:s9], $0x80  }
0x11d: {  	[sflag:s9] =	ssyncset.done $0x0  }
0x11e: {  	[sflag:s9] =	ssyncadd.s32 $0xFFFFFF80  }
0x11f: {  	_ =	swait.ge [sflag:s9], $0x80  }
0x120: {  	[sflag:s9] =	ssyncset.done $0x0  }
0x121: {  	[sflag:s9] =	ssyncadd.s32 $0xFFFFFF80  }
0x122: {  	_ =	swait.ge [sflag:s9], $0x80  }
0x123: {  	[sflag:s9] =	ssyncset.done $0x0  }
0x124: {  	[sflag:s9] =	ssyncadd.s32 $0xFFFFFF80  }
0x125: {  	_ =	swait.ge [sflag:s9], $0x80  }
0x126: {  	[sflag:s9] =	ssyncset.done $0x0  }
0x127: {  	[sflag:s9] =	ssyncadd.s32 $0xFFFFFF80  }
0x128: {  	_ =	swait.ge [sflag:s9], $0x80  }
0x129: {  	[sflag:s9] =	ssyncset.done $0x0  }
0x12a: {  	[sflag:s9] =	ssyncadd.s32 $0xFFFFFF80  }
0x12b: {  	_ =	swait.ge [sflag:s9], $0x80  }
0x12c: {  	[sflag:s9] =	ssyncset.done $0x0  }
0x12d: {  	[sflag:s9] =	ssyncadd.s32 $0xFFFFFF80  }
0x12e: {  	_ =	swait.ge [sflag:s9], $0x80  }
0x12f: {  	[sflag:s9] =	ssyncset.done $0x0  }
0x130: {  	[sflag:s9] =	ssyncadd.s32 $0xFFFFFF80  }
0x131: {  	_ =	swait.ge [sflag:s9], $0x80  }
0x132: {  	[sflag:s9] =	ssyncset.done $0x0  }
0x133: {  	[sflag:s9] =	ssyncadd.s32 $0xFFFFFF80  }
0x134: {  	_ =	swait.ge [sflag:s9], $0x80  }
0x135: {  	[sflag:s9] =	ssyncset.done $0x0  }
0x136: {  	[sflag:s9] =	ssyncadd.s32 $0xFFFFFF80  }
0x137: {  	_ =	swait.ge [sflag:s9], $0x80  }
0x138: {  	[sflag:s9] =	ssyncset.done $0x0  }
0x139: {  	[sflag:s9] =	ssyncadd.s32 $0xFFFFFF80  }
0x13a: {  	_ =	swait.ge [sflag:s9], $0x80  }
0x13b: {  	[sflag:s9] =	ssyncset.done $0x0  }
0x13c: {  	[sflag:s9] =	ssyncadd.s32 $0xFFFFFF80  }
0x13d: {  	_ =	swait.ge [sflag:s9], $0x80  }
0x13e: {  	[sflag:s9] =	ssyncset.done $0x0  }
0x13f: {  	[sflag:s9] =	ssyncadd.s32 $0xFFFFFF80  }
0x140: {  	_ =	swait.ge [sflag:s9], $0x80  }
0x141: {  	[sflag:s9] =	ssyncset.done $0x0  }
0x142: {  	[sflag:s9] =	ssyncadd.s32 $0xFFFFFF80  }
0x143: {  	_ =	swait.ge [sflag:s9], $0x80  }
0x144: {  	[sflag:s9] =	ssyncset.done $0x0  }
0x145: {  	[sflag:s9] =	ssyncadd.s32 $0xFFFFFF80  }
0x146: {  	_ =	swait.ge [sflag:s9], $0x80  }
0x147: {  	[sflag:s9] =	ssyncset.done $0x0  }
0x148: {  	[sflag:s9] =	ssyncadd.s32 $0xFFFFFF80  }
0x149: {  	_ =	swait.ge [sflag:s9], $0x80  }
0x14a: {  	[sflag:s9] =	ssyncset.done $0x0  }
0x14b: {  	[sflag:s9] =	ssyncadd.s32 $0xFFFFFF80  }
0x14c: {  	_ =	swait.ge [sflag:s9], $0x80  }
0x14d: {  	[sflag:s9] =	ssyncset.done $0x0  }
0x14e: {  	[sflag:s9] =	ssyncadd.s32 $0xFFFFFF80  }
0x14f: {  	_ =	swait.ge [sflag:s9], $0x80  }
0x150: {  	[sflag:s9] =	ssyncset.done $0x0  }
0x151: {  	[sflag:s9] =	ssyncadd.s32 $0xFFFFFF80  }
0x152: {  	_ =	swait.ge [sflag:s9], $0x80  }
0x153: {  	[sflag:s9] =	ssyncset.done $0x0  }
0x154: {  	[sflag:s9] =	ssyncadd.s32 $0xFFFFFF80  }
0x155: {  	_ =	swait.ge [sflag:s9], $0x80  }
0x156: {  	[sflag:s9] =	ssyncset.done $0x0  }
0x157: {  	[sflag:s9] =	ssyncadd.s32 $0xFFFFFF80  }
0x158: {  	_ =	swait.ge [sflag:s9], $0x80  }
0x159: {  	[sflag:s9] =	ssyncset.done $0x0  }
0x15a: {  	[sflag:s9] =	ssyncadd.s32 $0xFFFFFF80  }
0x15b: {  	_ =	swait.ge [sflag:s9], $0x80  }
0x15c: {  	[sflag:s9] =	ssyncset.done $0x0  }
0x15d: {  	[sflag:s9] =	ssyncadd.s32 $0xFFFFFF80  }
0x15e: {  	_ =	swait.ge [sflag:s9], $0x80  }
0x15f: {  	[sflag:s9] =	ssyncset.done $0x0  }
0x160: {  	[sflag:s9] =	ssyncadd.s32 $0xFFFFFF80  }
0x161: {  	_ =	swait.ge [sflag:s9], $0x80  }
0x162: {  	[sflag:s9] =	ssyncset.done $0x0  }
0x163: {  	[sflag:s9] =	ssyncadd.s32 $0xFFFFFF80  }
0x164: {  	_ =	swait.ge [sflag:s9], $0x80  }
0x165: {  	[sflag:s9] =	ssyncset.done $0x0  }
0x166: {  	[sflag:s9] =	ssyncadd.s32 $0xFFFFFF80  }
0x167: {  	_ =	swait.ge [sflag:s9], $0x80  }
0x168: {  	[sflag:s9] =	ssyncset.done $0x0  }
0x169: {  	[sflag:s9] =	ssyncadd.s32 $0xFFFFFF80  }
0x16a: {  	_ =	swait.ge [sflag:s9], $0x80  }
0x16b: {  	[sflag:s9] =	ssyncset.done $0x0  }
0x16c: {  	[sflag:s9] =	ssyncadd.s32 $0xFFFFFF80  }
0x16d: {  	_ =	swait.ge [sflag:s9], $0x80  }
0x16e: {  	[sflag:s9] =	ssyncset.done $0x0  }
0x16f: {  	[sflag:s9] =	ssyncadd.s32 $0xFFFFFF80  }
0x170: {  	_ =	swait.ge [sflag:s9], $0x80  }
0x171: {  	[sflag:s9] =	ssyncset.done $0x0  }
0x172: {  	[sflag:s9] =	ssyncadd.s32 $0xFFFFFF80  }
0x173: {  	_ =	swait.ge [sflag:s9], $0x80  }
0x174: {  	[sflag:s9] =	ssyncset.done $0x0  }
0x175: {  	[sflag:s9] =	ssyncadd.s32 $0xFFFFFF80  }
0x176: {  	_ =	swait.ge [sflag:s9], $0x80  }
0x177: {  	[sflag:s9] =	ssyncset.done $0x0  }
0x178: {  	[sflag:s9] =	ssyncadd.s32 $0xFFFFFF80  }
0x179: {  	_ =	swait.ge [sflag:s9], $0x80  }
0x17a: {  	[sflag:s9] =	ssyncset.done $0x0  }
0x17b: {  	[sflag:s9] =	ssyncadd.s32 $0xFFFFFF80  }
0x17c: {  	_ =	swait.ge [sflag:s9], $0x80  }
0x17d: {  	[sflag:s9] =	ssyncset.done $0x0  }
0x17e: {  	[sflag:s9] =	ssyncadd.s32 $0xFFFFFF80  }
0x17f: {  	_ =	swait.ge [sflag:s9], $0x80  }
0x180: {  	[sflag:s9] =	ssyncset.done $0x0  }
0x181: {  	[sflag:s9] =	ssyncadd.s32 $0xFFFFFF80  }
0x182: {  	_ =	swait.ge [sflag:s9], $0x80  }
0x183: {  	[sflag:s9] =	ssyncset.done $0x0  }
0x184: {  	[sflag:s9] =	ssyncadd.s32 $0xFFFFFF80  }
0x185: {  	_ =	swait.ge [sflag:s9], $0x80  }
0x186: {  	[sflag:s9] =	ssyncset.done $0x0  }
0x187: {  	[sflag:s9] =	ssyncadd.s32 $0xFFFFFF80  }
0x188: {  	_ =	swait.ge [sflag:s9], $0x80  }
0x189: {  	[sflag:s9] =	ssyncset.done $0x0  }
0x18a: {  	[sflag:s9] =	ssyncadd.s32 $0xFFFFFF80  }
0x18b: {  	_ =	swait.ge [sflag:s9], $0x80  }
0x18c: {  	[sflag:s9] =	ssyncset.done $0x0  }
0x18d: {  	[sflag:s9] =	ssyncadd.s32 $0xFFFFFF80  }
0x18e: {  	_ =	swait.ge [sflag:s9], $0x80  }
0x18f: {  	[sflag:s9] =	ssyncset.done $0x0  }
0x190: {  	[sflag:s9] =	ssyncadd.s32 $0xFFFFFF80  }
0x191: {  	_ =	swait.ge [sflag:s9], $0x80  }
0x192: {  	[sflag:s9] =	ssyncset.done $0x0  }
0x193: {  	[sflag:s9] =	ssyncadd.s32 $0xFFFFFF80  }
0x194: {  	_ =	swait.ge [sflag:s9], $0x80  }
0x195: {  	[sflag:s9] =	ssyncset.done $0x0  }
0x196: {  	[sflag:s9] =	ssyncadd.s32 $0xFFFFFF80  }
0x197: {  	_ =	swait.ge [sflag:s9], $0x80  }
0x198: {  	[sflag:s9] =	ssyncset.done $0x0  }
0x199: {  	[sflag:s9] =	ssyncadd.s32 $0xFFFFFF80  }
0x19a: {  	_ =	swait.ge [sflag:s9], $0x80  }
0x19b: {  	s20 =	simm.s32 $0x2000;
	[sflag:s9] =	ssyncset.done $0x0  }
0x19c: {  	s22 =	simm.s32 $0x10000;
	s13 =	sadd.s32 $0x30D40, s6;
	[sflag:s9] =	ssyncadd.s32 $0xFFFFFF80  }
0x19d: {  	s16 =	sadd.s32 $0xFFFD2394, s13;
	s17 =	sadd.s32 $0x30D40, s13;
	_ =	swait.ge [sflag:s9], $0x80  }
0x19e: {  	s14 =	simm.s32 $0x7C0;
	s15 =	simm.s32 $0x400;
	[sflag:s9] =	ssyncset.done $0x0  }
.LBB2_4:
0x19f: {  	s24 =	sadd.s32 $0xFFFD2394, s17  }
0x1a0: {  	s19 =	sadd.s32 $0x3400, s20;
	[sflag:s9] =	ssyncadd.s32 $0xFFFFFF80;
	s18 =	smov.u32 s22  }
0x1a1: {  	[tilespmem:s19], [sflag:$0x1] =	stream.indirect.gather [hbm4b:s16+s8], $0x1, s15, s8, $0xb8;
	[tilespmem:$0x1D400] =	vst v63  }
0x1a2: {  	s21 =	sadd.s32 $0x80, s15;
	s23 =	sadd.s32 $0x3480, s20;
	s19 =	sadd.s32 $0x8000, s22  }
0x1a3: {  	[tilespmem:s23], [sflag:$0x1] =	stream.indirect.gather [hbm4b:s16+s8], $0x1, s21, s8, $0xb8;
	[tilespmem:$0x1D400] =	vst v63  }
0x1a4: {  	p0 =	sne.s32 s22, $0x60000;
	s22 =	sadd.s32 $0x100, s15;
	s23 =	sadd.s32 $0x3500, s20  }
0x1a5: {  	[tilespmem:s23], [sflag:$0x1] =	stream.indirect.gather [hbm4b:s16+s8], $0x1, s22, s8, $0xb8;
	[tilespmem:$0x1D400] =	vst v63  }
0x1a6: {  	s25 =	sadd.s32 $0x3580, s20;
	s23 =	sadd.s32 $0x180, s15  }
0x1a7: {  	[tilespmem:s25], [sflag:$0x1] =	stream.indirect.gather [hbm4b:s16+s8], $0x1, s23, s8, $0xb8;
	[tilespmem:$0x1D400] =	vst v63  }
0x1a8: {  	s26 =	sadd.s32 $0xFFFD5468, s13;
	s25 =	sadd.s32 $0x3600, s20;
	s16 =	smov.u32 s24  }
0x1a9: {  	[tilespmem:s25], [sflag:$0x1] =	stream.indirect.gather [hbm4b:s26+s8], $0x1, s15, s8, $0xb8;
	[tilespmem:$0x1D400] =	vst v63  }
0x1aa: {  	s24 =	sadd.s32 $0x3680, s20  }
0x1ab: {  	[tilespmem:s24], [sflag:$0x1] =	stream.indirect.gather [hbm4b:s26+s8], $0x1, s21, s8, $0xb8;
	[tilespmem:$0x1D400] =	vst v63  }
0x1ac: {  	s24 =	sadd.s32 $0x3700, s20  }
0x1ad: {  	[tilespmem:s24], [sflag:$0x1] =	stream.indirect.gather [hbm4b:s26+s8], $0x1, s22, s8, $0xb8;
	[tilespmem:$0x1D400] =	vst v63  }
0x1ae: {  	s24 =	sadd.s32 $0x3780, s20  }
0x1af: {  	[tilespmem:s24], [sflag:$0x1] =	stream.indirect.gather [hbm4b:s26+s8], $0x1, s23, s8, $0xb8;
	[tilespmem:$0x1D400] =	vst v63  }
0x1b0: {  	s25 =	sadd.s32 $0xFFFD853C, s13;
	s24 =	sadd.s32 $0x3800, s20  }
0x1b1: {  	[tilespmem:s24], [sflag:$0x1] =	stream.indirect.gather [hbm4b:s25+s8], $0x1, s15, s8, $0xb8;
	[tilespmem:$0x1D400] =	vst v63  }
0x1b2: {  	s24 =	sadd.s32 $0x3880, s20  }
0x1b3: {  	[tilespmem:s24], [sflag:$0x1] =	stream.indirect.gather [hbm4b:s25+s8], $0x1, s21, s8, $0xb8;
	[tilespmem:$0x1D400] =	vst v63  }
0x1b4: {  	s24 =	sadd.s32 $0x3900, s20  }
0x1b5: {  	[tilespmem:s24], [sflag:$0x1] =	stream.indirect.gather [hbm4b:s25+s8], $0x1, s22, s8, $0xb8;
	[tilespmem:$0x1D400] =	vst v63  }
0x1b6: {  	s24 =	sadd.s32 $0x3980, s20  }
0x1b7: {  	[tilespmem:s24], [sflag:$0x1] =	stream.indirect.gather [hbm4b:s25+s8], $0x1, s23, s8, $0xb8;
	[tilespmem:$0x1D400] =	vst v63  }
0x1b8: {  	s24 =	sadd.s32 $0x3A00, s20;
	s25 =	sadd.s32 $0xFFFDB610, s13  }
0x1b9: {  	[tilespmem:s24], [sflag:$0x1] =	stream.indirect.gather [hbm4b:s25+s8], $0x1, s15, s8, $0xb8;
	[tilespmem:$0x1D400] =	vst v63  }
0x1ba: {  	s24 =	sadd.s32 $0x3A80, s20  }
0x1bb: {  	[tilespmem:s24], [sflag:$0x1] =	stream.indirect.gather [hbm4b:s25+s8], $0x1, s21, s8, $0xb8;
	[tilespmem:$0x1D400] =	vst v63  }
0x1bc: {  	s24 =	sadd.s32 $0x3B00, s20  }
0x1bd: {  	[tilespmem:s24], [sflag:$0x1] =	stream.indirect.gather [hbm4b:s25+s8], $0x1, s22, s8, $0xb8;
	[tilespmem:$0x1D400] =	vst v63  }
0x1be: {  	s24 =	sadd.s32 $0x3B80, s20  }
0x1bf: {  	[tilespmem:s24], [sflag:$0x1] =	stream.indirect.gather [hbm4b:s25+s8], $0x1, s23, s8, $0xb8;
	[tilespmem:$0x1D400] =	vst v63  }
0x1c0: {  	s24 =	sadd.s32 $0x3C00, s20;
	s25 =	sadd.s32 $0xFFFDE6E4, s13  }
0x1c1: {  	[tilespmem:s24], [sflag:$0x1] =	stream.indirect.gather [hbm4b:s25+s8], $0x1, s15, s8, $0xb8;
	[tilespmem:$0x1D400] =	vst v63  }
0x1c2: {  	s24 =	sadd.s32 $0x3C80, s20  }
0x1c3: {  	[tilespmem:s24], [sflag:$0x1] =	stream.indirect.gather [hbm4b:s25+s8], $0x1, s21, s8, $0xb8;
	[tilespmem:$0x1D400] =	vst v63  }
0x1c4: {  	s24 =	sadd.s32 $0x3D00, s20  }
0x1c5: {  	[tilespmem:s24], [sflag:$0x1] =	stream.indirect.gather [hbm4b:s25+s8], $0x1, s22, s8, $0xb8;
	[tilespmem:$0x1D400] =	vst v63  }
0x1c6: {  	s24 =	sadd.s32 $0x3D80, s20  }
0x1c7: {  	[tilespmem:s24], [sflag:$0x1] =	stream.indirect.gather [hbm4b:s25+s8], $0x1, s23, s8, $0xb8;
	[tilespmem:$0x1D400] =	vst v63  }
0x1c8: {  	s24 =	sadd.s32 $0x3E00, s20;
	s25 =	sadd.s32 $0xFFFE17B8, s13  }
0x1c9: {  	[tilespmem:s24], [sflag:$0x1] =	stream.indirect.gather [hbm4b:s25+s8], $0x1, s15, s8, $0xb8;
	[tilespmem:$0x1D400] =	vst v63  }
0x1ca: {  	s24 =	sadd.s32 $0x3E80, s20  }
0x1cb: {  	[tilespmem:s24], [sflag:$0x1] =	stream.indirect.gather [hbm4b:s25+s8], $0x1, s21, s8, $0xb8;
	[tilespmem:$0x1D400] =	vst v63  }
0x1cc: {  	s24 =	sadd.s32 $0x3F00, s20  }
0x1cd: {  	[tilespmem:s24], [sflag:$0x1] =	stream.indirect.gather [hbm4b:s25+s8], $0x1, s22, s8, $0xb8;
	[tilespmem:$0x1D400] =	vst v63  }
0x1ce: {  	s24 =	sadd.s32 $0x3F80, s20  }
0x1cf: {  	[tilespmem:s24], [sflag:$0x1] =	stream.indirect.gather [hbm4b:s25+s8], $0x1, s23, s8, $0xb8;
	[tilespmem:$0x1D400] =	vst v63  }
0x1d0: {  	s24 =	sadd.s32 $0x4000, s20;
	s25 =	sadd.s32 $0xFFFE488C, s13  }
0x1d1: {  	[tilespmem:s24], [sflag:$0x1] =	stream.indirect.gather [hbm4b:s25+s8], $0x1, s15, s8, $0xb8;
	[tilespmem:$0x1D400] =	vst v63  }
0x1d2: {  	s24 =	sadd.s32 $0x4080, s20  }
0x1d3: {  	[tilespmem:s24], [sflag:$0x1] =	stream.indirect.gather [hbm4b:s25+s8], $0x1, s21, s8, $0xb8;
	[tilespmem:$0x1D400] =	vst v63  }
0x1d4: {  	s24 =	sadd.s32 $0x4100, s20  }
0x1d5: {  	[tilespmem:s24], [sflag:$0x1] =	stream.indirect.gather [hbm4b:s25+s8], $0x1, s22, s8, $0xb8;
	[tilespmem:$0x1D400] =	vst v63  }
0x1d6: {  	s24 =	sadd.s32 $0x4180, s20  }
0x1d7: {  	[tilespmem:s24], [sflag:$0x1] =	stream.indirect.gather [hbm4b:s25+s8], $0x1, s23, s8, $0xb8;
	[tilespmem:$0x1D400] =	vst v63  }
0x1d8: {  	s24 =	sadd.s32 $0x4200, s20;
	s25 =	sadd.s32 $0xFFFE7960, s13  }
0x1d9: {  	[tilespmem:s24], [sflag:$0x1] =	stream.indirect.gather [hbm4b:s25+s8], $0x1, s15, s8, $0xb8;
	[tilespmem:$0x1D400] =	vst v63  }
0x1da: {  	s24 =	sadd.s32 $0x4280, s20  }
0x1db: {  	[tilespmem:s24], [sflag:$0x1] =	stream.indirect.gather [hbm4b:s25+s8], $0x1, s21, s8, $0xb8;
	[tilespmem:$0x1D400] =	vst v63  }
0x1dc: {  	s21 =	sadd.s32 $0x4300, s20  }
0x1dd: {  	[tilespmem:s21], [sflag:$0x1] =	stream.indirect.gather [hbm4b:s25+s8], $0x1, s22, s8, $0xb8;
	[tilespmem:$0x1D400] =	vst v63  }
0x1de: {  	s21 =	sadd.s32 $0x4380, s20  }
0x1df: {  	[tilespmem:s21], [sflag:$0x1] =	stream.indirect.gather [hbm4b:s25+s8], $0x1, s23, s8, $0xb8;
	[tilespmem:$0x1D400] =	vst v63  }
0x1e0: {  	s22 =	sadd.s32 $0x4400, s20;
	s21 =	sadd.s32 $0x200, s15;
	s25 =	sadd.s32 $0xFFFEAA34, s13  }
0x1e1: {  	[tilespmem:s22], [sflag:$0x1] =	stream.indirect.gather [hbm4b:s25+s8], $0x1, s21, s8, $0xb8;
	[tilespmem:$0x1D400] =	vst v63  }
0x1e2: {  	s24 =	sadd.s32 $0x280, s15;
	s22 =	sadd.s32 $0x4480, s20  }
0x1e3: {  	[tilespmem:s22], [sflag:$0x1] =	stream.indirect.gather [hbm4b:s25+s8], $0x1, s24, s8, $0xb8;
	[tilespmem:$0x1D400] =	vst v63  }
0x1e4: {  	s23 =	sadd.s32 $0x4500, s20;
	s22 =	sadd.s32 $0x300, s15  }
0x1e5: {  	[tilespmem:s23], [sflag:$0x1] =	stream.indirect.gather [hbm4b:s25+s8], $0x1, s22, s8, $0xb8;
	[tilespmem:$0x1D400] =	vst v63  }
0x1e6: {  	s26 =	sadd.s32 $0x4580, s20;
	s23 =	sadd.s32 $0x380, s15  }
0x1e7: {  	[tilespmem:s26], [sflag:$0x1] =	stream.indirect.gather [hbm4b:s25+s8], $0x1, s23, s8, $0xb8;
	[tilespmem:$0x1D400] =	vst v63  }
0x1e8: {  	s25 =	sadd.s32 $0x4600, s20;
	s26 =	sadd.s32 $0xFFFEDB08, s13  }
0x1e9: {  	[tilespmem:s25], [sflag:$0x1] =	stream.indirect.gather [hbm4b:s26+s8], $0x1, s21, s8, $0xb8;
	[tilespmem:$0x1D400] =	vst v63  }
0x1ea: {  	s25 =	sadd.s32 $0x4680, s20  }
0x1eb: {  	[tilespmem:s25], [sflag:$0x1] =	stream.indirect.gather [hbm4b:s26+s8], $0x1, s24, s8, $0xb8;
	[tilespmem:$0x1D400] =	vst v63  }
0x1ec: {  	s25 =	sadd.s32 $0x4700, s20  }
0x1ed: {  	[tilespmem:s25], [sflag:$0x1] =	stream.indirect.gather [hbm4b:s26+s8], $0x1, s22, s8, $0xb8;
	[tilespmem:$0x1D400] =	vst v63  }
0x1ee: {  	s25 =	sadd.s32 $0x4780, s20  }
0x1ef: {  	[tilespmem:s25], [sflag:$0x1] =	stream.indirect.gather [hbm4b:s26+s8], $0x1, s23, s8, $0xb8;
	[tilespmem:$0x1D400] =	vst v63  }
0x1f0: {  	s25 =	sadd.s32 $0x4800, s20;
	s26 =	sadd.s32 $0xFFFF0BDC, s13  }
0x1f1: {  	[tilespmem:s25], [sflag:$0x1] =	stream.indirect.gather [hbm4b:s26+s8], $0x1, s21, s8, $0xb8;
	[tilespmem:$0x1D400] =	vst v63  }
0x1f2: {  	s25 =	sadd.s32 $0x4880, s20  }
0x1f3: {  	[tilespmem:s25], [sflag:$0x1] =	stream.indirect.gather [hbm4b:s26+s8], $0x1, s24, s8, $0xb8;
	[tilespmem:$0x1D400] =	vst v63  }
0x1f4: {  	s28 =	sadd.s32 $0x4900, s20;
	s25 =	sadd.s32 $0xFFFFFEC0, s14  }
0x1f5: {  	[tilespmem:s28], [sflag:$0x1] =	stream.indirect.gather [hbm4b:s26+s8], $0x1, s22, s8, $0xb8;
	[tilespmem:$0x1D400] =	vst v63  }
0x1f6: {  	s25 =	sor.u32 $0x180, s25;
	s28 =	sadd.s32 $0x4980, s20  }
0x1f7: {  	[tilespmem:s28], [sflag:$0x1] =	stream.indirect.gather [hbm4b:s26+s8], $0x1, s25, s8, $0xb8;
	[tilespmem:$0x1D400] =	vst v63  }
0x1f8: {  	s25 =	sadd.s32 $0x4A00, s20;
	s26 =	sadd.s32 $0xFFFF3CB0, s13  }
0x1f9: {  	[tilespmem:s25], [sflag:$0x1] =	stream.indirect.gather [hbm4b:s26+s8], $0x1, s21, s8, $0xb8;
	[tilespmem:$0x1D400] =	vst v63  }
0x1fa: {  	s25 =	sadd.s32 $0x4A80, s20  }
0x1fb: {  	[tilespmem:s25], [sflag:$0x1] =	stream.indirect.gather [hbm4b:s26+s8], $0x1, s24, s8, $0xb8;
	[tilespmem:$0x1D400] =	vst v63  }
0x1fc: {  	s25 =	sadd.s32 $0x4B00, s20  }
0x1fd: {  	[tilespmem:s25], [sflag:$0x1] =	stream.indirect.gather [hbm4b:s26+s8], $0x1, s22, s8, $0xb8;
	[tilespmem:$0x1D400] =	vst v63  }
0x1fe: {  	s25 =	sadd.s32 $0x4B80, s20  }
0x1ff: {  	[tilespmem:s25], [sflag:$0x1] =	stream.indirect.gather [hbm4b:s26+s8], $0x1, s23, s8, $0xb8;
	[tilespmem:$0x1D400] =	vst v63  }
0x200: {  	s25 =	sadd.s32 $0x4C00, s20;
	s26 =	sadd.s32 $0xFFFF6D84, s13  }
0x201: {  	[tilespmem:s25], [sflag:$0x1] =	stream.indirect.gather [hbm4b:s26+s8], $0x1, s21, s8, $0xb8;
	[tilespmem:$0x1D400] =	vst v63  }
0x202: {  	s25 =	sadd.s32 $0x4C80, s20  }
0x203: {  	[tilespmem:s25], [sflag:$0x1] =	stream.indirect.gather [hbm4b:s26+s8], $0x1, s24, s8, $0xb8;
	[tilespmem:$0x1D400] =	vst v63  }
0x204: {  	s28 =	sadd.s32 $0x4D00, s20;
	s25 =	sadd.s32 $0xFFFFFF40, s14  }
0x205: {  	[tilespmem:s28], [sflag:$0x1] =	stream.indirect.gather [hbm4b:s26+s8], $0x1, s22, s8, $0xb8;
	[tilespmem:$0x1D400] =	vst v63  }
0x206: {  	s25 =	sor.u32 $0x180, s25;
	s28 =	sadd.s32 $0x4D80, s20  }
0x207: {  	[tilespmem:s28], [sflag:$0x1] =	stream.indirect.gather [hbm4b:s26+s8], $0x1, s25, s8, $0xb8;
	[tilespmem:$0x1D400] =	vst v63  }
0x208: {  	s25 =	sadd.s32 $0x4E00, s20;
	s26 =	sadd.s32 $0xFFFF9E58, s13  }
0x209: {  	[tilespmem:s25], [sflag:$0x1] =	stream.indirect.gather [hbm4b:s26+s8], $0x1, s21, s8, $0xb8;
	[tilespmem:$0x1D400] =	vst v63  }
0x20a: {  	s25 =	sadd.s32 $0x4E80, s20  }
0x20b: {  	[tilespmem:s25], [sflag:$0x1] =	stream.indirect.gather [hbm4b:s26+s8], $0x1, s24, s8, $0xb8;
	[tilespmem:$0x1D400] =	vst v63  }
0x20c: {  	s24 =	sadd.s32 $0x4F00, s20  }
0x20d: {  	[tilespmem:s24], [sflag:$0x1] =	stream.indirect.gather [hbm4b:s26+s8], $0x1, s22, s8, $0xb8;
	[tilespmem:$0x1D400] =	vst v63  }
0x20e: {  	s24 =	sadd.s32 $0x4F80, s20  }
0x20f: {  	[tilespmem:s24], [sflag:$0x1] =	stream.indirect.gather [hbm4b:s26+s8], $0x1, s23, s8, $0xb8;
	[tilespmem:$0x1D400] =	vst v63  }
0x210: {  	s25 =	sadd.s32 $0x5000, s20;
	s24 =	sadd.s32 $0xFFFFFFC0, s14;
	s26 =	sadd.s32 $0xFFFFCF2C, s13  }
0x211: {  	[tilespmem:s25], [sflag:$0x1] =	stream.indirect.gather [hbm4b:s26+s8], $0x1, s21, s8, $0xb8;
	[tilespmem:$0x1D400] =	vst v63  }
0x212: {  	s24 =	sand.u32 $0x3E80, s24;
	s25 =	sadd.s32 $0x5080, s20  }
0x213: {  	[tilespmem:s25], [sflag:$0x1] =	stream.indirect.gather [hbm4b:s26+s8], $0x1, s24, s8, $0xb8;
	[tilespmem:$0x1D400] =	vst v63  }
0x214: {  	s24 =	sadd.s32 $0x5100, s20  }
0x215: {  	[tilespmem:s24], [sflag:$0x1] =	stream.indirect.gather [hbm4b:s26+s8], $0x1, s22, s8, $0xb8;
	[tilespmem:$0x1D400] =	vst v63  }
0x216: {  	s24 =	sadd.s32 $0x5180, s20  }
0x217: {  	[tilespmem:s24], [sflag:$0x1] =	stream.indirect.gather [hbm4b:s26+s8], $0x1, s23, s8, $0xb8;
	[tilespmem:$0x1D400] =	vst v63  }
0x218: {  	s24 =	sadd.s32 $0x5200, s20  }
0x219: {  	[tilespmem:s24], [sflag:$0x1] =	stream.indirect.gather [hbm4b:s13+s8], $0x1, s21, s8, $0xb8;
	[tilespmem:$0x1D400] =	vst v63  }
0x21a: {  	s21 =	sand.u32 $0x3E80, s14;
	s24 =	sadd.s32 $0x5280, s20  }
0x21b: {  	[tilespmem:s24], [sflag:$0x1] =	stream.indirect.gather [hbm4b:s13+s8], $0x1, s21, s8, $0xb8;
	[tilespmem:$0x1D400] =	vst v63  }
0x21c: {  	s21 =	sadd.s32 $0x5300, s20  }
0x21d: {  	[tilespmem:s21], [sflag:$0x1] =	stream.indirect.gather [hbm4b:s13+s8], $0x1, s22, s8, $0xb8;
	[tilespmem:$0x1D400] =	vst v63  }
0x21e: {  	s20 =	sadd.s32 $0x5380, s20  }
0x21f: {  	[tilespmem:s20], [sflag:$0x1] =	stream.indirect.gather [hbm4b:s13+s8], $0x1, s23, s8, $0xb8;
	[tilespmem:$0x1D400] =	vst v63  }
0x220: {  	s13 =	smov.u32 s17;
	_ =	swait.ge [sflag:s9], $0x80  }
0x221: {  	[sflag:s9] =	ssyncset.done $0x0  }
0x222: {  	[sflag:s9] =	ssyncadd.s32 $0xFFFFFF80  }
0x223: {  	_ =	swait.ge [sflag:s9], $0x80  }
0x224: {  	[sflag:s9] =	ssyncset.done $0x0  }
0x225: {  	[sflag:s9] =	ssyncadd.s32 $0xFFFFFF80  }
0x226: {  	_ =	swait.ge [sflag:s9], $0x80  }
0x227: {  	[sflag:s9] =	ssyncset.done $0x0  }
0x228: {  	[sflag:s9] =	ssyncadd.s32 $0xFFFFFF80  }
0x229: {  	_ =	swait.ge [sflag:s9], $0x80  }
0x22a: {  	[sflag:s9] =	ssyncset.done $0x0  }
0x22b: {  	[sflag:s9] =	ssyncadd.s32 $0xFFFFFF80  }
0x22c: {  	_ =	swait.ge [sflag:s9], $0x80  }
0x22d: {  	[sflag:s9] =	ssyncset.done $0x0  }
0x22e: {  	[sflag:s9] =	ssyncadd.s32 $0xFFFFFF80  }
0x22f: {  	_ =	swait.ge [sflag:s9], $0x80  }
0x230: {  	[sflag:s9] =	ssyncset.done $0x0  }
0x231: {  	[sflag:s9] =	ssyncadd.s32 $0xFFFFFF80  }
0x232: {  	_ =	swait.ge [sflag:s9], $0x80  }
0x233: {  	[sflag:s9] =	ssyncset.done $0x0  }
0x234: {  	[sflag:s9] =	ssyncadd.s32 $0xFFFFFF80  }
0x235: {  	_ =	swait.ge [sflag:s9], $0x80  }
0x236: {  	[sflag:s9] =	ssyncset.done $0x0  }
0x237: {  	[sflag:s9] =	ssyncadd.s32 $0xFFFFFF80  }
0x238: {  	_ =	swait.ge [sflag:s9], $0x80  }
0x239: {  	[sflag:s9] =	ssyncset.done $0x0  }
0x23a: {  	[sflag:s9] =	ssyncadd.s32 $0xFFFFFF80  }
0x23b: {  	_ =	swait.ge [sflag:s9], $0x80  }
0x23c: {  	[sflag:s9] =	ssyncset.done $0x0  }
0x23d: {  	[sflag:s9] =	ssyncadd.s32 $0xFFFFFF80  }
0x23e: {  	_ =	swait.ge [sflag:s9], $0x80  }
0x23f: {  	[sflag:s9] =	ssyncset.done $0x0  }
0x240: {  	[sflag:s9] =	ssyncadd.s32 $0xFFFFFF80  }
0x241: {  	_ =	swait.ge [sflag:s9], $0x80  }
0x242: {  	[sflag:s9] =	ssyncset.done $0x0  }
0x243: {  	[sflag:s9] =	ssyncadd.s32 $0xFFFFFF80  }
0x244: {  	_ =	swait.ge [sflag:s9], $0x80  }
0x245: {  	[sflag:s9] =	ssyncset.done $0x0  }
0x246: {  	[sflag:s9] =	ssyncadd.s32 $0xFFFFFF80  }
0x247: {  	_ =	swait.ge [sflag:s9], $0x80  }
0x248: {  	[sflag:s9] =	ssyncset.done $0x0  }
0x249: {  	[sflag:s9] =	ssyncadd.s32 $0xFFFFFF80  }
0x24a: {  	_ =	swait.ge [sflag:s9], $0x80  }
0x24b: {  	[sflag:s9] =	ssyncset.done $0x0  }
0x24c: {  	[sflag:s9] =	ssyncadd.s32 $0xFFFFFF80  }
0x24d: {  	_ =	swait.ge [sflag:s9], $0x80  }
0x24e: {  	[sflag:s9] =	ssyncset.done $0x0  }
0x24f: {  	[sflag:s9] =	ssyncadd.s32 $0xFFFFFF80  }
0x250: {  	_ =	swait.ge [sflag:s9], $0x80  }
0x251: {  	[sflag:s9] =	ssyncset.done $0x0  }
0x252: {  	[sflag:s9] =	ssyncadd.s32 $0xFFFFFF80  }
0x253: {  	_ =	swait.ge [sflag:s9], $0x80  }
0x254: {  	[sflag:s9] =	ssyncset.done $0x0  }
0x255: {  	[sflag:s9] =	ssyncadd.s32 $0xFFFFFF80  }
0x256: {  	_ =	swait.ge [sflag:s9], $0x80  }
0x257: {  	[sflag:s9] =	ssyncset.done $0x0  }
0x258: {  	[sflag:s9] =	ssyncadd.s32 $0xFFFFFF80  }
0x259: {  	_ =	swait.ge [sflag:s9], $0x80  }
0x25a: {  	[sflag:s9] =	ssyncset.done $0x0  }
0x25b: {  	[sflag:s9] =	ssyncadd.s32 $0xFFFFFF80  }
0x25c: {  	_ =	swait.ge [sflag:s9], $0x80  }
0x25d: {  	[sflag:s9] =	ssyncset.done $0x0  }
0x25e: {  	[sflag:s9] =	ssyncadd.s32 $0xFFFFFF80  }
0x25f: {  	_ =	swait.ge [sflag:s9], $0x80  }
0x260: {  	[sflag:s9] =	ssyncset.done $0x0  }
0x261: {  	[sflag:s9] =	ssyncadd.s32 $0xFFFFFF80  }
0x262: {  	_ =	swait.ge [sflag:s9], $0x80  }
0x263: {  	[sflag:s9] =	ssyncset.done $0x0  }
0x264: {  	[sflag:s9] =	ssyncadd.s32 $0xFFFFFF80  }
0x265: {  	_ =	swait.ge [sflag:s9], $0x80  }
0x266: {  	[sflag:s9] =	ssyncset.done $0x0  }
0x267: {  	[sflag:s9] =	ssyncadd.s32 $0xFFFFFF80  }
0x268: {  	_ =	swait.ge [sflag:s9], $0x80  }
0x269: {  	[sflag:s9] =	ssyncset.done $0x0  }
0x26a: {  	[sflag:s9] =	ssyncadd.s32 $0xFFFFFF80  }
0x26b: {  	_ =	swait.ge [sflag:s9], $0x80  }
0x26c: {  	[sflag:s9] =	ssyncset.done $0x0  }
0x26d: {  	[sflag:s9] =	ssyncadd.s32 $0xFFFFFF80  }
0x26e: {  	_ =	swait.ge [sflag:s9], $0x80  }
0x26f: {  	[sflag:s9] =	ssyncset.done $0x0  }
0x270: {  	[sflag:s9] =	ssyncadd.s32 $0xFFFFFF80  }
0x271: {  	_ =	swait.ge [sflag:s9], $0x80  }
0x272: {  	[sflag:s9] =	ssyncset.done $0x0  }
0x273: {  	[sflag:s9] =	ssyncadd.s32 $0xFFFFFF80  }
0x274: {  	_ =	swait.ge [sflag:s9], $0x80  }
0x275: {  	[sflag:s9] =	ssyncset.done $0x0  }
0x276: {  	[sflag:s9] =	ssyncadd.s32 $0xFFFFFF80  }
0x277: {  	_ =	swait.ge [sflag:s9], $0x80  }
0x278: {  	[sflag:s9] =	ssyncset.done $0x0  }
0x279: {  	[sflag:s9] =	ssyncadd.s32 $0xFFFFFF80  }
0x27a: {  	_ =	swait.ge [sflag:s9], $0x80  }
0x27b: {  	[sflag:s9] =	ssyncset.done $0x0  }
0x27c: {  	[sflag:s9] =	ssyncadd.s32 $0xFFFFFF80  }
0x27d: {  	_ =	swait.ge [sflag:s9], $0x80  }
0x27e: {  	[sflag:s9] =	ssyncset.done $0x0  }
0x27f: {  	[sflag:s9] =	ssyncadd.s32 $0xFFFFFF80  }
0x280: {  	_ =	swait.ge [sflag:s9], $0x80  }
0x281: {  	[sflag:s9] =	ssyncset.done $0x0  }
0x282: {  	[sflag:s9] =	ssyncadd.s32 $0xFFFFFF80  }
0x283: {  	_ =	swait.ge [sflag:s9], $0x80  }
0x284: {  	[sflag:s9] =	ssyncset.done $0x0  }
0x285: {  	[sflag:s9] =	ssyncadd.s32 $0xFFFFFF80  }
0x286: {  	_ =	swait.ge [sflag:s9], $0x80  }
0x287: {  	[sflag:s9] =	ssyncset.done $0x0  }
0x288: {  	[sflag:s9] =	ssyncadd.s32 $0xFFFFFF80  }
0x289: {  	_ =	swait.ge [sflag:s9], $0x80  }
0x28a: {  	[sflag:s9] =	ssyncset.done $0x0  }
0x28b: {  	[sflag:s9] =	ssyncadd.s32 $0xFFFFFF80  }
0x28c: {  	_ =	swait.ge [sflag:s9], $0x80  }
0x28d: {  	[sflag:s9] =	ssyncset.done $0x0  }
0x28e: {  	[sflag:s9] =	ssyncadd.s32 $0xFFFFFF80  }
0x28f: {  	_ =	swait.ge [sflag:s9], $0x80  }
0x290: {  	[sflag:s9] =	ssyncset.done $0x0  }
0x291: {  	[sflag:s9] =	ssyncadd.s32 $0xFFFFFF80  }
0x292: {  	_ =	swait.ge [sflag:s9], $0x80  }
0x293: {  	[sflag:s9] =	ssyncset.done $0x0  }
0x294: {  	[sflag:s9] =	ssyncadd.s32 $0xFFFFFF80  }
0x295: {  	_ =	swait.ge [sflag:s9], $0x80  }
0x296: {  	[sflag:s9] =	ssyncset.done $0x0  }
0x297: {  	[sflag:s9] =	ssyncadd.s32 $0xFFFFFF80  }
0x298: {  	_ =	swait.ge [sflag:s9], $0x80  }
0x299: {  	[sflag:s9] =	ssyncset.done $0x0  }
0x29a: {  	[sflag:s9] =	ssyncadd.s32 $0xFFFFFF80  }
0x29b: {  	_ =	swait.ge [sflag:s9], $0x80  }
0x29c: {  	[sflag:s9] =	ssyncset.done $0x0  }
0x29d: {  	[sflag:s9] =	ssyncadd.s32 $0xFFFFFF80  }
0x29e: {  	_ =	swait.ge [sflag:s9], $0x80  }
0x29f: {  	[sflag:s9] =	ssyncset.done $0x0  }
0x2a0: {  	[sflag:s9] =	ssyncadd.s32 $0xFFFFFF80  }
0x2a1: {  	_ =	swait.ge [sflag:s9], $0x80  }
0x2a2: {  	[sflag:s9] =	ssyncset.done $0x0  }
0x2a3: {  	[sflag:s9] =	ssyncadd.s32 $0xFFFFFF80  }
0x2a4: {  	_ =	swait.ge [sflag:s9], $0x80  }
0x2a5: {  	[sflag:s9] =	ssyncset.done $0x0  }
0x2a6: {  	[sflag:s9] =	ssyncadd.s32 $0xFFFFFF80  }
0x2a7: {  	_ =	swait.ge [sflag:s9], $0x80  }
0x2a8: {  	[sflag:s9] =	ssyncset.done $0x0  }
0x2a9: {  	[sflag:s9] =	ssyncadd.s32 $0xFFFFFF80  }
0x2aa: {  	_ =	swait.ge [sflag:s9], $0x80  }
0x2ab: {  	[sflag:s9] =	ssyncset.done $0x0  }
0x2ac: {  	[sflag:s9] =	ssyncadd.s32 $0xFFFFFF80  }
0x2ad: {  	_ =	swait.ge [sflag:s9], $0x80  }
0x2ae: {  	[sflag:s9] =	ssyncset.done $0x0  }
0x2af: {  	[sflag:s9] =	ssyncadd.s32 $0xFFFFFF80  }
0x2b0: {  	_ =	swait.ge [sflag:s9], $0x80  }
0x2b1: {  	[sflag:s9] =	ssyncset.done $0x0  }
0x2b2: {  	[sflag:s9] =	ssyncadd.s32 $0xFFFFFF80  }
0x2b3: {  	_ =	swait.ge [sflag:s9], $0x80  }
0x2b4: {  	[sflag:s9] =	ssyncset.done $0x0  }
0x2b5: {  	[sflag:s9] =	ssyncadd.s32 $0xFFFFFF80  }
0x2b6: {  	_ =	swait.ge [sflag:s9], $0x80  }
0x2b7: {  	[sflag:s9] =	ssyncset.done $0x0  }
0x2b8: {  	[sflag:s9] =	ssyncadd.s32 $0xFFFFFF80  }
0x2b9: {  	_ =	swait.ge [sflag:s9], $0x80  }
0x2ba: {  	[sflag:s9] =	ssyncset.done $0x0  }
0x2bb: {  	[sflag:s9] =	ssyncadd.s32 $0xFFFFFF80  }
0x2bc: {  	_ =	swait.ge [sflag:s9], $0x80  }
0x2bd: {  	[sflag:s9] =	ssyncset.done $0x0  }
0x2be: {  	[sflag:s9] =	ssyncadd.s32 $0xFFFFFF80  }
0x2bf: {  	_ =	swait.ge [sflag:s9], $0x80  }
0x2c0: {  	[sflag:s9] =	ssyncset.done $0x0  }
0x2c1: {  	[sflag:s9] =	ssyncadd.s32 $0xFFFFFF80  }
0x2c2: {  	_ =	swait.ge [sflag:s9], $0x80  }
0x2c3: {  	[sflag:s9] =	ssyncset.done $0x0  }
0x2c4: {  	[sflag:s9] =	ssyncadd.s32 $0xFFFFFF80  }
0x2c5: {  	_ =	swait.ge [sflag:s9], $0x80  }
0x2c6: {  	[sflag:s9] =	ssyncset.done $0x0  }
0x2c7: {  	[sflag:s9] =	ssyncadd.s32 $0xFFFFFF80  }
0x2c8: {  	_ =	swait.ge [sflag:s9], $0x80  }
0x2c9: {  	[sflag:s9] =	ssyncset.done $0x0  }
0x2ca: {  	[sflag:s9] =	ssyncadd.s32 $0xFFFFFF80  }
0x2cb: {  	_ =	swait.ge [sflag:s9], $0x80  }
0x2cc: {  	[sflag:s9] =	ssyncset.done $0x0  }
0x2cd: {  	[sflag:s9] =	ssyncadd.s32 $0xFFFFFF80  }
0x2ce: {  	_ =	swait.ge [sflag:s9], $0x80  }
0x2cf: {  	[sflag:s9] =	ssyncset.done $0x0  }
0x2d0: {  	[sflag:s9] =	ssyncadd.s32 $0xFFFFFF80  }
0x2d1: {  	_ =	swait.ge [sflag:s9], $0x80  }
0x2d2: {  	[sflag:s9] =	ssyncset.done $0x0  }
0x2d3: {  	[sflag:s9] =	ssyncadd.s32 $0xFFFFFF80  }
0x2d4: {  	_ =	swait.ge [sflag:s9], $0x80  }
0x2d5: {  	[sflag:s9] =	ssyncset.done $0x0  }
0x2d6: {  	[sflag:s9] =	ssyncadd.s32 $0xFFFFFF80  }
0x2d7: {  	_ =	swait.ge [sflag:s9], $0x80  }
0x2d8: {  	[sflag:s9] =	ssyncset.done $0x0  }
0x2d9: {  	[sflag:s9] =	ssyncadd.s32 $0xFFFFFF80  }
.Ltmp1:
0x2da: {  	_ =	swait.ge [sflag:s9], $0x80;
	(pc) =	sbr.rel @p0 .LBB2_4-.Ltmp1, $4  }
0x2db: {  	[sflag:s9] =	ssyncset.done $0x0  }
0x2dc: {  	s15 =	sadd.s32 $0x400, s15;
	[sflag:s9] =	ssyncadd.s32 $0xFFFFFF80  }
0x2dd: {  	s14 =	sadd.s32 $0x400, s14;
	s22 =	smov.u32 s19;
	_ =	swait.ge [sflag:s9], $0x80  }
0x2de: {  	s20 =	sshra.s32 s18, $0x2;
	s17 =	sadd.s32 $0x30D40, s17;
	[sflag:s9] =	ssyncset.done $0x0  }
0x2df: {  	s17 =	sadd.s32 $0x3400, s20;
	[sflag:s9] =	ssyncadd.s32 $0xFFFFFF80  }
0x2e0: {  	[tilespmem:s17], [sflag:$0x1] =	stream.indirect.gather [hbm4b:s16+s8], $0x1, s15, s8, $0xb8;
	[tilespmem:$0x1D400] =	vst v63  }
0x2e1: {  	s18 =	sadd.s32 $0x3480, s20;
	s17 =	sadd.s32 $0x80, s15  }
0x2e2: {  	[tilespmem:s18], [sflag:$0x1] =	stream.indirect.gather [hbm4b:s16+s8], $0x1, s17, s8, $0xb8;
	[tilespmem:$0x1D400] =	vst v63  }
0x2e3: {  	s19 =	sadd.s32 $0x3500, s20;
	s18 =	sadd.s32 $0x100, s15  }
0x2e4: {  	[tilespmem:s19], [sflag:$0x1] =	stream.indirect.gather [hbm4b:s16+s8], $0x1, s18, s8, $0xb8;
	[tilespmem:$0x1D400] =	vst v63  }
0x2e5: {  	s21 =	sadd.s32 $0x3580, s20;
	s19 =	sadd.s32 $0x180, s15  }
0x2e6: {  	[tilespmem:s21], [sflag:$0x1] =	stream.indirect.gather [hbm4b:s16+s8], $0x1, s19, s8, $0xb8;
	[tilespmem:$0x1D400] =	vst v63  }
0x2e7: {  	s22 =	sadd.s32 $0xFFFD5468, s13;
	s21 =	sadd.s32 $0x3600, s20  }
0x2e8: {  	[tilespmem:s21], [sflag:$0x1] =	stream.indirect.gather [hbm4b:s22+s8], $0x1, s15, s8, $0xb8;
	[tilespmem:$0x1D400] =	vst v63  }
0x2e9: {  	s23 =	sadd.s32 $0x3680, s20  }
0x2ea: {  	[tilespmem:s23], [sflag:$0x1] =	stream.indirect.gather [hbm4b:s22+s8], $0x1, s17, s8, $0xb8;
	[tilespmem:$0x1D400] =	vst v63  }
0x2eb: {  	s24 =	sadd.s32 $0x3700, s20  }
0x2ec: {  	[tilespmem:s24], [sflag:$0x1] =	stream.indirect.gather [hbm4b:s22+s8], $0x1, s18, s8, $0xb8;
	[tilespmem:$0x1D400] =	vst v63  }
0x2ed: {  	s25 =	sadd.s32 $0x3780, s20  }
0x2ee: {  	[tilespmem:s25], [sflag:$0x1] =	stream.indirect.gather [hbm4b:s22+s8], $0x1, s19, s8, $0xb8;
	[tilespmem:$0x1D400] =	vst v63  }
0x2ef: {  	s26 =	sadd.s32 $0x3800, s20;
	s28 =	sadd.s32 $0xFFFD853C, s13  }
0x2f0: {  	[tilespmem:s26], [sflag:$0x1] =	stream.indirect.gather [hbm4b:s28+s8], $0x1, s15, s8, $0xb8;
	[tilespmem:$0x1D400] =	vst v63  }
0x2f1: {  	s29 =	sadd.s32 $0x3880, s20  }
0x2f2: {  	[tilespmem:s29], [sflag:$0x1] =	stream.indirect.gather [hbm4b:s28+s8], $0x1, s17, s8, $0xb8;
	[tilespmem:$0x1D400] =	vst v63  }
0x2f3: {  	s30 =	sadd.s32 $0x3900, s20  }
0x2f4: {  	[tilespmem:s30], [sflag:$0x1] =	stream.indirect.gather [hbm4b:s28+s8], $0x1, s18, s8, $0xb8;
	[tilespmem:$0x1D400] =	vst v63  }
0x2f5: {  	s31 =	sadd.s32 $0x3980, s20  }
0x2f6: {  	[tilespmem:s31], [sflag:$0x1] =	stream.indirect.gather [hbm4b:s28+s8], $0x1, s19, s8, $0xb8;
	[tilespmem:$0x1D400] =	vst v63  }
0x2f7: {  	s21 =	sadd.s32 $0x3A00, s20;
	s22 =	sadd.s32 $0xFFFDB610, s13  }
0x2f8: {  	[tilespmem:s21], [sflag:$0x1] =	stream.indirect.gather [hbm4b:s22+s8], $0x1, s15, s8, $0xb8;
	[tilespmem:$0x1D400] =	vst v63  }
0x2f9: {  	s23 =	sadd.s32 $0x3A80, s20  }
0x2fa: {  	[tilespmem:s23], [sflag:$0x1] =	stream.indirect.gather [hbm4b:s22+s8], $0x1, s17, s8, $0xb8;
	[tilespmem:$0x1D400] =	vst v63  }
0x2fb: {  	s24 =	sadd.s32 $0x3B00, s20  }
0x2fc: {  	[tilespmem:s24], [sflag:$0x1] =	stream.indirect.gather [hbm4b:s22+s8], $0x1, s18, s8, $0xb8;
	[tilespmem:$0x1D400] =	vst v63  }
0x2fd: {  	s25 =	sadd.s32 $0x3B80, s20  }
0x2fe: {  	[tilespmem:s25], [sflag:$0x1] =	stream.indirect.gather [hbm4b:s22+s8], $0x1, s19, s8, $0xb8;
	[tilespmem:$0x1D400] =	vst v63  }
0x2ff: {  	s26 =	sadd.s32 $0x3C00, s20;
	s28 =	sadd.s32 $0xFFFDE6E4, s13  }
0x300: {  	[tilespmem:s26], [sflag:$0x1] =	stream.indirect.gather [hbm4b:s28+s8], $0x1, s15, s8, $0xb8;
	[tilespmem:$0x1D400] =	vst v63  }
0x301: {  	s29 =	sadd.s32 $0x3C80, s20  }
0x302: {  	[tilespmem:s29], [sflag:$0x1] =	stream.indirect.gather [hbm4b:s28+s8], $0x1, s17, s8, $0xb8;
	[tilespmem:$0x1D400] =	vst v63  }
0x303: {  	s30 =	sadd.s32 $0x3D00, s20  }
0x304: {  	[tilespmem:s30], [sflag:$0x1] =	stream.indirect.gather [hbm4b:s28+s8], $0x1, s18, s8, $0xb8;
	[tilespmem:$0x1D400] =	vst v63  }
0x305: {  	s31 =	sadd.s32 $0x3D80, s20  }
0x306: {  	[tilespmem:s31], [sflag:$0x1] =	stream.indirect.gather [hbm4b:s28+s8], $0x1, s19, s8, $0xb8;
	[tilespmem:$0x1D400] =	vst v63  }
0x307: {  	s21 =	sadd.s32 $0x3E00, s20;
	s22 =	sadd.s32 $0xFFFE17B8, s13  }
0x308: {  	[tilespmem:s21], [sflag:$0x1] =	stream.indirect.gather [hbm4b:s22+s8], $0x1, s15, s8, $0xb8;
	[tilespmem:$0x1D400] =	vst v63  }
0x309: {  	s23 =	sadd.s32 $0x3E80, s20  }
0x30a: {  	[tilespmem:s23], [sflag:$0x1] =	stream.indirect.gather [hbm4b:s22+s8], $0x1, s17, s8, $0xb8;
	[tilespmem:$0x1D400] =	vst v63  }
0x30b: {  	s24 =	sadd.s32 $0x3F00, s20  }
0x30c: {  	[tilespmem:s24], [sflag:$0x1] =	stream.indirect.gather [hbm4b:s22+s8], $0x1, s18, s8, $0xb8;
	[tilespmem:$0x1D400] =	vst v63  }
0x30d: {  	s25 =	sadd.s32 $0x3F80, s20  }
0x30e: {  	[tilespmem:s25], [sflag:$0x1] =	stream.indirect.gather [hbm4b:s22+s8], $0x1, s19, s8, $0xb8;
	[tilespmem:$0x1D400] =	vst v63  }
0x30f: {  	s26 =	sadd.s32 $0x4000, s20;
	s28 =	sadd.s32 $0xFFFE488C, s13  }
0x310: {  	[tilespmem:s26], [sflag:$0x1] =	stream.indirect.gather [hbm4b:s28+s8], $0x1, s15, s8, $0xb8;
	[tilespmem:$0x1D400] =	vst v63  }
0x311: {  	s29 =	sadd.s32 $0x4080, s20  }
0x312: {  	[tilespmem:s29], [sflag:$0x1] =	stream.indirect.gather [hbm4b:s28+s8], $0x1, s17, s8, $0xb8;
	[tilespmem:$0x1D400] =	vst v63  }
0x313: {  	s30 =	sadd.s32 $0x4100, s20  }
0x314: {  	[tilespmem:s30], [sflag:$0x1] =	stream.indirect.gather [hbm4b:s28+s8], $0x1, s18, s8, $0xb8;
	[tilespmem:$0x1D400] =	vst v63  }
0x315: {  	s31 =	sadd.s32 $0x4180, s20  }
0x316: {  	[tilespmem:s31], [sflag:$0x1] =	stream.indirect.gather [hbm4b:s28+s8], $0x1, s19, s8, $0xb8;
	[tilespmem:$0x1D400] =	vst v63  }
0x317: {  	s21 =	sadd.s32 $0x4200, s20;
	s22 =	sadd.s32 $0xFFFE7960, s13  }
0x318: {  	[tilespmem:s21], [sflag:$0x1] =	stream.indirect.gather [hbm4b:s22+s8], $0x1, s15, s8, $0xb8;
	[tilespmem:$0x1D400] =	vst v63  }
0x319: {  	s23 =	sadd.s32 $0x4280, s20  }
0x31a: {  	[tilespmem:s23], [sflag:$0x1] =	stream.indirect.gather [hbm4b:s22+s8], $0x1, s17, s8, $0xb8;
	[tilespmem:$0x1D400] =	vst v63  }
0x31b: {  	s24 =	sadd.s32 $0x4300, s20  }
0x31c: {  	[tilespmem:s24], [sflag:$0x1] =	stream.indirect.gather [hbm4b:s22+s8], $0x1, s18, s8, $0xb8;
	[tilespmem:$0x1D400] =	vst v63  }
0x31d: {  	s25 =	sadd.s32 $0x4380, s20  }
0x31e: {  	[tilespmem:s25], [sflag:$0x1] =	stream.indirect.gather [hbm4b:s22+s8], $0x1, s19, s8, $0xb8;
	[tilespmem:$0x1D400] =	vst v63  }
0x31f: {  	s16 =	sadd.s32 $0x200, s15;
	s26 =	sadd.s32 $0x4400, s20;
	s28 =	sadd.s32 $0xFFFEAA34, s13  }
0x320: {  	[tilespmem:s26], [sflag:$0x1] =	stream.indirect.gather [hbm4b:s28+s8], $0x1, s16, s8, $0xb8;
	[tilespmem:$0x1D400] =	vst v63  }
0x321: {  	s29 =	sadd.s32 $0x4480, s20;
	s19 =	sadd.s32 $0x280, s15  }
0x322: {  	[tilespmem:s29], [sflag:$0x1] =	stream.indirect.gather [hbm4b:s28+s8], $0x1, s19, s8, $0xb8;
	[tilespmem:$0x1D400] =	vst v63  }
0x323: {  	s30 =	sadd.s32 $0x4500, s20;
	s17 =	sadd.s32 $0x300, s15  }
0x324: {  	[tilespmem:s30], [sflag:$0x1] =	stream.indirect.gather [hbm4b:s28+s8], $0x1, s17, s8, $0xb8;
	[tilespmem:$0x1D400] =	vst v63  }
0x325: {  	s31 =	sadd.s32 $0x4580, s20;
	s15 =	sadd.s32 $0x380, s15  }
0x326: {  	[tilespmem:s31], [sflag:$0x1] =	stream.indirect.gather [hbm4b:s28+s8], $0x1, s15, s8, $0xb8;
	[tilespmem:$0x1D400] =	vst v63  }
0x327: {  	s21 =	sadd.s32 $0x4600, s20;
	s22 =	sadd.s32 $0xFFFEDB08, s13  }
0x328: {  	[tilespmem:s21], [sflag:$0x1] =	stream.indirect.gather [hbm4b:s22+s8], $0x1, s16, s8, $0xb8;
	[tilespmem:$0x1D400] =	vst v63  }
0x329: {  	s23 =	sadd.s32 $0x4680, s20  }
0x32a: {  	[tilespmem:s23], [sflag:$0x1] =	stream.indirect.gather [hbm4b:s22+s8], $0x1, s19, s8, $0xb8;
	[tilespmem:$0x1D400] =	vst v63  }
0x32b: {  	s24 =	sadd.s32 $0x4700, s20  }
0x32c: {  	[tilespmem:s24], [sflag:$0x1] =	stream.indirect.gather [hbm4b:s22+s8], $0x1, s17, s8, $0xb8;
	[tilespmem:$0x1D400] =	vst v63  }
0x32d: {  	s25 =	sadd.s32 $0x4780, s20  }
0x32e: {  	[tilespmem:s25], [sflag:$0x1] =	stream.indirect.gather [hbm4b:s22+s8], $0x1, s15, s8, $0xb8;
	[tilespmem:$0x1D400] =	vst v63  }
0x32f: {  	s26 =	sadd.s32 $0x4800, s20;
	s28 =	sadd.s32 $0xFFFF0BDC, s13  }
0x330: {  	[tilespmem:s26], [sflag:$0x1] =	stream.indirect.gather [hbm4b:s28+s8], $0x1, s16, s8, $0xb8;
	[tilespmem:$0x1D400] =	vst v63  }
0x331: {  	s29 =	sadd.s32 $0x4880, s20  }
0x332: {  	[tilespmem:s29], [sflag:$0x1] =	stream.indirect.gather [hbm4b:s28+s8], $0x1, s19, s8, $0xb8;
	[tilespmem:$0x1D400] =	vst v63  }
0x333: {  	s30 =	sadd.s32 $0xFFFFFEC0, s14;
	s22 =	sadd.s32 $0x4900, s20  }
0x334: {  	[tilespmem:s22], [sflag:$0x1] =	stream.indirect.gather [hbm4b:s28+s8], $0x1, s17, s8, $0xb8;
	[tilespmem:$0x1D400] =	vst v63  }
0x335: {  	s18 =	sor.u32 $0x180, s30;
	s31 =	sadd.s32 $0x4980, s20  }
0x336: {  	[tilespmem:s31], [sflag:$0x1] =	stream.indirect.gather [hbm4b:s28+s8], $0x1, s18, s8, $0xb8;
	[tilespmem:$0x1D400] =	vst v63  }
0x337: {  	s23 =	sadd.s32 $0xFFFF3CB0, s13;
	s22 =	sadd.s32 $0x4A00, s20  }
0x338: {  	[tilespmem:s22], [sflag:$0x1] =	stream.indirect.gather [hbm4b:s23+s8], $0x1, s16, s8, $0xb8;
	[tilespmem:$0x1D400] =	vst v63  }
0x339: {  	s24 =	sadd.s32 $0x4A80, s20  }
0x33a: {  	[tilespmem:s24], [sflag:$0x1] =	stream.indirect.gather [hbm4b:s23+s8], $0x1, s19, s8, $0xb8;
	[tilespmem:$0x1D400] =	vst v63  }
0x33b: {  	s25 =	sadd.s32 $0x4B00, s20  }
0x33c: {  	[tilespmem:s25], [sflag:$0x1] =	stream.indirect.gather [hbm4b:s23+s8], $0x1, s17, s8, $0xb8;
	[tilespmem:$0x1D400] =	vst v63  }
0x33d: {  	s26 =	sadd.s32 $0x4B80, s20  }
0x33e: {  	[tilespmem:s26], [sflag:$0x1] =	stream.indirect.gather [hbm4b:s23+s8], $0x1, s15, s8, $0xb8;
	[tilespmem:$0x1D400] =	vst v63  }
0x33f: {  	s29 =	sadd.s32 $0xFFFF6D84, s13;
	s28 =	sadd.s32 $0x4C00, s20  }
0x340: {  	[tilespmem:s28], [sflag:$0x1] =	stream.indirect.gather [hbm4b:s29+s8], $0x1, s16, s8, $0xb8;
	[tilespmem:$0x1D400] =	vst v63  }
0x341: {  	s30 =	sadd.s32 $0x4C80, s20  }
0x342: {  	[tilespmem:s30], [sflag:$0x1] =	stream.indirect.gather [hbm4b:s29+s8], $0x1, s19, s8, $0xb8;
	[tilespmem:$0x1D400] =	vst v63  }
0x343: {  	s31 =	sadd.s32 $0xFFFFFF40, s14;
	s23 =	sadd.s32 $0x4D00, s20  }
0x344: {  	[tilespmem:s23], [sflag:$0x1] =	stream.indirect.gather [hbm4b:s29+s8], $0x1, s17, s8, $0xb8;
	[tilespmem:$0x1D400] =	vst v63  }
0x345: {  	s18 =	sor.u32 $0x180, s31;
	s24 =	sadd.s32 $0x4D80, s20  }
0x346: {  	[tilespmem:s24], [sflag:$0x1] =	stream.indirect.gather [hbm4b:s29+s8], $0x1, s18, s8, $0xb8;
	[tilespmem:$0x1D400] =	vst v63  }
0x347: {  	s25 =	sadd.s32 $0x4E00, s20;
	s26 =	sadd.s32 $0xFFFF9E58, s13  }
0x348: {  	[tilespmem:s25], [sflag:$0x1] =	stream.indirect.gather [hbm4b:s26+s8], $0x1, s16, s8, $0xb8;
	[tilespmem:$0x1D400] =	vst v63  }
0x349: {  	s28 =	sadd.s32 $0x4E80, s20  }
0x34a: {  	[tilespmem:s28], [sflag:$0x1] =	stream.indirect.gather [hbm4b:s26+s8], $0x1, s19, s8, $0xb8;
	[tilespmem:$0x1D400] =	vst v63  }
0x34b: {  	s29 =	sadd.s32 $0x4F00, s20  }
0x34c: {  	[tilespmem:s29], [sflag:$0x1] =	stream.indirect.gather [hbm4b:s26+s8], $0x1, s17, s8, $0xb8;
	[tilespmem:$0x1D400] =	vst v63  }
0x34d: {  	s30 =	sadd.s32 $0x4F80, s20  }
0x34e: {  	[tilespmem:s30], [sflag:$0x1] =	stream.indirect.gather [hbm4b:s26+s8], $0x1, s15, s8, $0xb8;
	[tilespmem:$0x1D400] =	vst v63  }
0x34f: {  	s21 =	sadd.s32 $0x5000, s20;
	s31 =	sadd.s32 $0xFFFFFFC0, s14;
	s22 =	sadd.s32 $0xFFFFCF2C, s13  }
0x350: {  	[tilespmem:s21], [sflag:$0x1] =	stream.indirect.gather [hbm4b:s22+s8], $0x1, s16, s8, $0xb8;
	[tilespmem:$0x1D400] =	vst v63  }
0x351: {  	s23 =	sadd.s32 $0x5080, s20;
	s18 =	sand.u32 $0x3E80, s31  }
0x352: {  	[tilespmem:s23], [sflag:$0x1] =	stream.indirect.gather [hbm4b:s22+s8], $0x1, s18, s8, $0xb8;
	[tilespmem:$0x1D400] =	vst v63  }
0x353: {  	s24 =	sadd.s32 $0x5100, s20  }
0x354: {  	[tilespmem:s24], [sflag:$0x1] =	stream.indirect.gather [hbm4b:s22+s8], $0x1, s17, s8, $0xb8;
	[tilespmem:$0x1D400] =	vst v63  }
0x355: {  	s25 =	sadd.s32 $0x5180, s20  }
0x356: {  	[tilespmem:s25], [sflag:$0x1] =	stream.indirect.gather [hbm4b:s22+s8], $0x1, s15, s8, $0xb8;
	[tilespmem:$0x1D400] =	vst v63  }
0x357: {  	s26 =	sadd.s32 $0x5200, s20  }
0x358: {  	[tilespmem:s26], [sflag:$0x1] =	stream.indirect.gather [hbm4b:s13+s8], $0x1, s16, s8, $0xb8;
	[tilespmem:$0x1D400] =	vst v63  }
0x359: {  	s28 =	sand.u32 $0x3E80, s14;
	s29 =	sadd.s32 $0x5280, s20  }
0x35a: {  	[tilespmem:s29], [sflag:$0x1] =	stream.indirect.gather [hbm4b:s13+s8], $0x1, s28, s8, $0xb8;
	[tilespmem:$0x1D400] =	vst v63  }
0x35b: {  	s30 =	sadd.s32 $0x5300, s20  }
0x35c: {  	[tilespmem:s30], [sflag:$0x1] =	stream.indirect.gather [hbm4b:s13+s8], $0x1, s17, s8, $0xb8;
	[tilespmem:$0x1D400] =	vst v63  }
0x35d: {  	s31 =	sadd.s32 $0x5380, s20  }
0x35e: {  	[tilespmem:s31], [sflag:$0x1] =	stream.indirect.gather [hbm4b:s13+s8], $0x1, s15, s8, $0xb8;
	[tilespmem:$0x1D400] =	vst v63  }
0x35f: {  	_ =	swait.ge [sflag:s9], $0x80  }
0x360: {  	[sflag:s9] =	ssyncset.done $0x0  }
0x361: {  	[sflag:s9] =	ssyncadd.s32 $0xFFFFFF80  }
0x362: {  	_ =	swait.ge [sflag:s9], $0x80  }
0x363: {  	[sflag:s9] =	ssyncset.done $0x0  }
0x364: {  	[sflag:s9] =	ssyncadd.s32 $0xFFFFFF80  }
0x365: {  	_ =	swait.ge [sflag:s9], $0x80  }
0x366: {  	[sflag:s9] =	ssyncset.done $0x0  }
0x367: {  	[sflag:s9] =	ssyncadd.s32 $0xFFFFFF80  }
0x368: {  	_ =	swait.ge [sflag:s9], $0x80  }
0x369: {  	[sflag:s9] =	ssyncset.done $0x0  }
0x36a: {  	[sflag:s9] =	ssyncadd.s32 $0xFFFFFF80  }
0x36b: {  	_ =	swait.ge [sflag:s9], $0x80  }
0x36c: {  	[sflag:s9] =	ssyncset.done $0x0  }
0x36d: {  	[sflag:s9] =	ssyncadd.s32 $0xFFFFFF80  }
0x36e: {  	_ =	swait.ge [sflag:s9], $0x80  }
0x36f: {  	[sflag:s9] =	ssyncset.done $0x0  }
0x370: {  	[sflag:s9] =	ssyncadd.s32 $0xFFFFFF80  }
0x371: {  	_ =	swait.ge [sflag:s9], $0x80  }
0x372: {  	[sflag:s9] =	ssyncset.done $0x0  }
0x373: {  	[sflag:s9] =	ssyncadd.s32 $0xFFFFFF80  }
0x374: {  	_ =	swait.ge [sflag:s9], $0x80  }
0x375: {  	[sflag:s9] =	ssyncset.done $0x0  }
0x376: {  	[sflag:s9] =	ssyncadd.s32 $0xFFFFFF80  }
0x377: {  	_ =	swait.ge [sflag:s9], $0x80  }
0x378: {  	[sflag:s9] =	ssyncset.done $0x0  }
0x379: {  	[sflag:s9] =	ssyncadd.s32 $0xFFFFFF80  }
0x37a: {  	_ =	swait.ge [sflag:s9], $0x80  }
0x37b: {  	[sflag:s9] =	ssyncset.done $0x0  }
0x37c: {  	[sflag:s9] =	ssyncadd.s32 $0xFFFFFF80  }
0x37d: {  	_ =	swait.ge [sflag:s9], $0x80  }
0x37e: {  	[sflag:s9] =	ssyncset.done $0x0  }
0x37f: {  	[sflag:s9] =	ssyncadd.s32 $0xFFFFFF80  }
0x380: {  	_ =	swait.ge [sflag:s9], $0x80  }
0x381: {  	[sflag:s9] =	ssyncset.done $0x0  }
0x382: {  	[sflag:s9] =	ssyncadd.s32 $0xFFFFFF80  }
0x383: {  	_ =	swait.ge [sflag:s9], $0x80  }
0x384: {  	[sflag:s9] =	ssyncset.done $0x0  }
0x385: {  	[sflag:s9] =	ssyncadd.s32 $0xFFFFFF80  }
0x386: {  	_ =	swait.ge [sflag:s9], $0x80  }
0x387: {  	[sflag:s9] =	ssyncset.done $0x0  }
0x388: {  	[sflag:s9] =	ssyncadd.s32 $0xFFFFFF80  }
0x389: {  	_ =	swait.ge [sflag:s9], $0x80  }
0x38a: {  	[sflag:s9] =	ssyncset.done $0x0  }
0x38b: {  	[sflag:s9] =	ssyncadd.s32 $0xFFFFFF80  }
0x38c: {  	_ =	swait.ge [sflag:s9], $0x80  }
0x38d: {  	[sflag:s9] =	ssyncset.done $0x0  }
0x38e: {  	[sflag:s9] =	ssyncadd.s32 $0xFFFFFF80  }
0x38f: {  	_ =	swait.ge [sflag:s9], $0x80  }
0x390: {  	[sflag:s9] =	ssyncset.done $0x0  }
0x391: {  	[sflag:s9] =	ssyncadd.s32 $0xFFFFFF80  }
0x392: {  	_ =	swait.ge [sflag:s9], $0x80  }
0x393: {  	[sflag:s9] =	ssyncset.done $0x0  }
0x394: {  	[sflag:s9] =	ssyncadd.s32 $0xFFFFFF80  }
0x395: {  	_ =	swait.ge [sflag:s9], $0x80  }
0x396: {  	[sflag:s9] =	ssyncset.done $0x0  }
0x397: {  	[sflag:s9] =	ssyncadd.s32 $0xFFFFFF80  }
0x398: {  	_ =	swait.ge [sflag:s9], $0x80  }
0x399: {  	[sflag:s9] =	ssyncset.done $0x0  }
0x39a: {  	[sflag:s9] =	ssyncadd.s32 $0xFFFFFF80  }
0x39b: {  	_ =	swait.ge [sflag:s9], $0x80  }
0x39c: {  	[sflag:s9] =	ssyncset.done $0x0  }
0x39d: {  	[sflag:s9] =	ssyncadd.s32 $0xFFFFFF80  }
0x39e: {  	_ =	swait.ge [sflag:s9], $0x80  }
0x39f: {  	[sflag:s9] =	ssyncset.done $0x0  }
0x3a0: {  	[sflag:s9] =	ssyncadd.s32 $0xFFFFFF80  }
0x3a1: {  	_ =	swait.ge [sflag:s9], $0x80  }
0x3a2: {  	[sflag:s9] =	ssyncset.done $0x0  }
0x3a3: {  	[sflag:s9] =	ssyncadd.s32 $0xFFFFFF80  }
0x3a4: {  	_ =	swait.ge [sflag:s9], $0x80  }
0x3a5: {  	[sflag:s9] =	ssyncset.done $0x0  }
0x3a6: {  	[sflag:s9] =	ssyncadd.s32 $0xFFFFFF80  }
0x3a7: {  	_ =	swait.ge [sflag:s9], $0x80  }
0x3a8: {  	[sflag:s9] =	ssyncset.done $0x0  }
0x3a9: {  	[sflag:s9] =	ssyncadd.s32 $0xFFFFFF80  }
0x3aa: {  	_ =	swait.ge [sflag:s9], $0x80  }
0x3ab: {  	[sflag:s9] =	ssyncset.done $0x0  }
0x3ac: {  	[sflag:s9] =	ssyncadd.s32 $0xFFFFFF80  }
0x3ad: {  	_ =	swait.ge [sflag:s9], $0x80  }
0x3ae: {  	[sflag:s9] =	ssyncset.done $0x0  }
0x3af: {  	[sflag:s9] =	ssyncadd.s32 $0xFFFFFF80  }
0x3b0: {  	_ =	swait.ge [sflag:s9], $0x80  }
0x3b1: {  	[sflag:s9] =	ssyncset.done $0x0  }
0x3b2: {  	[sflag:s9] =	ssyncadd.s32 $0xFFFFFF80  }
0x3b3: {  	_ =	swait.ge [sflag:s9], $0x80  }
0x3b4: {  	[sflag:s9] =	ssyncset.done $0x0  }
0x3b5: {  	[sflag:s9] =	ssyncadd.s32 $0xFFFFFF80  }
0x3b6: {  	_ =	swait.ge [sflag:s9], $0x80  }
0x3b7: {  	[sflag:s9] =	ssyncset.done $0x0  }
0x3b8: {  	[sflag:s9] =	ssyncadd.s32 $0xFFFFFF80  }
0x3b9: {  	_ =	swait.ge [sflag:s9], $0x80  }
0x3ba: {  	[sflag:s9] =	ssyncset.done $0x0  }
0x3bb: {  	[sflag:s9] =	ssyncadd.s32 $0xFFFFFF80  }
0x3bc: {  	_ =	swait.ge [sflag:s9], $0x80  }
0x3bd: {  	[sflag:s9] =	ssyncset.done $0x0  }
0x3be: {  	[sflag:s9] =	ssyncadd.s32 $0xFFFFFF80  }
0x3bf: {  	_ =	swait.ge [sflag:s9], $0x80  }
0x3c0: {  	[sflag:s9] =	ssyncset.done $0x0  }
0x3c1: {  	[sflag:s9] =	ssyncadd.s32 $0xFFFFFF80  }
0x3c2: {  	_ =	swait.ge [sflag:s9], $0x80  }
0x3c3: {  	[sflag:s9] =	ssyncset.done $0x0  }
0x3c4: {  	[sflag:s9] =	ssyncadd.s32 $0xFFFFFF80  }
0x3c5: {  	_ =	swait.ge [sflag:s9], $0x80  }
0x3c6: {  	[sflag:s9] =	ssyncset.done $0x0  }
0x3c7: {  	[sflag:s9] =	ssyncadd.s32 $0xFFFFFF80  }
0x3c8: {  	_ =	swait.ge [sflag:s9], $0x80  }
0x3c9: {  	[sflag:s9] =	ssyncset.done $0x0  }
0x3ca: {  	[sflag:s9] =	ssyncadd.s32 $0xFFFFFF80  }
0x3cb: {  	_ =	swait.ge [sflag:s9], $0x80  }
0x3cc: {  	[sflag:s9] =	ssyncset.done $0x0  }
0x3cd: {  	[sflag:s9] =	ssyncadd.s32 $0xFFFFFF80  }
0x3ce: {  	_ =	swait.ge [sflag:s9], $0x80  }
0x3cf: {  	[sflag:s9] =	ssyncset.done $0x0  }
0x3d0: {  	[sflag:s9] =	ssyncadd.s32 $0xFFFFFF80  }
0x3d1: {  	_ =	swait.ge [sflag:s9], $0x80  }
0x3d2: {  	[sflag:s9] =	ssyncset.done $0x0  }
0x3d3: {  	[sflag:s9] =	ssyncadd.s32 $0xFFFFFF80  }
0x3d4: {  	_ =	swait.ge [sflag:s9], $0x80  }
0x3d5: {  	[sflag:s9] =	ssyncset.done $0x0  }
0x3d6: {  	[sflag:s9] =	ssyncadd.s32 $0xFFFFFF80  }
0x3d7: {  	_ =	swait.ge [sflag:s9], $0x80  }
0x3d8: {  	[sflag:s9] =	ssyncset.done $0x0  }
0x3d9: {  	[sflag:s9] =	ssyncadd.s32 $0xFFFFFF80  }
0x3da: {  	_ =	swait.ge [sflag:s9], $0x80  }
0x3db: {  	[sflag:s9] =	ssyncset.done $0x0  }
0x3dc: {  	[sflag:s9] =	ssyncadd.s32 $0xFFFFFF80  }
0x3dd: {  	_ =	swait.ge [sflag:s9], $0x80  }
0x3de: {  	[sflag:s9] =	ssyncset.done $0x0  }
0x3df: {  	[sflag:s9] =	ssyncadd.s32 $0xFFFFFF80  }
0x3e0: {  	_ =	swait.ge [sflag:s9], $0x80  }
0x3e1: {  	[sflag:s9] =	ssyncset.done $0x0  }
0x3e2: {  	[sflag:s9] =	ssyncadd.s32 $0xFFFFFF80  }
0x3e3: {  	_ =	swait.ge [sflag:s9], $0x80  }
0x3e4: {  	[sflag:s9] =	ssyncset.done $0x0  }
0x3e5: {  	[sflag:s9] =	ssyncadd.s32 $0xFFFFFF80  }
0x3e6: {  	_ =	swait.ge [sflag:s9], $0x80  }
0x3e7: {  	[sflag:s9] =	ssyncset.done $0x0  }
0x3e8: {  	[sflag:s9] =	ssyncadd.s32 $0xFFFFFF80  }
0x3e9: {  	_ =	swait.ge [sflag:s9], $0x80  }
0x3ea: {  	[sflag:s9] =	ssyncset.done $0x0  }
0x3eb: {  	[sflag:s9] =	ssyncadd.s32 $0xFFFFFF80  }
0x3ec: {  	_ =	swait.ge [sflag:s9], $0x80  }
0x3ed: {  	[sflag:s9] =	ssyncset.done $0x0  }
0x3ee: {  	[sflag:s9] =	ssyncadd.s32 $0xFFFFFF80  }
0x3ef: {  	_ =	swait.ge [sflag:s9], $0x80  }
0x3f0: {  	[sflag:s9] =	ssyncset.done $0x0  }
0x3f1: {  	[sflag:s9] =	ssyncadd.s32 $0xFFFFFF80  }
0x3f2: {  	_ =	swait.ge [sflag:s9], $0x80  }
0x3f3: {  	[sflag:s9] =	ssyncset.done $0x0  }
0x3f4: {  	[sflag:s9] =	ssyncadd.s32 $0xFFFFFF80  }
0x3f5: {  	_ =	swait.ge [sflag:s9], $0x80  }
0x3f6: {  	[sflag:s9] =	ssyncset.done $0x0  }
0x3f7: {  	[sflag:s9] =	ssyncadd.s32 $0xFFFFFF80  }
0x3f8: {  	_ =	swait.ge [sflag:s9], $0x80  }
0x3f9: {  	[sflag:s9] =	ssyncset.done $0x0  }
0x3fa: {  	[sflag:s9] =	ssyncadd.s32 $0xFFFFFF80  }
0x3fb: {  	_ =	swait.ge [sflag:s9], $0x80  }
0x3fc: {  	[sflag:s9] =	ssyncset.done $0x0  }
0x3fd: {  	[sflag:s9] =	ssyncadd.s32 $0xFFFFFF80  }
0x3fe: {  	_ =	swait.ge [sflag:s9], $0x80  }
0x3ff: {  	[sflag:s9] =	ssyncset.done $0x0  }
0x400: {  	[sflag:s9] =	ssyncadd.s32 $0xFFFFFF80  }
0x401: {  	_ =	swait.ge [sflag:s9], $0x80  }
0x402: {  	[sflag:s9] =	ssyncset.done $0x0  }
0x403: {  	[sflag:s9] =	ssyncadd.s32 $0xFFFFFF80  }
0x404: {  	_ =	swait.ge [sflag:s9], $0x80  }
0x405: {  	[sflag:s9] =	ssyncset.done $0x0  }
0x406: {  	[sflag:s9] =	ssyncadd.s32 $0xFFFFFF80  }
0x407: {  	_ =	swait.ge [sflag:s9], $0x80  }
0x408: {  	[sflag:s9] =	ssyncset.done $0x0  }
0x409: {  	[sflag:s9] =	ssyncadd.s32 $0xFFFFFF80  }
0x40a: {  	_ =	swait.ge [sflag:s9], $0x80  }
0x40b: {  	[sflag:s9] =	ssyncset.done $0x0  }
0x40c: {  	[sflag:s9] =	ssyncadd.s32 $0xFFFFFF80  }
0x40d: {  	_ =	swait.ge [sflag:s9], $0x80  }
0x40e: {  	[sflag:s9] =	ssyncset.done $0x0  }
0x40f: {  	[sflag:s9] =	ssyncadd.s32 $0xFFFFFF80  }
0x410: {  	_ =	swait.ge [sflag:s9], $0x80  }
0x411: {  	[sflag:s9] =	ssyncset.done $0x0  }
0x412: {  	[sflag:s9] =	ssyncadd.s32 $0xFFFFFF80  }
0x413: {  	_ =	swait.ge [sflag:s9], $0x80  }
0x414: {  	[sflag:s9] =	ssyncset.done $0x0  }
0x415: {  	[sflag:s9] =	ssyncadd.s32 $0xFFFFFF80  }
0x416: {  	_ =	swait.ge [sflag:s9], $0x80  }
0x417: {  	[sflag:s9] =	ssyncset.done $0x0  }
0x418: {  	[sflag:s9] =	ssyncadd.s32 $0xFFFFFF80  }
0x419: {  	_ =	swait.ge [sflag:s9], $0x80  }
0x41a: {  	[sflag:s9] =	ssyncset.done $0x0  }
0x41b: {  	[sflag:s9] =	ssyncadd.s32 $0xFFFFFF80  }
0x41c: {  	s12 =	sadd.s32 $0x1, s12;
	_ =	swait.ge [sflag:s9], $0x80  }
0x41d: {  	p0 =	sne.s32 s12, s4;
	[sflag:s9] =	ssyncset.done $0x0  }
.Ltmp2:
0x41e: {  	[sflag:s9] =	ssyncadd.s32 $0xFFFFFF80;
	(pc) =	sbr.rel @p0 .LBB2_1-.Ltmp2, $4  }
0x41f: {  	[hbm4b:s3+s2] =	stream.linear.scatter [tilespmem:s10], [sflag:$0x3], $0x1A000, $0x38;
	[tilespmem:$0x1D400] =	vst v63  }
0x420: {  	_ =	swait.ge [sflag:s11], $0x1A000  }
0x421: {  	[sflag:s11] =	ssyncset.done $0x0  }
0x422: {  	[sflag:s11] =	ssyncadd.s32 $0xFFFE6000  }
0x423: {  	_ =	sfence.sel $0x180000  }
0x424: {  	[bflag:$0x0] =	sbarrier.arrive $0xFFFF  }
0x425: {  	p0 =	sne.s32 s1, $0x0;
	_ =	strace $0x90000047  }
0x426: {  	s0 =	sadd.s32 @!p0 $0x100000, s0;
	[bflag:$0x2] =	sbarrier.arrive $0xFFFF  }
0x427: {  	[sflag:s0] =	ssyncadd.tile.s32 @!p0 $0x1;
	_ =	shalt  }
.Lfunc_end2:
_tile_overlayer_lowered:
.L_overlay_start_2:
0x428: {  	(tag) =	ssettag $0x2  }
0x429: {  	s0 =	rddreg [dreg:$0x0];
	s2 =	stileid.u32  }
0x42a: {  	s1 =	rddreg [dreg:$0x1];
	p0 =	sne.s32 s2, $0x0  }
0x42b: {  	s3 =	rddreg [dreg:$0x2];
	[bflag:$0x3] =	sbarrier.arrive $0xFFFF;
	s2 =	simm.s32 @!p0 $0x1C03  }
0x42c: {  	[timem:s3], [sflag:s2] =	dma.local @!p0 [hbm:s0], s1  }
0x42d: {  	s0 =	simm.s32 @!p0 $0x3  }
0x42e: {  	_ =	swait.ge @!p0 [sflag:s0], s1  }
0x42f: {  	s1 =	ssub.s32 @!p0 $0x0, s1;
	[sflag:s0] =	ssyncset.done @!p0 $0x0  }
0x430: {  	[sflag:s0] =	ssyncadd.s32 @!p0 s1  }
0x431: {  	[bflag:$0x3] =	sbarrier.arrive $0xFFFF  }
0x432: {  	_ =	shalt  }

</sc_bundles>
